<compile_context>
chip_gen: v7x
topology: tpu7x:2x2x1
jax: 0.10.2.dev20260603
libtpu: 0.0.44.dev20260713+nightly
codegen_flags: <defaults>
</compile_context>

<pallas_src>
import functools

import jax
import jax.numpy as jnp
from jax import lax
from jax.experimental import pallas as pl
from jax.experimental.pallas import tpu as pltpu
from jax.experimental.pallas import tpu_sc as plsc

N_NODES = 10000
D_FEAT = 512
CHUNK = 128
N_CHUNKS = D_FEAT // CHUNK
CH_PER_SC = N_CHUNKS // 2
N_EDGES = 160000

NUM_TILES = 16
BE = 128
TPB = 79
E_PAD = NUM_TILES * TPB * BE
NB = 2
NI = 4
GA = 1
IA = 2
SD = 1
UNROLL = 4
STEPS = TPB // UNROLL * UNROLL
N_ACC = 10016
ZPT = 632
ZTAIL = N_ACC - 15 * ZPT
OUT_PT = 624
OUT_TAIL = N_NODES - OUT_PT * NUM_TILES


def _sc_segment_sum(fcs, srcp, dstp, zeros_hbm):
    mesh = plsc.VectorSubcoreMesh(core_axis_name="c", subcore_axis_name="s")

    @functools.partial(
        pl.kernel,
        mesh=mesh,
        out_type=jax.ShapeDtypeStruct((N_CHUNKS, N_NODES, CHUNK), jnp.float32),
        scratch_types=[
            [pltpu.VMEM((BE,), jnp.int32) for _ in range(NI)],
            [pltpu.VMEM((BE,), jnp.int32) for _ in range(NI)],
            [pltpu.VMEM((BE, CHUNK), jnp.float32) for _ in range(NB)],
            pltpu.VMEM_SHARED((N_ACC, CHUNK), jnp.float32),
            [pltpu.SemaphoreType.DMA for _ in range(NI)],
            [pltpu.SemaphoreType.DMA for _ in range(NB)],
            [pltpu.SemaphoreType.DMA for _ in range(NB)],
        ],
    )
    def seg_sum(*refs):
        fc_hs = refs[:N_CHUNKS]
        src_h, dst_h, zeros_h = refs[N_CHUNKS:N_CHUNKS + 3]
        (out_h, sidx, didx, rows, acc,
         isem, gsem, ssem) = refs[N_CHUNKS + 3:]

        c = lax.axis_index("c")
        s = lax.axis_index("s")

        def issue_idx(i, q):
            base = pl.multiple_of((s * TPB + i) * BE, BE)
            pltpu.async_copy(src_h.at[pl.ds(base, BE)], sidx[q], isem[q])
            pltpu.async_copy(dst_h.at[pl.ds(base, BE)], didx[q], isem[q])

        def wait_idx(q):
            pltpu.make_async_copy(src_h.at[pl.ds(0, BE)], sidx[q],
                                  isem[q]).wait()
            pltpu.make_async_copy(dst_h.at[pl.ds(0, BE)], didx[q],
                                  isem[q]).wait()

        def issue_gather(fc_h, q, r):
            pltpu.async_copy(fc_h.at[sidx[q]], rows[r], gsem[r])

        def wait_gather(fc_h, q, r):
            pltpu.make_async_copy(fc_h.at[sidx[q]], rows[r],
                                  gsem[r]).wait()

        def issue_scatter(q, r):
            pltpu.async_copy(rows[r], acc.at[didx[q]], ssem[r], add=True)

        def wait_scatter(q, r):
            pltpu.make_async_copy(rows[r], acc.at[didx[q]],
                                  ssem[r]).wait()

        def prologue(fc_h):
            for j in range(IA):
                issue_idx(j, j)
            for j in range(GA):
                wait_idx(j)
                issue_gather(fc_h, j, j)

        def process(chunk_id, first, last):
            fc_h = fc_hs[chunk_id]

            def step(i, k, static=False):
                wait_gather(fc_h, k % NI, k % NB)
                issue_scatter(k % NI, k % NB)
                if not static or i - SD >= 0:
                    wait_scatter((k - SD) % NI, (k - SD) % NB)
                if static:
                    if i + IA < TPB:
                        issue_idx(i + IA, (k + IA) % NI)
                    if i + GA < TPB:
                        wait_idx((k + GA) % NI)
                        issue_gather(fc_h, (k + GA) % NI, (k + GA) % NB)
                else:
                    @pl.when(i + IA < TPB)
                    def _():
                        issue_idx(i + IA, (k + IA) % NI)

                    wait_idx((k + GA) % NI)
                    issue_gather(fc_h, (k + GA) % NI, (k + GA) % NB)

            if first:
                prologue(fc_h)

            @pl.when(s < NUM_TILES - 1)
            def _():
                pltpu.sync_copy(zeros_h, acc.at[pl.ds(s * ZPT, ZPT)])

            @pl.when(s == NUM_TILES - 1)
            def _():
                pltpu.sync_copy(zeros_h.at[pl.ds(0, ZTAIL)],
                                acc.at[pl.ds(15 * ZPT, ZTAIL)])

            plsc.subcore_barrier()

            for i in range(UNROLL):
                step(i, i, static=True)

            def outer(g, carry):
                for k in range(UNROLL):
                    step(g * UNROLL + k, k)
                return carry

            lax.fori_loop(1, STEPS // UNROLL, outer, 0)
            for i in range(STEPS, TPB):
                step(i, i, static=True)
            for i in range(TPB - SD, TPB):
                wait_scatter(i % NI, i % NB)

            plsc.subcore_barrier()
            if not last:
                prologue(fc_hs[chunk_id + 1])
            pltpu.sync_copy(
                acc.at[pl.ds(s * OUT_PT, OUT_PT)],
                out_h.at[chunk_id, pl.ds(s * OUT_PT, OUT_PT)],
            )

            @pl.when(s == NUM_TILES - 1)
            def _():
                pltpu.sync_copy(
                    acc.at[pl.ds(OUT_PT * NUM_TILES, OUT_TAIL)],
                    out_h.at[chunk_id, pl.ds(OUT_PT * NUM_TILES, OUT_TAIL)],
                )

            plsc.subcore_barrier()

        @pl.when(c == 0)
        def _():
            for k in range(CH_PER_SC):
                process(k, first=(k == 0), last=(k == CH_PER_SC - 1))

        @pl.when(c == 1)
        def _():
            for k in range(CH_PER_SC, N_CHUNKS):
                process(k, first=(k == CH_PER_SC),
                        last=(k == N_CHUNKS - 1))

    return seg_sum(*fcs, srcp, dstp, zeros_hbm)


def _tc_pre_body(th_ref, feats_ref, wg_ref, bg_ref, w1_ref, out_ref):
    t1 = th_ref[0, 0]
    z1 = (jnp.dot(feats_ref[...], wg_ref[...],
                  preferred_element_type=jnp.float32) + bg_ref[...])
    out_ref[...] = jnp.dot(t1 * jnp.maximum(z1, 0.0), w1_ref[...],
                           preferred_element_type=jnp.float32)


def _tc_pre(th, feats, W_gnn, b_gnn, W1):
    R = 1000
    n = feats.shape[0]
    hid = W1.shape[1]
    return pl.pallas_call(
        _tc_pre_body,
        grid=(n // R,),
        in_specs=[
            pl.BlockSpec((1, 128), lambda i: (0, 0)),
            pl.BlockSpec((R, D_FEAT), lambda i: (i, 0)),
            pl.BlockSpec((D_FEAT, D_FEAT), lambda i: (0, 0)),
            pl.BlockSpec((1, D_FEAT), lambda i: (0, 0)),
            pl.BlockSpec((D_FEAT, hid), lambda i: (0, 0)),
        ],
        out_specs=pl.BlockSpec((R, hid), lambda i: (i, 0)),
        out_shape=jax.ShapeDtypeStruct((n, hid), jnp.float32),
    )(th, feats, W_gnn, b_gnn, W1)


def _tc_post_body(th_ref, p_ref, hn_ref, wg_ref, bg_ref,
                  w1_ref, b1_ref, w2_ref, b2_ref, out_ref):
    t2 = th_ref[0, 1]
    hcat = jnp.concatenate([hn_ref[ci] for ci in range(N_CHUNKS)], axis=1)
    z2 = jnp.dot(hcat, wg_ref[...], preferred_element_type=jnp.float32) + bg_ref[...]
    m = jnp.maximum(
        p_ref[...]
        + jnp.dot(t2 * jnp.maximum(z2, 0.0), w1_ref[...],
                  preferred_element_type=jnp.float32)
        + b1_ref[...],
        0.0)
    out_ref[...] = (jnp.dot(m, w2_ref[...], preferred_element_type=jnp.float32)
                    + b2_ref[...])


def _tc_post(th, p, hn, W_gnn, b_gnn, W1, b1, W2, b2, row_off):
    R = 1000
    n = p.shape[0]
    hid = W1.shape[1]
    ncls = W2.shape[1]
    return pl.pallas_call(
        _tc_post_body,
        grid=(n // R,),
        in_specs=[
            pl.BlockSpec((1, 128), lambda i: (0, 0)),
            pl.BlockSpec((R, hid), lambda i: (i, 0)),
            pl.BlockSpec((N_CHUNKS, R, CHUNK),
                         lambda i: (0, i + row_off, 0)),
            pl.BlockSpec((D_FEAT, D_FEAT), lambda i: (0, 0)),
            pl.BlockSpec((1, D_FEAT), lambda i: (0, 0)),
            pl.BlockSpec((D_FEAT, hid), lambda i: (0, 0)),
            pl.BlockSpec((1, hid), lambda i: (0, 0)),
            pl.BlockSpec((hid, ncls), lambda i: (0, 0)),
            pl.BlockSpec((1, ncls), lambda i: (0, 0)),
        ],
        out_specs=pl.BlockSpec((R, ncls), lambda i: (i, 0)),
        out_shape=jax.ShapeDtypeStruct((n, ncls), jnp.float32),
    )(th, p, hn, W_gnn, b_gnn, W1, b1, W2, b2)


def kernel(features_s, features_t, edge_index, theta1, theta2,
           W_gnn, b_gnn, W1, b1, W2, b2):
    fcs = [
        jnp.concatenate([features_s[:, i * CHUNK:(i + 1) * CHUNK],
                         features_t[:, i * CHUNK:(i + 1) * CHUNK]], axis=0)
        for i in range(N_CHUNKS)
    ]

    pad = E_PAD - N_EDGES
    pidx = jnp.arange(pad, dtype=jnp.int32)
    srcp = jnp.concatenate([edge_index[0], pidx % N_NODES])
    dstp = jnp.concatenate([edge_index[1],
                            N_NODES + (pidx % (N_ACC - N_NODES))])
    zeros_hbm = jnp.zeros((ZPT, CHUNK), jnp.float32)

    th = jnp.zeros((1, 128), jnp.float32)
    th = th.at[0, 0].set(theta1[0]).at[0, 1].set(theta2[0])
    bg = b_gnn.reshape(1, -1)
    p_s = _tc_pre(th, features_s, W_gnn, bg, W1)
    p_t = _tc_pre(th, features_t, W_gnn, bg, W1)
    hn = _sc_segment_sum(fcs, srcp, dstp, zeros_hbm)
    nblk = features_s.shape[0] // 1000
    y_s = _tc_post(th, p_s, hn, W_gnn, bg, W1, b1.reshape(1, -1),
                   W2, b2.reshape(1, -1), 0)
    y_t = _tc_post(th, p_t, hn, W_gnn, bg, W1, b1.reshape(1, -1),
                   W2, b2.reshape(1, -1), nblk)
    return (y_s, y_t)

# --- scband reference (transcript-rebuilt; emitter-appended) ---
"""Pipeline reference for scband-domain-adaptation-model-87746181857787 (READ-ONLY COPY).

The authoritative reference and input builder live on the scoring server;
editing this copy changes nothing except your own understanding.
"""

import jax, jax.numpy as jnp
import numpy as np

N_S, N_T, D, HID, NUM_CLASSES, E = 5000, 5000, 512, 256, 10, 160000


def setup_inputs(seed: int = 0) -> dict:
    key = jax.random.key(seed)
    ks = jax.random.split(key, 11)
    features_s = jax.random.normal(ks[0], (N_S, D), dtype=jnp.float32)
    features_t = jax.random.normal(ks[1], (N_T, D), dtype=jnp.float32)
    edge_index = jax.random.randint(ks[2], (2, E), 0, N_S + N_T, dtype=jnp.int32)
    # GNN params: shared linear (512->512), scalar mixing weights theta1/theta2
    W_gnn = jax.random.normal(ks[3], (D, D), dtype=jnp.float32) / np.sqrt(D)
    b_gnn = jnp.zeros((D,), dtype=jnp.float32)
    theta1 = jax.random.uniform(ks[4], (1,), dtype=jnp.float32)
    theta2 = jax.random.uniform(ks[5], (1,), dtype=jnp.float32)
    # classifier: Linear(512,256) -> ReLU -> Linear(256,num_classes)
    W1 = jax.random.normal(ks[6], (D, HID), dtype=jnp.float32) / np.sqrt(D)
    b1 = jnp.zeros((HID,), dtype=jnp.float32)
    W2 = jax.random.normal(ks[7], (HID, NUM_CLASSES), dtype=jnp.float32) / np.sqrt(HID)
    b2 = jnp.zeros((NUM_CLASSES,), dtype=jnp.float32)
    return {
        "features_s": features_s,
        "features_t": features_t,
        "edge_index": edge_index,
        "theta1": theta1,
        "theta2": theta2,
        "W_gnn": W_gnn,
        "b_gnn": b_gnn,
        "W1": W1,
        "b1": b1,
        "W2": W2,
        "b2": b2,
    }


def reference(features_s, features_t, edge_index, theta1, theta2, W_gnn, b_gnn, W1, b1, W2, b2):
    # concat source + target node features
    feats = jnp.concatenate([features_s, features_t], axis=0)
    n_nodes = feats.shape[0]
    src = edge_index[0]
    dst = edge_index[1]
    # dgl update_all(copy_u('h','m'), sum('m','h_neigh')): gather src feats, scatter-add at dst
    messages = jnp.take(feats, src, axis=0)
    h_neigh = jax.ops.segment_sum(messages, dst, num_segments=n_nodes)
    # h = theta1*relu(linear(x)) + theta2*relu(linear(h_neigh)) (shared linear)
    h = theta1 * jax.nn.relu(feats @ W_gnn + b_gnn) + theta2 * jax.nn.relu(h_neigh @ W_gnn + b_gnn)
    # split back into source / target
    h_s = h[: features_s.shape[0]]
    h_t = h[features_s.shape[0]:]
    def classifier(x):
        return jax.nn.relu(x @ W1 + b1) @ W2 + b2
    y_s = classifier(h_s)
    y_t = classifier(h_t)
    return (y_s, y_t)

if __name__ == "__main__":
    import jax
    _d = setup_inputs()
    print(jax.jit(kernel)(*tuple(_d.values())))

</pallas_src>

<mosaic_0001>
#map = affine_map<(d0, d1) -> (0, 0)>
#map1 = affine_map<(d0, d1) -> (0)>
#map2 = affine_map<(d0, d1) -> (0, 0, 0)>
module attributes {stable_mosaic.version = 14 : i64} {
  func.func @seg_sum(%arg0: i32, %arg1: i32, %arg2: memref<10000x128xf32, #tpu.memory_space<hbm>>, %arg3: memref<10000x128xf32, #tpu.memory_space<hbm>>, %arg4: memref<10000x128xf32, #tpu.memory_space<hbm>>, %arg5: memref<10000x128xf32, #tpu.memory_space<hbm>>, %arg6: memref<161792xi32, #tpu.memory_space<hbm>>, %arg7: memref<161792xi32, #tpu.memory_space<hbm>>, %arg8: memref<632x128xf32, #tpu.memory_space<hbm>>, %arg9: memref<4x10000x128xf32, #tpu.memory_space<hbm>>, %arg10: memref<128xi32, #tpu.memory_space<vmem>>, %arg11: memref<128xi32, #tpu.memory_space<vmem>>, %arg12: memref<128xi32, #tpu.memory_space<vmem>>, %arg13: memref<128xi32, #tpu.memory_space<vmem>>, %arg14: memref<128xi32, #tpu.memory_space<vmem>>, %arg15: memref<128xi32, #tpu.memory_space<vmem>>, %arg16: memref<128xi32, #tpu.memory_space<vmem>>, %arg17: memref<128xi32, #tpu.memory_space<vmem>>, %arg18: memref<128x128xf32, #tpu.memory_space<vmem>>, %arg19: memref<128x128xf32, #tpu.memory_space<vmem>>, %arg20: memref<10016x128xf32, #tpu.memory_space<vmem_shared>>, %arg21: memref<!tpu.dma_semaphore, #tpu.memory_space<semaphore_mem>>, %arg22: memref<!tpu.dma_semaphore, #tpu.memory_space<semaphore_mem>>, %arg23: memref<!tpu.dma_semaphore, #tpu.memory_space<semaphore_mem>>, %arg24: memref<!tpu.dma_semaphore, #tpu.memory_space<semaphore_mem>>, %arg25: memref<!tpu.dma_semaphore, #tpu.memory_space<semaphore_mem>>, %arg26: memref<!tpu.dma_semaphore, #tpu.memory_space<semaphore_mem>>, %arg27: memref<!tpu.dma_semaphore, #tpu.memory_space<semaphore_mem>>, %arg28: memref<!tpu.dma_semaphore, #tpu.memory_space<semaphore_mem>>) attributes {dimension_semantics = [#tpu.dimension_semantics<core_parallel>, #tpu.dimension_semantics<subcore_parallel>], iteration_bounds = array<i64: 2, 16>, scalar_prefetch = 0 : i64, scratch_operands = 19 : i64, tpu.core_type = #tpu.core_type<sc_vector_subcore>, window_params = [{transform_indices = #map}, {transform_indices = #map}, {transform_indices = #map}, {transform_indices = #map}, {transform_indices = #map1}, {transform_indices = #map1}, {transform_indices = #map}, {transform_indices = #map2}]} {
    %eq3A = arith.constant 0 : i32
    %eq3A_0 = arith.cmpi eq, %arg0, %eq3A : i32
    %convert_element_type3A = arith.extui %eq3A_0 : i1 to i32
    %cond3A = arith.constant 0 : i32
    %cond3A_1 = arith.cmpi ne, %convert_element_type3A, %cond3A : i32
    scf.if %cond3A_1 {
      %mul3A = arith.constant 79 : i32
      %mul3A_7 = arith.muli %arg1, %mul3A : i32
      %add3A = arith.constant 0 : i32
      %add3A_8 = arith.addi %mul3A_7, %add3A : i32
      %mul3A_9 = arith.constant 128 : i32
      %mul3A_10 = arith.muli %add3A_8, %mul3A_9 : i32
      %multiple_of3A = tpu.assume_multiple %mul3A_10, 128 : i32
      %dma_start3A = tpu.memref_slice %arg6[%multiple_of3A] : memref<161792xi32, #tpu.memory_space<hbm>> -> memref<128xi32, #tpu.memory_space<hbm>>
      %dma_start3A_11 = tpu.memref_slice %arg6[%multiple_of3A] : memref<161792xi32, #tpu.memory_space<hbm>> -> memref<128xi32, #tpu.memory_space<hbm>>
      tpu.enqueue_dma source(%dma_start3A_11 : memref<128xi32, #tpu.memory_space<hbm>>) target(%arg10 : memref<128xi32, #tpu.memory_space<vmem>>) target_semaphore(%arg21 : memref<!tpu.dma_semaphore, #tpu.memory_space<semaphore_mem>>)
      %dma_start3A_12 = tpu.memref_slice %arg7[%multiple_of3A] : memref<161792xi32, #tpu.memory_space<hbm>> -> memref<128xi32, #tpu.memory_space<hbm>>
      %dma_start3A_13 = tpu.memref_slice %arg7[%multiple_of3A] : memref<161792xi32, #tpu.memory_space<hbm>> -> memref<128xi32, #tpu.memory_space<hbm>>
      tpu.enqueue_dma source(%dma_start3A_13 : memref<128xi32, #tpu.memory_space<hbm>>) target(%arg14 : memref<128xi32, #tpu.memory_space<vmem>>) target_semaphore(%arg21 : memref<!tpu.dma_semaphore, #tpu.memory_space<semaphore_mem>>)
      %mul3A_14 = arith.constant 79 : i32
      %mul3A_15 = arith.muli %arg1, %mul3A_14 : i32
      %add3A_16 = arith.constant 1 : i32
      %add3A_17 = arith.addi %mul3A_15, %add3A_16 : i32
      %mul3A_18 = arith.constant 128 : i32
      %mul3A_19 = arith.muli %add3A_17, %mul3A_18 : i32
      %multiple_of3A_20 = tpu.assume_multiple %mul3A_19, 128 : i32
      %dma_start3A_21 = tpu.memref_slice %arg6[%multiple_of3A_20] : memref<161792xi32, #tpu.memory_space<hbm>> -> memref<128xi32, #tpu.memory_space<hbm>>
      %dma_start3A_22 = tpu.memref_slice %arg6[%multiple_of3A_20] : memref<161792xi32, #tpu.memory_space<hbm>> -> memref<128xi32, #tpu.memory_space<hbm>>
      tpu.enqueue_dma source(%dma_start3A_22 : memref<128xi32, #tpu.memory_space<hbm>>) target(%arg11 : memref<128xi32, #tpu.memory_space<vmem>>) target_semaphore(%arg22 : memref<!tpu.dma_semaphore, #tpu.memory_space<semaphore_mem>>)
      %dma_start3A_23 = tpu.memref_slice %arg7[%multiple_of3A_20] : memref<161792xi32, #tpu.memory_space<hbm>> -> memref<128xi32, #tpu.memory_space<hbm>>
      %dma_start3A_24 = tpu.memref_slice %arg7[%multiple_of3A_20] : memref<161792xi32, #tpu.memory_space<hbm>> -> memref<128xi32, #tpu.memory_space<hbm>>
      tpu.enqueue_dma source(%dma_start3A_24 : memref<128xi32, #tpu.memory_space<hbm>>) target(%arg15 : memref<128xi32, #tpu.memory_space<vmem>>) target_semaphore(%arg22 : memref<!tpu.dma_semaphore, #tpu.memory_space<semaphore_mem>>)
      %dma_wait3A = arith.constant 0 : i32
      %dma_wait3A_25 = tpu.memref_slice %arg6[%dma_wait3A] : memref<161792xi32, #tpu.memory_space<hbm>> -> memref<128xi32, #tpu.memory_space<hbm>>
      %dma_wait3A_26 = arith.constant 0 : i32
      %dma_wait3A_27 = tpu.memref_slice %arg6[%dma_wait3A_26] : memref<161792xi32, #tpu.memory_space<hbm>> -> memref<128xi32, #tpu.memory_space<hbm>>
      tpu.wait_dma2 semaphore(%arg21 : memref<!tpu.dma_semaphore, #tpu.memory_space<semaphore_mem>>) src(%dma_wait3A_27 : memref<128xi32, #tpu.memory_space<hbm>>) dst(%arg10 : memref<128xi32, #tpu.memory_space<vmem>>)
      %dma_wait3A_28 = arith.constant 0 : i32
      %dma_wait3A_29 = tpu.memref_slice %arg7[%dma_wait3A_28] : memref<161792xi32, #tpu.memory_space<hbm>> -> memref<128xi32, #tpu.memory_space<hbm>>
      %dma_wait3A_30 = arith.constant 0 : i32
      %dma_wait3A_31 = tpu.memref_slice %arg7[%dma_wait3A_30] : memref<161792xi32, #tpu.memory_space<hbm>> -> memref<128xi32, #tpu.memory_space<hbm>>
      tpu.wait_dma2 semaphore(%arg21 : memref<!tpu.dma_semaphore, #tpu.memory_space<semaphore_mem>>) src(%dma_wait3A_31 : memref<128xi32, #tpu.memory_space<hbm>>) dst(%arg14 : memref<128xi32, #tpu.memory_space<vmem>>)
      %dma_start3A_32 = arith.constant 0 : i32
      %dma_start3A_33 = arith.constant 0 : i32
      %dma_start3A_34 = tpu.memref_slice %arg2[%dma_start3A_32, %dma_start3A_33] : memref<10000x128xf32, #tpu.memory_space<hbm>> -> memref<10000x128xf32, #tpu.memory_space<hbm>>
      tpu.enqueue_indirect_dma source(%dma_start3A_34 : memref<10000x128xf32, #tpu.memory_space<hbm>>) target(%arg18 : memref<128x128xf32, #tpu.memory_space<vmem>>) offsets(%arg10 : memref<128xi32, #tpu.memory_space<vmem>>) semaphore(%arg25 : memref<!tpu.dma_semaphore, #tpu.memory_space<semaphore_mem>>)
      %lt3A = arith.constant 15 : i32
      %lt3A_35 = arith.cmpi slt, %arg1, %lt3A : i32
      %convert_element_type3A_36 = arith.extui %lt3A_35 : i1 to i32
      %cond3A_37 = arith.constant 0 : i32
      %cond3A_38 = arith.cmpi ne, %convert_element_type3A_36, %cond3A_37 : i32
      scf.if %cond3A_38 {
        %mul3A_490 = arith.constant 632 : i32
        %mul3A_491 = arith.muli %arg1, %mul3A_490 : i32
        "tpu.region"() ({
          %run_scoped3A_492 = tpu.sem_alloc : memref<!tpu.dma_semaphore, #tpu.memory_space<semaphore_mem>>
          %dma_start3A_493 = arith.constant 0 : i32
          %dma_start3A_494 = tpu.memref_slice %arg20[%mul3A_491, %dma_start3A_493] : memref<10016x128xf32, #tpu.memory_space<vmem_shared>> -> memref<632x128xf32, #tpu.memory_space<vmem_shared>>
          tpu.enqueue_dma source(%arg8 : memref<632x128xf32, #tpu.memory_space<hbm>>) target(%dma_start3A_494 : memref<632x128xf32, #tpu.memory_space<vmem_shared>>) target_semaphore(%run_scoped3A_492 : memref<!tpu.dma_semaphore, #tpu.memory_space<semaphore_mem>>)
          %dma_wait3A_495 = arith.constant 0 : i32
          %dma_wait3A_496 = tpu.memref_slice %arg20[%mul3A_491, %dma_wait3A_495] : memref<10016x128xf32, #tpu.memory_space<vmem_shared>> -> memref<632x128xf32, #tpu.memory_space<vmem_shared>>
          tpu.wait_dma2 semaphore(%run_scoped3A_492 : memref<!tpu.dma_semaphore, #tpu.memory_space<semaphore_mem>>) src(%arg8 : memref<632x128xf32, #tpu.memory_space<hbm>>) dst(%dma_wait3A_496 : memref<632x128xf32, #tpu.memory_space<vmem_shared>>)
          tpu.yield
        }) : () -> ()
      } else {
      }
      %eq3A_39 = arith.constant 15 : i32
      %eq3A_40 = arith.cmpi eq, %arg1, %eq3A_39 : i32
      %convert_element_type3A_41 = arith.extui %eq3A_40 : i1 to i32
      %cond3A_42 = arith.constant 0 : i32
      %cond3A_43 = arith.cmpi ne, %convert_element_type3A_41, %cond3A_42 : i32
      scf.if %cond3A_43 {
        "tpu.region"() ({
          %run_scoped3A_490 = tpu.sem_alloc : memref<!tpu.dma_semaphore, #tpu.memory_space<semaphore_mem>>
          %dma_start3A_491 = arith.constant 9480 : i32
          %dma_start3A_492 = arith.constant 0 : i32
          %dma_start3A_493 = tpu.memref_slice %arg20[%dma_start3A_491, %dma_start3A_492] : memref<10016x128xf32, #tpu.memory_space<vmem_shared>> -> memref<536x128xf32, #tpu.memory_space<vmem_shared>>
          %dma_start3A_494 = arith.constant 0 : i32
          %dma_start3A_495 = arith.constant 0 : i32
          %dma_start3A_496 = tpu.memref_slice %arg8[%dma_start3A_494, %dma_start3A_495] : memref<632x128xf32, #tpu.memory_space<hbm>> -> memref<536x128xf32, #tpu.memory_space<hbm>>
          tpu.enqueue_dma source(%dma_start3A_496 : memref<536x128xf32, #tpu.memory_space<hbm>>) target(%dma_start3A_493 : memref<536x128xf32, #tpu.memory_space<vmem_shared>>) target_semaphore(%run_scoped3A_490 : memref<!tpu.dma_semaphore, #tpu.memory_space<semaphore_mem>>)
          %dma_wait3A_497 = arith.constant 9480 : i32
          %dma_wait3A_498 = arith.constant 0 : i32
          %dma_wait3A_499 = tpu.memref_slice %arg20[%dma_wait3A_497, %dma_wait3A_498] : memref<10016x128xf32, #tpu.memory_space<vmem_shared>> -> memref<536x128xf32, #tpu.memory_space<vmem_shared>>
          %dma_wait3A_500 = arith.constant 0 : i32
          %dma_wait3A_501 = arith.constant 0 : i32
          %dma_wait3A_502 = tpu.memref_slice %arg8[%dma_wait3A_500, %dma_wait3A_501] : memref<632x128xf32, #tpu.memory_space<hbm>> -> memref<536x128xf32, #tpu.memory_space<hbm>>
          tpu.wait_dma2 semaphore(%run_scoped3A_490 : memref<!tpu.dma_semaphore, #tpu.memory_space<semaphore_mem>>) src(%dma_wait3A_502 : memref<536x128xf32, #tpu.memory_space<hbm>>) dst(%dma_wait3A_499 : memref<536x128xf32, #tpu.memory_space<vmem_shared>>)
          tpu.yield
        }) : () -> ()
      } else {
      }
      %barrier3A = arith.constant 0 : index
      tpu.barrier barrier_id(%barrier3A)
      %dma_wait3A_44 = arith.constant 0 : i32
      %dma_wait3A_45 = arith.constant 0 : i32
      %dma_wait3A_46 = tpu.memref_slice %arg2[%dma_wait3A_44, %dma_wait3A_45] : memref<10000x128xf32, #tpu.memory_space<hbm>> -> memref<10000x128xf32, #tpu.memory_space<hbm>>
      tpu.wait_indirect_dma semaphore(%arg25 : memref<!tpu.dma_semaphore, #tpu.memory_space<semaphore_mem>>) src(%dma_wait3A_46 : memref<10000x128xf32, #tpu.memory_space<hbm>>) dst(%arg18 : memref<128x128xf32, #tpu.memory_space<vmem>>)
      %dma_start3A_47 = arith.constant 0 : i32
      %dma_start3A_48 = arith.constant 0 : i32
      %dma_start3A_49 = tpu.memref_slice %arg20[%dma_start3A_47, %dma_start3A_48] : memref<10016x128xf32, #tpu.memory_space<vmem_shared>> -> memref<10016x128xf32, #tpu.memory_space<vmem_shared>>
      tpu.enqueue_indirect_dma source(%arg18 : memref<128x128xf32, #tpu.memory_space<vmem>>) target(%dma_start3A_49 : memref<10016x128xf32, #tpu.memory_space<vmem_shared>>) offsets(%arg14 : memref<128xi32, #tpu.memory_space<vmem>>) semaphore(%arg27 : memref<!tpu.dma_semaphore, #tpu.memory_space<semaphore_mem>>) {add = true}
      %mul3A_50 = arith.constant 79 : i32
      %mul3A_51 = arith.muli %arg1, %mul3A_50 : i32
      %add3A_52 = arith.constant 2 : i32
      %add3A_53 = arith.addi %mul3A_51, %add3A_52 : i32
      %mul3A_54 = arith.constant 128 : i32
      %mul3A_55 = arith.muli %add3A_53, %mul3A_54 : i32
      %multiple_of3A_56 = tpu.assume_multiple %mul3A_55, 128 : i32
      %dma_start3A_57 = tpu.memref_slice %arg6[%multiple_of3A_56] : memref<161792xi32, #tpu.memory_space<hbm>> -> memref<128xi32, #tpu.memory_space<hbm>>
      %dma_start3A_58 = tpu.memref_slice %arg6[%multiple_of3A_56] : memref<161792xi32, #tpu.memory_space<hbm>> -> memref<128xi32, #tpu.memory_space<hbm>>
      tpu.enqueue_dma source(%dma_start3A_58 : memref<128xi32, #tpu.memory_space<hbm>>) target(%arg12 : memref<128xi32, #tpu.memory_space<vmem>>) target_semaphore(%arg23 : memref<!tpu.dma_semaphore, #tpu.memory_space<semaphore_mem>>)
      %dma_start3A_59 = tpu.memref_slice %arg7[%multiple_of3A_56] : memref<161792xi32, #tpu.memory_space<hbm>> -> memref<128xi32, #tpu.memory_space<hbm>>
      %dma_start3A_60 = tpu.memref_slice %arg7[%multiple_of3A_56] : memref<161792xi32, #tpu.memory_space<hbm>> -> memref<128xi32, #tpu.memory_space<hbm>>
      tpu.enqueue_dma source(%dma_start3A_60 : memref<128xi32, #tpu.memory_space<hbm>>) target(%arg16 : memref<128xi32, #tpu.memory_space<vmem>>) target_semaphore(%arg23 : memref<!tpu.dma_semaphore, #tpu.memory_space<semaphore_mem>>)
      %dma_wait3A_61 = arith.constant 0 : i32
      %dma_wait3A_62 = tpu.memref_slice %arg6[%dma_wait3A_61] : memref<161792xi32, #tpu.memory_space<hbm>> -> memref<128xi32, #tpu.memory_space<hbm>>
      %dma_wait3A_63 = arith.constant 0 : i32
      %dma_wait3A_64 = tpu.memref_slice %arg6[%dma_wait3A_63] : memref<161792xi32, #tpu.memory_space<hbm>> -> memref<128xi32, #tpu.memory_space<hbm>>
      tpu.wait_dma2 semaphore(%arg22 : memref<!tpu.dma_semaphore, #tpu.memory_space<semaphore_mem>>) src(%dma_wait3A_64 : memref<128xi32, #tpu.memory_space<hbm>>) dst(%arg11 : memref<128xi32, #tpu.memory_space<vmem>>)
      %dma_wait3A_65 = arith.constant 0 : i32
      %dma_wait3A_66 = tpu.memref_slice %arg7[%dma_wait3A_65] : memref<161792xi32, #tpu.memory_space<hbm>> -> memref<128xi32, #tpu.memory_space<hbm>>
      %dma_wait3A_67 = arith.constant 0 : i32
      %dma_wait3A_68 = tpu.memref_slice %arg7[%dma_wait3A_67] : memref<161792xi32, #tpu.memory_space<hbm>> -> memref<128xi32, #tpu.memory_space<hbm>>
      tpu.wait_dma2 semaphore(%arg22 : memref<!tpu.dma_semaphore, #tpu.memory_space<semaphore_mem>>) src(%dma_wait3A_68 : memref<128xi32, #tpu.memory_space<hbm>>) dst(%arg15 : memref<128xi32, #tpu.memory_space<vmem>>)
      %dma_start3A_69 = arith.constant 0 : i32
      %dma_start3A_70 = arith.constant 0 : i32
      %dma_start3A_71 = tpu.memref_slice %arg2[%dma_start3A_69, %dma_start3A_70] : memref<10000x128xf32, #tpu.memory_space<hbm>> -> memref<10000x128xf32, #tpu.memory_space<hbm>>
      tpu.enqueue_indirect_dma source(%dma_start3A_71 : memref<10000x128xf32, #tpu.memory_space<hbm>>) target(%arg19 : memref<128x128xf32, #tpu.memory_space<vmem>>) offsets(%arg11 : memref<128xi32, #tpu.memory_space<vmem>>) semaphore(%arg26 : memref<!tpu.dma_semaphore, #tpu.memory_space<semaphore_mem>>)
      %dma_wait3A_72 = arith.constant 0 : i32
      %dma_wait3A_73 = arith.constant 0 : i32
      %dma_wait3A_74 = tpu.memref_slice %arg2[%dma_wait3A_72, %dma_wait3A_73] : memref<10000x128xf32, #tpu.memory_space<hbm>> -> memref<10000x128xf32, #tpu.memory_space<hbm>>
      tpu.wait_indirect_dma semaphore(%arg26 : memref<!tpu.dma_semaphore, #tpu.memory_space<semaphore_mem>>) src(%dma_wait3A_74 : memref<10000x128xf32, #tpu.memory_space<hbm>>) dst(%arg19 : memref<128x128xf32, #tpu.memory_space<vmem>>)
      %dma_start3A_75 = arith.constant 0 : i32
      %dma_start3A_76 = arith.constant 0 : i32
      %dma_start3A_77 = tpu.memref_slice %arg20[%dma_start3A_75, %dma_start3A_76] : memref<10016x128xf32, #tpu.memory_space<vmem_shared>> -> memref<10016x128xf32, #tpu.memory_space<vmem_shared>>
      tpu.enqueue_indirect_dma source(%arg19 : memref<128x128xf32, #tpu.memory_space<vmem>>) target(%dma_start3A_77 : memref<10016x128xf32, #tpu.memory_space<vmem_shared>>) offsets(%arg15 : memref<128xi32, #tpu.memory_space<vmem>>) semaphore(%arg28 : memref<!tpu.dma_semaphore, #tpu.memory_space<semaphore_mem>>) {add = true}
      %dma_wait3A_78 = arith.constant 0 : i32
      %dma_wait3A_79 = arith.constant 0 : i32
      %dma_wait3A_80 = tpu.memref_slice %arg20[%dma_wait3A_78, %dma_wait3A_79] : memref<10016x128xf32, #tpu.memory_space<vmem_shared>> -> memref<10016x128xf32, #tpu.memory_space<vmem_shared>>
      tpu.wait_indirect_dma semaphore(%arg27 : memref<!tpu.dma_semaphore, #tpu.memory_space<semaphore_mem>>) src(%arg18 : memref<128x128xf32, #tpu.memory_space<vmem>>) dst(%dma_wait3A_80 : memref<10016x128xf32, #tpu.memory_space<vmem_shared>>)
      %mul3A_81 = arith.constant 79 : i32
      %mul3A_82 = arith.muli %arg1, %mul3A_81 : i32
      %add3A_83 = arith.constant 3 : i32
      %add3A_84 = arith.addi %mul3A_82, %add3A_83 : i32
      %mul3A_85 = arith.constant 128 : i32
      %mul3A_86 = arith.muli %add3A_84, %mul3A_85 : i32
      %multiple_of3A_87 = tpu.assume_multiple %mul3A_86, 128 : i32
      %dma_start3A_88 = tpu.memref_slice %arg6[%multiple_of3A_87] : memref<161792xi32, #tpu.memory_space<hbm>> -> memref<128xi32, #tpu.memory_space<hbm>>
      %dma_start3A_89 = tpu.memref_slice %arg6[%multiple_of3A_87] : memref<161792xi32, #tpu.memory_space<hbm>> -> memref<128xi32, #tpu.memory_space<hbm>>
      tpu.enqueue_dma source(%dma_start3A_89 : memref<128xi32, #tpu.memory_space<hbm>>) target(%arg13 : memref<128xi32, #tpu.memory_space<vmem>>) target_semaphore(%arg24 : memref<!tpu.dma_semaphore, #tpu.memory_space<semaphore_mem>>)
      %dma_start3A_90 = tpu.memref_slice %arg7[%multiple_of3A_87] : memref<161792xi32, #tpu.memory_space<hbm>> -> memref<128xi32, #tpu.memory_space<hbm>>
      %dma_start3A_91 = tpu.memref_slice %arg7[%multiple_of3A_87] : memref<161792xi32, #tpu.memory_space<hbm>> -> memref<128xi32, #tpu.memory_space<hbm>>
      tpu.enqueue_dma source(%dma_start3A_91 : memref<128xi32, #tpu.memory_space<hbm>>) target(%arg17 : memref<128xi32, #tpu.memory_space<vmem>>) target_semaphore(%arg24 : memref<!tpu.dma_semaphore, #tpu.memory_space<semaphore_mem>>)
      %dma_wait3A_92 = arith.constant 0 : i32
      %dma_wait3A_93 = tpu.memref_slice %arg6[%dma_wait3A_92] : memref<161792xi32, #tpu.memory_space<hbm>> -> memref<128xi32, #tpu.memory_space<hbm>>
      %dma_wait3A_94 = arith.constant 0 : i32
      %dma_wait3A_95 = tpu.memref_slice %arg6[%dma_wait3A_94] : memref<161792xi32, #tpu.memory_space<hbm>> -> memref<128xi32, #tpu.memory_space<hbm>>
      tpu.wait_dma2 semaphore(%arg23 : memref<!tpu.dma_semaphore, #tpu.memory_space<semaphore_mem>>) src(%dma_wait3A_95 : memref<128xi32, #tpu.memory_space<hbm>>) dst(%arg12 : memref<128xi32, #tpu.memory_space<vmem>>)
      %dma_wait3A_96 = arith.constant 0 : i32
      %dma_wait3A_97 = tpu.memref_slice %arg7[%dma_wait3A_96] : memref<161792xi32, #tpu.memory_space<hbm>> -> memref<128xi32, #tpu.memory_space<hbm>>
      %dma_wait3A_98 = arith.constant 0 : i32
      %dma_wait3A_99 = tpu.memref_slice %arg7[%dma_wait3A_98] : memref<161792xi32, #tpu.memory_space<hbm>> -> memref<128xi32, #tpu.memory_space<hbm>>
      tpu.wait_dma2 semaphore(%arg23 : memref<!tpu.dma_semaphore, #tpu.memory_space<semaphore_mem>>) src(%dma_wait3A_99 : memref<128xi32, #tpu.memory_space<hbm>>) dst(%arg16 : memref<128xi32, #tpu.memory_space<vmem>>)
      %dma_start3A_100 = arith.constant 0 : i32
      %dma_start3A_101 = arith.constant 0 : i32
      %dma_start3A_102 = tpu.memref_slice %arg2[%dma_start3A_100, %dma_start3A_101] : memref<10000x128xf32, #tpu.memory_space<hbm>> -> memref<10000x128xf32, #tpu.memory_space<hbm>>
      tpu.enqueue_indirect_dma source(%dma_start3A_102 : memref<10000x128xf32, #tpu.memory_space<hbm>>) target(%arg18 : memref<128x128xf32, #tpu.memory_space<vmem>>) offsets(%arg12 : memref<128xi32, #tpu.memory_space<vmem>>) semaphore(%arg25 : memref<!tpu.dma_semaphore, #tpu.memory_space<semaphore_mem>>)
      %dma_wait3A_103 = arith.constant 0 : i32
      %dma_wait3A_104 = arith.constant 0 : i32
      %dma_wait3A_105 = tpu.memref_slice %arg2[%dma_wait3A_103, %dma_wait3A_104] : memref<10000x128xf32, #tpu.memory_space<hbm>> -> memref<10000x128xf32, #tpu.memory_space<hbm>>
      tpu.wait_indirect_dma semaphore(%arg25 : memref<!tpu.dma_semaphore, #tpu.memory_space<semaphore_mem>>) src(%dma_wait3A_105 : memref<10000x128xf32, #tpu.memory_space<hbm>>) dst(%arg18 : memref<128x128xf32, #tpu.memory_space<vmem>>)
      %dma_start3A_106 = arith.constant 0 : i32
      %dma_start3A_107 = arith.constant 0 : i32
      %dma_start3A_108 = tpu.memref_slice %arg20[%dma_start3A_106, %dma_start3A_107] : memref<10016x128xf32, #tpu.memory_space<vmem_shared>> -> memref<10016x128xf32, #tpu.memory_space<vmem_shared>>
      tpu.enqueue_indirect_dma source(%arg18 : memref<128x128xf32, #tpu.memory_space<vmem>>) target(%dma_start3A_108 : memref<10016x128xf32, #tpu.memory_space<vmem_shared>>) offsets(%arg16 : memref<128xi32, #tpu.memory_space<vmem>>) semaphore(%arg27 : memref<!tpu.dma_semaphore, #tpu.memory_space<semaphore_mem>>) {add = true}
      %dma_wait3A_109 = arith.constant 0 : i32
      %dma_wait3A_110 = arith.constant 0 : i32
      %dma_wait3A_111 = tpu.memref_slice %arg20[%dma_wait3A_109, %dma_wait3A_110] : memref<10016x128xf32, #tpu.memory_space<vmem_shared>> -> memref<10016x128xf32, #tpu.memory_space<vmem_shared>>
      tpu.wait_indirect_dma semaphore(%arg28 : memref<!tpu.dma_semaphore, #tpu.memory_space<semaphore_mem>>) src(%arg19 : memref<128x128xf32, #tpu.memory_space<vmem>>) dst(%dma_wait3A_111 : memref<10016x128xf32, #tpu.memory_space<vmem_shared>>)
      %mul3A_112 = arith.constant 79 : i32
      %mul3A_113 = arith.muli %arg1, %mul3A_112 : i32
      %add3A_114 = arith.constant 4 : i32
      %add3A_115 = arith.addi %mul3A_113, %add3A_114 : i32
      %mul3A_116 = arith.constant 128 : i32
      %mul3A_117 = arith.muli %add3A_115, %mul3A_116 : i32
      %multiple_of3A_118 = tpu.assume_multiple %mul3A_117, 128 : i32
      %dma_start3A_119 = tpu.memref_slice %arg6[%multiple_of3A_118] : memref<161792xi32, #tpu.memory_space<hbm>> -> memref<128xi32, #tpu.memory_space<hbm>>
      %dma_start3A_120 = tpu.memref_slice %arg6[%multiple_of3A_118] : memref<161792xi32, #tpu.memory_space<hbm>> -> memref<128xi32, #tpu.memory_space<hbm>>
      tpu.enqueue_dma source(%dma_start3A_120 : memref<128xi32, #tpu.memory_space<hbm>>) target(%arg10 : memref<128xi32, #tpu.memory_space<vmem>>) target_semaphore(%arg21 : memref<!tpu.dma_semaphore, #tpu.memory_space<semaphore_mem>>)
      %dma_start3A_121 = tpu.memref_slice %arg7[%multiple_of3A_118] : memref<161792xi32, #tpu.memory_space<hbm>> -> memref<128xi32, #tpu.memory_space<hbm>>
      %dma_start3A_122 = tpu.memref_slice %arg7[%multiple_of3A_118] : memref<161792xi32, #tpu.memory_space<hbm>> -> memref<128xi32, #tpu.memory_space<hbm>>
      tpu.enqueue_dma source(%dma_start3A_122 : memref<128xi32, #tpu.memory_space<hbm>>) target(%arg14 : memref<128xi32, #tpu.memory_space<vmem>>) target_semaphore(%arg21 : memref<!tpu.dma_semaphore, #tpu.memory_space<semaphore_mem>>)
      %dma_wait3A_123 = arith.constant 0 : i32
      %dma_wait3A_124 = tpu.memref_slice %arg6[%dma_wait3A_123] : memref<161792xi32, #tpu.memory_space<hbm>> -> memref<128xi32, #tpu.memory_space<hbm>>
      %dma_wait3A_125 = arith.constant 0 : i32
      %dma_wait3A_126 = tpu.memref_slice %arg6[%dma_wait3A_125] : memref<161792xi32, #tpu.memory_space<hbm>> -> memref<128xi32, #tpu.memory_space<hbm>>
      tpu.wait_dma2 semaphore(%arg24 : memref<!tpu.dma_semaphore, #tpu.memory_space<semaphore_mem>>) src(%dma_wait3A_126 : memref<128xi32, #tpu.memory_space<hbm>>) dst(%arg13 : memref<128xi32, #tpu.memory_space<vmem>>)
      %dma_wait3A_127 = arith.constant 0 : i32
      %dma_wait3A_128 = tpu.memref_slice %arg7[%dma_wait3A_127] : memref<161792xi32, #tpu.memory_space<hbm>> -> memref<128xi32, #tpu.memory_space<hbm>>
      %dma_wait3A_129 = arith.constant 0 : i32
      %dma_wait3A_130 = tpu.memref_slice %arg7[%dma_wait3A_129] : memref<161792xi32, #tpu.memory_space<hbm>> -> memref<128xi32, #tpu.memory_space<hbm>>
      tpu.wait_dma2 semaphore(%arg24 : memref<!tpu.dma_semaphore, #tpu.memory_space<semaphore_mem>>) src(%dma_wait3A_130 : memref<128xi32, #tpu.memory_space<hbm>>) dst(%arg17 : memref<128xi32, #tpu.memory_space<vmem>>)
      %dma_start3A_131 = arith.constant 0 : i32
      %dma_start3A_132 = arith.constant 0 : i32
      %dma_start3A_133 = tpu.memref_slice %arg2[%dma_start3A_131, %dma_start3A_132] : memref<10000x128xf32, #tpu.memory_space<hbm>> -> memref<10000x128xf32, #tpu.memory_space<hbm>>
      tpu.enqueue_indirect_dma source(%dma_start3A_133 : memref<10000x128xf32, #tpu.memory_space<hbm>>) target(%arg19 : memref<128x128xf32, #tpu.memory_space<vmem>>) offsets(%arg13 : memref<128xi32, #tpu.memory_space<vmem>>) semaphore(%arg26 : memref<!tpu.dma_semaphore, #tpu.memory_space<semaphore_mem>>)
      %dma_wait3A_134 = arith.constant 0 : i32
      %dma_wait3A_135 = arith.constant 0 : i32
      %dma_wait3A_136 = tpu.memref_slice %arg2[%dma_wait3A_134, %dma_wait3A_135] : memref<10000x128xf32, #tpu.memory_space<hbm>> -> memref<10000x128xf32, #tpu.memory_space<hbm>>
      tpu.wait_indirect_dma semaphore(%arg26 : memref<!tpu.dma_semaphore, #tpu.memory_space<semaphore_mem>>) src(%dma_wait3A_136 : memref<10000x128xf32, #tpu.memory_space<hbm>>) dst(%arg19 : memref<128x128xf32, #tpu.memory_space<vmem>>)
      %dma_start3A_137 = arith.constant 0 : i32
      %dma_start3A_138 = arith.constant 0 : i32
      %dma_start3A_139 = tpu.memref_slice %arg20[%dma_start3A_137, %dma_start3A_138] : memref<10016x128xf32, #tpu.memory_space<vmem_shared>> -> memref<10016x128xf32, #tpu.memory_space<vmem_shared>>
      tpu.enqueue_indirect_dma source(%arg19 : memref<128x128xf32, #tpu.memory_space<vmem>>) target(%dma_start3A_139 : memref<10016x128xf32, #tpu.memory_space<vmem_shared>>) offsets(%arg17 : memref<128xi32, #tpu.memory_space<vmem>>) semaphore(%arg28 : memref<!tpu.dma_semaphore, #tpu.memory_space<semaphore_mem>>) {add = true}
      %dma_wait3A_140 = arith.constant 0 : i32
      %dma_wait3A_141 = arith.constant 0 : i32
      %dma_wait3A_142 = tpu.memref_slice %arg20[%dma_wait3A_140, %dma_wait3A_141] : memref<10016x128xf32, #tpu.memory_space<vmem_shared>> -> memref<10016x128xf32, #tpu.memory_space<vmem_shared>>
      tpu.wait_indirect_dma semaphore(%arg27 : memref<!tpu.dma_semaphore, #tpu.memory_space<semaphore_mem>>) src(%arg18 : memref<128x128xf32, #tpu.memory_space<vmem>>) dst(%dma_wait3A_142 : memref<10016x128xf32, #tpu.memory_space<vmem_shared>>)
      %mul3A_143 = arith.constant 79 : i32
      %mul3A_144 = arith.muli %arg1, %mul3A_143 : i32
      %add3A_145 = arith.constant 5 : i32
      %add3A_146 = arith.addi %mul3A_144, %add3A_145 : i32
      %mul3A_147 = arith.constant 128 : i32
      %mul3A_148 = arith.muli %add3A_146, %mul3A_147 : i32
      %multiple_of3A_149 = tpu.assume_multiple %mul3A_148, 128 : i32
      %dma_start3A_150 = tpu.memref_slice %arg6[%multiple_of3A_149] : memref<161792xi32, #tpu.memory_space<hbm>> -> memref<128xi32, #tpu.memory_space<hbm>>
      %dma_start3A_151 = tpu.memref_slice %arg6[%multiple_of3A_149] : memref<161792xi32, #tpu.memory_space<hbm>> -> memref<128xi32, #tpu.memory_space<hbm>>
      tpu.enqueue_dma source(%dma_start3A_151 : memref<128xi32, #tpu.memory_space<hbm>>) target(%arg11 : memref<128xi32, #tpu.memory_space<vmem>>) target_semaphore(%arg22 : memref<!tpu.dma_semaphore, #tpu.memory_space<semaphore_mem>>)
      %dma_start3A_152 = tpu.memref_slice %arg7[%multiple_of3A_149] : memref<161792xi32, #tpu.memory_space<hbm>> -> memref<128xi32, #tpu.memory_space<hbm>>
      %dma_start3A_153 = tpu.memref_slice %arg7[%multiple_of3A_149] : memref<161792xi32, #tpu.memory_space<hbm>> -> memref<128xi32, #tpu.memory_space<hbm>>
      tpu.enqueue_dma source(%dma_start3A_153 : memref<128xi32, #tpu.memory_space<hbm>>) target(%arg15 : memref<128xi32, #tpu.memory_space<vmem>>) target_semaphore(%arg22 : memref<!tpu.dma_semaphore, #tpu.memory_space<semaphore_mem>>)
      %dma_wait3A_154 = arith.constant 0 : i32
      %dma_wait3A_155 = tpu.memref_slice %arg6[%dma_wait3A_154] : memref<161792xi32, #tpu.memory_space<hbm>> -> memref<128xi32, #tpu.memory_space<hbm>>
      %dma_wait3A_156 = arith.constant 0 : i32
      %dma_wait3A_157 = tpu.memref_slice %arg6[%dma_wait3A_156] : memref<161792xi32, #tpu.memory_space<hbm>> -> memref<128xi32, #tpu.memory_space<hbm>>
      tpu.wait_dma2 semaphore(%arg21 : memref<!tpu.dma_semaphore, #tpu.memory_space<semaphore_mem>>) src(%dma_wait3A_157 : memref<128xi32, #tpu.memory_space<hbm>>) dst(%arg10 : memref<128xi32, #tpu.memory_space<vmem>>)
      %dma_wait3A_158 = arith.constant 0 : i32
      %dma_wait3A_159 = tpu.memref_slice %arg7[%dma_wait3A_158] : memref<161792xi32, #tpu.memory_space<hbm>> -> memref<128xi32, #tpu.memory_space<hbm>>
      %dma_wait3A_160 = arith.constant 0 : i32
      %dma_wait3A_161 = tpu.memref_slice %arg7[%dma_wait3A_160] : memref<161792xi32, #tpu.memory_space<hbm>> -> memref<128xi32, #tpu.memory_space<hbm>>
      tpu.wait_dma2 semaphore(%arg21 : memref<!tpu.dma_semaphore, #tpu.memory_space<semaphore_mem>>) src(%dma_wait3A_161 : memref<128xi32, #tpu.memory_space<hbm>>) dst(%arg14 : memref<128xi32, #tpu.memory_space<vmem>>)
      %dma_start3A_162 = arith.constant 0 : i32
      %dma_start3A_163 = arith.constant 0 : i32
      %dma_start3A_164 = tpu.memref_slice %arg2[%dma_start3A_162, %dma_start3A_163] : memref<10000x128xf32, #tpu.memory_space<hbm>> -> memref<10000x128xf32, #tpu.memory_space<hbm>>
      tpu.enqueue_indirect_dma source(%dma_start3A_164 : memref<10000x128xf32, #tpu.memory_space<hbm>>) target(%arg18 : memref<128x128xf32, #tpu.memory_space<vmem>>) offsets(%arg10 : memref<128xi32, #tpu.memory_space<vmem>>) semaphore(%arg25 : memref<!tpu.dma_semaphore, #tpu.memory_space<semaphore_mem>>)
      %scan3A = arith.constant 0 : i32
      %scan3A_165 = arith.constant 1 : i32
      %scan3A_166 = arith.constant 18 : i32
      %scan3A_167 = arith.addi %scan3A_165, %scan3A_166 : i32
      %scan3A_168 = arith.constant 1 : i32
      scf.for %scan3A_490 = %scan3A_165 to %scan3A_167 step %scan3A_168  : i32 {
        %mul3A_491 = arith.constant 4 : i32
        %mul3A_492 = arith.muli %scan3A_490, %mul3A_491 : i32
        %add3A_493 = arith.constant 0 : i32
        %add3A_494 = arith.addi %mul3A_492, %add3A_493 : i32
        %dma_wait3A_495 = arith.constant 0 : i32
        %dma_wait3A_496 = arith.constant 0 : i32
        %dma_wait3A_497 = tpu.memref_slice %arg2[%dma_wait3A_495, %dma_wait3A_496] : memref<10000x128xf32, #tpu.memory_space<hbm>> -> memref<10000x128xf32, #tpu.memory_space<hbm>>
        tpu.wait_indirect_dma semaphore(%arg25 : memref<!tpu.dma_semaphore, #tpu.memory_space<semaphore_mem>>) src(%dma_wait3A_497 : memref<10000x128xf32, #tpu.memory_space<hbm>>) dst(%arg18 : memref<128x128xf32, #tpu.memory_space<vmem>>)
        %dma_start3A_498 = arith.constant 0 : i32
        %dma_start3A_499 = arith.constant 0 : i32
        %dma_start3A_500 = tpu.memref_slice %arg20[%dma_start3A_498, %dma_start3A_499] : memref<10016x128xf32, #tpu.memory_space<vmem_shared>> -> memref<10016x128xf32, #tpu.memory_space<vmem_shared>>
        tpu.enqueue_indirect_dma source(%arg18 : memref<128x128xf32, #tpu.memory_space<vmem>>) target(%dma_start3A_500 : memref<10016x128xf32, #tpu.memory_space<vmem_shared>>) offsets(%arg14 : memref<128xi32, #tpu.memory_space<vmem>>) semaphore(%arg27 : memref<!tpu.dma_semaphore, #tpu.memory_space<semaphore_mem>>) {add = true}
        %dma_wait3A_501 = arith.constant 0 : i32
        %dma_wait3A_502 = arith.constant 0 : i32
        %dma_wait3A_503 = tpu.memref_slice %arg20[%dma_wait3A_501, %dma_wait3A_502] : memref<10016x128xf32, #tpu.memory_space<vmem_shared>> -> memref<10016x128xf32, #tpu.memory_space<vmem_shared>>
        tpu.wait_indirect_dma semaphore(%arg28 : memref<!tpu.dma_semaphore, #tpu.memory_space<semaphore_mem>>) src(%arg19 : memref<128x128xf32, #tpu.memory_space<vmem>>) dst(%dma_wait3A_503 : memref<10016x128xf32, #tpu.memory_space<vmem_shared>>)
        %add3A_504 = arith.constant 2 : i32
        %add3A_505 = arith.addi %add3A_494, %add3A_504 : i32
        %lt3A_506 = arith.constant 79 : i32
        %lt3A_507 = arith.cmpi slt, %add3A_505, %lt3A_506 : i32
        %convert_element_type3A_508 = arith.extui %lt3A_507 : i1 to i32
        %cond3A_509 = arith.constant 0 : i32
        %cond3A_510 = arith.cmpi ne, %convert_element_type3A_508, %cond3A_509 : i32
        scf.if %cond3A_510 {
          %add3A_615 = arith.constant 2 : i32
          %add3A_616 = arith.addi %add3A_494, %add3A_615 : i32
          %mul3A_617 = arith.constant 79 : i32
          %mul3A_618 = arith.muli %arg1, %mul3A_617 : i32
          %add3A_619 = arith.addi %mul3A_618, %add3A_616 : i32
          %mul3A_620 = arith.constant 128 : i32
          %mul3A_621 = arith.muli %add3A_619, %mul3A_620 : i32
          %multiple_of3A_622 = tpu.assume_multiple %mul3A_621, 128 : i32
          %dma_start3A_623 = tpu.memref_slice %arg6[%multiple_of3A_622] : memref<161792xi32, #tpu.memory_space<hbm>> -> memref<128xi32, #tpu.memory_space<hbm>>
          %dma_start3A_624 = tpu.memref_slice %arg6[%multiple_of3A_622] : memref<161792xi32, #tpu.memory_space<hbm>> -> memref<128xi32, #tpu.memory_space<hbm>>
          tpu.enqueue_dma source(%dma_start3A_624 : memref<128xi32, #tpu.memory_space<hbm>>) target(%arg12 : memref<128xi32, #tpu.memory_space<vmem>>) target_semaphore(%arg23 : memref<!tpu.dma_semaphore, #tpu.memory_space<semaphore_mem>>)
          %dma_start3A_625 = tpu.memref_slice %arg7[%multiple_of3A_622] : memref<161792xi32, #tpu.memory_space<hbm>> -> memref<128xi32, #tpu.memory_space<hbm>>
          %dma_start3A_626 = tpu.memref_slice %arg7[%multiple_of3A_622] : memref<161792xi32, #tpu.memory_space<hbm>> -> memref<128xi32, #tpu.memory_space<hbm>>
          tpu.enqueue_dma source(%dma_start3A_626 : memref<128xi32, #tpu.memory_space<hbm>>) target(%arg16 : memref<128xi32, #tpu.memory_space<vmem>>) target_semaphore(%arg23 : memref<!tpu.dma_semaphore, #tpu.memory_space<semaphore_mem>>)
        } else {
        }
        %dma_wait3A_511 = arith.constant 0 : i32
        %dma_wait3A_512 = tpu.memref_slice %arg6[%dma_wait3A_511] : memref<161792xi32, #tpu.memory_space<hbm>> -> memref<128xi32, #tpu.memory_space<hbm>>
        %dma_wait3A_513 = arith.constant 0 : i32
        %dma_wait3A_514 = tpu.memref_slice %arg6[%dma_wait3A_513] : memref<161792xi32, #tpu.memory_space<hbm>> -> memref<128xi32, #tpu.memory_space<hbm>>
        tpu.wait_dma2 semaphore(%arg22 : memref<!tpu.dma_semaphore, #tpu.memory_space<semaphore_mem>>) src(%dma_wait3A_514 : memref<128xi32, #tpu.memory_space<hbm>>) dst(%arg11 : memref<128xi32, #tpu.memory_space<vmem>>)
        %dma_wait3A_515 = arith.constant 0 : i32
        %dma_wait3A_516 = tpu.memref_slice %arg7[%dma_wait3A_515] : memref<161792xi32, #tpu.memory_space<hbm>> -> memref<128xi32, #tpu.memory_space<hbm>>
        %dma_wait3A_517 = arith.constant 0 : i32
        %dma_wait3A_518 = tpu.memref_slice %arg7[%dma_wait3A_517] : memref<161792xi32, #tpu.memory_space<hbm>> -> memref<128xi32, #tpu.memory_space<hbm>>
        tpu.wait_dma2 semaphore(%arg22 : memref<!tpu.dma_semaphore, #tpu.memory_space<semaphore_mem>>) src(%dma_wait3A_518 : memref<128xi32, #tpu.memory_space<hbm>>) dst(%arg15 : memref<128xi32, #tpu.memory_space<vmem>>)
        %dma_start3A_519 = arith.constant 0 : i32
        %dma_start3A_520 = arith.constant 0 : i32
        %dma_start3A_521 = tpu.memref_slice %arg2[%dma_start3A_519, %dma_start3A_520] : memref<10000x128xf32, #tpu.memory_space<hbm>> -> memref<10000x128xf32, #tpu.memory_space<hbm>>
        tpu.enqueue_indirect_dma source(%dma_start3A_521 : memref<10000x128xf32, #tpu.memory_space<hbm>>) target(%arg19 : memref<128x128xf32, #tpu.memory_space<vmem>>) offsets(%arg11 : memref<128xi32, #tpu.memory_space<vmem>>) semaphore(%arg26 : memref<!tpu.dma_semaphore, #tpu.memory_space<semaphore_mem>>)
        %mul3A_522 = arith.constant 4 : i32
        %mul3A_523 = arith.muli %scan3A_490, %mul3A_522 : i32
        %add3A_524 = arith.constant 1 : i32
        %add3A_525 = arith.addi %mul3A_523, %add3A_524 : i32
        %dma_wait3A_526 = arith.constant 0 : i32
        %dma_wait3A_527 = arith.constant 0 : i32
        %dma_wait3A_528 = tpu.memref_slice %arg2[%dma_wait3A_526, %dma_wait3A_527] : memref<10000x128xf32, #tpu.memory_space<hbm>> -> memref<10000x128xf32, #tpu.memory_space<hbm>>
        tpu.wait_indirect_dma semaphore(%arg26 : memref<!tpu.dma_semaphore, #tpu.memory_space<semaphore_mem>>) src(%dma_wait3A_528 : memref<10000x128xf32, #tpu.memory_space<hbm>>) dst(%arg19 : memref<128x128xf32, #tpu.memory_space<vmem>>)
        %dma_start3A_529 = arith.constant 0 : i32
        %dma_start3A_530 = arith.constant 0 : i32
        %dma_start3A_531 = tpu.memref_slice %arg20[%dma_start3A_529, %dma_start3A_530] : memref<10016x128xf32, #tpu.memory_space<vmem_shared>> -> memref<10016x128xf32, #tpu.memory_space<vmem_shared>>
        tpu.enqueue_indirect_dma source(%arg19 : memref<128x128xf32, #tpu.memory_space<vmem>>) target(%dma_start3A_531 : memref<10016x128xf32, #tpu.memory_space<vmem_shared>>) offsets(%arg15 : memref<128xi32, #tpu.memory_space<vmem>>) semaphore(%arg28 : memref<!tpu.dma_semaphore, #tpu.memory_space<semaphore_mem>>) {add = true}
        %dma_wait3A_532 = arith.constant 0 : i32
        %dma_wait3A_533 = arith.constant 0 : i32
        %dma_wait3A_534 = tpu.memref_slice %arg20[%dma_wait3A_532, %dma_wait3A_533] : memref<10016x128xf32, #tpu.memory_space<vmem_shared>> -> memref<10016x128xf32, #tpu.memory_space<vmem_shared>>
        tpu.wait_indirect_dma semaphore(%arg27 : memref<!tpu.dma_semaphore, #tpu.memory_space<semaphore_mem>>) src(%arg18 : memref<128x128xf32, #tpu.memory_space<vmem>>) dst(%dma_wait3A_534 : memref<10016x128xf32, #tpu.memory_space<vmem_shared>>)
        %add3A_535 = arith.constant 2 : i32
        %add3A_536 = arith.addi %add3A_525, %add3A_535 : i32
        %lt3A_537 = arith.constant 79 : i32
        %lt3A_538 = arith.cmpi slt, %add3A_536, %lt3A_537 : i32
        %convert_element_type3A_539 = arith.extui %lt3A_538 : i1 to i32
        %cond3A_540 = arith.constant 0 : i32
        %cond3A_541 = arith.cmpi ne, %convert_element_type3A_539, %cond3A_540 : i32
        scf.if %cond3A_541 {
          %add3A_615 = arith.constant 2 : i32
          %add3A_616 = arith.addi %add3A_525, %add3A_615 : i32
          %mul3A_617 = arith.constant 79 : i32
          %mul3A_618 = arith.muli %arg1, %mul3A_617 : i32
          %add3A_619 = arith.addi %mul3A_618, %add3A_616 : i32
          %mul3A_620 = arith.constant 128 : i32
          %mul3A_621 = arith.muli %add3A_619, %mul3A_620 : i32
          %multiple_of3A_622 = tpu.assume_multiple %mul3A_621, 128 : i32
          %dma_start3A_623 = tpu.memref_slice %arg6[%multiple_of3A_622] : memref<161792xi32, #tpu.memory_space<hbm>> -> memref<128xi32, #tpu.memory_space<hbm>>
          %dma_start3A_624 = tpu.memref_slice %arg6[%multiple_of3A_622] : memref<161792xi32, #tpu.memory_space<hbm>> -> memref<128xi32, #tpu.memory_space<hbm>>
          tpu.enqueue_dma source(%dma_start3A_624 : memref<128xi32, #tpu.memory_space<hbm>>) target(%arg13 : memref<128xi32, #tpu.memory_space<vmem>>) target_semaphore(%arg24 : memref<!tpu.dma_semaphore, #tpu.memory_space<semaphore_mem>>)
          %dma_start3A_625 = tpu.memref_slice %arg7[%multiple_of3A_622] : memref<161792xi32, #tpu.memory_space<hbm>> -> memref<128xi32, #tpu.memory_space<hbm>>
          %dma_start3A_626 = tpu.memref_slice %arg7[%multiple_of3A_622] : memref<161792xi32, #tpu.memory_space<hbm>> -> memref<128xi32, #tpu.memory_space<hbm>>
          tpu.enqueue_dma source(%dma_start3A_626 : memref<128xi32, #tpu.memory_space<hbm>>) target(%arg17 : memref<128xi32, #tpu.memory_space<vmem>>) target_semaphore(%arg24 : memref<!tpu.dma_semaphore, #tpu.memory_space<semaphore_mem>>)
        } else {
        }
        %dma_wait3A_542 = arith.constant 0 : i32
        %dma_wait3A_543 = tpu.memref_slice %arg6[%dma_wait3A_542] : memref<161792xi32, #tpu.memory_space<hbm>> -> memref<128xi32, #tpu.memory_space<hbm>>
        %dma_wait3A_544 = arith.constant 0 : i32
        %dma_wait3A_545 = tpu.memref_slice %arg6[%dma_wait3A_544] : memref<161792xi32, #tpu.memory_space<hbm>> -> memref<128xi32, #tpu.memory_space<hbm>>
        tpu.wait_dma2 semaphore(%arg23 : memref<!tpu.dma_semaphore, #tpu.memory_space<semaphore_mem>>) src(%dma_wait3A_545 : memref<128xi32, #tpu.memory_space<hbm>>) dst(%arg12 : memref<128xi32, #tpu.memory_space<vmem>>)
        %dma_wait3A_546 = arith.constant 0 : i32
        %dma_wait3A_547 = tpu.memref_slice %arg7[%dma_wait3A_546] : memref<161792xi32, #tpu.memory_space<hbm>> -> memref<128xi32, #tpu.memory_space<hbm>>
        %dma_wait3A_548 = arith.constant 0 : i32
        %dma_wait3A_549 = tpu.memref_slice %arg7[%dma_wait3A_548] : memref<161792xi32, #tpu.memory_space<hbm>> -> memref<128xi32, #tpu.memory_space<hbm>>
        tpu.wait_dma2 semaphore(%arg23 : memref<!tpu.dma_semaphore, #tpu.memory_space<semaphore_mem>>) src(%dma_wait3A_549 : memref<128xi32, #tpu.memory_space<hbm>>) dst(%arg16 : memref<128xi32, #tpu.memory_space<vmem>>)
        %dma_start3A_550 = arith.constant 0 : i32
        %dma_start3A_551 = arith.constant 0 : i32
        %dma_start3A_552 = tpu.memref_slice %arg2[%dma_start3A_550, %dma_start3A_551] : memref<10000x128xf32, #tpu.memory_space<hbm>> -> memref<10000x128xf32, #tpu.memory_space<hbm>>
        tpu.enqueue_indirect_dma source(%dma_start3A_552 : memref<10000x128xf32, #tpu.memory_space<hbm>>) target(%arg18 : memref<128x128xf32, #tpu.memory_space<vmem>>) offsets(%arg12 : memref<128xi32, #tpu.memory_space<vmem>>) semaphore(%arg25 : memref<!tpu.dma_semaphore, #tpu.memory_space<semaphore_mem>>)
        %mul3A_553 = arith.constant 4 : i32
        %mul3A_554 = arith.muli %scan3A_490, %mul3A_553 : i32
        %add3A_555 = arith.constant 2 : i32
        %add3A_556 = arith.addi %mul3A_554, %add3A_555 : i32
        %dma_wait3A_557 = arith.constant 0 : i32
        %dma_wait3A_558 = arith.constant 0 : i32
        %dma_wait3A_559 = tpu.memref_slice %arg2[%dma_wait3A_557, %dma_wait3A_558] : memref<10000x128xf32, #tpu.memory_space<hbm>> -> memref<10000x128xf32, #tpu.memory_space<hbm>>
        tpu.wait_indirect_dma semaphore(%arg25 : memref<!tpu.dma_semaphore, #tpu.memory_space<semaphore_mem>>) src(%dma_wait3A_559 : memref<10000x128xf32, #tpu.memory_space<hbm>>) dst(%arg18 : memref<128x128xf32, #tpu.memory_space<vmem>>)
        %dma_start3A_560 = arith.constant 0 : i32
        %dma_start3A_561 = arith.constant 0 : i32
        %dma_start3A_562 = tpu.memref_slice %arg20[%dma_start3A_560, %dma_start3A_561] : memref<10016x128xf32, #tpu.memory_space<vmem_shared>> -> memref<10016x128xf32, #tpu.memory_space<vmem_shared>>
        tpu.enqueue_indirect_dma source(%arg18 : memref<128x128xf32, #tpu.memory_space<vmem>>) target(%dma_start3A_562 : memref<10016x128xf32, #tpu.memory_space<vmem_shared>>) offsets(%arg16 : memref<128xi32, #tpu.memory_space<vmem>>) semaphore(%arg27 : memref<!tpu.dma_semaphore, #tpu.memory_space<semaphore_mem>>) {add = true}
        %dma_wait3A_563 = arith.constant 0 : i32
        %dma_wait3A_564 = arith.constant 0 : i32
        %dma_wait3A_565 = tpu.memref_slice %arg20[%dma_wait3A_563, %dma_wait3A_564] : memref<10016x128xf32, #tpu.memory_space<vmem_shared>> -> memref<10016x128xf32, #tpu.memory_space<vmem_shared>>
        tpu.wait_indirect_dma semaphore(%arg28 : memref<!tpu.dma_semaphore, #tpu.memory_space<semaphore_mem>>) src(%arg19 : memref<128x128xf32, #tpu.memory_space<vmem>>) dst(%dma_wait3A_565 : memref<10016x128xf32, #tpu.memory_space<vmem_shared>>)
        %add3A_566 = arith.constant 2 : i32
        %add3A_567 = arith.addi %add3A_556, %add3A_566 : i32
        %lt3A_568 = arith.constant 79 : i32
        %lt3A_569 = arith.cmpi slt, %add3A_567, %lt3A_568 : i32
        %convert_element_type3A_570 = arith.extui %lt3A_569 : i1 to i32
        %cond3A_571 = arith.constant 0 : i32
        %cond3A_572 = arith.cmpi ne, %convert_element_type3A_570, %cond3A_571 : i32
        scf.if %cond3A_572 {
          %add3A_615 = arith.constant 2 : i32
          %add3A_616 = arith.addi %add3A_556, %add3A_615 : i32
          %mul3A_617 = arith.constant 79 : i32
          %mul3A_618 = arith.muli %arg1, %mul3A_617 : i32
          %add3A_619 = arith.addi %mul3A_618, %add3A_616 : i32
          %mul3A_620 = arith.constant 128 : i32
          %mul3A_621 = arith.muli %add3A_619, %mul3A_620 : i32
          %multiple_of3A_622 = tpu.assume_multiple %mul3A_621, 128 : i32
          %dma_start3A_623 = tpu.memref_slice %arg6[%multiple_of3A_622] : memref<161792xi32, #tpu.memory_space<hbm>> -> memref<128xi32, #tpu.memory_space<hbm>>
          %dma_start3A_624 = tpu.memref_slice %arg6[%multiple_of3A_622] : memref<161792xi32, #tpu.memory_space<hbm>> -> memref<128xi32, #tpu.memory_space<hbm>>
          tpu.enqueue_dma source(%dma_start3A_624 : memref<128xi32, #tpu.memory_space<hbm>>) target(%arg10 : memref<128xi32, #tpu.memory_space<vmem>>) target_semaphore(%arg21 : memref<!tpu.dma_semaphore, #tpu.memory_space<semaphore_mem>>)
          %dma_start3A_625 = tpu.memref_slice %arg7[%multiple_of3A_622] : memref<161792xi32, #tpu.memory_space<hbm>> -> memref<128xi32, #tpu.memory_space<hbm>>
          %dma_start3A_626 = tpu.memref_slice %arg7[%multiple_of3A_622] : memref<161792xi32, #tpu.memory_space<hbm>> -> memref<128xi32, #tpu.memory_space<hbm>>
          tpu.enqueue_dma source(%dma_start3A_626 : memref<128xi32, #tpu.memory_space<hbm>>) target(%arg14 : memref<128xi32, #tpu.memory_space<vmem>>) target_semaphore(%arg21 : memref<!tpu.dma_semaphore, #tpu.memory_space<semaphore_mem>>)
        } else {
        }
        %dma_wait3A_573 = arith.constant 0 : i32
        %dma_wait3A_574 = tpu.memref_slice %arg6[%dma_wait3A_573] : memref<161792xi32, #tpu.memory_space<hbm>> -> memref<128xi32, #tpu.memory_space<hbm>>
        %dma_wait3A_575 = arith.constant 0 : i32
        %dma_wait3A_576 = tpu.memref_slice %arg6[%dma_wait3A_575] : memref<161792xi32, #tpu.memory_space<hbm>> -> memref<128xi32, #tpu.memory_space<hbm>>
        tpu.wait_dma2 semaphore(%arg24 : memref<!tpu.dma_semaphore, #tpu.memory_space<semaphore_mem>>) src(%dma_wait3A_576 : memref<128xi32, #tpu.memory_space<hbm>>) dst(%arg13 : memref<128xi32, #tpu.memory_space<vmem>>)
        %dma_wait3A_577 = arith.constant 0 : i32
        %dma_wait3A_578 = tpu.memref_slice %arg7[%dma_wait3A_577] : memref<161792xi32, #tpu.memory_space<hbm>> -> memref<128xi32, #tpu.memory_space<hbm>>
        %dma_wait3A_579 = arith.constant 0 : i32
        %dma_wait3A_580 = tpu.memref_slice %arg7[%dma_wait3A_579] : memref<161792xi32, #tpu.memory_space<hbm>> -> memref<128xi32, #tpu.memory_space<hbm>>
        tpu.wait_dma2 semaphore(%arg24 : memref<!tpu.dma_semaphore, #tpu.memory_space<semaphore_mem>>) src(%dma_wait3A_580 : memref<128xi32, #tpu.memory_space<hbm>>) dst(%arg17 : memref<128xi32, #tpu.memory_space<vmem>>)
        %dma_start3A_581 = arith.constant 0 : i32
        %dma_start3A_582 = arith.constant 0 : i32
        %dma_start3A_583 = tpu.memref_slice %arg2[%dma_start3A_581, %dma_start3A_582] : memref<10000x128xf32, #tpu.memory_space<hbm>> -> memref<10000x128xf32, #tpu.memory_space<hbm>>
        tpu.enqueue_indirect_dma source(%dma_start3A_583 : memref<10000x128xf32, #tpu.memory_space<hbm>>) target(%arg19 : memref<128x128xf32, #tpu.memory_space<vmem>>) offsets(%arg13 : memref<128xi32, #tpu.memory_space<vmem>>) semaphore(%arg26 : memref<!tpu.dma_semaphore, #tpu.memory_space<semaphore_mem>>)
        %mul3A_584 = arith.constant 4 : i32
        %mul3A_585 = arith.muli %scan3A_490, %mul3A_584 : i32
        %add3A_586 = arith.constant 3 : i32
        %add3A_587 = arith.addi %mul3A_585, %add3A_586 : i32
        %dma_wait3A_588 = arith.constant 0 : i32
        %dma_wait3A_589 = arith.constant 0 : i32
        %dma_wait3A_590 = tpu.memref_slice %arg2[%dma_wait3A_588, %dma_wait3A_589] : memref<10000x128xf32, #tpu.memory_space<hbm>> -> memref<10000x128xf32, #tpu.memory_space<hbm>>
        tpu.wait_indirect_dma semaphore(%arg26 : memref<!tpu.dma_semaphore, #tpu.memory_space<semaphore_mem>>) src(%dma_wait3A_590 : memref<10000x128xf32, #tpu.memory_space<hbm>>) dst(%arg19 : memref<128x128xf32, #tpu.memory_space<vmem>>)
        %dma_start3A_591 = arith.constant 0 : i32
        %dma_start3A_592 = arith.constant 0 : i32
        %dma_start3A_593 = tpu.memref_slice %arg20[%dma_start3A_591, %dma_start3A_592] : memref<10016x128xf32, #tpu.memory_space<vmem_shared>> -> memref<10016x128xf32, #tpu.memory_space<vmem_shared>>
        tpu.enqueue_indirect_dma source(%arg19 : memref<128x128xf32, #tpu.memory_space<vmem>>) target(%dma_start3A_593 : memref<10016x128xf32, #tpu.memory_space<vmem_shared>>) offsets(%arg17 : memref<128xi32, #tpu.memory_space<vmem>>) semaphore(%arg28 : memref<!tpu.dma_semaphore, #tpu.memory_space<semaphore_mem>>) {add = true}
        %dma_wait3A_594 = arith.constant 0 : i32
        %dma_wait3A_595 = arith.constant 0 : i32
        %dma_wait3A_596 = tpu.memref_slice %arg20[%dma_wait3A_594, %dma_wait3A_595] : memref<10016x128xf32, #tpu.memory_space<vmem_shared>> -> memref<10016x128xf32, #tpu.memory_space<vmem_shared>>
        tpu.wait_indirect_dma semaphore(%arg27 : memref<!tpu.dma_semaphore, #tpu.memory_space<semaphore_mem>>) src(%arg18 : memref<128x128xf32, #tpu.memory_space<vmem>>) dst(%dma_wait3A_596 : memref<10016x128xf32, #tpu.memory_space<vmem_shared>>)
        %add3A_597 = arith.constant 2 : i32
        %add3A_598 = arith.addi %add3A_587, %add3A_597 : i32
        %lt3A_599 = arith.constant 79 : i32
        %lt3A_600 = arith.cmpi slt, %add3A_598, %lt3A_599 : i32
        %convert_element_type3A_601 = arith.extui %lt3A_600 : i1 to i32
        %cond3A_602 = arith.constant 0 : i32
        %cond3A_603 = arith.cmpi ne, %convert_element_type3A_601, %cond3A_602 : i32
        scf.if %cond3A_603 {
          %add3A_615 = arith.constant 2 : i32
          %add3A_616 = arith.addi %add3A_587, %add3A_615 : i32
          %mul3A_617 = arith.constant 79 : i32
          %mul3A_618 = arith.muli %arg1, %mul3A_617 : i32
          %add3A_619 = arith.addi %mul3A_618, %add3A_616 : i32
          %mul3A_620 = arith.constant 128 : i32
          %mul3A_621 = arith.muli %add3A_619, %mul3A_620 : i32
          %multiple_of3A_622 = tpu.assume_multiple %mul3A_621, 128 : i32
          %dma_start3A_623 = tpu.memref_slice %arg6[%multiple_of3A_622] : memref<161792xi32, #tpu.memory_space<hbm>> -> memref<128xi32, #tpu.memory_space<hbm>>
          %dma_start3A_624 = tpu.memref_slice %arg6[%multiple_of3A_622] : memref<161792xi32, #tpu.memory_space<hbm>> -> memref<128xi32, #tpu.memory_space<hbm>>
          tpu.enqueue_dma source(%dma_start3A_624 : memref<128xi32, #tpu.memory_space<hbm>>) target(%arg11 : memref<128xi32, #tpu.memory_space<vmem>>) target_semaphore(%arg22 : memref<!tpu.dma_semaphore, #tpu.memory_space<semaphore_mem>>)
          %dma_start3A_625 = tpu.memref_slice %arg7[%multiple_of3A_622] : memref<161792xi32, #tpu.memory_space<hbm>> -> memref<128xi32, #tpu.memory_space<hbm>>
          %dma_start3A_626 = tpu.memref_slice %arg7[%multiple_of3A_622] : memref<161792xi32, #tpu.memory_space<hbm>> -> memref<128xi32, #tpu.memory_space<hbm>>
          tpu.enqueue_dma source(%dma_start3A_626 : memref<128xi32, #tpu.memory_space<hbm>>) target(%arg15 : memref<128xi32, #tpu.memory_space<vmem>>) target_semaphore(%arg22 : memref<!tpu.dma_semaphore, #tpu.memory_space<semaphore_mem>>)
        } else {
        }
        %dma_wait3A_604 = arith.constant 0 : i32
        %dma_wait3A_605 = tpu.memref_slice %arg6[%dma_wait3A_604] : memref<161792xi32, #tpu.memory_space<hbm>> -> memref<128xi32, #tpu.memory_space<hbm>>
        %dma_wait3A_606 = arith.constant 0 : i32
        %dma_wait3A_607 = tpu.memref_slice %arg6[%dma_wait3A_606] : memref<161792xi32, #tpu.memory_space<hbm>> -> memref<128xi32, #tpu.memory_space<hbm>>
        tpu.wait_dma2 semaphore(%arg21 : memref<!tpu.dma_semaphore, #tpu.memory_space<semaphore_mem>>) src(%dma_wait3A_607 : memref<128xi32, #tpu.memory_space<hbm>>) dst(%arg10 : memref<128xi32, #tpu.memory_space<vmem>>)
        %dma_wait3A_608 = arith.constant 0 : i32
        %dma_wait3A_609 = tpu.memref_slice %arg7[%dma_wait3A_608] : memref<161792xi32, #tpu.memory_space<hbm>> -> memref<128xi32, #tpu.memory_space<hbm>>
        %dma_wait3A_610 = arith.constant 0 : i32
        %dma_wait3A_611 = tpu.memref_slice %arg7[%dma_wait3A_610] : memref<161792xi32, #tpu.memory_space<hbm>> -> memref<128xi32, #tpu.memory_space<hbm>>
        tpu.wait_dma2 semaphore(%arg21 : memref<!tpu.dma_semaphore, #tpu.memory_space<semaphore_mem>>) src(%dma_wait3A_611 : memref<128xi32, #tpu.memory_space<hbm>>) dst(%arg14 : memref<128xi32, #tpu.memory_space<vmem>>)
        %dma_start3A_612 = arith.constant 0 : i32
        %dma_start3A_613 = arith.constant 0 : i32
        %dma_start3A_614 = tpu.memref_slice %arg2[%dma_start3A_612, %dma_start3A_613] : memref<10000x128xf32, #tpu.memory_space<hbm>> -> memref<10000x128xf32, #tpu.memory_space<hbm>>
        tpu.enqueue_indirect_dma source(%dma_start3A_614 : memref<10000x128xf32, #tpu.memory_space<hbm>>) target(%arg18 : memref<128x128xf32, #tpu.memory_space<vmem>>) offsets(%arg10 : memref<128xi32, #tpu.memory_space<vmem>>) semaphore(%arg25 : memref<!tpu.dma_semaphore, #tpu.memory_space<semaphore_mem>>)
      }
      %scan3A_169 = arith.constant 18 : i32
      %dma_wait3A_170 = arith.constant 0 : i32
      %dma_wait3A_171 = arith.constant 0 : i32
      %dma_wait3A_172 = tpu.memref_slice %arg2[%dma_wait3A_170, %dma_wait3A_171] : memref<10000x128xf32, #tpu.memory_space<hbm>> -> memref<10000x128xf32, #tpu.memory_space<hbm>>
      tpu.wait_indirect_dma semaphore(%arg25 : memref<!tpu.dma_semaphore, #tpu.memory_space<semaphore_mem>>) src(%dma_wait3A_172 : memref<10000x128xf32, #tpu.memory_space<hbm>>) dst(%arg18 : memref<128x128xf32, #tpu.memory_space<vmem>>)
      %dma_start3A_173 = arith.constant 0 : i32
      %dma_start3A_174 = arith.constant 0 : i32
      %dma_start3A_175 = tpu.memref_slice %arg20[%dma_start3A_173, %dma_start3A_174] : memref<10016x128xf32, #tpu.memory_space<vmem_shared>> -> memref<10016x128xf32, #tpu.memory_space<vmem_shared>>
      tpu.enqueue_indirect_dma source(%arg18 : memref<128x128xf32, #tpu.memory_space<vmem>>) target(%dma_start3A_175 : memref<10016x128xf32, #tpu.memory_space<vmem_shared>>) offsets(%arg14 : memref<128xi32, #tpu.memory_space<vmem>>) semaphore(%arg27 : memref<!tpu.dma_semaphore, #tpu.memory_space<semaphore_mem>>) {add = true}
      %dma_wait3A_176 = arith.constant 0 : i32
      %dma_wait3A_177 = arith.constant 0 : i32
      %dma_wait3A_178 = tpu.memref_slice %arg20[%dma_wait3A_176, %dma_wait3A_177] : memref<10016x128xf32, #tpu.memory_space<vmem_shared>> -> memref<10016x128xf32, #tpu.memory_space<vmem_shared>>
      tpu.wait_indirect_dma semaphore(%arg28 : memref<!tpu.dma_semaphore, #tpu.memory_space<semaphore_mem>>) src(%arg19 : memref<128x128xf32, #tpu.memory_space<vmem>>) dst(%dma_wait3A_178 : memref<10016x128xf32, #tpu.memory_space<vmem_shared>>)
      %mul3A_179 = arith.constant 79 : i32
      %mul3A_180 = arith.muli %arg1, %mul3A_179 : i32
      %add3A_181 = arith.constant 78 : i32
      %add3A_182 = arith.addi %mul3A_180, %add3A_181 : i32
      %mul3A_183 = arith.constant 128 : i32
      %mul3A_184 = arith.muli %add3A_182, %mul3A_183 : i32
      %multiple_of3A_185 = tpu.assume_multiple %mul3A_184, 128 : i32
      %dma_start3A_186 = tpu.memref_slice %arg6[%multiple_of3A_185] : memref<161792xi32, #tpu.memory_space<hbm>> -> memref<128xi32, #tpu.memory_space<hbm>>
      %dma_start3A_187 = tpu.memref_slice %arg6[%multiple_of3A_185] : memref<161792xi32, #tpu.memory_space<hbm>> -> memref<128xi32, #tpu.memory_space<hbm>>
      tpu.enqueue_dma source(%dma_start3A_187 : memref<128xi32, #tpu.memory_space<hbm>>) target(%arg12 : memref<128xi32, #tpu.memory_space<vmem>>) target_semaphore(%arg23 : memref<!tpu.dma_semaphore, #tpu.memory_space<semaphore_mem>>)
      %dma_start3A_188 = tpu.memref_slice %arg7[%multiple_of3A_185] : memref<161792xi32, #tpu.memory_space<hbm>> -> memref<128xi32, #tpu.memory_space<hbm>>
      %dma_start3A_189 = tpu.memref_slice %arg7[%multiple_of3A_185] : memref<161792xi32, #tpu.memory_space<hbm>> -> memref<128xi32, #tpu.memory_space<hbm>>
      tpu.enqueue_dma source(%dma_start3A_189 : memref<128xi32, #tpu.memory_space<hbm>>) target(%arg16 : memref<128xi32, #tpu.memory_space<vmem>>) target_semaphore(%arg23 : memref<!tpu.dma_semaphore, #tpu.memory_space<semaphore_mem>>)
      %dma_wait3A_190 = arith.constant 0 : i32
      %dma_wait3A_191 = tpu.memref_slice %arg6[%dma_wait3A_190] : memref<161792xi32, #tpu.memory_space<hbm>> -> memref<128xi32, #tpu.memory_space<hbm>>
      %dma_wait3A_192 = arith.constant 0 : i32
      %dma_wait3A_193 = tpu.memref_slice %arg6[%dma_wait3A_192] : memref<161792xi32, #tpu.memory_space<hbm>> -> memref<128xi32, #tpu.memory_space<hbm>>
      tpu.wait_dma2 semaphore(%arg22 : memref<!tpu.dma_semaphore, #tpu.memory_space<semaphore_mem>>) src(%dma_wait3A_193 : memref<128xi32, #tpu.memory_space<hbm>>) dst(%arg11 : memref<128xi32, #tpu.memory_space<vmem>>)
      %dma_wait3A_194 = arith.constant 0 : i32
      %dma_wait3A_195 = tpu.memref_slice %arg7[%dma_wait3A_194] : memref<161792xi32, #tpu.memory_space<hbm>> -> memref<128xi32, #tpu.memory_space<hbm>>
      %dma_wait3A_196 = arith.constant 0 : i32
      %dma_wait3A_197 = tpu.memref_slice %arg7[%dma_wait3A_196] : memref<161792xi32, #tpu.memory_space<hbm>> -> memref<128xi32, #tpu.memory_space<hbm>>
      tpu.wait_dma2 semaphore(%arg22 : memref<!tpu.dma_semaphore, #tpu.memory_space<semaphore_mem>>) src(%dma_wait3A_197 : memref<128xi32, #tpu.memory_space<hbm>>) dst(%arg15 : memref<128xi32, #tpu.memory_space<vmem>>)
      %dma_start3A_198 = arith.constant 0 : i32
      %dma_start3A_199 = arith.constant 0 : i32
      %dma_start3A_200 = tpu.memref_slice %arg2[%dma_start3A_198, %dma_start3A_199] : memref<10000x128xf32, #tpu.memory_space<hbm>> -> memref<10000x128xf32, #tpu.memory_space<hbm>>
      tpu.enqueue_indirect_dma source(%dma_start3A_200 : memref<10000x128xf32, #tpu.memory_space<hbm>>) target(%arg19 : memref<128x128xf32, #tpu.memory_space<vmem>>) offsets(%arg11 : memref<128xi32, #tpu.memory_space<vmem>>) semaphore(%arg26 : memref<!tpu.dma_semaphore, #tpu.memory_space<semaphore_mem>>)
      %dma_wait3A_201 = arith.constant 0 : i32
      %dma_wait3A_202 = arith.constant 0 : i32
      %dma_wait3A_203 = tpu.memref_slice %arg2[%dma_wait3A_201, %dma_wait3A_202] : memref<10000x128xf32, #tpu.memory_space<hbm>> -> memref<10000x128xf32, #tpu.memory_space<hbm>>
      tpu.wait_indirect_dma semaphore(%arg26 : memref<!tpu.dma_semaphore, #tpu.memory_space<semaphore_mem>>) src(%dma_wait3A_203 : memref<10000x128xf32, #tpu.memory_space<hbm>>) dst(%arg19 : memref<128x128xf32, #tpu.memory_space<vmem>>)
      %dma_start3A_204 = arith.constant 0 : i32
      %dma_start3A_205 = arith.constant 0 : i32
      %dma_start3A_206 = tpu.memref_slice %arg20[%dma_start3A_204, %dma_start3A_205] : memref<10016x128xf32, #tpu.memory_space<vmem_shared>> -> memref<10016x128xf32, #tpu.memory_space<vmem_shared>>
      tpu.enqueue_indirect_dma source(%arg19 : memref<128x128xf32, #tpu.memory_space<vmem>>) target(%dma_start3A_206 : memref<10016x128xf32, #tpu.memory_space<vmem_shared>>) offsets(%arg15 : memref<128xi32, #tpu.memory_space<vmem>>) semaphore(%arg28 : memref<!tpu.dma_semaphore, #tpu.memory_space<semaphore_mem>>) {add = true}
      %dma_wait3A_207 = arith.constant 0 : i32
      %dma_wait3A_208 = arith.constant 0 : i32
      %dma_wait3A_209 = tpu.memref_slice %arg20[%dma_wait3A_207, %dma_wait3A_208] : memref<10016x128xf32, #tpu.memory_space<vmem_shared>> -> memref<10016x128xf32, #tpu.memory_space<vmem_shared>>
      tpu.wait_indirect_dma semaphore(%arg27 : memref<!tpu.dma_semaphore, #tpu.memory_space<semaphore_mem>>) src(%arg18 : memref<128x128xf32, #tpu.memory_space<vmem>>) dst(%dma_wait3A_209 : memref<10016x128xf32, #tpu.memory_space<vmem_shared>>)
      %dma_wait3A_210 = arith.constant 0 : i32
      %dma_wait3A_211 = tpu.memref_slice %arg6[%dma_wait3A_210] : memref<161792xi32, #tpu.memory_space<hbm>> -> memref<128xi32, #tpu.memory_space<hbm>>
      %dma_wait3A_212 = arith.constant 0 : i32
      %dma_wait3A_213 = tpu.memref_slice %arg6[%dma_wait3A_212] : memref<161792xi32, #tpu.memory_space<hbm>> -> memref<128xi32, #tpu.memory_space<hbm>>
      tpu.wait_dma2 semaphore(%arg23 : memref<!tpu.dma_semaphore, #tpu.memory_space<semaphore_mem>>) src(%dma_wait3A_213 : memref<128xi32, #tpu.memory_space<hbm>>) dst(%arg12 : memref<128xi32, #tpu.memory_space<vmem>>)
      %dma_wait3A_214 = arith.constant 0 : i32
      %dma_wait3A_215 = tpu.memref_slice %arg7[%dma_wait3A_214] : memref<161792xi32, #tpu.memory_space<hbm>> -> memref<128xi32, #tpu.memory_space<hbm>>
      %dma_wait3A_216 = arith.constant 0 : i32
      %dma_wait3A_217 = tpu.memref_slice %arg7[%dma_wait3A_216] : memref<161792xi32, #tpu.memory_space<hbm>> -> memref<128xi32, #tpu.memory_space<hbm>>
      tpu.wait_dma2 semaphore(%arg23 : memref<!tpu.dma_semaphore, #tpu.memory_space<semaphore_mem>>) src(%dma_wait3A_217 : memref<128xi32, #tpu.memory_space<hbm>>) dst(%arg16 : memref<128xi32, #tpu.memory_space<vmem>>)
      %dma_start3A_218 = arith.constant 0 : i32
      %dma_start3A_219 = arith.constant 0 : i32
      %dma_start3A_220 = tpu.memref_slice %arg2[%dma_start3A_218, %dma_start3A_219] : memref<10000x128xf32, #tpu.memory_space<hbm>> -> memref<10000x128xf32, #tpu.memory_space<hbm>>
      tpu.enqueue_indirect_dma source(%dma_start3A_220 : memref<10000x128xf32, #tpu.memory_space<hbm>>) target(%arg18 : memref<128x128xf32, #tpu.memory_space<vmem>>) offsets(%arg12 : memref<128xi32, #tpu.memory_space<vmem>>) semaphore(%arg25 : memref<!tpu.dma_semaphore, #tpu.memory_space<semaphore_mem>>)
      %dma_wait3A_221 = arith.constant 0 : i32
      %dma_wait3A_222 = arith.constant 0 : i32
      %dma_wait3A_223 = tpu.memref_slice %arg2[%dma_wait3A_221, %dma_wait3A_222] : memref<10000x128xf32, #tpu.memory_space<hbm>> -> memref<10000x128xf32, #tpu.memory_space<hbm>>
      tpu.wait_indirect_dma semaphore(%arg25 : memref<!tpu.dma_semaphore, #tpu.memory_space<semaphore_mem>>) src(%dma_wait3A_223 : memref<10000x128xf32, #tpu.memory_space<hbm>>) dst(%arg18 : memref<128x128xf32, #tpu.memory_space<vmem>>)
      %dma_start3A_224 = arith.constant 0 : i32
      %dma_start3A_225 = arith.constant 0 : i32
      %dma_start3A_226 = tpu.memref_slice %arg20[%dma_start3A_224, %dma_start3A_225] : memref<10016x128xf32, #tpu.memory_space<vmem_shared>> -> memref<10016x128xf32, #tpu.memory_space<vmem_shared>>
      tpu.enqueue_indirect_dma source(%arg18 : memref<128x128xf32, #tpu.memory_space<vmem>>) target(%dma_start3A_226 : memref<10016x128xf32, #tpu.memory_space<vmem_shared>>) offsets(%arg16 : memref<128xi32, #tpu.memory_space<vmem>>) semaphore(%arg27 : memref<!tpu.dma_semaphore, #tpu.memory_space<semaphore_mem>>) {add = true}
      %dma_wait3A_227 = arith.constant 0 : i32
      %dma_wait3A_228 = arith.constant 0 : i32
      %dma_wait3A_229 = tpu.memref_slice %arg20[%dma_wait3A_227, %dma_wait3A_228] : memref<10016x128xf32, #tpu.memory_space<vmem_shared>> -> memref<10016x128xf32, #tpu.memory_space<vmem_shared>>
      tpu.wait_indirect_dma semaphore(%arg28 : memref<!tpu.dma_semaphore, #tpu.memory_space<semaphore_mem>>) src(%arg19 : memref<128x128xf32, #tpu.memory_space<vmem>>) dst(%dma_wait3A_229 : memref<10016x128xf32, #tpu.memory_space<vmem_shared>>)
      %dma_wait3A_230 = arith.constant 0 : i32
      %dma_wait3A_231 = arith.constant 0 : i32
      %dma_wait3A_232 = tpu.memref_slice %arg20[%dma_wait3A_230, %dma_wait3A_231] : memref<10016x128xf32, #tpu.memory_space<vmem_shared>> -> memref<10016x128xf32, #tpu.memory_space<vmem_shared>>
      tpu.wait_indirect_dma semaphore(%arg27 : memref<!tpu.dma_semaphore, #tpu.memory_space<semaphore_mem>>) src(%arg18 : memref<128x128xf32, #tpu.memory_space<vmem>>) dst(%dma_wait3A_232 : memref<10016x128xf32, #tpu.memory_space<vmem_shared>>)
      %barrier3A_233 = arith.constant 0 : index
      tpu.barrier barrier_id(%barrier3A_233)
      %mul3A_234 = arith.constant 79 : i32
      %mul3A_235 = arith.muli %arg1, %mul3A_234 : i32
      %add3A_236 = arith.constant 0 : i32
      %add3A_237 = arith.addi %mul3A_235, %add3A_236 : i32
      %mul3A_238 = arith.constant 128 : i32
      %mul3A_239 = arith.muli %add3A_237, %mul3A_238 : i32
      %multiple_of3A_240 = tpu.assume_multiple %mul3A_239, 128 : i32
      %dma_start3A_241 = tpu.memref_slice %arg6[%multiple_of3A_240] : memref<161792xi32, #tpu.memory_space<hbm>> -> memref<128xi32, #tpu.memory_space<hbm>>
      %dma_start3A_242 = tpu.memref_slice %arg6[%multiple_of3A_240] : memref<161792xi32, #tpu.memory_space<hbm>> -> memref<128xi32, #tpu.memory_space<hbm>>
      tpu.enqueue_dma source(%dma_start3A_242 : memref<128xi32, #tpu.memory_space<hbm>>) target(%arg10 : memref<128xi32, #tpu.memory_space<vmem>>) target_semaphore(%arg21 : memref<!tpu.dma_semaphore, #tpu.memory_space<semaphore_mem>>)
      %dma_start3A_243 = tpu.memref_slice %arg7[%multiple_of3A_240] : memref<161792xi32, #tpu.memory_space<hbm>> -> memref<128xi32, #tpu.memory_space<hbm>>
      %dma_start3A_244 = tpu.memref_slice %arg7[%multiple_of3A_240] : memref<161792xi32, #tpu.memory_space<hbm>> -> memref<128xi32, #tpu.memory_space<hbm>>
      tpu.enqueue_dma source(%dma_start3A_244 : memref<128xi32, #tpu.memory_space<hbm>>) target(%arg14 : memref<128xi32, #tpu.memory_space<vmem>>) target_semaphore(%arg21 : memref<!tpu.dma_semaphore, #tpu.memory_space<semaphore_mem>>)
      %mul3A_245 = arith.constant 79 : i32
      %mul3A_246 = arith.muli %arg1, %mul3A_245 : i32
      %add3A_247 = arith.constant 1 : i32
      %add3A_248 = arith.addi %mul3A_246, %add3A_247 : i32
      %mul3A_249 = arith.constant 128 : i32
      %mul3A_250 = arith.muli %add3A_248, %mul3A_249 : i32
      %multiple_of3A_251 = tpu.assume_multiple %mul3A_250, 128 : i32
      %dma_start3A_252 = tpu.memref_slice %arg6[%multiple_of3A_251] : memref<161792xi32, #tpu.memory_space<hbm>> -> memref<128xi32, #tpu.memory_space<hbm>>
      %dma_start3A_253 = tpu.memref_slice %arg6[%multiple_of3A_251] : memref<161792xi32, #tpu.memory_space<hbm>> -> memref<128xi32, #tpu.memory_space<hbm>>
      tpu.enqueue_dma source(%dma_start3A_253 : memref<128xi32, #tpu.memory_space<hbm>>) target(%arg11 : memref<128xi32, #tpu.memory_space<vmem>>) target_semaphore(%arg22 : memref<!tpu.dma_semaphore, #tpu.memory_space<semaphore_mem>>)
      %dma_start3A_254 = tpu.memref_slice %arg7[%multiple_of3A_251] : memref<161792xi32, #tpu.memory_space<hbm>> -> memref<128xi32, #tpu.memory_space<hbm>>
      %dma_start3A_255 = tpu.memref_slice %arg7[%multiple_of3A_251] : memref<161792xi32, #tpu.memory_space<hbm>> -> memref<128xi32, #tpu.memory_space<hbm>>
      tpu.enqueue_dma source(%dma_start3A_255 : memref<128xi32, #tpu.memory_space<hbm>>) target(%arg15 : memref<128xi32, #tpu.memory_space<vmem>>) target_semaphore(%arg22 : memref<!tpu.dma_semaphore, #tpu.memory_space<semaphore_mem>>)
      %dma_wait3A_256 = arith.constant 0 : i32
      %dma_wait3A_257 = tpu.memref_slice %arg6[%dma_wait3A_256] : memref<161792xi32, #tpu.memory_space<hbm>> -> memref<128xi32, #tpu.memory_space<hbm>>
      %dma_wait3A_258 = arith.constant 0 : i32
      %dma_wait3A_259 = tpu.memref_slice %arg6[%dma_wait3A_258] : memref<161792xi32, #tpu.memory_space<hbm>> -> memref<128xi32, #tpu.memory_space<hbm>>
      tpu.wait_dma2 semaphore(%arg21 : memref<!tpu.dma_semaphore, #tpu.memory_space<semaphore_mem>>) src(%dma_wait3A_259 : memref<128xi32, #tpu.memory_space<hbm>>) dst(%arg10 : memref<128xi32, #tpu.memory_space<vmem>>)
      %dma_wait3A_260 = arith.constant 0 : i32
      %dma_wait3A_261 = tpu.memref_slice %arg7[%dma_wait3A_260] : memref<161792xi32, #tpu.memory_space<hbm>> -> memref<128xi32, #tpu.memory_space<hbm>>
      %dma_wait3A_262 = arith.constant 0 : i32
      %dma_wait3A_263 = tpu.memref_slice %arg7[%dma_wait3A_262] : memref<161792xi32, #tpu.memory_space<hbm>> -> memref<128xi32, #tpu.memory_space<hbm>>
      tpu.wait_dma2 semaphore(%arg21 : memref<!tpu.dma_semaphore, #tpu.memory_space<semaphore_mem>>) src(%dma_wait3A_263 : memref<128xi32, #tpu.memory_space<hbm>>) dst(%arg14 : memref<128xi32, #tpu.memory_space<vmem>>)
      %dma_start3A_264 = arith.constant 0 : i32
      %dma_start3A_265 = arith.constant 0 : i32
      %dma_start3A_266 = tpu.memref_slice %arg3[%dma_start3A_264, %dma_start3A_265] : memref<10000x128xf32, #tpu.memory_space<hbm>> -> memref<10000x128xf32, #tpu.memory_space<hbm>>
      tpu.enqueue_indirect_dma source(%dma_start3A_266 : memref<10000x128xf32, #tpu.memory_space<hbm>>) target(%arg18 : memref<128x128xf32, #tpu.memory_space<vmem>>) offsets(%arg10 : memref<128xi32, #tpu.memory_space<vmem>>) semaphore(%arg25 : memref<!tpu.dma_semaphore, #tpu.memory_space<semaphore_mem>>)
      %mul3A_267 = arith.constant 624 : i32
      %mul3A_268 = arith.muli %arg1, %mul3A_267 : i32
      %mul3A_269 = arith.constant 624 : i32
      %mul3A_270 = arith.muli %arg1, %mul3A_269 : i32
      %run_scoped3A = arith.constant 0 : i32
      "tpu.region"() ({
        %run_scoped3A_490 = tpu.sem_alloc : memref<!tpu.dma_semaphore, #tpu.memory_space<semaphore_mem>>
        %dma_start3A_491 = arith.constant 0 : i32
        %dma_start3A_492 = tpu.memref_slice %arg9[%run_scoped3A, %mul3A_270, %dma_start3A_491] : memref<4x10000x128xf32, #tpu.memory_space<hbm>> -> memref<1x624x128xf32, #tpu.memory_space<hbm>>
        %dma_start3A_493 = tpu.memref_squeeze %dma_start3A_492 : memref<1x624x128xf32, #tpu.memory_space<hbm>> -> memref<624x128xf32, #tpu.memory_space<hbm>>
        %dma_start3A_494 = arith.constant 0 : i32
        %dma_start3A_495 = tpu.memref_slice %arg20[%mul3A_268, %dma_start3A_494] : memref<10016x128xf32, #tpu.memory_space<vmem_shared>> -> memref<624x128xf32, #tpu.memory_space<vmem_shared>>
        tpu.enqueue_dma source(%dma_start3A_495 : memref<624x128xf32, #tpu.memory_space<vmem_shared>>) target(%dma_start3A_493 : memref<624x128xf32, #tpu.memory_space<hbm>>) target_semaphore(%run_scoped3A_490 : memref<!tpu.dma_semaphore, #tpu.memory_space<semaphore_mem>>)
        %dma_wait3A_496 = arith.constant 0 : i32
        %dma_wait3A_497 = tpu.memref_slice %arg9[%run_scoped3A, %mul3A_270, %dma_wait3A_496] : memref<4x10000x128xf32, #tpu.memory_space<hbm>> -> memref<1x624x128xf32, #tpu.memory_space<hbm>>
        %dma_wait3A_498 = tpu.memref_squeeze %dma_wait3A_497 : memref<1x624x128xf32, #tpu.memory_space<hbm>> -> memref<624x128xf32, #tpu.memory_space<hbm>>
        %dma_wait3A_499 = arith.constant 0 : i32
        %dma_wait3A_500 = tpu.memref_slice %arg20[%mul3A_268, %dma_wait3A_499] : memref<10016x128xf32, #tpu.memory_space<vmem_shared>> -> memref<624x128xf32, #tpu.memory_space<vmem_shared>>
        tpu.wait_dma2 semaphore(%run_scoped3A_490 : memref<!tpu.dma_semaphore, #tpu.memory_space<semaphore_mem>>) src(%dma_wait3A_500 : memref<624x128xf32, #tpu.memory_space<vmem_shared>>) dst(%dma_wait3A_498 : memref<624x128xf32, #tpu.memory_space<hbm>>)
        tpu.yield
      }) : () -> ()
      %eq3A_271 = arith.constant 15 : i32
      %eq3A_272 = arith.cmpi eq, %arg1, %eq3A_271 : i32
      %convert_element_type3A_273 = arith.extui %eq3A_272 : i1 to i32
      %cond3A_274 = arith.constant 0 : i32
      %cond3A_275 = arith.cmpi ne, %convert_element_type3A_273, %cond3A_274 : i32
      scf.if %cond3A_275 {
        %run_scoped3A_490 = arith.constant 0 : i32
        "tpu.region"() ({
          %run_scoped3A_491 = tpu.sem_alloc : memref<!tpu.dma_semaphore, #tpu.memory_space<semaphore_mem>>
          %dma_start3A_492 = arith.constant 9984 : i32
          %dma_start3A_493 = arith.constant 0 : i32
          %dma_start3A_494 = tpu.memref_slice %arg9[%run_scoped3A_490, %dma_start3A_492, %dma_start3A_493] : memref<4x10000x128xf32, #tpu.memory_space<hbm>> -> memref<1x16x128xf32, #tpu.memory_space<hbm>>
          %dma_start3A_495 = tpu.memref_squeeze %dma_start3A_494 : memref<1x16x128xf32, #tpu.memory_space<hbm>> -> memref<16x128xf32, #tpu.memory_space<hbm>>
          %dma_start3A_496 = arith.constant 9984 : i32
          %dma_start3A_497 = arith.constant 0 : i32
          %dma_start3A_498 = tpu.memref_slice %arg20[%dma_start3A_496, %dma_start3A_497] : memref<10016x128xf32, #tpu.memory_space<vmem_shared>> -> memref<16x128xf32, #tpu.memory_space<vmem_shared>>
          tpu.enqueue_dma source(%dma_start3A_498 : memref<16x128xf32, #tpu.memory_space<vmem_shared>>) target(%dma_start3A_495 : memref<16x128xf32, #tpu.memory_space<hbm>>) target_semaphore(%run_scoped3A_491 : memref<!tpu.dma_semaphore, #tpu.memory_space<semaphore_mem>>)
          %dma_wait3A_499 = arith.constant 9984 : i32
          %dma_wait3A_500 = arith.constant 0 : i32
          %dma_wait3A_501 = tpu.memref_slice %arg9[%run_scoped3A_490, %dma_wait3A_499, %dma_wait3A_500] : memref<4x10000x128xf32, #tpu.memory_space<hbm>> -> memref<1x16x128xf32, #tpu.memory_space<hbm>>
          %dma_wait3A_502 = tpu.memref_squeeze %dma_wait3A_501 : memref<1x16x128xf32, #tpu.memory_space<hbm>> -> memref<16x128xf32, #tpu.memory_space<hbm>>
          %dma_wait3A_503 = arith.constant 9984 : i32
          %dma_wait3A_504 = arith.constant 0 : i32
          %dma_wait3A_505 = tpu.memref_slice %arg20[%dma_wait3A_503, %dma_wait3A_504] : memref<10016x128xf32, #tpu.memory_space<vmem_shared>> -> memref<16x128xf32, #tpu.memory_space<vmem_shared>>
          tpu.wait_dma2 semaphore(%run_scoped3A_491 : memref<!tpu.dma_semaphore, #tpu.memory_space<semaphore_mem>>) src(%dma_wait3A_505 : memref<16x128xf32, #tpu.memory_space<vmem_shared>>) dst(%dma_wait3A_502 : memref<16x128xf32, #tpu.memory_space<hbm>>)
          tpu.yield
        }) : () -> ()
      } else {
      }
      %barrier3A_276 = arith.constant 0 : index
      tpu.barrier barrier_id(%barrier3A_276)
      %lt3A_277 = arith.constant 15 : i32
      %lt3A_278 = arith.cmpi slt, %arg1, %lt3A_277 : i32
      %convert_element_type3A_279 = arith.extui %lt3A_278 : i1 to i32
      %cond3A_280 = arith.constant 0 : i32
      %cond3A_281 = arith.cmpi ne, %convert_element_type3A_279, %cond3A_280 : i32
      scf.if %cond3A_281 {
        %mul3A_490 = arith.constant 632 : i32
        %mul3A_491 = arith.muli %arg1, %mul3A_490 : i32
        "tpu.region"() ({
          %run_scoped3A_492 = tpu.sem_alloc : memref<!tpu.dma_semaphore, #tpu.memory_space<semaphore_mem>>
          %dma_start3A_493 = arith.constant 0 : i32
          %dma_start3A_494 = tpu.memref_slice %arg20[%mul3A_491, %dma_start3A_493] : memref<10016x128xf32, #tpu.memory_space<vmem_shared>> -> memref<632x128xf32, #tpu.memory_space<vmem_shared>>
          tpu.enqueue_dma source(%arg8 : memref<632x128xf32, #tpu.memory_space<hbm>>) target(%dma_start3A_494 : memref<632x128xf32, #tpu.memory_space<vmem_shared>>) target_semaphore(%run_scoped3A_492 : memref<!tpu.dma_semaphore, #tpu.memory_space<semaphore_mem>>)
          %dma_wait3A_495 = arith.constant 0 : i32
          %dma_wait3A_496 = tpu.memref_slice %arg20[%mul3A_491, %dma_wait3A_495] : memref<10016x128xf32, #tpu.memory_space<vmem_shared>> -> memref<632x128xf32, #tpu.memory_space<vmem_shared>>
          tpu.wait_dma2 semaphore(%run_scoped3A_492 : memref<!tpu.dma_semaphore, #tpu.memory_space<semaphore_mem>>) src(%arg8 : memref<632x128xf32, #tpu.memory_space<hbm>>) dst(%dma_wait3A_496 : memref<632x128xf32, #tpu.memory_space<vmem_shared>>)
          tpu.yield
        }) : () -> ()
      } else {
      }
      %eq3A_282 = arith.constant 15 : i32
      %eq3A_283 = arith.cmpi eq, %arg1, %eq3A_282 : i32
      %convert_element_type3A_284 = arith.extui %eq3A_283 : i1 to i32
      %cond3A_285 = arith.constant 0 : i32
      %cond3A_286 = arith.cmpi ne, %convert_element_type3A_284, %cond3A_285 : i32
      scf.if %cond3A_286 {
        "tpu.region"() ({
          %run_scoped3A_490 = tpu.sem_alloc : memref<!tpu.dma_semaphore, #tpu.memory_space<semaphore_mem>>
          %dma_start3A_491 = arith.constant 9480 : i32
          %dma_start3A_492 = arith.constant 0 : i32
          %dma_start3A_493 = tpu.memref_slice %arg20[%dma_start3A_491, %dma_start3A_492] : memref<10016x128xf32, #tpu.memory_space<vmem_shared>> -> memref<536x128xf32, #tpu.memory_space<vmem_shared>>
          %dma_start3A_494 = arith.constant 0 : i32
          %dma_start3A_495 = arith.constant 0 : i32
          %dma_start3A_496 = tpu.memref_slice %arg8[%dma_start3A_494, %dma_start3A_495] : memref<632x128xf32, #tpu.memory_space<hbm>> -> memref<536x128xf32, #tpu.memory_space<hbm>>
          tpu.enqueue_dma source(%dma_start3A_496 : memref<536x128xf32, #tpu.memory_space<hbm>>) target(%dma_start3A_493 : memref<536x128xf32, #tpu.memory_space<vmem_shared>>) target_semaphore(%run_scoped3A_490 : memref<!tpu.dma_semaphore, #tpu.memory_space<semaphore_mem>>)
          %dma_wait3A_497 = arith.constant 9480 : i32
          %dma_wait3A_498 = arith.constant 0 : i32
          %dma_wait3A_499 = tpu.memref_slice %arg20[%dma_wait3A_497, %dma_wait3A_498] : memref<10016x128xf32, #tpu.memory_space<vmem_shared>> -> memref<536x128xf32, #tpu.memory_space<vmem_shared>>
          %dma_wait3A_500 = arith.constant 0 : i32
          %dma_wait3A_501 = arith.constant 0 : i32
          %dma_wait3A_502 = tpu.memref_slice %arg8[%dma_wait3A_500, %dma_wait3A_501] : memref<632x128xf32, #tpu.memory_space<hbm>> -> memref<536x128xf32, #tpu.memory_space<hbm>>
          tpu.wait_dma2 semaphore(%run_scoped3A_490 : memref<!tpu.dma_semaphore, #tpu.memory_space<semaphore_mem>>) src(%dma_wait3A_502 : memref<536x128xf32, #tpu.memory_space<hbm>>) dst(%dma_wait3A_499 : memref<536x128xf32, #tpu.memory_space<vmem_shared>>)
          tpu.yield
        }) : () -> ()
      } else {
      }
      %barrier3A_287 = arith.constant 0 : index
      tpu.barrier barrier_id(%barrier3A_287)
      %dma_wait3A_288 = arith.constant 0 : i32
      %dma_wait3A_289 = arith.constant 0 : i32
      %dma_wait3A_290 = tpu.memref_slice %arg3[%dma_wait3A_288, %dma_wait3A_289] : memref<10000x128xf32, #tpu.memory_space<hbm>> -> memref<10000x128xf32, #tpu.memory_space<hbm>>
      tpu.wait_indirect_dma semaphore(%arg25 : memref<!tpu.dma_semaphore, #tpu.memory_space<semaphore_mem>>) src(%dma_wait3A_290 : memref<10000x128xf32, #tpu.memory_space<hbm>>) dst(%arg18 : memref<128x128xf32, #tpu.memory_space<vmem>>)
      %dma_start3A_291 = arith.constant 0 : i32
      %dma_start3A_292 = arith.constant 0 : i32
      %dma_start3A_293 = tpu.memref_slice %arg20[%dma_start3A_291, %dma_start3A_292] : memref<10016x128xf32, #tpu.memory_space<vmem_shared>> -> memref<10016x128xf32, #tpu.memory_space<vmem_shared>>
      tpu.enqueue_indirect_dma source(%arg18 : memref<128x128xf32, #tpu.memory_space<vmem>>) target(%dma_start3A_293 : memref<10016x128xf32, #tpu.memory_space<vmem_shared>>) offsets(%arg14 : memref<128xi32, #tpu.memory_space<vmem>>) semaphore(%arg27 : memref<!tpu.dma_semaphore, #tpu.memory_space<semaphore_mem>>) {add = true}
      %mul3A_294 = arith.constant 79 : i32
      %mul3A_295 = arith.muli %arg1, %mul3A_294 : i32
      %add3A_296 = arith.constant 2 : i32
      %add3A_297 = arith.addi %mul3A_295, %add3A_296 : i32
      %mul3A_298 = arith.constant 128 : i32
      %mul3A_299 = arith.muli %add3A_297, %mul3A_298 : i32
      %multiple_of3A_300 = tpu.assume_multiple %mul3A_299, 128 : i32
      %dma_start3A_301 = tpu.memref_slice %arg6[%multiple_of3A_300] : memref<161792xi32, #tpu.memory_space<hbm>> -> memref<128xi32, #tpu.memory_space<hbm>>
      %dma_start3A_302 = tpu.memref_slice %arg6[%multiple_of3A_300] : memref<161792xi32, #tpu.memory_space<hbm>> -> memref<128xi32, #tpu.memory_space<hbm>>
      tpu.enqueue_dma source(%dma_start3A_302 : memref<128xi32, #tpu.memory_space<hbm>>) target(%arg12 : memref<128xi32, #tpu.memory_space<vmem>>) target_semaphore(%arg23 : memref<!tpu.dma_semaphore, #tpu.memory_space<semaphore_mem>>)
      %dma_start3A_303 = tpu.memref_slice %arg7[%multiple_of3A_300] : memref<161792xi32, #tpu.memory_space<hbm>> -> memref<128xi32, #tpu.memory_space<hbm>>
      %dma_start3A_304 = tpu.memref_slice %arg7[%multiple_of3A_300] : memref<161792xi32, #tpu.memory_space<hbm>> -> memref<128xi32, #tpu.memory_space<hbm>>
      tpu.enqueue_dma source(%dma_start3A_304 : memref<128xi32, #tpu.memory_space<hbm>>) target(%arg16 : memref<128xi32, #tpu.memory_space<vmem>>) target_semaphore(%arg23 : memref<!tpu.dma_semaphore, #tpu.memory_space<semaphore_mem>>)
      %dma_wait3A_305 = arith.constant 0 : i32
      %dma_wait3A_306 = tpu.memref_slice %arg6[%dma_wait3A_305] : memref<161792xi32, #tpu.memory_space<hbm>> -> memref<128xi32, #tpu.memory_space<hbm>>
      %dma_wait3A_307 = arith.constant 0 : i32
      %dma_wait3A_308 = tpu.memref_slice %arg6[%dma_wait3A_307] : memref<161792xi32, #tpu.memory_space<hbm>> -> memref<128xi32, #tpu.memory_space<hbm>>
      tpu.wait_dma2 semaphore(%arg22 : memref<!tpu.dma_semaphore, #tpu.memory_space<semaphore_mem>>) src(%dma_wait3A_308 : memref<128xi32, #tpu.memory_space<hbm>>) dst(%arg11 : memref<128xi32, #tpu.memory_space<vmem>>)
      %dma_wait3A_309 = arith.constant 0 : i32
      %dma_wait3A_310 = tpu.memref_slice %arg7[%dma_wait3A_309] : memref<161792xi32, #tpu.memory_space<hbm>> -> memref<128xi32, #tpu.memory_space<hbm>>
      %dma_wait3A_311 = arith.constant 0 : i32
      %dma_wait3A_312 = tpu.memref_slice %arg7[%dma_wait3A_311] : memref<161792xi32, #tpu.memory_space<hbm>> -> memref<128xi32, #tpu.memory_space<hbm>>
      tpu.wait_dma2 semaphore(%arg22 : memref<!tpu.dma_semaphore, #tpu.memory_space<semaphore_mem>>) src(%dma_wait3A_312 : memref<128xi32, #tpu.memory_space<hbm>>) dst(%arg15 : memref<128xi32, #tpu.memory_space<vmem>>)
      %dma_start3A_313 = arith.constant 0 : i32
      %dma_start3A_314 = arith.constant 0 : i32
      %dma_start3A_315 = tpu.memref_slice %arg3[%dma_start3A_313, %dma_start3A_314] : memref<10000x128xf32, #tpu.memory_space<hbm>> -> memref<10000x128xf32, #tpu.memory_space<hbm>>
      tpu.enqueue_indirect_dma source(%dma_start3A_315 : memref<10000x128xf32, #tpu.memory_space<hbm>>) target(%arg19 : memref<128x128xf32, #tpu.memory_space<vmem>>) offsets(%arg11 : memref<128xi32, #tpu.memory_space<vmem>>) semaphore(%arg26 : memref<!tpu.dma_semaphore, #tpu.memory_space<semaphore_mem>>)
      %dma_wait3A_316 = arith.constant 0 : i32
      %dma_wait3A_317 = arith.constant 0 : i32
      %dma_wait3A_318 = tpu.memref_slice %arg3[%dma_wait3A_316, %dma_wait3A_317] : memref<10000x128xf32, #tpu.memory_space<hbm>> -> memref<10000x128xf32, #tpu.memory_space<hbm>>
      tpu.wait_indirect_dma semaphore(%arg26 : memref<!tpu.dma_semaphore, #tpu.memory_space<semaphore_mem>>) src(%dma_wait3A_318 : memref<10000x128xf32, #tpu.memory_space<hbm>>) dst(%arg19 : memref<128x128xf32, #tpu.memory_space<vmem>>)
      %dma_start3A_319 = arith.constant 0 : i32
      %dma_start3A_320 = arith.constant 0 : i32
      %dma_start3A_321 = tpu.memref_slice %arg20[%dma_start3A_319, %dma_start3A_320] : memref<10016x128xf32, #tpu.memory_space<vmem_shared>> -> memref<10016x128xf32, #tpu.memory_space<vmem_shared>>
      tpu.enqueue_indirect_dma source(%arg19 : memref<128x128xf32, #tpu.memory_space<vmem>>) target(%dma_start3A_321 : memref<10016x128xf32, #tpu.memory_space<vmem_shared>>) offsets(%arg15 : memref<128xi32, #tpu.memory_space<vmem>>) semaphore(%arg28 : memref<!tpu.dma_semaphore, #tpu.memory_space<semaphore_mem>>) {add = true}
      %dma_wait3A_322 = arith.constant 0 : i32
      %dma_wait3A_323 = arith.constant 0 : i32
      %dma_wait3A_324 = tpu.memref_slice %arg20[%dma_wait3A_322, %dma_wait3A_323] : memref<10016x128xf32, #tpu.memory_space<vmem_shared>> -> memref<10016x128xf32, #tpu.memory_space<vmem_shared>>
      tpu.wait_indirect_dma semaphore(%arg27 : memref<!tpu.dma_semaphore, #tpu.memory_space<semaphore_mem>>) src(%arg18 : memref<128x128xf32, #tpu.memory_space<vmem>>) dst(%dma_wait3A_324 : memref<10016x128xf32, #tpu.memory_space<vmem_shared>>)
      %mul3A_325 = arith.constant 79 : i32
      %mul3A_326 = arith.muli %arg1, %mul3A_325 : i32
      %add3A_327 = arith.constant 3 : i32
      %add3A_328 = arith.addi %mul3A_326, %add3A_327 : i32
      %mul3A_329 = arith.constant 128 : i32
      %mul3A_330 = arith.muli %add3A_328, %mul3A_329 : i32
      %multiple_of3A_331 = tpu.assume_multiple %mul3A_330, 128 : i32
      %dma_start3A_332 = tpu.memref_slice %arg6[%multiple_of3A_331] : memref<161792xi32, #tpu.memory_space<hbm>> -> memref<128xi32, #tpu.memory_space<hbm>>
      %dma_start3A_333 = tpu.memref_slice %arg6[%multiple_of3A_331] : memref<161792xi32, #tpu.memory_space<hbm>> -> memref<128xi32, #tpu.memory_space<hbm>>
      tpu.enqueue_dma source(%dma_start3A_333 : memref<128xi32, #tpu.memory_space<hbm>>) target(%arg13 : memref<128xi32, #tpu.memory_space<vmem>>) target_semaphore(%arg24 : memref<!tpu.dma_semaphore, #tpu.memory_space<semaphore_mem>>)
      %dma_start3A_334 = tpu.memref_slice %arg7[%multiple_of3A_331] : memref<161792xi32, #tpu.memory_space<hbm>> -> memref<128xi32, #tpu.memory_space<hbm>>
      %dma_start3A_335 = tpu.memref_slice %arg7[%multiple_of3A_331] : memref<161792xi32, #tpu.memory_space<hbm>> -> memref<128xi32, #tpu.memory_space<hbm>>
      tpu.enqueue_dma source(%dma_start3A_335 : memref<128xi32, #tpu.memory_space<hbm>>) target(%arg17 : memref<128xi32, #tpu.memory_space<vmem>>) target_semaphore(%arg24 : memref<!tpu.dma_semaphore, #tpu.memory_space<semaphore_mem>>)
      %dma_wait3A_336 = arith.constant 0 : i32
      %dma_wait3A_337 = tpu.memref_slice %arg6[%dma_wait3A_336] : memref<161792xi32, #tpu.memory_space<hbm>> -> memref<128xi32, #tpu.memory_space<hbm>>
      %dma_wait3A_338 = arith.constant 0 : i32
      %dma_wait3A_339 = tpu.memref_slice %arg6[%dma_wait3A_338] : memref<161792xi32, #tpu.memory_space<hbm>> -> memref<128xi32, #tpu.memory_space<hbm>>
      tpu.wait_dma2 semaphore(%arg23 : memref<!tpu.dma_semaphore, #tpu.memory_space<semaphore_mem>>) src(%dma_wait3A_339 : memref<128xi32, #tpu.memory_space<hbm>>) dst(%arg12 : memref<128xi32, #tpu.memory_space<vmem>>)
      %dma_wait3A_340 = arith.constant 0 : i32
      %dma_wait3A_341 = tpu.memref_slice %arg7[%dma_wait3A_340] : memref<161792xi32, #tpu.memory_space<hbm>> -> memref<128xi32, #tpu.memory_space<hbm>>
      %dma_wait3A_342 = arith.constant 0 : i32
      %dma_wait3A_343 = tpu.memref_slice %arg7[%dma_wait3A_342] : memref<161792xi32, #tpu.memory_space<hbm>> -> memref<128xi32, #tpu.memory_space<hbm>>
      tpu.wait_dma2 semaphore(%arg23 : memref<!tpu.dma_semaphore, #tpu.memory_space<semaphore_mem>>) src(%dma_wait3A_343 : memref<128xi32, #tpu.memory_space<hbm>>) dst(%arg16 : memref<128xi32, #tpu.memory_space<vmem>>)
      %dma_start3A_344 = arith.constant 0 : i32
      %dma_start3A_345 = arith.constant 0 : i32
      %dma_start3A_346 = tpu.memref_slice %arg3[%dma_start3A_344, %dma_start3A_345] : memref<10000x128xf32, #tpu.memory_space<hbm>> -> memref<10000x128xf32, #tpu.memory_space<hbm>>
      tpu.enqueue_indirect_dma source(%dma_start3A_346 : memref<10000x128xf32, #tpu.memory_space<hbm>>) target(%arg18 : memref<128x128xf32, #tpu.memory_space<vmem>>) offsets(%arg12 : memref<128xi32, #tpu.memory_space<vmem>>) semaphore(%arg25 : memref<!tpu.dma_semaphore, #tpu.memory_space<semaphore_mem>>)
      %dma_wait3A_347 = arith.constant 0 : i32
      %dma_wait3A_348 = arith.constant 0 : i32
      %dma_wait3A_349 = tpu.memref_slice %arg3[%dma_wait3A_347, %dma_wait3A_348] : memref<10000x128xf32, #tpu.memory_space<hbm>> -> memref<10000x128xf32, #tpu.memory_space<hbm>>
      tpu.wait_indirect_dma semaphore(%arg25 : memref<!tpu.dma_semaphore, #tpu.memory_space<semaphore_mem>>) src(%dma_wait3A_349 : memref<10000x128xf32, #tpu.memory_space<hbm>>) dst(%arg18 : memref<128x128xf32, #tpu.memory_space<vmem>>)
      %dma_start3A_350 = arith.constant 0 : i32
      %dma_start3A_351 = arith.constant 0 : i32
      %dma_start3A_352 = tpu.memref_slice %arg20[%dma_start3A_350, %dma_start3A_351] : memref<10016x128xf32, #tpu.memory_space<vmem_shared>> -> memref<10016x128xf32, #tpu.memory_space<vmem_shared>>
      tpu.enqueue_indirect_dma source(%arg18 : memref<128x128xf32, #tpu.memory_space<vmem>>) target(%dma_start3A_352 : memref<10016x128xf32, #tpu.memory_space<vmem_shared>>) offsets(%arg16 : memref<128xi32, #tpu.memory_space<vmem>>) semaphore(%arg27 : memref<!tpu.dma_semaphore, #tpu.memory_space<semaphore_mem>>) {add = true}
      %dma_wait3A_353 = arith.constant 0 : i32
      %dma_wait3A_354 = arith.constant 0 : i32
      %dma_wait3A_355 = tpu.memref_slice %arg20[%dma_wait3A_353, %dma_wait3A_354] : memref<10016x128xf32, #tpu.memory_space<vmem_shared>> -> memref<10016x128xf32, #tpu.memory_space<vmem_shared>>
      tpu.wait_indirect_dma semaphore(%arg28 : memref<!tpu.dma_semaphore, #tpu.memory_space<semaphore_mem>>) src(%arg19 : memref<128x128xf32, #tpu.memory_space<vmem>>) dst(%dma_wait3A_355 : memref<10016x128xf32, #tpu.memory_space<vmem_shared>>)
      %mul3A_356 = arith.constant 79 : i32
      %mul3A_357 = arith.muli %arg1, %mul3A_356 : i32
      %add3A_358 = arith.constant 4 : i32
      %add3A_359 = arith.addi %mul3A_357, %add3A_358 : i32
      %mul3A_360 = arith.constant 128 : i32
      %mul3A_361 = arith.muli %add3A_359, %mul3A_360 : i32
      %multiple_of3A_362 = tpu.assume_multiple %mul3A_361, 128 : i32
      %dma_start3A_363 = tpu.memref_slice %arg6[%multiple_of3A_362] : memref<161792xi32, #tpu.memory_space<hbm>> -> memref<128xi32, #tpu.memory_space<hbm>>
      %dma_start3A_364 = tpu.memref_slice %arg6[%multiple_of3A_362] : memref<161792xi32, #tpu.memory_space<hbm>> -> memref<128xi32, #tpu.memory_space<hbm>>
      tpu.enqueue_dma source(%dma_start3A_364 : memref<128xi32, #tpu.memory_space<hbm>>) target(%arg10 : memref<128xi32, #tpu.memory_space<vmem>>) target_semaphore(%arg21 : memref<!tpu.dma_semaphore, #tpu.memory_space<semaphore_mem>>)
      %dma_start3A_365 = tpu.memref_slice %arg7[%multiple_of3A_362] : memref<161792xi32, #tpu.memory_space<hbm>> -> memref<128xi32, #tpu.memory_space<hbm>>
      %dma_start3A_366 = tpu.memref_slice %arg7[%multiple_of3A_362] : memref<161792xi32, #tpu.memory_space<hbm>> -> memref<128xi32, #tpu.memory_space<hbm>>
      tpu.enqueue_dma source(%dma_start3A_366 : memref<128xi32, #tpu.memory_space<hbm>>) target(%arg14 : memref<128xi32, #tpu.memory_space<vmem>>) target_semaphore(%arg21 : memref<!tpu.dma_semaphore, #tpu.memory_space<semaphore_mem>>)
      %dma_wait3A_367 = arith.constant 0 : i32
      %dma_wait3A_368 = tpu.memref_slice %arg6[%dma_wait3A_367] : memref<161792xi32, #tpu.memory_space<hbm>> -> memref<128xi32, #tpu.memory_space<hbm>>
      %dma_wait3A_369 = arith.constant 0 : i32
      %dma_wait3A_370 = tpu.memref_slice %arg6[%dma_wait3A_369] : memref<161792xi32, #tpu.memory_space<hbm>> -> memref<128xi32, #tpu.memory_space<hbm>>
      tpu.wait_dma2 semaphore(%arg24 : memref<!tpu.dma_semaphore, #tpu.memory_space<semaphore_mem>>) src(%dma_wait3A_370 : memref<128xi32, #tpu.memory_space<hbm>>) dst(%arg13 : memref<128xi32, #tpu.memory_space<vmem>>)
      %dma_wait3A_371 = arith.constant 0 : i32
      %dma_wait3A_372 = tpu.memref_slice %arg7[%dma_wait3A_371] : memref<161792xi32, #tpu.memory_space<hbm>> -> memref<128xi32, #tpu.memory_space<hbm>>
      %dma_wait3A_373 = arith.constant 0 : i32
      %dma_wait3A_374 = tpu.memref_slice %arg7[%dma_wait3A_373] : memref<161792xi32, #tpu.memory_space<hbm>> -> memref<128xi32, #tpu.memory_space<hbm>>
      tpu.wait_dma2 semaphore(%arg24 : memref<!tpu.dma_semaphore, #tpu.memory_space<semaphore_mem>>) src(%dma_wait3A_374 : memref<128xi32, #tpu.memory_space<hbm>>) dst(%arg17 : memref<128xi32, #tpu.memory_space<vmem>>)
      %dma_start3A_375 = arith.constant 0 : i32
      %dma_start3A_376 = arith.constant 0 : i32
      %dma_start3A_377 = tpu.memref_slice %arg3[%dma_start3A_375, %dma_start3A_376] : memref<10000x128xf32, #tpu.memory_space<hbm>> -> memref<10000x128xf32, #tpu.memory_space<hbm>>
      tpu.enqueue_indirect_dma source(%dma_start3A_377 : memref<10000x128xf32, #tpu.memory_space<hbm>>) target(%arg19 : memref<128x128xf32, #tpu.memory_space<vmem>>) offsets(%arg13 : memref<128xi32, #tpu.memory_space<vmem>>) semaphore(%arg26 : memref<!tpu.dma_semaphore, #tpu.memory_space<semaphore_mem>>)
      %dma_wait3A_378 = arith.constant 0 : i32
      %dma_wait3A_379 = arith.constant 0 : i32
      %dma_wait3A_380 = tpu.memref_slice %arg3[%dma_wait3A_378, %dma_wait3A_379] : memref<10000x128xf32, #tpu.memory_space<hbm>> -> memref<10000x128xf32, #tpu.memory_space<hbm>>
      tpu.wait_indirect_dma semaphore(%arg26 : memref<!tpu.dma_semaphore, #tpu.memory_space<semaphore_mem>>) src(%dma_wait3A_380 : memref<10000x128xf32, #tpu.memory_space<hbm>>) dst(%arg19 : memref<128x128xf32, #tpu.memory_space<vmem>>)
      %dma_start3A_381 = arith.constant 0 : i32
      %dma_start3A_382 = arith.constant 0 : i32
      %dma_start3A_383 = tpu.memref_slice %arg20[%dma_start3A_381, %dma_start3A_382] : memref<10016x128xf32, #tpu.memory_space<vmem_shared>> -> memref<10016x128xf32, #tpu.memory_space<vmem_shared>>
      tpu.enqueue_indirect_dma source(%arg19 : memref<128x128xf32, #tpu.memory_space<vmem>>) target(%dma_start3A_383 : memref<10016x128xf32, #tpu.memory_space<vmem_shared>>) offsets(%arg17 : memref<128xi32, #tpu.memory_space<vmem>>) semaphore(%arg28 : memref<!tpu.dma_semaphore, #tpu.memory_space<semaphore_mem>>) {add = true}
      %dma_wait3A_384 = arith.constant 0 : i32
      %dma_wait3A_385 = arith.constant 0 : i32
      %dma_wait3A_386 = tpu.memref_slice %arg20[%dma_wait3A_384, %dma_wait3A_385] : memref<10016x128xf32, #tpu.memory_space<vmem_shared>> -> memref<10016x128xf32, #tpu.memory_space<vmem_shared>>
      tpu.wait_indirect_dma semaphore(%arg27 : memref<!tpu.dma_semaphore, #tpu.memory_space<semaphore_mem>>) src(%arg18 : memref<128x128xf32, #tpu.memory_space<vmem>>) dst(%dma_wait3A_386 : memref<10016x128xf32, #tpu.memory_space<vmem_shared>>)
      %mul3A_387 = arith.constant 79 : i32
      %mul3A_388 = arith.muli %arg1, %mul3A_387 : i32
      %add3A_389 = arith.constant 5 : i32
      %add3A_390 = arith.addi %mul3A_388, %add3A_389 : i32
      %mul3A_391 = arith.constant 128 : i32
      %mul3A_392 = arith.muli %add3A_390, %mul3A_391 : i32
      %multiple_of3A_393 = tpu.assume_multiple %mul3A_392, 128 : i32
      %dma_start3A_394 = tpu.memref_slice %arg6[%multiple_of3A_393] : memref<161792xi32, #tpu.memory_space<hbm>> -> memref<128xi32, #tpu.memory_space<hbm>>
      %dma_start3A_395 = tpu.memref_slice %arg6[%multiple_of3A_393] : memref<161792xi32, #tpu.memory_space<hbm>> -> memref<128xi32, #tpu.memory_space<hbm>>
      tpu.enqueue_dma source(%dma_start3A_395 : memref<128xi32, #tpu.memory_space<hbm>>) target(%arg11 : memref<128xi32, #tpu.memory_space<vmem>>) target_semaphore(%arg22 : memref<!tpu.dma_semaphore, #tpu.memory_space<semaphore_mem>>)
      %dma_start3A_396 = tpu.memref_slice %arg7[%multiple_of3A_393] : memref<161792xi32, #tpu.memory_space<hbm>> -> memref<128xi32, #tpu.memory_space<hbm>>
      %dma_start3A_397 = tpu.memref_slice %arg7[%multiple_of3A_393] : memref<161792xi32, #tpu.memory_space<hbm>> -> memref<128xi32, #tpu.memory_space<hbm>>
      tpu.enqueue_dma source(%dma_start3A_397 : memref<128xi32, #tpu.memory_space<hbm>>) target(%arg15 : memref<128xi32, #tpu.memory_space<vmem>>) target_semaphore(%arg22 : memref<!tpu.dma_semaphore, #tpu.memory_space<semaphore_mem>>)
      %dma_wait3A_398 = arith.constant 0 : i32
      %dma_wait3A_399 = tpu.memref_slice %arg6[%dma_wait3A_398] : memref<161792xi32, #tpu.memory_space<hbm>> -> memref<128xi32, #tpu.memory_space<hbm>>
      %dma_wait3A_400 = arith.constant 0 : i32
      %dma_wait3A_401 = tpu.memref_slice %arg6[%dma_wait3A_400] : memref<161792xi32, #tpu.memory_space<hbm>> -> memref<128xi32, #tpu.memory_space<hbm>>
      tpu.wait_dma2 semaphore(%arg21 : memref<!tpu.dma_semaphore, #tpu.memory_space<semaphore_mem>>) src(%dma_wait3A_401 : memref<128xi32, #tpu.memory_space<hbm>>) dst(%arg10 : memref<128xi32, #tpu.memory_space<vmem>>)
      %dma_wait3A_402 = arith.constant 0 : i32
      %dma_wait3A_403 = tpu.memref_slice %arg7[%dma_wait3A_402] : memref<161792xi32, #tpu.memory_space<hbm>> -> memref<128xi32, #tpu.memory_space<hbm>>
      %dma_wait3A_404 = arith.constant 0 : i32
      %dma_wait3A_405 = tpu.memref_slice %arg7[%dma_wait3A_404] : memref<161792xi32, #tpu.memory_space<hbm>> -> memref<128xi32, #tpu.memory_space<hbm>>
      tpu.wait_dma2 semaphore(%arg21 : memref<!tpu.dma_semaphore, #tpu.memory_space<semaphore_mem>>) src(%dma_wait3A_405 : memref<128xi32, #tpu.memory_space<hbm>>) dst(%arg14 : memref<128xi32, #tpu.memory_space<vmem>>)
      %dma_start3A_406 = arith.constant 0 : i32
      %dma_start3A_407 = arith.constant 0 : i32
      %dma_start3A_408 = tpu.memref_slice %arg3[%dma_start3A_406, %dma_start3A_407] : memref<10000x128xf32, #tpu.memory_space<hbm>> -> memref<10000x128xf32, #tpu.memory_space<hbm>>
      tpu.enqueue_indirect_dma source(%dma_start3A_408 : memref<10000x128xf32, #tpu.memory_space<hbm>>) target(%arg18 : memref<128x128xf32, #tpu.memory_space<vmem>>) offsets(%arg10 : memref<128xi32, #tpu.memory_space<vmem>>) semaphore(%arg25 : memref<!tpu.dma_semaphore, #tpu.memory_space<semaphore_mem>>)
      %scan3A_409 = arith.constant 0 : i32
      %scan3A_410 = arith.constant 1 : i32
      %scan3A_411 = arith.constant 18 : i32
      %scan3A_412 = arith.addi %scan3A_410, %scan3A_411 : i32
      %scan3A_413 = arith.constant 1 : i32
      scf.for %scan3A_490 = %scan3A_410 to %scan3A_412 step %scan3A_413  : i32 {
        %mul3A_491 = arith.constant 4 : i32
        %mul3A_492 = arith.muli %scan3A_490, %mul3A_491 : i32
        %add3A_493 = arith.constant 0 : i32
        %add3A_494 = arith.addi %mul3A_492, %add3A_493 : i32
        %dma_wait3A_495 = arith.constant 0 : i32
        %dma_wait3A_496 = arith.constant 0 : i32
        %dma_wait3A_497 = tpu.memref_slice %arg3[%dma_wait3A_495, %dma_wait3A_496] : memref<10000x128xf32, #tpu.memory_space<hbm>> -> memref<10000x128xf32, #tpu.memory_space<hbm>>
        tpu.wait_indirect_dma semaphore(%arg25 : memref<!tpu.dma_semaphore, #tpu.memory_space<semaphore_mem>>) src(%dma_wait3A_497 : memref<10000x128xf32, #tpu.memory_space<hbm>>) dst(%arg18 : memref<128x128xf32, #tpu.memory_space<vmem>>)
        %dma_start3A_498 = arith.constant 0 : i32
        %dma_start3A_499 = arith.constant 0 : i32
        %dma_start3A_500 = tpu.memref_slice %arg20[%dma_start3A_498, %dma_start3A_499] : memref<10016x128xf32, #tpu.memory_space<vmem_shared>> -> memref<10016x128xf32, #tpu.memory_space<vmem_shared>>
        tpu.enqueue_indirect_dma source(%arg18 : memref<128x128xf32, #tpu.memory_space<vmem>>) target(%dma_start3A_500 : memref<10016x128xf32, #tpu.memory_space<vmem_shared>>) offsets(%arg14 : memref<128xi32, #tpu.memory_space<vmem>>) semaphore(%arg27 : memref<!tpu.dma_semaphore, #tpu.memory_space<semaphore_mem>>) {add = true}
        %dma_wait3A_501 = arith.constant 0 : i32
        %dma_wait3A_502 = arith.constant 0 : i32
        %dma_wait3A_503 = tpu.memref_slice %arg20[%dma_wait3A_501, %dma_wait3A_502] : memref<10016x128xf32, #tpu.memory_space<vmem_shared>> -> memref<10016x128xf32, #tpu.memory_space<vmem_shared>>
        tpu.wait_indirect_dma semaphore(%arg28 : memref<!tpu.dma_semaphore, #tpu.memory_space<semaphore_mem>>) src(%arg19 : memref<128x128xf32, #tpu.memory_space<vmem>>) dst(%dma_wait3A_503 : memref<10016x128xf32, #tpu.memory_space<vmem_shared>>)
        %add3A_504 = arith.constant 2 : i32
        %add3A_505 = arith.addi %add3A_494, %add3A_504 : i32
        %lt3A_506 = arith.constant 79 : i32
        %lt3A_507 = arith.cmpi slt, %add3A_505, %lt3A_506 : i32
        %convert_element_type3A_508 = arith.extui %lt3A_507 : i1 to i32
        %cond3A_509 = arith.constant 0 : i32
        %cond3A_510 = arith.cmpi ne, %convert_element_type3A_508, %cond3A_509 : i32
        scf.if %cond3A_510 {
          %add3A_615 = arith.constant 2 : i32
          %add3A_616 = arith.addi %add3A_494, %add3A_615 : i32
          %mul3A_617 = arith.constant 79 : i32
          %mul3A_618 = arith.muli %arg1, %mul3A_617 : i32
          %add3A_619 = arith.addi %mul3A_618, %add3A_616 : i32
          %mul3A_620 = arith.constant 128 : i32
          %mul3A_621 = arith.muli %add3A_619, %mul3A_620 : i32
          %multiple_of3A_622 = tpu.assume_multiple %mul3A_621, 128 : i32
          %dma_start3A_623 = tpu.memref_slice %arg6[%multiple_of3A_622] : memref<161792xi32, #tpu.memory_space<hbm>> -> memref<128xi32, #tpu.memory_space<hbm>>
          %dma_start3A_624 = tpu.memref_slice %arg6[%multiple_of3A_622] : memref<161792xi32, #tpu.memory_space<hbm>> -> memref<128xi32, #tpu.memory_space<hbm>>
          tpu.enqueue_dma source(%dma_start3A_624 : memref<128xi32, #tpu.memory_space<hbm>>) target(%arg12 : memref<128xi32, #tpu.memory_space<vmem>>) target_semaphore(%arg23 : memref<!tpu.dma_semaphore, #tpu.memory_space<semaphore_mem>>)
          %dma_start3A_625 = tpu.memref_slice %arg7[%multiple_of3A_622] : memref<161792xi32, #tpu.memory_space<hbm>> -> memref<128xi32, #tpu.memory_space<hbm>>
          %dma_start3A_626 = tpu.memref_slice %arg7[%multiple_of3A_622] : memref<161792xi32, #tpu.memory_space<hbm>> -> memref<128xi32, #tpu.memory_space<hbm>>
          tpu.enqueue_dma source(%dma_start3A_626 : memref<128xi32, #tpu.memory_space<hbm>>) target(%arg16 : memref<128xi32, #tpu.memory_space<vmem>>) target_semaphore(%arg23 : memref<!tpu.dma_semaphore, #tpu.memory_space<semaphore_mem>>)
        } else {
        }
        %dma_wait3A_511 = arith.constant 0 : i32
        %dma_wait3A_512 = tpu.memref_slice %arg6[%dma_wait3A_511] : memref<161792xi32, #tpu.memory_space<hbm>> -> memref<128xi32, #tpu.memory_space<hbm>>
        %dma_wait3A_513 = arith.constant 0 : i32
        %dma_wait3A_514 = tpu.memref_slice %arg6[%dma_wait3A_513] : memref<161792xi32, #tpu.memory_space<hbm>> -> memref<128xi32, #tpu.memory_space<hbm>>
        tpu.wait_dma2 semaphore(%arg22 : memref<!tpu.dma_semaphore, #tpu.memory_space<semaphore_mem>>) src(%dma_wait3A_514 : memref<128xi32, #tpu.memory_space<hbm>>) dst(%arg11 : memref<128xi32, #tpu.memory_space<vmem>>)
        %dma_wait3A_515 = arith.constant 0 : i32
        %dma_wait3A_516 = tpu.memref_slice %arg7[%dma_wait3A_515] : memref<161792xi32, #tpu.memory_space<hbm>> -> memref<128xi32, #tpu.memory_space<hbm>>
        %dma_wait3A_517 = arith.constant 0 : i32
        %dma_wait3A_518 = tpu.memref_slice %arg7[%dma_wait3A_517] : memref<161792xi32, #tpu.memory_space<hbm>> -> memref<128xi32, #tpu.memory_space<hbm>>
        tpu.wait_dma2 semaphore(%arg22 : memref<!tpu.dma_semaphore, #tpu.memory_space<semaphore_mem>>) src(%dma_wait3A_518 : memref<128xi32, #tpu.memory_space<hbm>>) dst(%arg15 : memref<128xi32, #tpu.memory_space<vmem>>)
        %dma_start3A_519 = arith.constant 0 : i32
        %dma_start3A_520 = arith.constant 0 : i32
        %dma_start3A_521 = tpu.memref_slice %arg3[%dma_start3A_519, %dma_start3A_520] : memref<10000x128xf32, #tpu.memory_space<hbm>> -> memref<10000x128xf32, #tpu.memory_space<hbm>>
        tpu.enqueue_indirect_dma source(%dma_start3A_521 : memref<10000x128xf32, #tpu.memory_space<hbm>>) target(%arg19 : memref<128x128xf32, #tpu.memory_space<vmem>>) offsets(%arg11 : memref<128xi32, #tpu.memory_space<vmem>>) semaphore(%arg26 : memref<!tpu.dma_semaphore, #tpu.memory_space<semaphore_mem>>)
        %mul3A_522 = arith.constant 4 : i32
        %mul3A_523 = arith.muli %scan3A_490, %mul3A_522 : i32
        %add3A_524 = arith.constant 1 : i32
        %add3A_525 = arith.addi %mul3A_523, %add3A_524 : i32
        %dma_wait3A_526 = arith.constant 0 : i32
        %dma_wait3A_527 = arith.constant 0 : i32
        %dma_wait3A_528 = tpu.memref_slice %arg3[%dma_wait3A_526, %dma_wait3A_527] : memref<10000x128xf32, #tpu.memory_space<hbm>> -> memref<10000x128xf32, #tpu.memory_space<hbm>>
        tpu.wait_indirect_dma semaphore(%arg26 : memref<!tpu.dma_semaphore, #tpu.memory_space<semaphore_mem>>) src(%dma_wait3A_528 : memref<10000x128xf32, #tpu.memory_space<hbm>>) dst(%arg19 : memref<128x128xf32, #tpu.memory_space<vmem>>)
        %dma_start3A_529 = arith.constant 0 : i32
        %dma_start3A_530 = arith.constant 0 : i32
        %dma_start3A_531 = tpu.memref_slice %arg20[%dma_start3A_529, %dma_start3A_530] : memref<10016x128xf32, #tpu.memory_space<vmem_shared>> -> memref<10016x128xf32, #tpu.memory_space<vmem_shared>>
        tpu.enqueue_indirect_dma source(%arg19 : memref<128x128xf32, #tpu.memory_space<vmem>>) target(%dma_start3A_531 : memref<10016x128xf32, #tpu.memory_space<vmem_shared>>) offsets(%arg15 : memref<128xi32, #tpu.memory_space<vmem>>) semaphore(%arg28 : memref<!tpu.dma_semaphore, #tpu.memory_space<semaphore_mem>>) {add = true}
        %dma_wait3A_532 = arith.constant 0 : i32
        %dma_wait3A_533 = arith.constant 0 : i32
        %dma_wait3A_534 = tpu.memref_slice %arg20[%dma_wait3A_532, %dma_wait3A_533] : memref<10016x128xf32, #tpu.memory_space<vmem_shared>> -> memref<10016x128xf32, #tpu.memory_space<vmem_shared>>
        tpu.wait_indirect_dma semaphore(%arg27 : memref<!tpu.dma_semaphore, #tpu.memory_space<semaphore_mem>>) src(%arg18 : memref<128x128xf32, #tpu.memory_space<vmem>>) dst(%dma_wait3A_534 : memref<10016x128xf32, #tpu.memory_space<vmem_shared>>)
        %add3A_535 = arith.constant 2 : i32
        %add3A_536 = arith.addi %add3A_525, %add3A_535 : i32
        %lt3A_537 = arith.constant 79 : i32
        %lt3A_538 = arith.cmpi slt, %add3A_536, %lt3A_537 : i32
        %convert_element_type3A_539 = arith.extui %lt3A_538 : i1 to i32
        %cond3A_540 = arith.constant 0 : i32
        %cond3A_541 = arith.cmpi ne, %convert_element_type3A_539, %cond3A_540 : i32
        scf.if %cond3A_541 {
          %add3A_615 = arith.constant 2 : i32
          %add3A_616 = arith.addi %add3A_525, %add3A_615 : i32
          %mul3A_617 = arith.constant 79 : i32
          %mul3A_618 = arith.muli %arg1, %mul3A_617 : i32
          %add3A_619 = arith.addi %mul3A_618, %add3A_616 : i32
          %mul3A_620 = arith.constant 128 : i32
          %mul3A_621 = arith.muli %add3A_619, %mul3A_620 : i32
          %multiple_of3A_622 = tpu.assume_multiple %mul3A_621, 128 : i32
          %dma_start3A_623 = tpu.memref_slice %arg6[%multiple_of3A_622] : memref<161792xi32, #tpu.memory_space<hbm>> -> memref<128xi32, #tpu.memory_space<hbm>>
          %dma_start3A_624 = tpu.memref_slice %arg6[%multiple_of3A_622] : memref<161792xi32, #tpu.memory_space<hbm>> -> memref<128xi32, #tpu.memory_space<hbm>>
          tpu.enqueue_dma source(%dma_start3A_624 : memref<128xi32, #tpu.memory_space<hbm>>) target(%arg13 : memref<128xi32, #tpu.memory_space<vmem>>) target_semaphore(%arg24 : memref<!tpu.dma_semaphore, #tpu.memory_space<semaphore_mem>>)
          %dma_start3A_625 = tpu.memref_slice %arg7[%multiple_of3A_622] : memref<161792xi32, #tpu.memory_space<hbm>> -> memref<128xi32, #tpu.memory_space<hbm>>
          %dma_start3A_626 = tpu.memref_slice %arg7[%multiple_of3A_622] : memref<161792xi32, #tpu.memory_space<hbm>> -> memref<128xi32, #tpu.memory_space<hbm>>
          tpu.enqueue_dma source(%dma_start3A_626 : memref<128xi32, #tpu.memory_space<hbm>>) target(%arg17 : memref<128xi32, #tpu.memory_space<vmem>>) target_semaphore(%arg24 : memref<!tpu.dma_semaphore, #tpu.memory_space<semaphore_mem>>)
        } else {
        }
        %dma_wait3A_542 = arith.constant 0 : i32
        %dma_wait3A_543 = tpu.memref_slice %arg6[%dma_wait3A_542] : memref<161792xi32, #tpu.memory_space<hbm>> -> memref<128xi32, #tpu.memory_space<hbm>>
        %dma_wait3A_544 = arith.constant 0 : i32
        %dma_wait3A_545 = tpu.memref_slice %arg6[%dma_wait3A_544] : memref<161792xi32, #tpu.memory_space<hbm>> -> memref<128xi32, #tpu.memory_space<hbm>>
        tpu.wait_dma2 semaphore(%arg23 : memref<!tpu.dma_semaphore, #tpu.memory_space<semaphore_mem>>) src(%dma_wait3A_545 : memref<128xi32, #tpu.memory_space<hbm>>) dst(%arg12 : memref<128xi32, #tpu.memory_space<vmem>>)
        %dma_wait3A_546 = arith.constant 0 : i32
        %dma_wait3A_547 = tpu.memref_slice %arg7[%dma_wait3A_546] : memref<161792xi32, #tpu.memory_space<hbm>> -> memref<128xi32, #tpu.memory_space<hbm>>
        %dma_wait3A_548 = arith.constant 0 : i32
        %dma_wait3A_549 = tpu.memref_slice %arg7[%dma_wait3A_548] : memref<161792xi32, #tpu.memory_space<hbm>> -> memref<128xi32, #tpu.memory_space<hbm>>
        tpu.wait_dma2 semaphore(%arg23 : memref<!tpu.dma_semaphore, #tpu.memory_space<semaphore_mem>>) src(%dma_wait3A_549 : memref<128xi32, #tpu.memory_space<hbm>>) dst(%arg16 : memref<128xi32, #tpu.memory_space<vmem>>)
        %dma_start3A_550 = arith.constant 0 : i32
        %dma_start3A_551 = arith.constant 0 : i32
        %dma_start3A_552 = tpu.memref_slice %arg3[%dma_start3A_550, %dma_start3A_551] : memref<10000x128xf32, #tpu.memory_space<hbm>> -> memref<10000x128xf32, #tpu.memory_space<hbm>>
        tpu.enqueue_indirect_dma source(%dma_start3A_552 : memref<10000x128xf32, #tpu.memory_space<hbm>>) target(%arg18 : memref<128x128xf32, #tpu.memory_space<vmem>>) offsets(%arg12 : memref<128xi32, #tpu.memory_space<vmem>>) semaphore(%arg25 : memref<!tpu.dma_semaphore, #tpu.memory_space<semaphore_mem>>)
        %mul3A_553 = arith.constant 4 : i32
        %mul3A_554 = arith.muli %scan3A_490, %mul3A_553 : i32
        %add3A_555 = arith.constant 2 : i32
        %add3A_556 = arith.addi %mul3A_554, %add3A_555 : i32
        %dma_wait3A_557 = arith.constant 0 : i32
        %dma_wait3A_558 = arith.constant 0 : i32
        %dma_wait3A_559 = tpu.memref_slice %arg3[%dma_wait3A_557, %dma_wait3A_558] : memref<10000x128xf32, #tpu.memory_space<hbm>> -> memref<10000x128xf32, #tpu.memory_space<hbm>>
        tpu.wait_indirect_dma semaphore(%arg25 : memref<!tpu.dma_semaphore, #tpu.memory_space<semaphore_mem>>) src(%dma_wait3A_559 : memref<10000x128xf32, #tpu.memory_space<hbm>>) dst(%arg18 : memref<128x128xf32, #tpu.memory_space<vmem>>)
        %dma_start3A_560 = arith.constant 0 : i32
        %dma_start3A_561 = arith.constant 0 : i32
        %dma_start3A_562 = tpu.memref_slice %arg20[%dma_start3A_560, %dma_start3A_561] : memref<10016x128xf32, #tpu.memory_space<vmem_shared>> -> memref<10016x128xf32, #tpu.memory_space<vmem_shared>>
        tpu.enqueue_indirect_dma source(%arg18 : memref<128x128xf32, #tpu.memory_space<vmem>>) target(%dma_start3A_562 : memref<10016x128xf32, #tpu.memory_space<vmem_shared>>) offsets(%arg16 : memref<128xi32, #tpu.memory_space<vmem>>) semaphore(%arg27 : memref<!tpu.dma_semaphore, #tpu.memory_space<semaphore_mem>>) {add = true}
        %dma_wait3A_563 = arith.constant 0 : i32
        %dma_wait3A_564 = arith.constant 0 : i32
        %dma_wait3A_565 = tpu.memref_slice %arg20[%dma_wait3A_563, %dma_wait3A_564] : memref<10016x128xf32, #tpu.memory_space<vmem_shared>> -> memref<10016x128xf32, #tpu.memory_space<vmem_shared>>
        tpu.wait_indirect_dma semaphore(%arg28 : memref<!tpu.dma_semaphore, #tpu.memory_space<semaphore_mem>>) src(%arg19 : memref<128x128xf32, #tpu.memory_space<vmem>>) dst(%dma_wait3A_565 : memref<10016x128xf32, #tpu.memory_space<vmem_shared>>)
        %add3A_566 = arith.constant 2 : i32
        %add3A_567 = arith.addi %add3A_556, %add3A_566 : i32
        %lt3A_568 = arith.constant 79 : i32
        %lt3A_569 = arith.cmpi slt, %add3A_567, %lt3A_568 : i32
        %convert_element_type3A_570 = arith.extui %lt3A_569 : i1 to i32
        %cond3A_571 = arith.constant 0 : i32
        %cond3A_572 = arith.cmpi ne, %convert_element_type3A_570, %cond3A_571 : i32
        scf.if %cond3A_572 {
          %add3A_615 = arith.constant 2 : i32
          %add3A_616 = arith.addi %add3A_556, %add3A_615 : i32
          %mul3A_617 = arith.constant 79 : i32
          %mul3A_618 = arith.muli %arg1, %mul3A_617 : i32
          %add3A_619 = arith.addi %mul3A_618, %add3A_616 : i32
          %mul3A_620 = arith.constant 128 : i32
          %mul3A_621 = arith.muli %add3A_619, %mul3A_620 : i32
          %multiple_of3A_622 = tpu.assume_multiple %mul3A_621, 128 : i32
          %dma_start3A_623 = tpu.memref_slice %arg6[%multiple_of3A_622] : memref<161792xi32, #tpu.memory_space<hbm>> -> memref<128xi32, #tpu.memory_space<hbm>>
          %dma_start3A_624 = tpu.memref_slice %arg6[%multiple_of3A_622] : memref<161792xi32, #tpu.memory_space<hbm>> -> memref<128xi32, #tpu.memory_space<hbm>>
          tpu.enqueue_dma source(%dma_start3A_624 : memref<128xi32, #tpu.memory_space<hbm>>) target(%arg10 : memref<128xi32, #tpu.memory_space<vmem>>) target_semaphore(%arg21 : memref<!tpu.dma_semaphore, #tpu.memory_space<semaphore_mem>>)
          %dma_start3A_625 = tpu.memref_slice %arg7[%multiple_of3A_622] : memref<161792xi32, #tpu.memory_space<hbm>> -> memref<128xi32, #tpu.memory_space<hbm>>
          %dma_start3A_626 = tpu.memref_slice %arg7[%multiple_of3A_622] : memref<161792xi32, #tpu.memory_space<hbm>> -> memref<128xi32, #tpu.memory_space<hbm>>
          tpu.enqueue_dma source(%dma_start3A_626 : memref<128xi32, #tpu.memory_space<hbm>>) target(%arg14 : memref<128xi32, #tpu.memory_space<vmem>>) target_semaphore(%arg21 : memref<!tpu.dma_semaphore, #tpu.memory_space<semaphore_mem>>)
        } else {
        }
        %dma_wait3A_573 = arith.constant 0 : i32
        %dma_wait3A_574 = tpu.memref_slice %arg6[%dma_wait3A_573] : memref<161792xi32, #tpu.memory_space<hbm>> -> memref<128xi32, #tpu.memory_space<hbm>>
        %dma_wait3A_575 = arith.constant 0 : i32
        %dma_wait3A_576 = tpu.memref_slice %arg6[%dma_wait3A_575] : memref<161792xi32, #tpu.memory_space<hbm>> -> memref<128xi32, #tpu.memory_space<hbm>>
        tpu.wait_dma2 semaphore(%arg24 : memref<!tpu.dma_semaphore, #tpu.memory_space<semaphore_mem>>) src(%dma_wait3A_576 : memref<128xi32, #tpu.memory_space<hbm>>) dst(%arg13 : memref<128xi32, #tpu.memory_space<vmem>>)
        %dma_wait3A_577 = arith.constant 0 : i32
        %dma_wait3A_578 = tpu.memref_slice %arg7[%dma_wait3A_577] : memref<161792xi32, #tpu.memory_space<hbm>> -> memref<128xi32, #tpu.memory_space<hbm>>
        %dma_wait3A_579 = arith.constant 0 : i32
        %dma_wait3A_580 = tpu.memref_slice %arg7[%dma_wait3A_579] : memref<161792xi32, #tpu.memory_space<hbm>> -> memref<128xi32, #tpu.memory_space<hbm>>
        tpu.wait_dma2 semaphore(%arg24 : memref<!tpu.dma_semaphore, #tpu.memory_space<semaphore_mem>>) src(%dma_wait3A_580 : memref<128xi32, #tpu.memory_space<hbm>>) dst(%arg17 : memref<128xi32, #tpu.memory_space<vmem>>)
        %dma_start3A_581 = arith.constant 0 : i32
        %dma_start3A_582 = arith.constant 0 : i32
        %dma_start3A_583 = tpu.memref_slice %arg3[%dma_start3A_581, %dma_start3A_582] : memref<10000x128xf32, #tpu.memory_space<hbm>> -> memref<10000x128xf32, #tpu.memory_space<hbm>>
        tpu.enqueue_indirect_dma source(%dma_start3A_583 : memref<10000x128xf32, #tpu.memory_space<hbm>>) target(%arg19 : memref<128x128xf32, #tpu.memory_space<vmem>>) offsets(%arg13 : memref<128xi32, #tpu.memory_space<vmem>>) semaphore(%arg26 : memref<!tpu.dma_semaphore, #tpu.memory_space<semaphore_mem>>)
        %mul3A_584 = arith.constant 4 : i32
        %mul3A_585 = arith.muli %scan3A_490, %mul3A_584 : i32
        %add3A_586 = arith.constant 3 : i32
        %add3A_587 = arith.addi %mul3A_585, %add3A_586 : i32
        %dma_wait3A_588 = arith.constant 0 : i32
        %dma_wait3A_589 = arith.constant 0 : i32
        %dma_wait3A_590 = tpu.memref_slice %arg3[%dma_wait3A_588, %dma_wait3A_589] : memref<10000x128xf32, #tpu.memory_space<hbm>> -> memref<10000x128xf32, #tpu.memory_space<hbm>>
        tpu.wait_indirect_dma semaphore(%arg26 : memref<!tpu.dma_semaphore, #tpu.memory_space<semaphore_mem>>) src(%dma_wait3A_590 : memref<10000x128xf32, #tpu.memory_space<hbm>>) dst(%arg19 : memref<128x128xf32, #tpu.memory_space<vmem>>)
        %dma_start3A_591 = arith.constant 0 : i32
        %dma_start3A_592 = arith.constant 0 : i32
        %dma_start3A_593 = tpu.memref_slice %arg20[%dma_start3A_591, %dma_start3A_592] : memref<10016x128xf32, #tpu.memory_space<vmem_shared>> -> memref<10016x128xf32, #tpu.memory_space<vmem_shared>>
        tpu.enqueue_indirect_dma source(%arg19 : memref<128x128xf32, #tpu.memory_space<vmem>>) target(%dma_start3A_593 : memref<10016x128xf32, #tpu.memory_space<vmem_shared>>) offsets(%arg17 : memref<128xi32, #tpu.memory_space<vmem>>) semaphore(%arg28 : memref<!tpu.dma_semaphore, #tpu.memory_space<semaphore_mem>>) {add = true}
        %dma_wait3A_594 = arith.constant 0 : i32
        %dma_wait3A_595 = arith.constant 0 : i32
        %dma_wait3A_596 = tpu.memref_slice %arg20[%dma_wait3A_594, %dma_wait3A_595] : memref<10016x128xf32, #tpu.memory_space<vmem_shared>> -> memref<10016x128xf32, #tpu.memory_space<vmem_shared>>
        tpu.wait_indirect_dma semaphore(%arg27 : memref<!tpu.dma_semaphore, #tpu.memory_space<semaphore_mem>>) src(%arg18 : memref<128x128xf32, #tpu.memory_space<vmem>>) dst(%dma_wait3A_596 : memref<10016x128xf32, #tpu.memory_space<vmem_shared>>)
        %add3A_597 = arith.constant 2 : i32
        %add3A_598 = arith.addi %add3A_587, %add3A_597 : i32
        %lt3A_599 = arith.constant 79 : i32
        %lt3A_600 = arith.cmpi slt, %add3A_598, %lt3A_599 : i32
        %convert_element_type3A_601 = arith.extui %lt3A_600 : i1 to i32
        %cond3A_602 = arith.constant 0 : i32
        %cond3A_603 = arith.cmpi ne, %convert_element_type3A_601, %cond3A_602 : i32
        scf.if %cond3A_603 {
          %add3A_615 = arith.constant 2 : i32
          %add3A_616 = arith.addi %add3A_587, %add3A_615 : i32
          %mul3A_617 = arith.constant 79 : i32
          %mul3A_618 = arith.muli %arg1, %mul3A_617 : i32
          %add3A_619 = arith.addi %mul3A_618, %add3A_616 : i32
          %mul3A_620 = arith.constant 128 : i32
          %mul3A_621 = arith.muli %add3A_619, %mul3A_620 : i32
          %multiple_of3A_622 = tpu.assume_multiple %mul3A_621, 128 : i32
          %dma_start3A_623 = tpu.memref_slice %arg6[%multiple_of3A_622] : memref<161792xi32, #tpu.memory_space<hbm>> -> memref<128xi32, #tpu.memory_space<hbm>>
          %dma_start3A_624 = tpu.memref_slice %arg6[%multiple_of3A_622] : memref<161792xi32, #tpu.memory_space<hbm>> -> memref<128xi32, #tpu.memory_space<hbm>>
          tpu.enqueue_dma source(%dma_start3A_624 : memref<128xi32, #tpu.memory_space<hbm>>) target(%arg11 : memref<128xi32, #tpu.memory_space<vmem>>) target_semaphore(%arg22 : memref<!tpu.dma_semaphore, #tpu.memory_space<semaphore_mem>>)
          %dma_start3A_625 = tpu.memref_slice %arg7[%multiple_of3A_622] : memref<161792xi32, #tpu.memory_space<hbm>> -> memref<128xi32, #tpu.memory_space<hbm>>
          %dma_start3A_626 = tpu.memref_slice %arg7[%multiple_of3A_622] : memref<161792xi32, #tpu.memory_space<hbm>> -> memref<128xi32, #tpu.memory_space<hbm>>
          tpu.enqueue_dma source(%dma_start3A_626 : memref<128xi32, #tpu.memory_space<hbm>>) target(%arg15 : memref<128xi32, #tpu.memory_space<vmem>>) target_semaphore(%arg22 : memref<!tpu.dma_semaphore, #tpu.memory_space<semaphore_mem>>)
        } else {
        }
        %dma_wait3A_604 = arith.constant 0 : i32
        %dma_wait3A_605 = tpu.memref_slice %arg6[%dma_wait3A_604] : memref<161792xi32, #tpu.memory_space<hbm>> -> memref<128xi32, #tpu.memory_space<hbm>>
        %dma_wait3A_606 = arith.constant 0 : i32
        %dma_wait3A_607 = tpu.memref_slice %arg6[%dma_wait3A_606] : memref<161792xi32, #tpu.memory_space<hbm>> -> memref<128xi32, #tpu.memory_space<hbm>>
        tpu.wait_dma2 semaphore(%arg21 : memref<!tpu.dma_semaphore, #tpu.memory_space<semaphore_mem>>) src(%dma_wait3A_607 : memref<128xi32, #tpu.memory_space<hbm>>) dst(%arg10 : memref<128xi32, #tpu.memory_space<vmem>>)
        %dma_wait3A_608 = arith.constant 0 : i32
        %dma_wait3A_609 = tpu.memref_slice %arg7[%dma_wait3A_608] : memref<161792xi32, #tpu.memory_space<hbm>> -> memref<128xi32, #tpu.memory_space<hbm>>
        %dma_wait3A_610 = arith.constant 0 : i32
        %dma_wait3A_611 = tpu.memref_slice %arg7[%dma_wait3A_610] : memref<161792xi32, #tpu.memory_space<hbm>> -> memref<128xi32, #tpu.memory_space<hbm>>
        tpu.wait_dma2 semaphore(%arg21 : memref<!tpu.dma_semaphore, #tpu.memory_space<semaphore_mem>>) src(%dma_wait3A_611 : memref<128xi32, #tpu.memory_space<hbm>>) dst(%arg14 : memref<128xi32, #tpu.memory_space<vmem>>)
        %dma_start3A_612 = arith.constant 0 : i32
        %dma_start3A_613 = arith.constant 0 : i32
        %dma_start3A_614 = tpu.memref_slice %arg3[%dma_start3A_612, %dma_start3A_613] : memref<10000x128xf32, #tpu.memory_space<hbm>> -> memref<10000x128xf32, #tpu.memory_space<hbm>>
        tpu.enqueue_indirect_dma source(%dma_start3A_614 : memref<10000x128xf32, #tpu.memory_space<hbm>>) target(%arg18 : memref<128x128xf32, #tpu.memory_space<vmem>>) offsets(%arg10 : memref<128xi32, #tpu.memory_space<vmem>>) semaphore(%arg25 : memref<!tpu.dma_semaphore, #tpu.memory_space<semaphore_mem>>)
      }
      %scan3A_414 = arith.constant 18 : i32
      %dma_wait3A_415 = arith.constant 0 : i32
      %dma_wait3A_416 = arith.constant 0 : i32
      %dma_wait3A_417 = tpu.memref_slice %arg3[%dma_wait3A_415, %dma_wait3A_416] : memref<10000x128xf32, #tpu.memory_space<hbm>> -> memref<10000x128xf32, #tpu.memory_space<hbm>>
      tpu.wait_indirect_dma semaphore(%arg25 : memref<!tpu.dma_semaphore, #tpu.memory_space<semaphore_mem>>) src(%dma_wait3A_417 : memref<10000x128xf32, #tpu.memory_space<hbm>>) dst(%arg18 : memref<128x128xf32, #tpu.memory_space<vmem>>)
      %dma_start3A_418 = arith.constant 0 : i32
      %dma_start3A_419 = arith.constant 0 : i32
      %dma_start3A_420 = tpu.memref_slice %arg20[%dma_start3A_418, %dma_start3A_419] : memref<10016x128xf32, #tpu.memory_space<vmem_shared>> -> memref<10016x128xf32, #tpu.memory_space<vmem_shared>>
      tpu.enqueue_indirect_dma source(%arg18 : memref<128x128xf32, #tpu.memory_space<vmem>>) target(%dma_start3A_420 : memref<10016x128xf32, #tpu.memory_space<vmem_shared>>) offsets(%arg14 : memref<128xi32, #tpu.memory_space<vmem>>) semaphore(%arg27 : memref<!tpu.dma_semaphore, #tpu.memory_space<semaphore_mem>>) {add = true}
      %dma_wait3A_421 = arith.constant 0 : i32
      %dma_wait3A_422 = arith.constant 0 : i32
      %dma_wait3A_423 = tpu.memref_slice %arg20[%dma_wait3A_421, %dma_wait3A_422] : memref<10016x128xf32, #tpu.memory_space<vmem_shared>> -> memref<10016x128xf32, #tpu.memory_space<vmem_shared>>
      tpu.wait_indirect_dma semaphore(%arg28 : memref<!tpu.dma_semaphore, #tpu.memory_space<semaphore_mem>>) src(%arg19 : memref<128x128xf32, #tpu.memory_space<vmem>>) dst(%dma_wait3A_423 : memref<10016x128xf32, #tpu.memory_space<vmem_shared>>)
      %mul3A_424 = arith.constant 79 : i32
      %mul3A_425 = arith.muli %arg1, %mul3A_424 : i32
      %add3A_426 = arith.constant 78 : i32
      %add3A_427 = arith.addi %mul3A_425, %add3A_426 : i32
      %mul3A_428 = arith.constant 128 : i32
      %mul3A_429 = arith.muli %add3A_427, %mul3A_428 : i32
      %multiple_of3A_430 = tpu.assume_multiple %mul3A_429, 128 : i32
      %dma_start3A_431 = tpu.memref_slice %arg6[%multiple_of3A_430] : memref<161792xi32, #tpu.memory_space<hbm>> -> memref<128xi32, #tpu.memory_space<hbm>>
      %dma_start3A_432 = tpu.memref_slice %arg6[%multiple_of3A_430] : memref<161792xi32, #tpu.memory_space<hbm>> -> memref<128xi32, #tpu.memory_space<hbm>>
      tpu.enqueue_dma source(%dma_start3A_432 : memref<128xi32, #tpu.memory_space<hbm>>) target(%arg12 : memref<128xi32, #tpu.memory_space<vmem>>) target_semaphore(%arg23 : memref<!tpu.dma_semaphore, #tpu.memory_space<semaphore_mem>>)
      %dma_start3A_433 = tpu.memref_slice %arg7[%multiple_of3A_430] : memref<161792xi32, #tpu.memory_space<hbm>> -> memref<128xi32, #tpu.memory_space<hbm>>
      %dma_start3A_434 = tpu.memref_slice %arg7[%multiple_of3A_430] : memref<161792xi32, #tpu.memory_space<hbm>> -> memref<128xi32, #tpu.memory_space<hbm>>
      tpu.enqueue_dma source(%dma_start3A_434 : memref<128xi32, #tpu.memory_space<hbm>>) target(%arg16 : memref<128xi32, #tpu.memory_space<vmem>>) target_semaphore(%arg23 : memref<!tpu.dma_semaphore, #tpu.memory_space<semaphore_mem>>)
      %dma_wait3A_435 = arith.constant 0 : i32
      %dma_wait3A_436 = tpu.memref_slice %arg6[%dma_wait3A_435] : memref<161792xi32, #tpu.memory_space<hbm>> -> memref<128xi32, #tpu.memory_space<hbm>>
      %dma_wait3A_437 = arith.constant 0 : i32
      %dma_wait3A_438 = tpu.memref_slice %arg6[%dma_wait3A_437] : memref<161792xi32, #tpu.memory_space<hbm>> -> memref<128xi32, #tpu.memory_space<hbm>>
      tpu.wait_dma2 semaphore(%arg22 : memref<!tpu.dma_semaphore, #tpu.memory_space<semaphore_mem>>) src(%dma_wait3A_438 : memref<128xi32, #tpu.memory_space<hbm>>) dst(%arg11 : memref<128xi32, #tpu.memory_space<vmem>>)
      %dma_wait3A_439 = arith.constant 0 : i32
      %dma_wait3A_440 = tpu.memref_slice %arg7[%dma_wait3A_439] : memref<161792xi32, #tpu.memory_space<hbm>> -> memref<128xi32, #tpu.memory_space<hbm>>
      %dma_wait3A_441 = arith.constant 0 : i32
      %dma_wait3A_442 = tpu.memref_slice %arg7[%dma_wait3A_441] : memref<161792xi32, #tpu.memory_space<hbm>> -> memref<128xi32, #tpu.memory_space<hbm>>
      tpu.wait_dma2 semaphore(%arg22 : memref<!tpu.dma_semaphore, #tpu.memory_space<semaphore_mem>>) src(%dma_wait3A_442 : memref<128xi32, #tpu.memory_space<hbm>>) dst(%arg15 : memref<128xi32, #tpu.memory_space<vmem>>)
      %dma_start3A_443 = arith.constant 0 : i32
      %dma_start3A_444 = arith.constant 0 : i32
      %dma_start3A_445 = tpu.memref_slice %arg3[%dma_start3A_443, %dma_start3A_444] : memref<10000x128xf32, #tpu.memory_space<hbm>> -> memref<10000x128xf32, #tpu.memory_space<hbm>>
      tpu.enqueue_indirect_dma source(%dma_start3A_445 : memref<10000x128xf32, #tpu.memory_space<hbm>>) target(%arg19 : memref<128x128xf32, #tpu.memory_space<vmem>>) offsets(%arg11 : memref<128xi32, #tpu.memory_space<vmem>>) semaphore(%arg26 : memref<!tpu.dma_semaphore, #tpu.memory_space<semaphore_mem>>)
      %dma_wait3A_446 = arith.constant 0 : i32
      %dma_wait3A_447 = arith.constant 0 : i32
      %dma_wait3A_448 = tpu.memref_slice %arg3[%dma_wait3A_446, %dma_wait3A_447] : memref<10000x128xf32, #tpu.memory_space<hbm>> -> memref<10000x128xf32, #tpu.memory_space<hbm>>
      tpu.wait_indirect_dma semaphore(%arg26 : memref<!tpu.dma_semaphore, #tpu.memory_space<semaphore_mem>>) src(%dma_wait3A_448 : memref<10000x128xf32, #tpu.memory_space<hbm>>) dst(%arg19 : memref<128x128xf32, #tpu.memory_space<vmem>>)
      %dma_start3A_449 = arith.constant 0 : i32
      %dma_start3A_450 = arith.constant 0 : i32
      %dma_start3A_451 = tpu.memref_slice %arg20[%dma_start3A_449, %dma_start3A_450] : memref<10016x128xf32, #tpu.memory_space<vmem_shared>> -> memref<10016x128xf32, #tpu.memory_space<vmem_shared>>
      tpu.enqueue_indirect_dma source(%arg19 : memref<128x128xf32, #tpu.memory_space<vmem>>) target(%dma_start3A_451 : memref<10016x128xf32, #tpu.memory_space<vmem_shared>>) offsets(%arg15 : memref<128xi32, #tpu.memory_space<vmem>>) semaphore(%arg28 : memref<!tpu.dma_semaphore, #tpu.memory_space<semaphore_mem>>) {add = true}
      %dma_wait3A_452 = arith.constant 0 : i32
      %dma_wait3A_453 = arith.constant 0 : i32
      %dma_wait3A_454 = tpu.memref_slice %arg20[%dma_wait3A_452, %dma_wait3A_453] : memref<10016x128xf32, #tpu.memory_space<vmem_shared>> -> memref<10016x128xf32, #tpu.memory_space<vmem_shared>>
      tpu.wait_indirect_dma semaphore(%arg27 : memref<!tpu.dma_semaphore, #tpu.memory_space<semaphore_mem>>) src(%arg18 : memref<128x128xf32, #tpu.memory_space<vmem>>) dst(%dma_wait3A_454 : memref<10016x128xf32, #tpu.memory_space<vmem_shared>>)
      %dma_wait3A_455 = arith.constant 0 : i32
      %dma_wait3A_456 = tpu.memref_slice %arg6[%dma_wait3A_455] : memref<161792xi32, #tpu.memory_space<hbm>> -> memref<128xi32, #tpu.memory_space<hbm>>
      %dma_wait3A_457 = arith.constant 0 : i32
      %dma_wait3A_458 = tpu.memref_slice %arg6[%dma_wait3A_457] : memref<161792xi32, #tpu.memory_space<hbm>> -> memref<128xi32, #tpu.memory_space<hbm>>
      tpu.wait_dma2 semaphore(%arg23 : memref<!tpu.dma_semaphore, #tpu.memory_space<semaphore_mem>>) src(%dma_wait3A_458 : memref<128xi32, #tpu.memory_space<hbm>>) dst(%arg12 : memref<128xi32, #tpu.memory_space<vmem>>)
      %dma_wait3A_459 = arith.constant 0 : i32
      %dma_wait3A_460 = tpu.memref_slice %arg7[%dma_wait3A_459] : memref<161792xi32, #tpu.memory_space<hbm>> -> memref<128xi32, #tpu.memory_space<hbm>>
      %dma_wait3A_461 = arith.constant 0 : i32
      %dma_wait3A_462 = tpu.memref_slice %arg7[%dma_wait3A_461] : memref<161792xi32, #tpu.memory_space<hbm>> -> memref<128xi32, #tpu.memory_space<hbm>>
      tpu.wait_dma2 semaphore(%arg23 : memref<!tpu.dma_semaphore, #tpu.memory_space<semaphore_mem>>) src(%dma_wait3A_462 : memref<128xi32, #tpu.memory_space<hbm>>) dst(%arg16 : memref<128xi32, #tpu.memory_space<vmem>>)
      %dma_start3A_463 = arith.constant 0 : i32
      %dma_start3A_464 = arith.constant 0 : i32
      %dma_start3A_465 = tpu.memref_slice %arg3[%dma_start3A_463, %dma_start3A_464] : memref<10000x128xf32, #tpu.memory_space<hbm>> -> memref<10000x128xf32, #tpu.memory_space<hbm>>
      tpu.enqueue_indirect_dma source(%dma_start3A_465 : memref<10000x128xf32, #tpu.memory_space<hbm>>) target(%arg18 : memref<128x128xf32, #tpu.memory_space<vmem>>) offsets(%arg12 : memref<128xi32, #tpu.memory_space<vmem>>) semaphore(%arg25 : memref<!tpu.dma_semaphore, #tpu.memory_space<semaphore_mem>>)
      %dma_wait3A_466 = arith.constant 0 : i32
      %dma_wait3A_467 = arith.constant 0 : i32
      %dma_wait3A_468 = tpu.memref_slice %arg3[%dma_wait3A_466, %dma_wait3A_467] : memref<10000x128xf32, #tpu.memory_space<hbm>> -> memref<10000x128xf32, #tpu.memory_space<hbm>>
      tpu.wait_indirect_dma semaphore(%arg25 : memref<!tpu.dma_semaphore, #tpu.memory_space<semaphore_mem>>) src(%dma_wait3A_468 : memref<10000x128xf32, #tpu.memory_space<hbm>>) dst(%arg18 : memref<128x128xf32, #tpu.memory_space<vmem>>)
      %dma_start3A_469 = arith.constant 0 : i32
      %dma_start3A_470 = arith.constant 0 : i32
      %dma_start3A_471 = tpu.memref_slice %arg20[%dma_start3A_469, %dma_start3A_470] : memref<10016x128xf32, #tpu.memory_space<vmem_shared>> -> memref<10016x128xf32, #tpu.memory_space<vmem_shared>>
      tpu.enqueue_indirect_dma source(%arg18 : memref<128x128xf32, #tpu.memory_space<vmem>>) target(%dma_start3A_471 : memref<10016x128xf32, #tpu.memory_space<vmem_shared>>) offsets(%arg16 : memref<128xi32, #tpu.memory_space<vmem>>) semaphore(%arg27 : memref<!tpu.dma_semaphore, #tpu.memory_space<semaphore_mem>>) {add = true}
      %dma_wait3A_472 = arith.constant 0 : i32
      %dma_wait3A_473 = arith.constant 0 : i32
      %dma_wait3A_474 = tpu.memref_slice %arg20[%dma_wait3A_472, %dma_wait3A_473] : memref<10016x128xf32, #tpu.memory_space<vmem_shared>> -> memref<10016x128xf32, #tpu.memory_space<vmem_shared>>
      tpu.wait_indirect_dma semaphore(%arg28 : memref<!tpu.dma_semaphore, #tpu.memory_space<semaphore_mem>>) src(%arg19 : memref<128x128xf32, #tpu.memory_space<vmem>>) dst(%dma_wait3A_474 : memref<10016x128xf32, #tpu.memory_space<vmem_shared>>)
      %dma_wait3A_475 = arith.constant 0 : i32
      %dma_wait3A_476 = arith.constant 0 : i32
      %dma_wait3A_477 = tpu.memref_slice %arg20[%dma_wait3A_475, %dma_wait3A_476] : memref<10016x128xf32, #tpu.memory_space<vmem_shared>> -> memref<10016x128xf32, #tpu.memory_space<vmem_shared>>
      tpu.wait_indirect_dma semaphore(%arg27 : memref<!tpu.dma_semaphore, #tpu.memory_space<semaphore_mem>>) src(%arg18 : memref<128x128xf32, #tpu.memory_space<vmem>>) dst(%dma_wait3A_477 : memref<10016x128xf32, #tpu.memory_space<vmem_shared>>)
      %barrier3A_478 = arith.constant 0 : index
      tpu.barrier barrier_id(%barrier3A_478)
      %mul3A_479 = arith.constant 624 : i32
      %mul3A_480 = arith.muli %arg1, %mul3A_479 : i32
      %mul3A_481 = arith.constant 624 : i32
      %mul3A_482 = arith.muli %arg1, %mul3A_481 : i32
      %run_scoped3A_483 = arith.constant 1 : i32
      "tpu.region"() ({
        %run_scoped3A_490 = tpu.sem_alloc : memref<!tpu.dma_semaphore, #tpu.memory_space<semaphore_mem>>
        %dma_start3A_491 = arith.constant 0 : i32
        %dma_start3A_492 = tpu.memref_slice %arg9[%run_scoped3A_483, %mul3A_482, %dma_start3A_491] : memref<4x10000x128xf32, #tpu.memory_space<hbm>> -> memref<1x624x128xf32, #tpu.memory_space<hbm>>
        %dma_start3A_493 = tpu.memref_squeeze %dma_start3A_492 : memref<1x624x128xf32, #tpu.memory_space<hbm>> -> memref<624x128xf32, #tpu.memory_space<hbm>>
        %dma_start3A_494 = arith.constant 0 : i32
        %dma_start3A_495 = tpu.memref_slice %arg20[%mul3A_480, %dma_start3A_494] : memref<10016x128xf32, #tpu.memory_space<vmem_shared>> -> memref<624x128xf32, #tpu.memory_space<vmem_shared>>
        tpu.enqueue_dma source(%dma_start3A_495 : memref<624x128xf32, #tpu.memory_space<vmem_shared>>) target(%dma_start3A_493 : memref<624x128xf32, #tpu.memory_space<hbm>>) target_semaphore(%run_scoped3A_490 : memref<!tpu.dma_semaphore, #tpu.memory_space<semaphore_mem>>)
        %dma_wait3A_496 = arith.constant 0 : i32
        %dma_wait3A_497 = tpu.memref_slice %arg9[%run_scoped3A_483, %mul3A_482, %dma_wait3A_496] : memref<4x10000x128xf32, #tpu.memory_space<hbm>> -> memref<1x624x128xf32, #tpu.memory_space<hbm>>
        %dma_wait3A_498 = tpu.memref_squeeze %dma_wait3A_497 : memref<1x624x128xf32, #tpu.memory_space<hbm>> -> memref<624x128xf32, #tpu.memory_space<hbm>>
        %dma_wait3A_499 = arith.constant 0 : i32
        %dma_wait3A_500 = tpu.memref_slice %arg20[%mul3A_480, %dma_wait3A_499] : memref<10016x128xf32, #tpu.memory_space<vmem_shared>> -> memref<624x128xf32, #tpu.memory_space<vmem_shared>>
        tpu.wait_dma2 semaphore(%run_scoped3A_490 : memref<!tpu.dma_semaphore, #tpu.memory_space<semaphore_mem>>) src(%dma_wait3A_500 : memref<624x128xf32, #tpu.memory_space<vmem_shared>>) dst(%dma_wait3A_498 : memref<624x128xf32, #tpu.memory_space<hbm>>)
        tpu.yield
      }) : () -> ()
      %eq3A_484 = arith.constant 15 : i32
      %eq3A_485 = arith.cmpi eq, %arg1, %eq3A_484 : i32
      %convert_element_type3A_486 = arith.extui %eq3A_485 : i1 to i32
      %cond3A_487 = arith.constant 0 : i32
      %cond3A_488 = arith.cmpi ne, %convert_element_type3A_486, %cond3A_487 : i32
      scf.if %cond3A_488 {
        %run_scoped3A_490 = arith.constant 1 : i32
        "tpu.region"() ({
          %run_scoped3A_491 = tpu.sem_alloc : memref<!tpu.dma_semaphore, #tpu.memory_space<semaphore_mem>>
          %dma_start3A_492 = arith.constant 9984 : i32
          %dma_start3A_493 = arith.constant 0 : i32
          %dma_start3A_494 = tpu.memref_slice %arg9[%run_scoped3A_490, %dma_start3A_492, %dma_start3A_493] : memref<4x10000x128xf32, #tpu.memory_space<hbm>> -> memref<1x16x128xf32, #tpu.memory_space<hbm>>
          %dma_start3A_495 = tpu.memref_squeeze %dma_start3A_494 : memref<1x16x128xf32, #tpu.memory_space<hbm>> -> memref<16x128xf32, #tpu.memory_space<hbm>>
          %dma_start3A_496 = arith.constant 9984 : i32
          %dma_start3A_497 = arith.constant 0 : i32
          %dma_start3A_498 = tpu.memref_slice %arg20[%dma_start3A_496, %dma_start3A_497] : memref<10016x128xf32, #tpu.memory_space<vmem_shared>> -> memref<16x128xf32, #tpu.memory_space<vmem_shared>>
          tpu.enqueue_dma source(%dma_start3A_498 : memref<16x128xf32, #tpu.memory_space<vmem_shared>>) target(%dma_start3A_495 : memref<16x128xf32, #tpu.memory_space<hbm>>) target_semaphore(%run_scoped3A_491 : memref<!tpu.dma_semaphore, #tpu.memory_space<semaphore_mem>>)
          %dma_wait3A_499 = arith.constant 9984 : i32
          %dma_wait3A_500 = arith.constant 0 : i32
          %dma_wait3A_501 = tpu.memref_slice %arg9[%run_scoped3A_490, %dma_wait3A_499, %dma_wait3A_500] : memref<4x10000x128xf32, #tpu.memory_space<hbm>> -> memref<1x16x128xf32, #tpu.memory_space<hbm>>
          %dma_wait3A_502 = tpu.memref_squeeze %dma_wait3A_501 : memref<1x16x128xf32, #tpu.memory_space<hbm>> -> memref<16x128xf32, #tpu.memory_space<hbm>>
          %dma_wait3A_503 = arith.constant 9984 : i32
          %dma_wait3A_504 = arith.constant 0 : i32
          %dma_wait3A_505 = tpu.memref_slice %arg20[%dma_wait3A_503, %dma_wait3A_504] : memref<10016x128xf32, #tpu.memory_space<vmem_shared>> -> memref<16x128xf32, #tpu.memory_space<vmem_shared>>
          tpu.wait_dma2 semaphore(%run_scoped3A_491 : memref<!tpu.dma_semaphore, #tpu.memory_space<semaphore_mem>>) src(%dma_wait3A_505 : memref<16x128xf32, #tpu.memory_space<vmem_shared>>) dst(%dma_wait3A_502 : memref<16x128xf32, #tpu.memory_space<hbm>>)
          tpu.yield
        }) : () -> ()
      } else {
      }
      %barrier3A_489 = arith.constant 0 : index
      tpu.barrier barrier_id(%barrier3A_489)
    } else {
    }
    %eq3A_2 = arith.constant 1 : i32
    %eq3A_3 = arith.cmpi eq, %arg0, %eq3A_2 : i32
    %convert_element_type3A_4 = arith.extui %eq3A_3 : i1 to i32
    %cond3A_5 = arith.constant 0 : i32
    %cond3A_6 = arith.cmpi ne, %convert_element_type3A_4, %cond3A_5 : i32
    scf.if %cond3A_6 {
      %mul3A = arith.constant 79 : i32
      %mul3A_7 = arith.muli %arg1, %mul3A : i32
      %add3A = arith.constant 0 : i32
      %add3A_8 = arith.addi %mul3A_7, %add3A : i32
      %mul3A_9 = arith.constant 128 : i32
      %mul3A_10 = arith.muli %add3A_8, %mul3A_9 : i32
      %multiple_of3A = tpu.assume_multiple %mul3A_10, 128 : i32
      %dma_start3A = tpu.memref_slice %arg6[%multiple_of3A] : memref<161792xi32, #tpu.memory_space<hbm>> -> memref<128xi32, #tpu.memory_space<hbm>>
      %dma_start3A_11 = tpu.memref_slice %arg6[%multiple_of3A] : memref<161792xi32, #tpu.memory_space<hbm>> -> memref<128xi32, #tpu.memory_space<hbm>>
      tpu.enqueue_dma source(%dma_start3A_11 : memref<128xi32, #tpu.memory_space<hbm>>) target(%arg10 : memref<128xi32, #tpu.memory_space<vmem>>) target_semaphore(%arg21 : memref<!tpu.dma_semaphore, #tpu.memory_space<semaphore_mem>>)
      %dma_start3A_12 = tpu.memref_slice %arg7[%multiple_of3A] : memref<161792xi32, #tpu.memory_space<hbm>> -> memref<128xi32, #tpu.memory_space<hbm>>
      %dma_start3A_13 = tpu.memref_slice %arg7[%multiple_of3A] : memref<161792xi32, #tpu.memory_space<hbm>> -> memref<128xi32, #tpu.memory_space<hbm>>
      tpu.enqueue_dma source(%dma_start3A_13 : memref<128xi32, #tpu.memory_space<hbm>>) target(%arg14 : memref<128xi32, #tpu.memory_space<vmem>>) target_semaphore(%arg21 : memref<!tpu.dma_semaphore, #tpu.memory_space<semaphore_mem>>)
      %mul3A_14 = arith.constant 79 : i32
      %mul3A_15 = arith.muli %arg1, %mul3A_14 : i32
      %add3A_16 = arith.constant 1 : i32
      %add3A_17 = arith.addi %mul3A_15, %add3A_16 : i32
      %mul3A_18 = arith.constant 128 : i32
      %mul3A_19 = arith.muli %add3A_17, %mul3A_18 : i32
      %multiple_of3A_20 = tpu.assume_multiple %mul3A_19, 128 : i32
      %dma_start3A_21 = tpu.memref_slice %arg6[%multiple_of3A_20] : memref<161792xi32, #tpu.memory_space<hbm>> -> memref<128xi32, #tpu.memory_space<hbm>>
      %dma_start3A_22 = tpu.memref_slice %arg6[%multiple_of3A_20] : memref<161792xi32, #tpu.memory_space<hbm>> -> memref<128xi32, #tpu.memory_space<hbm>>
      tpu.enqueue_dma source(%dma_start3A_22 : memref<128xi32, #tpu.memory_space<hbm>>) target(%arg11 : memref<128xi32, #tpu.memory_space<vmem>>) target_semaphore(%arg22 : memref<!tpu.dma_semaphore, #tpu.memory_space<semaphore_mem>>)
      %dma_start3A_23 = tpu.memref_slice %arg7[%multiple_of3A_20] : memref<161792xi32, #tpu.memory_space<hbm>> -> memref<128xi32, #tpu.memory_space<hbm>>
      %dma_start3A_24 = tpu.memref_slice %arg7[%multiple_of3A_20] : memref<161792xi32, #tpu.memory_space<hbm>> -> memref<128xi32, #tpu.memory_space<hbm>>
      tpu.enqueue_dma source(%dma_start3A_24 : memref<128xi32, #tpu.memory_space<hbm>>) target(%arg15 : memref<128xi32, #tpu.memory_space<vmem>>) target_semaphore(%arg22 : memref<!tpu.dma_semaphore, #tpu.memory_space<semaphore_mem>>)
      %dma_wait3A = arith.constant 0 : i32
      %dma_wait3A_25 = tpu.memref_slice %arg6[%dma_wait3A] : memref<161792xi32, #tpu.memory_space<hbm>> -> memref<128xi32, #tpu.memory_space<hbm>>
      %dma_wait3A_26 = arith.constant 0 : i32
      %dma_wait3A_27 = tpu.memref_slice %arg6[%dma_wait3A_26] : memref<161792xi32, #tpu.memory_space<hbm>> -> memref<128xi32, #tpu.memory_space<hbm>>
      tpu.wait_dma2 semaphore(%arg21 : memref<!tpu.dma_semaphore, #tpu.memory_space<semaphore_mem>>) src(%dma_wait3A_27 : memref<128xi32, #tpu.memory_space<hbm>>) dst(%arg10 : memref<128xi32, #tpu.memory_space<vmem>>)
      %dma_wait3A_28 = arith.constant 0 : i32
      %dma_wait3A_29 = tpu.memref_slice %arg7[%dma_wait3A_28] : memref<161792xi32, #tpu.memory_space<hbm>> -> memref<128xi32, #tpu.memory_space<hbm>>
      %dma_wait3A_30 = arith.constant 0 : i32
      %dma_wait3A_31 = tpu.memref_slice %arg7[%dma_wait3A_30] : memref<161792xi32, #tpu.memory_space<hbm>> -> memref<128xi32, #tpu.memory_space<hbm>>
      tpu.wait_dma2 semaphore(%arg21 : memref<!tpu.dma_semaphore, #tpu.memory_space<semaphore_mem>>) src(%dma_wait3A_31 : memref<128xi32, #tpu.memory_space<hbm>>) dst(%arg14 : memref<128xi32, #tpu.memory_space<vmem>>)
      %dma_start3A_32 = arith.constant 0 : i32
      %dma_start3A_33 = arith.constant 0 : i32
      %dma_start3A_34 = tpu.memref_slice %arg4[%dma_start3A_32, %dma_start3A_33] : memref<10000x128xf32, #tpu.memory_space<hbm>> -> memref<10000x128xf32, #tpu.memory_space<hbm>>
      tpu.enqueue_indirect_dma source(%dma_start3A_34 : memref<10000x128xf32, #tpu.memory_space<hbm>>) target(%arg18 : memref<128x128xf32, #tpu.memory_space<vmem>>) offsets(%arg10 : memref<128xi32, #tpu.memory_space<vmem>>) semaphore(%arg25 : memref<!tpu.dma_semaphore, #tpu.memory_space<semaphore_mem>>)
      %lt3A = arith.constant 15 : i32
      %lt3A_35 = arith.cmpi slt, %arg1, %lt3A : i32
      %convert_element_type3A_36 = arith.extui %lt3A_35 : i1 to i32
      %cond3A_37 = arith.constant 0 : i32
      %cond3A_38 = arith.cmpi ne, %convert_element_type3A_36, %cond3A_37 : i32
      scf.if %cond3A_38 {
        %mul3A_490 = arith.constant 632 : i32
        %mul3A_491 = arith.muli %arg1, %mul3A_490 : i32
        "tpu.region"() ({
          %run_scoped3A_492 = tpu.sem_alloc : memref<!tpu.dma_semaphore, #tpu.memory_space<semaphore_mem>>
          %dma_start3A_493 = arith.constant 0 : i32
          %dma_start3A_494 = tpu.memref_slice %arg20[%mul3A_491, %dma_start3A_493] : memref<10016x128xf32, #tpu.memory_space<vmem_shared>> -> memref<632x128xf32, #tpu.memory_space<vmem_shared>>
          tpu.enqueue_dma source(%arg8 : memref<632x128xf32, #tpu.memory_space<hbm>>) target(%dma_start3A_494 : memref<632x128xf32, #tpu.memory_space<vmem_shared>>) target_semaphore(%run_scoped3A_492 : memref<!tpu.dma_semaphore, #tpu.memory_space<semaphore_mem>>)
          %dma_wait3A_495 = arith.constant 0 : i32
          %dma_wait3A_496 = tpu.memref_slice %arg20[%mul3A_491, %dma_wait3A_495] : memref<10016x128xf32, #tpu.memory_space<vmem_shared>> -> memref<632x128xf32, #tpu.memory_space<vmem_shared>>
          tpu.wait_dma2 semaphore(%run_scoped3A_492 : memref<!tpu.dma_semaphore, #tpu.memory_space<semaphore_mem>>) src(%arg8 : memref<632x128xf32, #tpu.memory_space<hbm>>) dst(%dma_wait3A_496 : memref<632x128xf32, #tpu.memory_space<vmem_shared>>)
          tpu.yield
        }) : () -> ()
      } else {
      }
      %eq3A_39 = arith.constant 15 : i32
      %eq3A_40 = arith.cmpi eq, %arg1, %eq3A_39 : i32
      %convert_element_type3A_41 = arith.extui %eq3A_40 : i1 to i32
      %cond3A_42 = arith.constant 0 : i32
      %cond3A_43 = arith.cmpi ne, %convert_element_type3A_41, %cond3A_42 : i32
      scf.if %cond3A_43 {
        "tpu.region"() ({
          %run_scoped3A_490 = tpu.sem_alloc : memref<!tpu.dma_semaphore, #tpu.memory_space<semaphore_mem>>
          %dma_start3A_491 = arith.constant 9480 : i32
          %dma_start3A_492 = arith.constant 0 : i32
          %dma_start3A_493 = tpu.memref_slice %arg20[%dma_start3A_491, %dma_start3A_492] : memref<10016x128xf32, #tpu.memory_space<vmem_shared>> -> memref<536x128xf32, #tpu.memory_space<vmem_shared>>
          %dma_start3A_494 = arith.constant 0 : i32
          %dma_start3A_495 = arith.constant 0 : i32
          %dma_start3A_496 = tpu.memref_slice %arg8[%dma_start3A_494, %dma_start3A_495] : memref<632x128xf32, #tpu.memory_space<hbm>> -> memref<536x128xf32, #tpu.memory_space<hbm>>
          tpu.enqueue_dma source(%dma_start3A_496 : memref<536x128xf32, #tpu.memory_space<hbm>>) target(%dma_start3A_493 : memref<536x128xf32, #tpu.memory_space<vmem_shared>>) target_semaphore(%run_scoped3A_490 : memref<!tpu.dma_semaphore, #tpu.memory_space<semaphore_mem>>)
          %dma_wait3A_497 = arith.constant 9480 : i32
          %dma_wait3A_498 = arith.constant 0 : i32
          %dma_wait3A_499 = tpu.memref_slice %arg20[%dma_wait3A_497, %dma_wait3A_498] : memref<10016x128xf32, #tpu.memory_space<vmem_shared>> -> memref<536x128xf32, #tpu.memory_space<vmem_shared>>
          %dma_wait3A_500 = arith.constant 0 : i32
          %dma_wait3A_501 = arith.constant 0 : i32
          %dma_wait3A_502 = tpu.memref_slice %arg8[%dma_wait3A_500, %dma_wait3A_501] : memref<632x128xf32, #tpu.memory_space<hbm>> -> memref<536x128xf32, #tpu.memory_space<hbm>>
          tpu.wait_dma2 semaphore(%run_scoped3A_490 : memref<!tpu.dma_semaphore, #tpu.memory_space<semaphore_mem>>) src(%dma_wait3A_502 : memref<536x128xf32, #tpu.memory_space<hbm>>) dst(%dma_wait3A_499 : memref<536x128xf32, #tpu.memory_space<vmem_shared>>)
          tpu.yield
        }) : () -> ()
      } else {
      }
      %barrier3A = arith.constant 0 : index
      tpu.barrier barrier_id(%barrier3A)
      %dma_wait3A_44 = arith.constant 0 : i32
      %dma_wait3A_45 = arith.constant 0 : i32
      %dma_wait3A_46 = tpu.memref_slice %arg4[%dma_wait3A_44, %dma_wait3A_45] : memref<10000x128xf32, #tpu.memory_space<hbm>> -> memref<10000x128xf32, #tpu.memory_space<hbm>>
      tpu.wait_indirect_dma semaphore(%arg25 : memref<!tpu.dma_semaphore, #tpu.memory_space<semaphore_mem>>) src(%dma_wait3A_46 : memref<10000x128xf32, #tpu.memory_space<hbm>>) dst(%arg18 : memref<128x128xf32, #tpu.memory_space<vmem>>)
      %dma_start3A_47 = arith.constant 0 : i32
      %dma_start3A_48 = arith.constant 0 : i32
      %dma_start3A_49 = tpu.memref_slice %arg20[%dma_start3A_47, %dma_start3A_48] : memref<10016x128xf32, #tpu.memory_space<vmem_shared>> -> memref<10016x128xf32, #tpu.memory_space<vmem_shared>>
      tpu.enqueue_indirect_dma source(%arg18 : memref<128x128xf32, #tpu.memory_space<vmem>>) target(%dma_start3A_49 : memref<10016x128xf32, #tpu.memory_space<vmem_shared>>) offsets(%arg14 : memref<128xi32, #tpu.memory_space<vmem>>) semaphore(%arg27 : memref<!tpu.dma_semaphore, #tpu.memory_space<semaphore_mem>>) {add = true}
      %mul3A_50 = arith.constant 79 : i32
      %mul3A_51 = arith.muli %arg1, %mul3A_50 : i32
      %add3A_52 = arith.constant 2 : i32
      %add3A_53 = arith.addi %mul3A_51, %add3A_52 : i32
      %mul3A_54 = arith.constant 128 : i32
      %mul3A_55 = arith.muli %add3A_53, %mul3A_54 : i32
      %multiple_of3A_56 = tpu.assume_multiple %mul3A_55, 128 : i32
      %dma_start3A_57 = tpu.memref_slice %arg6[%multiple_of3A_56] : memref<161792xi32, #tpu.memory_space<hbm>> -> memref<128xi32, #tpu.memory_space<hbm>>
      %dma_start3A_58 = tpu.memref_slice %arg6[%multiple_of3A_56] : memref<161792xi32, #tpu.memory_space<hbm>> -> memref<128xi32, #tpu.memory_space<hbm>>
      tpu.enqueue_dma source(%dma_start3A_58 : memref<128xi32, #tpu.memory_space<hbm>>) target(%arg12 : memref<128xi32, #tpu.memory_space<vmem>>) target_semaphore(%arg23 : memref<!tpu.dma_semaphore, #tpu.memory_space<semaphore_mem>>)
      %dma_start3A_59 = tpu.memref_slice %arg7[%multiple_of3A_56] : memref<161792xi32, #tpu.memory_space<hbm>> -> memref<128xi32, #tpu.memory_space<hbm>>
      %dma_start3A_60 = tpu.memref_slice %arg7[%multiple_of3A_56] : memref<161792xi32, #tpu.memory_space<hbm>> -> memref<128xi32, #tpu.memory_space<hbm>>
      tpu.enqueue_dma source(%dma_start3A_60 : memref<128xi32, #tpu.memory_space<hbm>>) target(%arg16 : memref<128xi32, #tpu.memory_space<vmem>>) target_semaphore(%arg23 : memref<!tpu.dma_semaphore, #tpu.memory_space<semaphore_mem>>)
      %dma_wait3A_61 = arith.constant 0 : i32
      %dma_wait3A_62 = tpu.memref_slice %arg6[%dma_wait3A_61] : memref<161792xi32, #tpu.memory_space<hbm>> -> memref<128xi32, #tpu.memory_space<hbm>>
      %dma_wait3A_63 = arith.constant 0 : i32
      %dma_wait3A_64 = tpu.memref_slice %arg6[%dma_wait3A_63] : memref<161792xi32, #tpu.memory_space<hbm>> -> memref<128xi32, #tpu.memory_space<hbm>>
      tpu.wait_dma2 semaphore(%arg22 : memref<!tpu.dma_semaphore, #tpu.memory_space<semaphore_mem>>) src(%dma_wait3A_64 : memref<128xi32, #tpu.memory_space<hbm>>) dst(%arg11 : memref<128xi32, #tpu.memory_space<vmem>>)
      %dma_wait3A_65 = arith.constant 0 : i32
      %dma_wait3A_66 = tpu.memref_slice %arg7[%dma_wait3A_65] : memref<161792xi32, #tpu.memory_space<hbm>> -> memref<128xi32, #tpu.memory_space<hbm>>
      %dma_wait3A_67 = arith.constant 0 : i32
      %dma_wait3A_68 = tpu.memref_slice %arg7[%dma_wait3A_67] : memref<161792xi32, #tpu.memory_space<hbm>> -> memref<128xi32, #tpu.memory_space<hbm>>
      tpu.wait_dma2 semaphore(%arg22 : memref<!tpu.dma_semaphore, #tpu.memory_space<semaphore_mem>>) src(%dma_wait3A_68 : memref<128xi32, #tpu.memory_space<hbm>>) dst(%arg15 : memref<128xi32, #tpu.memory_space<vmem>>)
      %dma_start3A_69 = arith.constant 0 : i32
      %dma_start3A_70 = arith.constant 0 : i32
      %dma_start3A_71 = tpu.memref_slice %arg4[%dma_start3A_69, %dma_start3A_70] : memref<10000x128xf32, #tpu.memory_space<hbm>> -> memref<10000x128xf32, #tpu.memory_space<hbm>>
      tpu.enqueue_indirect_dma source(%dma_start3A_71 : memref<10000x128xf32, #tpu.memory_space<hbm>>) target(%arg19 : memref<128x128xf32, #tpu.memory_space<vmem>>) offsets(%arg11 : memref<128xi32, #tpu.memory_space<vmem>>) semaphore(%arg26 : memref<!tpu.dma_semaphore, #tpu.memory_space<semaphore_mem>>)
      %dma_wait3A_72 = arith.constant 0 : i32
      %dma_wait3A_73 = arith.constant 0 : i32
      %dma_wait3A_74 = tpu.memref_slice %arg4[%dma_wait3A_72, %dma_wait3A_73] : memref<10000x128xf32, #tpu.memory_space<hbm>> -> memref<10000x128xf32, #tpu.memory_space<hbm>>
      tpu.wait_indirect_dma semaphore(%arg26 : memref<!tpu.dma_semaphore, #tpu.memory_space<semaphore_mem>>) src(%dma_wait3A_74 : memref<10000x128xf32, #tpu.memory_space<hbm>>) dst(%arg19 : memref<128x128xf32, #tpu.memory_space<vmem>>)
      %dma_start3A_75 = arith.constant 0 : i32
      %dma_start3A_76 = arith.constant 0 : i32
      %dma_start3A_77 = tpu.memref_slice %arg20[%dma_start3A_75, %dma_start3A_76] : memref<10016x128xf32, #tpu.memory_space<vmem_shared>> -> memref<10016x128xf32, #tpu.memory_space<vmem_shared>>
      tpu.enqueue_indirect_dma source(%arg19 : memref<128x128xf32, #tpu.memory_space<vmem>>) target(%dma_start3A_77 : memref<10016x128xf32, #tpu.memory_space<vmem_shared>>) offsets(%arg15 : memref<128xi32, #tpu.memory_space<vmem>>) semaphore(%arg28 : memref<!tpu.dma_semaphore, #tpu.memory_space<semaphore_mem>>) {add = true}
      %dma_wait3A_78 = arith.constant 0 : i32
      %dma_wait3A_79 = arith.constant 0 : i32
      %dma_wait3A_80 = tpu.memref_slice %arg20[%dma_wait3A_78, %dma_wait3A_79] : memref<10016x128xf32, #tpu.memory_space<vmem_shared>> -> memref<10016x128xf32, #tpu.memory_space<vmem_shared>>
      tpu.wait_indirect_dma semaphore(%arg27 : memref<!tpu.dma_semaphore, #tpu.memory_space<semaphore_mem>>) src(%arg18 : memref<128x128xf32, #tpu.memory_space<vmem>>) dst(%dma_wait3A_80 : memref<10016x128xf32, #tpu.memory_space<vmem_shared>>)
      %mul3A_81 = arith.constant 79 : i32
      %mul3A_82 = arith.muli %arg1, %mul3A_81 : i32
      %add3A_83 = arith.constant 3 : i32
      %add3A_84 = arith.addi %mul3A_82, %add3A_83 : i32
      %mul3A_85 = arith.constant 128 : i32
      %mul3A_86 = arith.muli %add3A_84, %mul3A_85 : i32
      %multiple_of3A_87 = tpu.assume_multiple %mul3A_86, 128 : i32
      %dma_start3A_88 = tpu.memref_slice %arg6[%multiple_of3A_87] : memref<161792xi32, #tpu.memory_space<hbm>> -> memref<128xi32, #tpu.memory_space<hbm>>
      %dma_start3A_89 = tpu.memref_slice %arg6[%multiple_of3A_87] : memref<161792xi32, #tpu.memory_space<hbm>> -> memref<128xi32, #tpu.memory_space<hbm>>
      tpu.enqueue_dma source(%dma_start3A_89 : memref<128xi32, #tpu.memory_space<hbm>>) target(%arg13 : memref<128xi32, #tpu.memory_space<vmem>>) target_semaphore(%arg24 : memref<!tpu.dma_semaphore, #tpu.memory_space<semaphore_mem>>)
      %dma_start3A_90 = tpu.memref_slice %arg7[%multiple_of3A_87] : memref<161792xi32, #tpu.memory_space<hbm>> -> memref<128xi32, #tpu.memory_space<hbm>>
      %dma_start3A_91 = tpu.memref_slice %arg7[%multiple_of3A_87] : memref<161792xi32, #tpu.memory_space<hbm>> -> memref<128xi32, #tpu.memory_space<hbm>>
      tpu.enqueue_dma source(%dma_start3A_91 : memref<128xi32, #tpu.memory_space<hbm>>) target(%arg17 : memref<128xi32, #tpu.memory_space<vmem>>) target_semaphore(%arg24 : memref<!tpu.dma_semaphore, #tpu.memory_space<semaphore_mem>>)
      %dma_wait3A_92 = arith.constant 0 : i32
      %dma_wait3A_93 = tpu.memref_slice %arg6[%dma_wait3A_92] : memref<161792xi32, #tpu.memory_space<hbm>> -> memref<128xi32, #tpu.memory_space<hbm>>
      %dma_wait3A_94 = arith.constant 0 : i32
      %dma_wait3A_95 = tpu.memref_slice %arg6[%dma_wait3A_94] : memref<161792xi32, #tpu.memory_space<hbm>> -> memref<128xi32, #tpu.memory_space<hbm>>
      tpu.wait_dma2 semaphore(%arg23 : memref<!tpu.dma_semaphore, #tpu.memory_space<semaphore_mem>>) src(%dma_wait3A_95 : memref<128xi32, #tpu.memory_space<hbm>>) dst(%arg12 : memref<128xi32, #tpu.memory_space<vmem>>)
      %dma_wait3A_96 = arith.constant 0 : i32
      %dma_wait3A_97 = tpu.memref_slice %arg7[%dma_wait3A_96] : memref<161792xi32, #tpu.memory_space<hbm>> -> memref<128xi32, #tpu.memory_space<hbm>>
      %dma_wait3A_98 = arith.constant 0 : i32
      %dma_wait3A_99 = tpu.memref_slice %arg7[%dma_wait3A_98] : memref<161792xi32, #tpu.memory_space<hbm>> -> memref<128xi32, #tpu.memory_space<hbm>>
      tpu.wait_dma2 semaphore(%arg23 : memref<!tpu.dma_semaphore, #tpu.memory_space<semaphore_mem>>) src(%dma_wait3A_99 : memref<128xi32, #tpu.memory_space<hbm>>) dst(%arg16 : memref<128xi32, #tpu.memory_space<vmem>>)
      %dma_start3A_100 = arith.constant 0 : i32
      %dma_start3A_101 = arith.constant 0 : i32
      %dma_start3A_102 = tpu.memref_slice %arg4[%dma_start3A_100, %dma_start3A_101] : memref<10000x128xf32, #tpu.memory_space<hbm>> -> memref<10000x128xf32, #tpu.memory_space<hbm>>
      tpu.enqueue_indirect_dma source(%dma_start3A_102 : memref<10000x128xf32, #tpu.memory_space<hbm>>) target(%arg18 : memref<128x128xf32, #tpu.memory_space<vmem>>) offsets(%arg12 : memref<128xi32, #tpu.memory_space<vmem>>) semaphore(%arg25 : memref<!tpu.dma_semaphore, #tpu.memory_space<semaphore_mem>>)
      %dma_wait3A_103 = arith.constant 0 : i32
      %dma_wait3A_104 = arith.constant 0 : i32
      %dma_wait3A_105 = tpu.memref_slice %arg4[%dma_wait3A_103, %dma_wait3A_104] : memref<10000x128xf32, #tpu.memory_space<hbm>> -> memref<10000x128xf32, #tpu.memory_space<hbm>>
      tpu.wait_indirect_dma semaphore(%arg25 : memref<!tpu.dma_semaphore, #tpu.memory_space<semaphore_mem>>) src(%dma_wait3A_105 : memref<10000x128xf32, #tpu.memory_space<hbm>>) dst(%arg18 : memref<128x128xf32, #tpu.memory_space<vmem>>)
      %dma_start3A_106 = arith.constant 0 : i32
      %dma_start3A_107 = arith.constant 0 : i32
      %dma_start3A_108 = tpu.memref_slice %arg20[%dma_start3A_106, %dma_start3A_107] : memref<10016x128xf32, #tpu.memory_space<vmem_shared>> -> memref<10016x128xf32, #tpu.memory_space<vmem_shared>>
      tpu.enqueue_indirect_dma source(%arg18 : memref<128x128xf32, #tpu.memory_space<vmem>>) target(%dma_start3A_108 : memref<10016x128xf32, #tpu.memory_space<vmem_shared>>) offsets(%arg16 : memref<128xi32, #tpu.memory_space<vmem>>) semaphore(%arg27 : memref<!tpu.dma_semaphore, #tpu.memory_space<semaphore_mem>>) {add = true}
      %dma_wait3A_109 = arith.constant 0 : i32
      %dma_wait3A_110 = arith.constant 0 : i32
      %dma_wait3A_111 = tpu.memref_slice %arg20[%dma_wait3A_109, %dma_wait3A_110] : memref<10016x128xf32, #tpu.memory_space<vmem_shared>> -> memref<10016x128xf32, #tpu.memory_space<vmem_shared>>
      tpu.wait_indirect_dma semaphore(%arg28 : memref<!tpu.dma_semaphore, #tpu.memory_space<semaphore_mem>>) src(%arg19 : memref<128x128xf32, #tpu.memory_space<vmem>>) dst(%dma_wait3A_111 : memref<10016x128xf32, #tpu.memory_space<vmem_shared>>)
      %mul3A_112 = arith.constant 79 : i32
      %mul3A_113 = arith.muli %arg1, %mul3A_112 : i32
      %add3A_114 = arith.constant 4 : i32
      %add3A_115 = arith.addi %mul3A_113, %add3A_114 : i32
      %mul3A_116 = arith.constant 128 : i32
      %mul3A_117 = arith.muli %add3A_115, %mul3A_116 : i32
      %multiple_of3A_118 = tpu.assume_multiple %mul3A_117, 128 : i32
      %dma_start3A_119 = tpu.memref_slice %arg6[%multiple_of3A_118] : memref<161792xi32, #tpu.memory_space<hbm>> -> memref<128xi32, #tpu.memory_space<hbm>>
      %dma_start3A_120 = tpu.memref_slice %arg6[%multiple_of3A_118] : memref<161792xi32, #tpu.memory_space<hbm>> -> memref<128xi32, #tpu.memory_space<hbm>>
      tpu.enqueue_dma source(%dma_start3A_120 : memref<128xi32, #tpu.memory_space<hbm>>) target(%arg10 : memref<128xi32, #tpu.memory_space<vmem>>) target_semaphore(%arg21 : memref<!tpu.dma_semaphore, #tpu.memory_space<semaphore_mem>>)
      %dma_start3A_121 = tpu.memref_slice %arg7[%multiple_of3A_118] : memref<161792xi32, #tpu.memory_space<hbm>> -> memref<128xi32, #tpu.memory_space<hbm>>
      %dma_start3A_122 = tpu.memref_slice %arg7[%multiple_of3A_118] : memref<161792xi32, #tpu.memory_space<hbm>> -> memref<128xi32, #tpu.memory_space<hbm>>
      tpu.enqueue_dma source(%dma_start3A_122 : memref<128xi32, #tpu.memory_space<hbm>>) target(%arg14 : memref<128xi32, #tpu.memory_space<vmem>>) target_semaphore(%arg21 : memref<!tpu.dma_semaphore, #tpu.memory_space<semaphore_mem>>)
      %dma_wait3A_123 = arith.constant 0 : i32
      %dma_wait3A_124 = tpu.memref_slice %arg6[%dma_wait3A_123] : memref<161792xi32, #tpu.memory_space<hbm>> -> memref<128xi32, #tpu.memory_space<hbm>>
      %dma_wait3A_125 = arith.constant 0 : i32
      %dma_wait3A_126 = tpu.memref_slice %arg6[%dma_wait3A_125] : memref<161792xi32, #tpu.memory_space<hbm>> -> memref<128xi32, #tpu.memory_space<hbm>>
      tpu.wait_dma2 semaphore(%arg24 : memref<!tpu.dma_semaphore, #tpu.memory_space<semaphore_mem>>) src(%dma_wait3A_126 : memref<128xi32, #tpu.memory_space<hbm>>) dst(%arg13 : memref<128xi32, #tpu.memory_space<vmem>>)
      %dma_wait3A_127 = arith.constant 0 : i32
      %dma_wait3A_128 = tpu.memref_slice %arg7[%dma_wait3A_127] : memref<161792xi32, #tpu.memory_space<hbm>> -> memref<128xi32, #tpu.memory_space<hbm>>
      %dma_wait3A_129 = arith.constant 0 : i32
      %dma_wait3A_130 = tpu.memref_slice %arg7[%dma_wait3A_129] : memref<161792xi32, #tpu.memory_space<hbm>> -> memref<128xi32, #tpu.memory_space<hbm>>
      tpu.wait_dma2 semaphore(%arg24 : memref<!tpu.dma_semaphore, #tpu.memory_space<semaphore_mem>>) src(%dma_wait3A_130 : memref<128xi32, #tpu.memory_space<hbm>>) dst(%arg17 : memref<128xi32, #tpu.memory_space<vmem>>)
      %dma_start3A_131 = arith.constant 0 : i32
      %dma_start3A_132 = arith.constant 0 : i32
      %dma_start3A_133 = tpu.memref_slice %arg4[%dma_start3A_131, %dma_start3A_132] : memref<10000x128xf32, #tpu.memory_space<hbm>> -> memref<10000x128xf32, #tpu.memory_space<hbm>>
      tpu.enqueue_indirect_dma source(%dma_start3A_133 : memref<10000x128xf32, #tpu.memory_space<hbm>>) target(%arg19 : memref<128x128xf32, #tpu.memory_space<vmem>>) offsets(%arg13 : memref<128xi32, #tpu.memory_space<vmem>>) semaphore(%arg26 : memref<!tpu.dma_semaphore, #tpu.memory_space<semaphore_mem>>)
      %dma_wait3A_134 = arith.constant 0 : i32
      %dma_wait3A_135 = arith.constant 0 : i32
      %dma_wait3A_136 = tpu.memref_slice %arg4[%dma_wait3A_134, %dma_wait3A_135] : memref<10000x128xf32, #tpu.memory_space<hbm>> -> memref<10000x128xf32, #tpu.memory_space<hbm>>
      tpu.wait_indirect_dma semaphore(%arg26 : memref<!tpu.dma_semaphore, #tpu.memory_space<semaphore_mem>>) src(%dma_wait3A_136 : memref<10000x128xf32, #tpu.memory_space<hbm>>) dst(%arg19 : memref<128x128xf32, #tpu.memory_space<vmem>>)
      %dma_start3A_137 = arith.constant 0 : i32
      %dma_start3A_138 = arith.constant 0 : i32
      %dma_start3A_139 = tpu.memref_slice %arg20[%dma_start3A_137, %dma_start3A_138] : memref<10016x128xf32, #tpu.memory_space<vmem_shared>> -> memref<10016x128xf32, #tpu.memory_space<vmem_shared>>
      tpu.enqueue_indirect_dma source(%arg19 : memref<128x128xf32, #tpu.memory_space<vmem>>) target(%dma_start3A_139 : memref<10016x128xf32, #tpu.memory_space<vmem_shared>>) offsets(%arg17 : memref<128xi32, #tpu.memory_space<vmem>>) semaphore(%arg28 : memref<!tpu.dma_semaphore, #tpu.memory_space<semaphore_mem>>) {add = true}
      %dma_wait3A_140 = arith.constant 0 : i32
      %dma_wait3A_141 = arith.constant 0 : i32
      %dma_wait3A_142 = tpu.memref_slice %arg20[%dma_wait3A_140, %dma_wait3A_141] : memref<10016x128xf32, #tpu.memory_space<vmem_shared>> -> memref<10016x128xf32, #tpu.memory_space<vmem_shared>>
      tpu.wait_indirect_dma semaphore(%arg27 : memref<!tpu.dma_semaphore, #tpu.memory_space<semaphore_mem>>) src(%arg18 : memref<128x128xf32, #tpu.memory_space<vmem>>) dst(%dma_wait3A_142 : memref<10016x128xf32, #tpu.memory_space<vmem_shared>>)
      %mul3A_143 = arith.constant 79 : i32
      %mul3A_144 = arith.muli %arg1, %mul3A_143 : i32
      %add3A_145 = arith.constant 5 : i32
      %add3A_146 = arith.addi %mul3A_144, %add3A_145 : i32
      %mul3A_147 = arith.constant 128 : i32
      %mul3A_148 = arith.muli %add3A_146, %mul3A_147 : i32
      %multiple_of3A_149 = tpu.assume_multiple %mul3A_148, 128 : i32
      %dma_start3A_150 = tpu.memref_slice %arg6[%multiple_of3A_149] : memref<161792xi32, #tpu.memory_space<hbm>> -> memref<128xi32, #tpu.memory_space<hbm>>
      %dma_start3A_151 = tpu.memref_slice %arg6[%multiple_of3A_149] : memref<161792xi32, #tpu.memory_space<hbm>> -> memref<128xi32, #tpu.memory_space<hbm>>
      tpu.enqueue_dma source(%dma_start3A_151 : memref<128xi32, #tpu.memory_space<hbm>>) target(%arg11 : memref<128xi32, #tpu.memory_space<vmem>>) target_semaphore(%arg22 : memref<!tpu.dma_semaphore, #tpu.memory_space<semaphore_mem>>)
      %dma_start3A_152 = tpu.memref_slice %arg7[%multiple_of3A_149] : memref<161792xi32, #tpu.memory_space<hbm>> -> memref<128xi32, #tpu.memory_space<hbm>>
      %dma_start3A_153 = tpu.memref_slice %arg7[%multiple_of3A_149] : memref<161792xi32, #tpu.memory_space<hbm>> -> memref<128xi32, #tpu.memory_space<hbm>>
      tpu.enqueue_dma source(%dma_start3A_153 : memref<128xi32, #tpu.memory_space<hbm>>) target(%arg15 : memref<128xi32, #tpu.memory_space<vmem>>) target_semaphore(%arg22 : memref<!tpu.dma_semaphore, #tpu.memory_space<semaphore_mem>>)
      %dma_wait3A_154 = arith.constant 0 : i32
      %dma_wait3A_155 = tpu.memref_slice %arg6[%dma_wait3A_154] : memref<161792xi32, #tpu.memory_space<hbm>> -> memref<128xi32, #tpu.memory_space<hbm>>
      %dma_wait3A_156 = arith.constant 0 : i32
      %dma_wait3A_157 = tpu.memref_slice %arg6[%dma_wait3A_156] : memref<161792xi32, #tpu.memory_space<hbm>> -> memref<128xi32, #tpu.memory_space<hbm>>
      tpu.wait_dma2 semaphore(%arg21 : memref<!tpu.dma_semaphore, #tpu.memory_space<semaphore_mem>>) src(%dma_wait3A_157 : memref<128xi32, #tpu.memory_space<hbm>>) dst(%arg10 : memref<128xi32, #tpu.memory_space<vmem>>)
      %dma_wait3A_158 = arith.constant 0 : i32
      %dma_wait3A_159 = tpu.memref_slice %arg7[%dma_wait3A_158] : memref<161792xi32, #tpu.memory_space<hbm>> -> memref<128xi32, #tpu.memory_space<hbm>>
      %dma_wait3A_160 = arith.constant 0 : i32
      %dma_wait3A_161 = tpu.memref_slice %arg7[%dma_wait3A_160] : memref<161792xi32, #tpu.memory_space<hbm>> -> memref<128xi32, #tpu.memory_space<hbm>>
      tpu.wait_dma2 semaphore(%arg21 : memref<!tpu.dma_semaphore, #tpu.memory_space<semaphore_mem>>) src(%dma_wait3A_161 : memref<128xi32, #tpu.memory_space<hbm>>) dst(%arg14 : memref<128xi32, #tpu.memory_space<vmem>>)
      %dma_start3A_162 = arith.constant 0 : i32
      %dma_start3A_163 = arith.constant 0 : i32
      %dma_start3A_164 = tpu.memref_slice %arg4[%dma_start3A_162, %dma_start3A_163] : memref<10000x128xf32, #tpu.memory_space<hbm>> -> memref<10000x128xf32, #tpu.memory_space<hbm>>
      tpu.enqueue_indirect_dma source(%dma_start3A_164 : memref<10000x128xf32, #tpu.memory_space<hbm>>) target(%arg18 : memref<128x128xf32, #tpu.memory_space<vmem>>) offsets(%arg10 : memref<128xi32, #tpu.memory_space<vmem>>) semaphore(%arg25 : memref<!tpu.dma_semaphore, #tpu.memory_space<semaphore_mem>>)
      %scan3A = arith.constant 0 : i32
      %scan3A_165 = arith.constant 1 : i32
      %scan3A_166 = arith.constant 18 : i32
      %scan3A_167 = arith.addi %scan3A_165, %scan3A_166 : i32
      %scan3A_168 = arith.constant 1 : i32
      scf.for %scan3A_490 = %scan3A_165 to %scan3A_167 step %scan3A_168  : i32 {
        %mul3A_491 = arith.constant 4 : i32
        %mul3A_492 = arith.muli %scan3A_490, %mul3A_491 : i32
        %add3A_493 = arith.constant 0 : i32
        %add3A_494 = arith.addi %mul3A_492, %add3A_493 : i32
        %dma_wait3A_495 = arith.constant 0 : i32
        %dma_wait3A_496 = arith.constant 0 : i32
        %dma_wait3A_497 = tpu.memref_slice %arg4[%dma_wait3A_495, %dma_wait3A_496] : memref<10000x128xf32, #tpu.memory_space<hbm>> -> memref<10000x128xf32, #tpu.memory_space<hbm>>
        tpu.wait_indirect_dma semaphore(%arg25 : memref<!tpu.dma_semaphore, #tpu.memory_space<semaphore_mem>>) src(%dma_wait3A_497 : memref<10000x128xf32, #tpu.memory_space<hbm>>) dst(%arg18 : memref<128x128xf32, #tpu.memory_space<vmem>>)
        %dma_start3A_498 = arith.constant 0 : i32
        %dma_start3A_499 = arith.constant 0 : i32
        %dma_start3A_500 = tpu.memref_slice %arg20[%dma_start3A_498, %dma_start3A_499] : memref<10016x128xf32, #tpu.memory_space<vmem_shared>> -> memref<10016x128xf32, #tpu.memory_space<vmem_shared>>
        tpu.enqueue_indirect_dma source(%arg18 : memref<128x128xf32, #tpu.memory_space<vmem>>) target(%dma_start3A_500 : memref<10016x128xf32, #tpu.memory_space<vmem_shared>>) offsets(%arg14 : memref<128xi32, #tpu.memory_space<vmem>>) semaphore(%arg27 : memref<!tpu.dma_semaphore, #tpu.memory_space<semaphore_mem>>) {add = true}
        %dma_wait3A_501 = arith.constant 0 : i32
        %dma_wait3A_502 = arith.constant 0 : i32
        %dma_wait3A_503 = tpu.memref_slice %arg20[%dma_wait3A_501, %dma_wait3A_502] : memref<10016x128xf32, #tpu.memory_space<vmem_shared>> -> memref<10016x128xf32, #tpu.memory_space<vmem_shared>>
        tpu.wait_indirect_dma semaphore(%arg28 : memref<!tpu.dma_semaphore, #tpu.memory_space<semaphore_mem>>) src(%arg19 : memref<128x128xf32, #tpu.memory_space<vmem>>) dst(%dma_wait3A_503 : memref<10016x128xf32, #tpu.memory_space<vmem_shared>>)
        %add3A_504 = arith.constant 2 : i32
        %add3A_505 = arith.addi %add3A_494, %add3A_504 : i32
        %lt3A_506 = arith.constant 79 : i32
        %lt3A_507 = arith.cmpi slt, %add3A_505, %lt3A_506 : i32
        %convert_element_type3A_508 = arith.extui %lt3A_507 : i1 to i32
        %cond3A_509 = arith.constant 0 : i32
        %cond3A_510 = arith.cmpi ne, %convert_element_type3A_508, %cond3A_509 : i32
        scf.if %cond3A_510 {
          %add3A_615 = arith.constant 2 : i32
          %add3A_616 = arith.addi %add3A_494, %add3A_615 : i32
          %mul3A_617 = arith.constant 79 : i32
          %mul3A_618 = arith.muli %arg1, %mul3A_617 : i32
          %add3A_619 = arith.addi %mul3A_618, %add3A_616 : i32
          %mul3A_620 = arith.constant 128 : i32
          %mul3A_621 = arith.muli %add3A_619, %mul3A_620 : i32
          %multiple_of3A_622 = tpu.assume_multiple %mul3A_621, 128 : i32
          %dma_start3A_623 = tpu.memref_slice %arg6[%multiple_of3A_622] : memref<161792xi32, #tpu.memory_space<hbm>> -> memref<128xi32, #tpu.memory_space<hbm>>
          %dma_start3A_624 = tpu.memref_slice %arg6[%multiple_of3A_622] : memref<161792xi32, #tpu.memory_space<hbm>> -> memref<128xi32, #tpu.memory_space<hbm>>
          tpu.enqueue_dma source(%dma_start3A_624 : memref<128xi32, #tpu.memory_space<hbm>>) target(%arg12 : memref<128xi32, #tpu.memory_space<vmem>>) target_semaphore(%arg23 : memref<!tpu.dma_semaphore, #tpu.memory_space<semaphore_mem>>)
          %dma_start3A_625 = tpu.memref_slice %arg7[%multiple_of3A_622] : memref<161792xi32, #tpu.memory_space<hbm>> -> memref<128xi32, #tpu.memory_space<hbm>>
          %dma_start3A_626 = tpu.memref_slice %arg7[%multiple_of3A_622] : memref<161792xi32, #tpu.memory_space<hbm>> -> memref<128xi32, #tpu.memory_space<hbm>>
          tpu.enqueue_dma source(%dma_start3A_626 : memref<128xi32, #tpu.memory_space<hbm>>) target(%arg16 : memref<128xi32, #tpu.memory_space<vmem>>) target_semaphore(%arg23 : memref<!tpu.dma_semaphore, #tpu.memory_space<semaphore_mem>>)
        } else {
        }
        %dma_wait3A_511 = arith.constant 0 : i32
        %dma_wait3A_512 = tpu.memref_slice %arg6[%dma_wait3A_511] : memref<161792xi32, #tpu.memory_space<hbm>> -> memref<128xi32, #tpu.memory_space<hbm>>
        %dma_wait3A_513 = arith.constant 0 : i32
        %dma_wait3A_514 = tpu.memref_slice %arg6[%dma_wait3A_513] : memref<161792xi32, #tpu.memory_space<hbm>> -> memref<128xi32, #tpu.memory_space<hbm>>
        tpu.wait_dma2 semaphore(%arg22 : memref<!tpu.dma_semaphore, #tpu.memory_space<semaphore_mem>>) src(%dma_wait3A_514 : memref<128xi32, #tpu.memory_space<hbm>>) dst(%arg11 : memref<128xi32, #tpu.memory_space<vmem>>)
        %dma_wait3A_515 = arith.constant 0 : i32
        %dma_wait3A_516 = tpu.memref_slice %arg7[%dma_wait3A_515] : memref<161792xi32, #tpu.memory_space<hbm>> -> memref<128xi32, #tpu.memory_space<hbm>>
        %dma_wait3A_517 = arith.constant 0 : i32
        %dma_wait3A_518 = tpu.memref_slice %arg7[%dma_wait3A_517] : memref<161792xi32, #tpu.memory_space<hbm>> -> memref<128xi32, #tpu.memory_space<hbm>>
        tpu.wait_dma2 semaphore(%arg22 : memref<!tpu.dma_semaphore, #tpu.memory_space<semaphore_mem>>) src(%dma_wait3A_518 : memref<128xi32, #tpu.memory_space<hbm>>) dst(%arg15 : memref<128xi32, #tpu.memory_space<vmem>>)
        %dma_start3A_519 = arith.constant 0 : i32
        %dma_start3A_520 = arith.constant 0 : i32
        %dma_start3A_521 = tpu.memref_slice %arg4[%dma_start3A_519, %dma_start3A_520] : memref<10000x128xf32, #tpu.memory_space<hbm>> -> memref<10000x128xf32, #tpu.memory_space<hbm>>
        tpu.enqueue_indirect_dma source(%dma_start3A_521 : memref<10000x128xf32, #tpu.memory_space<hbm>>) target(%arg19 : memref<128x128xf32, #tpu.memory_space<vmem>>) offsets(%arg11 : memref<128xi32, #tpu.memory_space<vmem>>) semaphore(%arg26 : memref<!tpu.dma_semaphore, #tpu.memory_space<semaphore_mem>>)
        %mul3A_522 = arith.constant 4 : i32
        %mul3A_523 = arith.muli %scan3A_490, %mul3A_522 : i32
        %add3A_524 = arith.constant 1 : i32
        %add3A_525 = arith.addi %mul3A_523, %add3A_524 : i32
        %dma_wait3A_526 = arith.constant 0 : i32
        %dma_wait3A_527 = arith.constant 0 : i32
        %dma_wait3A_528 = tpu.memref_slice %arg4[%dma_wait3A_526, %dma_wait3A_527] : memref<10000x128xf32, #tpu.memory_space<hbm>> -> memref<10000x128xf32, #tpu.memory_space<hbm>>
        tpu.wait_indirect_dma semaphore(%arg26 : memref<!tpu.dma_semaphore, #tpu.memory_space<semaphore_mem>>) src(%dma_wait3A_528 : memref<10000x128xf32, #tpu.memory_space<hbm>>) dst(%arg19 : memref<128x128xf32, #tpu.memory_space<vmem>>)
        %dma_start3A_529 = arith.constant 0 : i32
        %dma_start3A_530 = arith.constant 0 : i32
        %dma_start3A_531 = tpu.memref_slice %arg20[%dma_start3A_529, %dma_start3A_530] : memref<10016x128xf32, #tpu.memory_space<vmem_shared>> -> memref<10016x128xf32, #tpu.memory_space<vmem_shared>>
        tpu.enqueue_indirect_dma source(%arg19 : memref<128x128xf32, #tpu.memory_space<vmem>>) target(%dma_start3A_531 : memref<10016x128xf32, #tpu.memory_space<vmem_shared>>) offsets(%arg15 : memref<128xi32, #tpu.memory_space<vmem>>) semaphore(%arg28 : memref<!tpu.dma_semaphore, #tpu.memory_space<semaphore_mem>>) {add = true}
        %dma_wait3A_532 = arith.constant 0 : i32
        %dma_wait3A_533 = arith.constant 0 : i32
        %dma_wait3A_534 = tpu.memref_slice %arg20[%dma_wait3A_532, %dma_wait3A_533] : memref<10016x128xf32, #tpu.memory_space<vmem_shared>> -> memref<10016x128xf32, #tpu.memory_space<vmem_shared>>
        tpu.wait_indirect_dma semaphore(%arg27 : memref<!tpu.dma_semaphore, #tpu.memory_space<semaphore_mem>>) src(%arg18 : memref<128x128xf32, #tpu.memory_space<vmem>>) dst(%dma_wait3A_534 : memref<10016x128xf32, #tpu.memory_space<vmem_shared>>)
        %add3A_535 = arith.constant 2 : i32
        %add3A_536 = arith.addi %add3A_525, %add3A_535 : i32
        %lt3A_537 = arith.constant 79 : i32
        %lt3A_538 = arith.cmpi slt, %add3A_536, %lt3A_537 : i32
        %convert_element_type3A_539 = arith.extui %lt3A_538 : i1 to i32
        %cond3A_540 = arith.constant 0 : i32
        %cond3A_541 = arith.cmpi ne, %convert_element_type3A_539, %cond3A_540 : i32
        scf.if %cond3A_541 {
          %add3A_615 = arith.constant 2 : i32
          %add3A_616 = arith.addi %add3A_525, %add3A_615 : i32
          %mul3A_617 = arith.constant 79 : i32
          %mul3A_618 = arith.muli %arg1, %mul3A_617 : i32
          %add3A_619 = arith.addi %mul3A_618, %add3A_616 : i32
          %mul3A_620 = arith.constant 128 : i32
          %mul3A_621 = arith.muli %add3A_619, %mul3A_620 : i32
          %multiple_of3A_622 = tpu.assume_multiple %mul3A_621, 128 : i32
          %dma_start3A_623 = tpu.memref_slice %arg6[%multiple_of3A_622] : memref<161792xi32, #tpu.memory_space<hbm>> -> memref<128xi32, #tpu.memory_space<hbm>>
          %dma_start3A_624 = tpu.memref_slice %arg6[%multiple_of3A_622] : memref<161792xi32, #tpu.memory_space<hbm>> -> memref<128xi32, #tpu.memory_space<hbm>>
          tpu.enqueue_dma source(%dma_start3A_624 : memref<128xi32, #tpu.memory_space<hbm>>) target(%arg13 : memref<128xi32, #tpu.memory_space<vmem>>) target_semaphore(%arg24 : memref<!tpu.dma_semaphore, #tpu.memory_space<semaphore_mem>>)
          %dma_start3A_625 = tpu.memref_slice %arg7[%multiple_of3A_622] : memref<161792xi32, #tpu.memory_space<hbm>> -> memref<128xi32, #tpu.memory_space<hbm>>
          %dma_start3A_626 = tpu.memref_slice %arg7[%multiple_of3A_622] : memref<161792xi32, #tpu.memory_space<hbm>> -> memref<128xi32, #tpu.memory_space<hbm>>
          tpu.enqueue_dma source(%dma_start3A_626 : memref<128xi32, #tpu.memory_space<hbm>>) target(%arg17 : memref<128xi32, #tpu.memory_space<vmem>>) target_semaphore(%arg24 : memref<!tpu.dma_semaphore, #tpu.memory_space<semaphore_mem>>)
        } else {
        }
        %dma_wait3A_542 = arith.constant 0 : i32
        %dma_wait3A_543 = tpu.memref_slice %arg6[%dma_wait3A_542] : memref<161792xi32, #tpu.memory_space<hbm>> -> memref<128xi32, #tpu.memory_space<hbm>>
        %dma_wait3A_544 = arith.constant 0 : i32
        %dma_wait3A_545 = tpu.memref_slice %arg6[%dma_wait3A_544] : memref<161792xi32, #tpu.memory_space<hbm>> -> memref<128xi32, #tpu.memory_space<hbm>>
        tpu.wait_dma2 semaphore(%arg23 : memref<!tpu.dma_semaphore, #tpu.memory_space<semaphore_mem>>) src(%dma_wait3A_545 : memref<128xi32, #tpu.memory_space<hbm>>) dst(%arg12 : memref<128xi32, #tpu.memory_space<vmem>>)
        %dma_wait3A_546 = arith.constant 0 : i32
        %dma_wait3A_547 = tpu.memref_slice %arg7[%dma_wait3A_546] : memref<161792xi32, #tpu.memory_space<hbm>> -> memref<128xi32, #tpu.memory_space<hbm>>
        %dma_wait3A_548 = arith.constant 0 : i32
        %dma_wait3A_549 = tpu.memref_slice %arg7[%dma_wait3A_548] : memref<161792xi32, #tpu.memory_space<hbm>> -> memref<128xi32, #tpu.memory_space<hbm>>
        tpu.wait_dma2 semaphore(%arg23 : memref<!tpu.dma_semaphore, #tpu.memory_space<semaphore_mem>>) src(%dma_wait3A_549 : memref<128xi32, #tpu.memory_space<hbm>>) dst(%arg16 : memref<128xi32, #tpu.memory_space<vmem>>)
        %dma_start3A_550 = arith.constant 0 : i32
        %dma_start3A_551 = arith.constant 0 : i32
        %dma_start3A_552 = tpu.memref_slice %arg4[%dma_start3A_550, %dma_start3A_551] : memref<10000x128xf32, #tpu.memory_space<hbm>> -> memref<10000x128xf32, #tpu.memory_space<hbm>>
        tpu.enqueue_indirect_dma source(%dma_start3A_552 : memref<10000x128xf32, #tpu.memory_space<hbm>>) target(%arg18 : memref<128x128xf32, #tpu.memory_space<vmem>>) offsets(%arg12 : memref<128xi32, #tpu.memory_space<vmem>>) semaphore(%arg25 : memref<!tpu.dma_semaphore, #tpu.memory_space<semaphore_mem>>)
        %mul3A_553 = arith.constant 4 : i32
        %mul3A_554 = arith.muli %scan3A_490, %mul3A_553 : i32
        %add3A_555 = arith.constant 2 : i32
        %add3A_556 = arith.addi %mul3A_554, %add3A_555 : i32
        %dma_wait3A_557 = arith.constant 0 : i32
        %dma_wait3A_558 = arith.constant 0 : i32
        %dma_wait3A_559 = tpu.memref_slice %arg4[%dma_wait3A_557, %dma_wait3A_558] : memref<10000x128xf32, #tpu.memory_space<hbm>> -> memref<10000x128xf32, #tpu.memory_space<hbm>>
        tpu.wait_indirect_dma semaphore(%arg25 : memref<!tpu.dma_semaphore, #tpu.memory_space<semaphore_mem>>) src(%dma_wait3A_559 : memref<10000x128xf32, #tpu.memory_space<hbm>>) dst(%arg18 : memref<128x128xf32, #tpu.memory_space<vmem>>)
        %dma_start3A_560 = arith.constant 0 : i32
        %dma_start3A_561 = arith.constant 0 : i32
        %dma_start3A_562 = tpu.memref_slice %arg20[%dma_start3A_560, %dma_start3A_561] : memref<10016x128xf32, #tpu.memory_space<vmem_shared>> -> memref<10016x128xf32, #tpu.memory_space<vmem_shared>>
        tpu.enqueue_indirect_dma source(%arg18 : memref<128x128xf32, #tpu.memory_space<vmem>>) target(%dma_start3A_562 : memref<10016x128xf32, #tpu.memory_space<vmem_shared>>) offsets(%arg16 : memref<128xi32, #tpu.memory_space<vmem>>) semaphore(%arg27 : memref<!tpu.dma_semaphore, #tpu.memory_space<semaphore_mem>>) {add = true}
        %dma_wait3A_563 = arith.constant 0 : i32
        %dma_wait3A_564 = arith.constant 0 : i32
        %dma_wait3A_565 = tpu.memref_slice %arg20[%dma_wait3A_563, %dma_wait3A_564] : memref<10016x128xf32, #tpu.memory_space<vmem_shared>> -> memref<10016x128xf32, #tpu.memory_space<vmem_shared>>
        tpu.wait_indirect_dma semaphore(%arg28 : memref<!tpu.dma_semaphore, #tpu.memory_space<semaphore_mem>>) src(%arg19 : memref<128x128xf32, #tpu.memory_space<vmem>>) dst(%dma_wait3A_565 : memref<10016x128xf32, #tpu.memory_space<vmem_shared>>)
        %add3A_566 = arith.constant 2 : i32
        %add3A_567 = arith.addi %add3A_556, %add3A_566 : i32
        %lt3A_568 = arith.constant 79 : i32
        %lt3A_569 = arith.cmpi slt, %add3A_567, %lt3A_568 : i32
        %convert_element_type3A_570 = arith.extui %lt3A_569 : i1 to i32
        %cond3A_571 = arith.constant 0 : i32
        %cond3A_572 = arith.cmpi ne, %convert_element_type3A_570, %cond3A_571 : i32
        scf.if %cond3A_572 {
          %add3A_615 = arith.constant 2 : i32
          %add3A_616 = arith.addi %add3A_556, %add3A_615 : i32
          %mul3A_617 = arith.constant 79 : i32
          %mul3A_618 = arith.muli %arg1, %mul3A_617 : i32
          %add3A_619 = arith.addi %mul3A_618, %add3A_616 : i32
          %mul3A_620 = arith.constant 128 : i32
          %mul3A_621 = arith.muli %add3A_619, %mul3A_620 : i32
          %multiple_of3A_622 = tpu.assume_multiple %mul3A_621, 128 : i32
          %dma_start3A_623 = tpu.memref_slice %arg6[%multiple_of3A_622] : memref<161792xi32, #tpu.memory_space<hbm>> -> memref<128xi32, #tpu.memory_space<hbm>>
          %dma_start3A_624 = tpu.memref_slice %arg6[%multiple_of3A_622] : memref<161792xi32, #tpu.memory_space<hbm>> -> memref<128xi32, #tpu.memory_space<hbm>>
          tpu.enqueue_dma source(%dma_start3A_624 : memref<128xi32, #tpu.memory_space<hbm>>) target(%arg10 : memref<128xi32, #tpu.memory_space<vmem>>) target_semaphore(%arg21 : memref<!tpu.dma_semaphore, #tpu.memory_space<semaphore_mem>>)
          %dma_start3A_625 = tpu.memref_slice %arg7[%multiple_of3A_622] : memref<161792xi32, #tpu.memory_space<hbm>> -> memref<128xi32, #tpu.memory_space<hbm>>
          %dma_start3A_626 = tpu.memref_slice %arg7[%multiple_of3A_622] : memref<161792xi32, #tpu.memory_space<hbm>> -> memref<128xi32, #tpu.memory_space<hbm>>
          tpu.enqueue_dma source(%dma_start3A_626 : memref<128xi32, #tpu.memory_space<hbm>>) target(%arg14 : memref<128xi32, #tpu.memory_space<vmem>>) target_semaphore(%arg21 : memref<!tpu.dma_semaphore, #tpu.memory_space<semaphore_mem>>)
        } else {
        }
        %dma_wait3A_573 = arith.constant 0 : i32
        %dma_wait3A_574 = tpu.memref_slice %arg6[%dma_wait3A_573] : memref<161792xi32, #tpu.memory_space<hbm>> -> memref<128xi32, #tpu.memory_space<hbm>>
        %dma_wait3A_575 = arith.constant 0 : i32
        %dma_wait3A_576 = tpu.memref_slice %arg6[%dma_wait3A_575] : memref<161792xi32, #tpu.memory_space<hbm>> -> memref<128xi32, #tpu.memory_space<hbm>>
        tpu.wait_dma2 semaphore(%arg24 : memref<!tpu.dma_semaphore, #tpu.memory_space<semaphore_mem>>) src(%dma_wait3A_576 : memref<128xi32, #tpu.memory_space<hbm>>) dst(%arg13 : memref<128xi32, #tpu.memory_space<vmem>>)
        %dma_wait3A_577 = arith.constant 0 : i32
        %dma_wait3A_578 = tpu.memref_slice %arg7[%dma_wait3A_577] : memref<161792xi32, #tpu.memory_space<hbm>> -> memref<128xi32, #tpu.memory_space<hbm>>
        %dma_wait3A_579 = arith.constant 0 : i32
        %dma_wait3A_580 = tpu.memref_slice %arg7[%dma_wait3A_579] : memref<161792xi32, #tpu.memory_space<hbm>> -> memref<128xi32, #tpu.memory_space<hbm>>
        tpu.wait_dma2 semaphore(%arg24 : memref<!tpu.dma_semaphore, #tpu.memory_space<semaphore_mem>>) src(%dma_wait3A_580 : memref<128xi32, #tpu.memory_space<hbm>>) dst(%arg17 : memref<128xi32, #tpu.memory_space<vmem>>)
        %dma_start3A_581 = arith.constant 0 : i32
        %dma_start3A_582 = arith.constant 0 : i32
        %dma_start3A_583 = tpu.memref_slice %arg4[%dma_start3A_581, %dma_start3A_582] : memref<10000x128xf32, #tpu.memory_space<hbm>> -> memref<10000x128xf32, #tpu.memory_space<hbm>>
        tpu.enqueue_indirect_dma source(%dma_start3A_583 : memref<10000x128xf32, #tpu.memory_space<hbm>>) target(%arg19 : memref<128x128xf32, #tpu.memory_space<vmem>>) offsets(%arg13 : memref<128xi32, #tpu.memory_space<vmem>>) semaphore(%arg26 : memref<!tpu.dma_semaphore, #tpu.memory_space<semaphore_mem>>)
        %mul3A_584 = arith.constant 4 : i32
        %mul3A_585 = arith.muli %scan3A_490, %mul3A_584 : i32
        %add3A_586 = arith.constant 3 : i32
        %add3A_587 = arith.addi %mul3A_585, %add3A_586 : i32
        %dma_wait3A_588 = arith.constant 0 : i32
        %dma_wait3A_589 = arith.constant 0 : i32
        %dma_wait3A_590 = tpu.memref_slice %arg4[%dma_wait3A_588, %dma_wait3A_589] : memref<10000x128xf32, #tpu.memory_space<hbm>> -> memref<10000x128xf32, #tpu.memory_space<hbm>>
        tpu.wait_indirect_dma semaphore(%arg26 : memref<!tpu.dma_semaphore, #tpu.memory_space<semaphore_mem>>) src(%dma_wait3A_590 : memref<10000x128xf32, #tpu.memory_space<hbm>>) dst(%arg19 : memref<128x128xf32, #tpu.memory_space<vmem>>)
        %dma_start3A_591 = arith.constant 0 : i32
        %dma_start3A_592 = arith.constant 0 : i32
        %dma_start3A_593 = tpu.memref_slice %arg20[%dma_start3A_591, %dma_start3A_592] : memref<10016x128xf32, #tpu.memory_space<vmem_shared>> -> memref<10016x128xf32, #tpu.memory_space<vmem_shared>>
        tpu.enqueue_indirect_dma source(%arg19 : memref<128x128xf32, #tpu.memory_space<vmem>>) target(%dma_start3A_593 : memref<10016x128xf32, #tpu.memory_space<vmem_shared>>) offsets(%arg17 : memref<128xi32, #tpu.memory_space<vmem>>) semaphore(%arg28 : memref<!tpu.dma_semaphore, #tpu.memory_space<semaphore_mem>>) {add = true}
        %dma_wait3A_594 = arith.constant 0 : i32
        %dma_wait3A_595 = arith.constant 0 : i32
        %dma_wait3A_596 = tpu.memref_slice %arg20[%dma_wait3A_594, %dma_wait3A_595] : memref<10016x128xf32, #tpu.memory_space<vmem_shared>> -> memref<10016x128xf32, #tpu.memory_space<vmem_shared>>
        tpu.wait_indirect_dma semaphore(%arg27 : memref<!tpu.dma_semaphore, #tpu.memory_space<semaphore_mem>>) src(%arg18 : memref<128x128xf32, #tpu.memory_space<vmem>>) dst(%dma_wait3A_596 : memref<10016x128xf32, #tpu.memory_space<vmem_shared>>)
        %add3A_597 = arith.constant 2 : i32
        %add3A_598 = arith.addi %add3A_587, %add3A_597 : i32
        %lt3A_599 = arith.constant 79 : i32
        %lt3A_600 = arith.cmpi slt, %add3A_598, %lt3A_599 : i32
        %convert_element_type3A_601 = arith.extui %lt3A_600 : i1 to i32
        %cond3A_602 = arith.constant 0 : i32
        %cond3A_603 = arith.cmpi ne, %convert_element_type3A_601, %cond3A_602 : i32
        scf.if %cond3A_603 {
          %add3A_615 = arith.constant 2 : i32
          %add3A_616 = arith.addi %add3A_587, %add3A_615 : i32
          %mul3A_617 = arith.constant 79 : i32
          %mul3A_618 = arith.muli %arg1, %mul3A_617 : i32
          %add3A_619 = arith.addi %mul3A_618, %add3A_616 : i32
          %mul3A_620 = arith.constant 128 : i32
          %mul3A_621 = arith.muli %add3A_619, %mul3A_620 : i32
          %multiple_of3A_622 = tpu.assume_multiple %mul3A_621, 128 : i32
          %dma_start3A_623 = tpu.memref_slice %arg6[%multiple_of3A_622] : memref<161792xi32, #tpu.memory_space<hbm>> -> memref<128xi32, #tpu.memory_space<hbm>>
          %dma_start3A_624 = tpu.memref_slice %arg6[%multiple_of3A_622] : memref<161792xi32, #tpu.memory_space<hbm>> -> memref<128xi32, #tpu.memory_space<hbm>>
          tpu.enqueue_dma source(%dma_start3A_624 : memref<128xi32, #tpu.memory_space<hbm>>) target(%arg11 : memref<128xi32, #tpu.memory_space<vmem>>) target_semaphore(%arg22 : memref<!tpu.dma_semaphore, #tpu.memory_space<semaphore_mem>>)
          %dma_start3A_625 = tpu.memref_slice %arg7[%multiple_of3A_622] : memref<161792xi32, #tpu.memory_space<hbm>> -> memref<128xi32, #tpu.memory_space<hbm>>
          %dma_start3A_626 = tpu.memref_slice %arg7[%multiple_of3A_622] : memref<161792xi32, #tpu.memory_space<hbm>> -> memref<128xi32, #tpu.memory_space<hbm>>
          tpu.enqueue_dma source(%dma_start3A_626 : memref<128xi32, #tpu.memory_space<hbm>>) target(%arg15 : memref<128xi32, #tpu.memory_space<vmem>>) target_semaphore(%arg22 : memref<!tpu.dma_semaphore, #tpu.memory_space<semaphore_mem>>)
        } else {
        }
        %dma_wait3A_604 = arith.constant 0 : i32
        %dma_wait3A_605 = tpu.memref_slice %arg6[%dma_wait3A_604] : memref<161792xi32, #tpu.memory_space<hbm>> -> memref<128xi32, #tpu.memory_space<hbm>>
        %dma_wait3A_606 = arith.constant 0 : i32
        %dma_wait3A_607 = tpu.memref_slice %arg6[%dma_wait3A_606] : memref<161792xi32, #tpu.memory_space<hbm>> -> memref<128xi32, #tpu.memory_space<hbm>>
        tpu.wait_dma2 semaphore(%arg21 : memref<!tpu.dma_semaphore, #tpu.memory_space<semaphore_mem>>) src(%dma_wait3A_607 : memref<128xi32, #tpu.memory_space<hbm>>) dst(%arg10 : memref<128xi32, #tpu.memory_space<vmem>>)
        %dma_wait3A_608 = arith.constant 0 : i32
        %dma_wait3A_609 = tpu.memref_slice %arg7[%dma_wait3A_608] : memref<161792xi32, #tpu.memory_space<hbm>> -> memref<128xi32, #tpu.memory_space<hbm>>
        %dma_wait3A_610 = arith.constant 0 : i32
        %dma_wait3A_611 = tpu.memref_slice %arg7[%dma_wait3A_610] : memref<161792xi32, #tpu.memory_space<hbm>> -> memref<128xi32, #tpu.memory_space<hbm>>
        tpu.wait_dma2 semaphore(%arg21 : memref<!tpu.dma_semaphore, #tpu.memory_space<semaphore_mem>>) src(%dma_wait3A_611 : memref<128xi32, #tpu.memory_space<hbm>>) dst(%arg14 : memref<128xi32, #tpu.memory_space<vmem>>)
        %dma_start3A_612 = arith.constant 0 : i32
        %dma_start3A_613 = arith.constant 0 : i32
        %dma_start3A_614 = tpu.memref_slice %arg4[%dma_start3A_612, %dma_start3A_613] : memref<10000x128xf32, #tpu.memory_space<hbm>> -> memref<10000x128xf32, #tpu.memory_space<hbm>>
        tpu.enqueue_indirect_dma source(%dma_start3A_614 : memref<10000x128xf32, #tpu.memory_space<hbm>>) target(%arg18 : memref<128x128xf32, #tpu.memory_space<vmem>>) offsets(%arg10 : memref<128xi32, #tpu.memory_space<vmem>>) semaphore(%arg25 : memref<!tpu.dma_semaphore, #tpu.memory_space<semaphore_mem>>)
      }
      %scan3A_169 = arith.constant 18 : i32
      %dma_wait3A_170 = arith.constant 0 : i32
      %dma_wait3A_171 = arith.constant 0 : i32
      %dma_wait3A_172 = tpu.memref_slice %arg4[%dma_wait3A_170, %dma_wait3A_171] : memref<10000x128xf32, #tpu.memory_space<hbm>> -> memref<10000x128xf32, #tpu.memory_space<hbm>>
      tpu.wait_indirect_dma semaphore(%arg25 : memref<!tpu.dma_semaphore, #tpu.memory_space<semaphore_mem>>) src(%dma_wait3A_172 : memref<10000x128xf32, #tpu.memory_space<hbm>>) dst(%arg18 : memref<128x128xf32, #tpu.memory_space<vmem>>)
      %dma_start3A_173 = arith.constant 0 : i32
      %dma_start3A_174 = arith.constant 0 : i32
      %dma_start3A_175 = tpu.memref_slice %arg20[%dma_start3A_173, %dma_start3A_174] : memref<10016x128xf32, #tpu.memory_space<vmem_shared>> -> memref<10016x128xf32, #tpu.memory_space<vmem_shared>>
      tpu.enqueue_indirect_dma source(%arg18 : memref<128x128xf32, #tpu.memory_space<vmem>>) target(%dma_start3A_175 : memref<10016x128xf32, #tpu.memory_space<vmem_shared>>) offsets(%arg14 : memref<128xi32, #tpu.memory_space<vmem>>) semaphore(%arg27 : memref<!tpu.dma_semaphore, #tpu.memory_space<semaphore_mem>>) {add = true}
      %dma_wait3A_176 = arith.constant 0 : i32
      %dma_wait3A_177 = arith.constant 0 : i32
      %dma_wait3A_178 = tpu.memref_slice %arg20[%dma_wait3A_176, %dma_wait3A_177] : memref<10016x128xf32, #tpu.memory_space<vmem_shared>> -> memref<10016x128xf32, #tpu.memory_space<vmem_shared>>
      tpu.wait_indirect_dma semaphore(%arg28 : memref<!tpu.dma_semaphore, #tpu.memory_space<semaphore_mem>>) src(%arg19 : memref<128x128xf32, #tpu.memory_space<vmem>>) dst(%dma_wait3A_178 : memref<10016x128xf32, #tpu.memory_space<vmem_shared>>)
      %mul3A_179 = arith.constant 79 : i32
      %mul3A_180 = arith.muli %arg1, %mul3A_179 : i32
      %add3A_181 = arith.constant 78 : i32
      %add3A_182 = arith.addi %mul3A_180, %add3A_181 : i32
      %mul3A_183 = arith.constant 128 : i32
      %mul3A_184 = arith.muli %add3A_182, %mul3A_183 : i32
      %multiple_of3A_185 = tpu.assume_multiple %mul3A_184, 128 : i32
      %dma_start3A_186 = tpu.memref_slice %arg6[%multiple_of3A_185] : memref<161792xi32, #tpu.memory_space<hbm>> -> memref<128xi32, #tpu.memory_space<hbm>>
      %dma_start3A_187 = tpu.memref_slice %arg6[%multiple_of3A_185] : memref<161792xi32, #tpu.memory_space<hbm>> -> memref<128xi32, #tpu.memory_space<hbm>>
      tpu.enqueue_dma source(%dma_start3A_187 : memref<128xi32, #tpu.memory_space<hbm>>) target(%arg12 : memref<128xi32, #tpu.memory_space<vmem>>) target_semaphore(%arg23 : memref<!tpu.dma_semaphore, #tpu.memory_space<semaphore_mem>>)
      %dma_start3A_188 = tpu.memref_slice %arg7[%multiple_of3A_185] : memref<161792xi32, #tpu.memory_space<hbm>> -> memref<128xi32, #tpu.memory_space<hbm>>
      %dma_start3A_189 = tpu.memref_slice %arg7[%multiple_of3A_185] : memref<161792xi32, #tpu.memory_space<hbm>> -> memref<128xi32, #tpu.memory_space<hbm>>
      tpu.enqueue_dma source(%dma_start3A_189 : memref<128xi32, #tpu.memory_space<hbm>>) target(%arg16 : memref<128xi32, #tpu.memory_space<vmem>>) target_semaphore(%arg23 : memref<!tpu.dma_semaphore, #tpu.memory_space<semaphore_mem>>)
      %dma_wait3A_190 = arith.constant 0 : i32
      %dma_wait3A_191 = tpu.memref_slice %arg6[%dma_wait3A_190] : memref<161792xi32, #tpu.memory_space<hbm>> -> memref<128xi32, #tpu.memory_space<hbm>>
      %dma_wait3A_192 = arith.constant 0 : i32
      %dma_wait3A_193 = tpu.memref_slice %arg6[%dma_wait3A_192] : memref<161792xi32, #tpu.memory_space<hbm>> -> memref<128xi32, #tpu.memory_space<hbm>>
      tpu.wait_dma2 semaphore(%arg22 : memref<!tpu.dma_semaphore, #tpu.memory_space<semaphore_mem>>) src(%dma_wait3A_193 : memref<128xi32, #tpu.memory_space<hbm>>) dst(%arg11 : memref<128xi32, #tpu.memory_space<vmem>>)
      %dma_wait3A_194 = arith.constant 0 : i32
      %dma_wait3A_195 = tpu.memref_slice %arg7[%dma_wait3A_194] : memref<161792xi32, #tpu.memory_space<hbm>> -> memref<128xi32, #tpu.memory_space<hbm>>
      %dma_wait3A_196 = arith.constant 0 : i32
      %dma_wait3A_197 = tpu.memref_slice %arg7[%dma_wait3A_196] : memref<161792xi32, #tpu.memory_space<hbm>> -> memref<128xi32, #tpu.memory_space<hbm>>
      tpu.wait_dma2 semaphore(%arg22 : memref<!tpu.dma_semaphore, #tpu.memory_space<semaphore_mem>>) src(%dma_wait3A_197 : memref<128xi32, #tpu.memory_space<hbm>>) dst(%arg15 : memref<128xi32, #tpu.memory_space<vmem>>)
      %dma_start3A_198 = arith.constant 0 : i32
      %dma_start3A_199 = arith.constant 0 : i32
      %dma_start3A_200 = tpu.memref_slice %arg4[%dma_start3A_198, %dma_start3A_199] : memref<10000x128xf32, #tpu.memory_space<hbm>> -> memref<10000x128xf32, #tpu.memory_space<hbm>>
      tpu.enqueue_indirect_dma source(%dma_start3A_200 : memref<10000x128xf32, #tpu.memory_space<hbm>>) target(%arg19 : memref<128x128xf32, #tpu.memory_space<vmem>>) offsets(%arg11 : memref<128xi32, #tpu.memory_space<vmem>>) semaphore(%arg26 : memref<!tpu.dma_semaphore, #tpu.memory_space<semaphore_mem>>)
      %dma_wait3A_201 = arith.constant 0 : i32
      %dma_wait3A_202 = arith.constant 0 : i32
      %dma_wait3A_203 = tpu.memref_slice %arg4[%dma_wait3A_201, %dma_wait3A_202] : memref<10000x128xf32, #tpu.memory_space<hbm>> -> memref<10000x128xf32, #tpu.memory_space<hbm>>
      tpu.wait_indirect_dma semaphore(%arg26 : memref<!tpu.dma_semaphore, #tpu.memory_space<semaphore_mem>>) src(%dma_wait3A_203 : memref<10000x128xf32, #tpu.memory_space<hbm>>) dst(%arg19 : memref<128x128xf32, #tpu.memory_space<vmem>>)
      %dma_start3A_204 = arith.constant 0 : i32
      %dma_start3A_205 = arith.constant 0 : i32
      %dma_start3A_206 = tpu.memref_slice %arg20[%dma_start3A_204, %dma_start3A_205] : memref<10016x128xf32, #tpu.memory_space<vmem_shared>> -> memref<10016x128xf32, #tpu.memory_space<vmem_shared>>
      tpu.enqueue_indirect_dma source(%arg19 : memref<128x128xf32, #tpu.memory_space<vmem>>) target(%dma_start3A_206 : memref<10016x128xf32, #tpu.memory_space<vmem_shared>>) offsets(%arg15 : memref<128xi32, #tpu.memory_space<vmem>>) semaphore(%arg28 : memref<!tpu.dma_semaphore, #tpu.memory_space<semaphore_mem>>) {add = true}
      %dma_wait3A_207 = arith.constant 0 : i32
      %dma_wait3A_208 = arith.constant 0 : i32
      %dma_wait3A_209 = tpu.memref_slice %arg20[%dma_wait3A_207, %dma_wait3A_208] : memref<10016x128xf32, #tpu.memory_space<vmem_shared>> -> memref<10016x128xf32, #tpu.memory_space<vmem_shared>>
      tpu.wait_indirect_dma semaphore(%arg27 : memref<!tpu.dma_semaphore, #tpu.memory_space<semaphore_mem>>) src(%arg18 : memref<128x128xf32, #tpu.memory_space<vmem>>) dst(%dma_wait3A_209 : memref<10016x128xf32, #tpu.memory_space<vmem_shared>>)
      %dma_wait3A_210 = arith.constant 0 : i32
      %dma_wait3A_211 = tpu.memref_slice %arg6[%dma_wait3A_210] : memref<161792xi32, #tpu.memory_space<hbm>> -> memref<128xi32, #tpu.memory_space<hbm>>
      %dma_wait3A_212 = arith.constant 0 : i32
      %dma_wait3A_213 = tpu.memref_slice %arg6[%dma_wait3A_212] : memref<161792xi32, #tpu.memory_space<hbm>> -> memref<128xi32, #tpu.memory_space<hbm>>
      tpu.wait_dma2 semaphore(%arg23 : memref<!tpu.dma_semaphore, #tpu.memory_space<semaphore_mem>>) src(%dma_wait3A_213 : memref<128xi32, #tpu.memory_space<hbm>>) dst(%arg12 : memref<128xi32, #tpu.memory_space<vmem>>)
      %dma_wait3A_214 = arith.constant 0 : i32
      %dma_wait3A_215 = tpu.memref_slice %arg7[%dma_wait3A_214] : memref<161792xi32, #tpu.memory_space<hbm>> -> memref<128xi32, #tpu.memory_space<hbm>>
      %dma_wait3A_216 = arith.constant 0 : i32
      %dma_wait3A_217 = tpu.memref_slice %arg7[%dma_wait3A_216] : memref<161792xi32, #tpu.memory_space<hbm>> -> memref<128xi32, #tpu.memory_space<hbm>>
      tpu.wait_dma2 semaphore(%arg23 : memref<!tpu.dma_semaphore, #tpu.memory_space<semaphore_mem>>) src(%dma_wait3A_217 : memref<128xi32, #tpu.memory_space<hbm>>) dst(%arg16 : memref<128xi32, #tpu.memory_space<vmem>>)
      %dma_start3A_218 = arith.constant 0 : i32
      %dma_start3A_219 = arith.constant 0 : i32
      %dma_start3A_220 = tpu.memref_slice %arg4[%dma_start3A_218, %dma_start3A_219] : memref<10000x128xf32, #tpu.memory_space<hbm>> -> memref<10000x128xf32, #tpu.memory_space<hbm>>
      tpu.enqueue_indirect_dma source(%dma_start3A_220 : memref<10000x128xf32, #tpu.memory_space<hbm>>) target(%arg18 : memref<128x128xf32, #tpu.memory_space<vmem>>) offsets(%arg12 : memref<128xi32, #tpu.memory_space<vmem>>) semaphore(%arg25 : memref<!tpu.dma_semaphore, #tpu.memory_space<semaphore_mem>>)
      %dma_wait3A_221 = arith.constant 0 : i32
      %dma_wait3A_222 = arith.constant 0 : i32
      %dma_wait3A_223 = tpu.memref_slice %arg4[%dma_wait3A_221, %dma_wait3A_222] : memref<10000x128xf32, #tpu.memory_space<hbm>> -> memref<10000x128xf32, #tpu.memory_space<hbm>>
      tpu.wait_indirect_dma semaphore(%arg25 : memref<!tpu.dma_semaphore, #tpu.memory_space<semaphore_mem>>) src(%dma_wait3A_223 : memref<10000x128xf32, #tpu.memory_space<hbm>>) dst(%arg18 : memref<128x128xf32, #tpu.memory_space<vmem>>)
      %dma_start3A_224 = arith.constant 0 : i32
      %dma_start3A_225 = arith.constant 0 : i32
      %dma_start3A_226 = tpu.memref_slice %arg20[%dma_start3A_224, %dma_start3A_225] : memref<10016x128xf32, #tpu.memory_space<vmem_shared>> -> memref<10016x128xf32, #tpu.memory_space<vmem_shared>>
      tpu.enqueue_indirect_dma source(%arg18 : memref<128x128xf32, #tpu.memory_space<vmem>>) target(%dma_start3A_226 : memref<10016x128xf32, #tpu.memory_space<vmem_shared>>) offsets(%arg16 : memref<128xi32, #tpu.memory_space<vmem>>) semaphore(%arg27 : memref<!tpu.dma_semaphore, #tpu.memory_space<semaphore_mem>>) {add = true}
      %dma_wait3A_227 = arith.constant 0 : i32
      %dma_wait3A_228 = arith.constant 0 : i32
      %dma_wait3A_229 = tpu.memref_slice %arg20[%dma_wait3A_227, %dma_wait3A_228] : memref<10016x128xf32, #tpu.memory_space<vmem_shared>> -> memref<10016x128xf32, #tpu.memory_space<vmem_shared>>
      tpu.wait_indirect_dma semaphore(%arg28 : memref<!tpu.dma_semaphore, #tpu.memory_space<semaphore_mem>>) src(%arg19 : memref<128x128xf32, #tpu.memory_space<vmem>>) dst(%dma_wait3A_229 : memref<10016x128xf32, #tpu.memory_space<vmem_shared>>)
      %dma_wait3A_230 = arith.constant 0 : i32
      %dma_wait3A_231 = arith.constant 0 : i32
      %dma_wait3A_232 = tpu.memref_slice %arg20[%dma_wait3A_230, %dma_wait3A_231] : memref<10016x128xf32, #tpu.memory_space<vmem_shared>> -> memref<10016x128xf32, #tpu.memory_space<vmem_shared>>
      tpu.wait_indirect_dma semaphore(%arg27 : memref<!tpu.dma_semaphore, #tpu.memory_space<semaphore_mem>>) src(%arg18 : memref<128x128xf32, #tpu.memory_space<vmem>>) dst(%dma_wait3A_232 : memref<10016x128xf32, #tpu.memory_space<vmem_shared>>)
      %barrier3A_233 = arith.constant 0 : index
      tpu.barrier barrier_id(%barrier3A_233)
      %mul3A_234 = arith.constant 79 : i32
      %mul3A_235 = arith.muli %arg1, %mul3A_234 : i32
      %add3A_236 = arith.constant 0 : i32
      %add3A_237 = arith.addi %mul3A_235, %add3A_236 : i32
      %mul3A_238 = arith.constant 128 : i32
      %mul3A_239 = arith.muli %add3A_237, %mul3A_238 : i32
      %multiple_of3A_240 = tpu.assume_multiple %mul3A_239, 128 : i32
      %dma_start3A_241 = tpu.memref_slice %arg6[%multiple_of3A_240] : memref<161792xi32, #tpu.memory_space<hbm>> -> memref<128xi32, #tpu.memory_space<hbm>>
      %dma_start3A_242 = tpu.memref_slice %arg6[%multiple_of3A_240] : memref<161792xi32, #tpu.memory_space<hbm>> -> memref<128xi32, #tpu.memory_space<hbm>>
      tpu.enqueue_dma source(%dma_start3A_242 : memref<128xi32, #tpu.memory_space<hbm>>) target(%arg10 : memref<128xi32, #tpu.memory_space<vmem>>) target_semaphore(%arg21 : memref<!tpu.dma_semaphore, #tpu.memory_space<semaphore_mem>>)
      %dma_start3A_243 = tpu.memref_slice %arg7[%multiple_of3A_240] : memref<161792xi32, #tpu.memory_space<hbm>> -> memref<128xi32, #tpu.memory_space<hbm>>
      %dma_start3A_244 = tpu.memref_slice %arg7[%multiple_of3A_240] : memref<161792xi32, #tpu.memory_space<hbm>> -> memref<128xi32, #tpu.memory_space<hbm>>
      tpu.enqueue_dma source(%dma_start3A_244 : memref<128xi32, #tpu.memory_space<hbm>>) target(%arg14 : memref<128xi32, #tpu.memory_space<vmem>>) target_semaphore(%arg21 : memref<!tpu.dma_semaphore, #tpu.memory_space<semaphore_mem>>)
      %mul3A_245 = arith.constant 79 : i32
      %mul3A_246 = arith.muli %arg1, %mul3A_245 : i32
      %add3A_247 = arith.constant 1 : i32
      %add3A_248 = arith.addi %mul3A_246, %add3A_247 : i32
      %mul3A_249 = arith.constant 128 : i32
      %mul3A_250 = arith.muli %add3A_248, %mul3A_249 : i32
      %multiple_of3A_251 = tpu.assume_multiple %mul3A_250, 128 : i32
      %dma_start3A_252 = tpu.memref_slice %arg6[%multiple_of3A_251] : memref<161792xi32, #tpu.memory_space<hbm>> -> memref<128xi32, #tpu.memory_space<hbm>>
      %dma_start3A_253 = tpu.memref_slice %arg6[%multiple_of3A_251] : memref<161792xi32, #tpu.memory_space<hbm>> -> memref<128xi32, #tpu.memory_space<hbm>>
      tpu.enqueue_dma source(%dma_start3A_253 : memref<128xi32, #tpu.memory_space<hbm>>) target(%arg11 : memref<128xi32, #tpu.memory_space<vmem>>) target_semaphore(%arg22 : memref<!tpu.dma_semaphore, #tpu.memory_space<semaphore_mem>>)
      %dma_start3A_254 = tpu.memref_slice %arg7[%multiple_of3A_251] : memref<161792xi32, #tpu.memory_space<hbm>> -> memref<128xi32, #tpu.memory_space<hbm>>
      %dma_start3A_255 = tpu.memref_slice %arg7[%multiple_of3A_251] : memref<161792xi32, #tpu.memory_space<hbm>> -> memref<128xi32, #tpu.memory_space<hbm>>
      tpu.enqueue_dma source(%dma_start3A_255 : memref<128xi32, #tpu.memory_space<hbm>>) target(%arg15 : memref<128xi32, #tpu.memory_space<vmem>>) target_semaphore(%arg22 : memref<!tpu.dma_semaphore, #tpu.memory_space<semaphore_mem>>)
      %dma_wait3A_256 = arith.constant 0 : i32
      %dma_wait3A_257 = tpu.memref_slice %arg6[%dma_wait3A_256] : memref<161792xi32, #tpu.memory_space<hbm>> -> memref<128xi32, #tpu.memory_space<hbm>>
      %dma_wait3A_258 = arith.constant 0 : i32
      %dma_wait3A_259 = tpu.memref_slice %arg6[%dma_wait3A_258] : memref<161792xi32, #tpu.memory_space<hbm>> -> memref<128xi32, #tpu.memory_space<hbm>>
      tpu.wait_dma2 semaphore(%arg21 : memref<!tpu.dma_semaphore, #tpu.memory_space<semaphore_mem>>) src(%dma_wait3A_259 : memref<128xi32, #tpu.memory_space<hbm>>) dst(%arg10 : memref<128xi32, #tpu.memory_space<vmem>>)
      %dma_wait3A_260 = arith.constant 0 : i32
      %dma_wait3A_261 = tpu.memref_slice %arg7[%dma_wait3A_260] : memref<161792xi32, #tpu.memory_space<hbm>> -> memref<128xi32, #tpu.memory_space<hbm>>
      %dma_wait3A_262 = arith.constant 0 : i32
      %dma_wait3A_263 = tpu.memref_slice %arg7[%dma_wait3A_262] : memref<161792xi32, #tpu.memory_space<hbm>> -> memref<128xi32, #tpu.memory_space<hbm>>
      tpu.wait_dma2 semaphore(%arg21 : memref<!tpu.dma_semaphore, #tpu.memory_space<semaphore_mem>>) src(%dma_wait3A_263 : memref<128xi32, #tpu.memory_space<hbm>>) dst(%arg14 : memref<128xi32, #tpu.memory_space<vmem>>)
      %dma_start3A_264 = arith.constant 0 : i32
      %dma_start3A_265 = arith.constant 0 : i32
      %dma_start3A_266 = tpu.memref_slice %arg5[%dma_start3A_264, %dma_start3A_265] : memref<10000x128xf32, #tpu.memory_space<hbm>> -> memref<10000x128xf32, #tpu.memory_space<hbm>>
      tpu.enqueue_indirect_dma source(%dma_start3A_266 : memref<10000x128xf32, #tpu.memory_space<hbm>>) target(%arg18 : memref<128x128xf32, #tpu.memory_space<vmem>>) offsets(%arg10 : memref<128xi32, #tpu.memory_space<vmem>>) semaphore(%arg25 : memref<!tpu.dma_semaphore, #tpu.memory_space<semaphore_mem>>)
      %mul3A_267 = arith.constant 624 : i32
      %mul3A_268 = arith.muli %arg1, %mul3A_267 : i32
      %mul3A_269 = arith.constant 624 : i32
      %mul3A_270 = arith.muli %arg1, %mul3A_269 : i32
      %run_scoped3A = arith.constant 2 : i32
      "tpu.region"() ({
        %run_scoped3A_490 = tpu.sem_alloc : memref<!tpu.dma_semaphore, #tpu.memory_space<semaphore_mem>>
        %dma_start3A_491 = arith.constant 0 : i32
        %dma_start3A_492 = tpu.memref_slice %arg9[%run_scoped3A, %mul3A_270, %dma_start3A_491] : memref<4x10000x128xf32, #tpu.memory_space<hbm>> -> memref<1x624x128xf32, #tpu.memory_space<hbm>>
        %dma_start3A_493 = tpu.memref_squeeze %dma_start3A_492 : memref<1x624x128xf32, #tpu.memory_space<hbm>> -> memref<624x128xf32, #tpu.memory_space<hbm>>
        %dma_start3A_494 = arith.constant 0 : i32
        %dma_start3A_495 = tpu.memref_slice %arg20[%mul3A_268, %dma_start3A_494] : memref<10016x128xf32, #tpu.memory_space<vmem_shared>> -> memref<624x128xf32, #tpu.memory_space<vmem_shared>>
        tpu.enqueue_dma source(%dma_start3A_495 : memref<624x128xf32, #tpu.memory_space<vmem_shared>>) target(%dma_start3A_493 : memref<624x128xf32, #tpu.memory_space<hbm>>) target_semaphore(%run_scoped3A_490 : memref<!tpu.dma_semaphore, #tpu.memory_space<semaphore_mem>>)
        %dma_wait3A_496 = arith.constant 0 : i32
        %dma_wait3A_497 = tpu.memref_slice %arg9[%run_scoped3A, %mul3A_270, %dma_wait3A_496] : memref<4x10000x128xf32, #tpu.memory_space<hbm>> -> memref<1x624x128xf32, #tpu.memory_space<hbm>>
        %dma_wait3A_498 = tpu.memref_squeeze %dma_wait3A_497 : memref<1x624x128xf32, #tpu.memory_space<hbm>> -> memref<624x128xf32, #tpu.memory_space<hbm>>
        %dma_wait3A_499 = arith.constant 0 : i32
        %dma_wait3A_500 = tpu.memref_slice %arg20[%mul3A_268, %dma_wait3A_499] : memref<10016x128xf32, #tpu.memory_space<vmem_shared>> -> memref<624x128xf32, #tpu.memory_space<vmem_shared>>
        tpu.wait_dma2 semaphore(%run_scoped3A_490 : memref<!tpu.dma_semaphore, #tpu.memory_space<semaphore_mem>>) src(%dma_wait3A_500 : memref<624x128xf32, #tpu.memory_space<vmem_shared>>) dst(%dma_wait3A_498 : memref<624x128xf32, #tpu.memory_space<hbm>>)
        tpu.yield
      }) : () -> ()
      %eq3A_271 = arith.constant 15 : i32
      %eq3A_272 = arith.cmpi eq, %arg1, %eq3A_271 : i32
      %convert_element_type3A_273 = arith.extui %eq3A_272 : i1 to i32
      %cond3A_274 = arith.constant 0 : i32
      %cond3A_275 = arith.cmpi ne, %convert_element_type3A_273, %cond3A_274 : i32
      scf.if %cond3A_275 {
        %run_scoped3A_490 = arith.constant 2 : i32
        "tpu.region"() ({
          %run_scoped3A_491 = tpu.sem_alloc : memref<!tpu.dma_semaphore, #tpu.memory_space<semaphore_mem>>
          %dma_start3A_492 = arith.constant 9984 : i32
          %dma_start3A_493 = arith.constant 0 : i32
          %dma_start3A_494 = tpu.memref_slice %arg9[%run_scoped3A_490, %dma_start3A_492, %dma_start3A_493] : memref<4x10000x128xf32, #tpu.memory_space<hbm>> -> memref<1x16x128xf32, #tpu.memory_space<hbm>>
          %dma_start3A_495 = tpu.memref_squeeze %dma_start3A_494 : memref<1x16x128xf32, #tpu.memory_space<hbm>> -> memref<16x128xf32, #tpu.memory_space<hbm>>
          %dma_start3A_496 = arith.constant 9984 : i32
          %dma_start3A_497 = arith.constant 0 : i32
          %dma_start3A_498 = tpu.memref_slice %arg20[%dma_start3A_496, %dma_start3A_497] : memref<10016x128xf32, #tpu.memory_space<vmem_shared>> -> memref<16x128xf32, #tpu.memory_space<vmem_shared>>
          tpu.enqueue_dma source(%dma_start3A_498 : memref<16x128xf32, #tpu.memory_space<vmem_shared>>) target(%dma_start3A_495 : memref<16x128xf32, #tpu.memory_space<hbm>>) target_semaphore(%run_scoped3A_491 : memref<!tpu.dma_semaphore, #tpu.memory_space<semaphore_mem>>)
          %dma_wait3A_499 = arith.constant 9984 : i32
          %dma_wait3A_500 = arith.constant 0 : i32
          %dma_wait3A_501 = tpu.memref_slice %arg9[%run_scoped3A_490, %dma_wait3A_499, %dma_wait3A_500] : memref<4x10000x128xf32, #tpu.memory_space<hbm>> -> memref<1x16x128xf32, #tpu.memory_space<hbm>>
          %dma_wait3A_502 = tpu.memref_squeeze %dma_wait3A_501 : memref<1x16x128xf32, #tpu.memory_space<hbm>> -> memref<16x128xf32, #tpu.memory_space<hbm>>
          %dma_wait3A_503 = arith.constant 9984 : i32
          %dma_wait3A_504 = arith.constant 0 : i32
          %dma_wait3A_505 = tpu.memref_slice %arg20[%dma_wait3A_503, %dma_wait3A_504] : memref<10016x128xf32, #tpu.memory_space<vmem_shared>> -> memref<16x128xf32, #tpu.memory_space<vmem_shared>>
          tpu.wait_dma2 semaphore(%run_scoped3A_491 : memref<!tpu.dma_semaphore, #tpu.memory_space<semaphore_mem>>) src(%dma_wait3A_505 : memref<16x128xf32, #tpu.memory_space<vmem_shared>>) dst(%dma_wait3A_502 : memref<16x128xf32, #tpu.memory_space<hbm>>)
          tpu.yield
        }) : () -> ()
      } else {
      }
      %barrier3A_276 = arith.constant 0 : index
      tpu.barrier barrier_id(%barrier3A_276)
      %lt3A_277 = arith.constant 15 : i32
      %lt3A_278 = arith.cmpi slt, %arg1, %lt3A_277 : i32
      %convert_element_type3A_279 = arith.extui %lt3A_278 : i1 to i32
      %cond3A_280 = arith.constant 0 : i32
      %cond3A_281 = arith.cmpi ne, %convert_element_type3A_279, %cond3A_280 : i32
      scf.if %cond3A_281 {
        %mul3A_490 = arith.constant 632 : i32
        %mul3A_491 = arith.muli %arg1, %mul3A_490 : i32
        "tpu.region"() ({
          %run_scoped3A_492 = tpu.sem_alloc : memref<!tpu.dma_semaphore, #tpu.memory_space<semaphore_mem>>
          %dma_start3A_493 = arith.constant 0 : i32
          %dma_start3A_494 = tpu.memref_slice %arg20[%mul3A_491, %dma_start3A_493] : memref<10016x128xf32, #tpu.memory_space<vmem_shared>> -> memref<632x128xf32, #tpu.memory_space<vmem_shared>>
          tpu.enqueue_dma source(%arg8 : memref<632x128xf32, #tpu.memory_space<hbm>>) target(%dma_start3A_494 : memref<632x128xf32, #tpu.memory_space<vmem_shared>>) target_semaphore(%run_scoped3A_492 : memref<!tpu.dma_semaphore, #tpu.memory_space<semaphore_mem>>)
          %dma_wait3A_495 = arith.constant 0 : i32
          %dma_wait3A_496 = tpu.memref_slice %arg20[%mul3A_491, %dma_wait3A_495] : memref<10016x128xf32, #tpu.memory_space<vmem_shared>> -> memref<632x128xf32, #tpu.memory_space<vmem_shared>>
          tpu.wait_dma2 semaphore(%run_scoped3A_492 : memref<!tpu.dma_semaphore, #tpu.memory_space<semaphore_mem>>) src(%arg8 : memref<632x128xf32, #tpu.memory_space<hbm>>) dst(%dma_wait3A_496 : memref<632x128xf32, #tpu.memory_space<vmem_shared>>)
          tpu.yield
        }) : () -> ()
      } else {
      }
      %eq3A_282 = arith.constant 15 : i32
      %eq3A_283 = arith.cmpi eq, %arg1, %eq3A_282 : i32
      %convert_element_type3A_284 = arith.extui %eq3A_283 : i1 to i32
      %cond3A_285 = arith.constant 0 : i32
      %cond3A_286 = arith.cmpi ne, %convert_element_type3A_284, %cond3A_285 : i32
      scf.if %cond3A_286 {
        "tpu.region"() ({
          %run_scoped3A_490 = tpu.sem_alloc : memref<!tpu.dma_semaphore, #tpu.memory_space<semaphore_mem>>
          %dma_start3A_491 = arith.constant 9480 : i32
          %dma_start3A_492 = arith.constant 0 : i32
          %dma_start3A_493 = tpu.memref_slice %arg20[%dma_start3A_491, %dma_start3A_492] : memref<10016x128xf32, #tpu.memory_space<vmem_shared>> -> memref<536x128xf32, #tpu.memory_space<vmem_shared>>
          %dma_start3A_494 = arith.constant 0 : i32
          %dma_start3A_495 = arith.constant 0 : i32
          %dma_start3A_496 = tpu.memref_slice %arg8[%dma_start3A_494, %dma_start3A_495] : memref<632x128xf32, #tpu.memory_space<hbm>> -> memref<536x128xf32, #tpu.memory_space<hbm>>
          tpu.enqueue_dma source(%dma_start3A_496 : memref<536x128xf32, #tpu.memory_space<hbm>>) target(%dma_start3A_493 : memref<536x128xf32, #tpu.memory_space<vmem_shared>>) target_semaphore(%run_scoped3A_490 : memref<!tpu.dma_semaphore, #tpu.memory_space<semaphore_mem>>)
          %dma_wait3A_497 = arith.constant 9480 : i32
          %dma_wait3A_498 = arith.constant 0 : i32
          %dma_wait3A_499 = tpu.memref_slice %arg20[%dma_wait3A_497, %dma_wait3A_498] : memref<10016x128xf32, #tpu.memory_space<vmem_shared>> -> memref<536x128xf32, #tpu.memory_space<vmem_shared>>
          %dma_wait3A_500 = arith.constant 0 : i32
          %dma_wait3A_501 = arith.constant 0 : i32
          %dma_wait3A_502 = tpu.memref_slice %arg8[%dma_wait3A_500, %dma_wait3A_501] : memref<632x128xf32, #tpu.memory_space<hbm>> -> memref<536x128xf32, #tpu.memory_space<hbm>>
          tpu.wait_dma2 semaphore(%run_scoped3A_490 : memref<!tpu.dma_semaphore, #tpu.memory_space<semaphore_mem>>) src(%dma_wait3A_502 : memref<536x128xf32, #tpu.memory_space<hbm>>) dst(%dma_wait3A_499 : memref<536x128xf32, #tpu.memory_space<vmem_shared>>)
          tpu.yield
        }) : () -> ()
      } else {
      }
      %barrier3A_287 = arith.constant 0 : index
      tpu.barrier barrier_id(%barrier3A_287)
      %dma_wait3A_288 = arith.constant 0 : i32
      %dma_wait3A_289 = arith.constant 0 : i32
      %dma_wait3A_290 = tpu.memref_slice %arg5[%dma_wait3A_288, %dma_wait3A_289] : memref<10000x128xf32, #tpu.memory_space<hbm>> -> memref<10000x128xf32, #tpu.memory_space<hbm>>
      tpu.wait_indirect_dma semaphore(%arg25 : memref<!tpu.dma_semaphore, #tpu.memory_space<semaphore_mem>>) src(%dma_wait3A_290 : memref<10000x128xf32, #tpu.memory_space<hbm>>) dst(%arg18 : memref<128x128xf32, #tpu.memory_space<vmem>>)
      %dma_start3A_291 = arith.constant 0 : i32
      %dma_start3A_292 = arith.constant 0 : i32
      %dma_start3A_293 = tpu.memref_slice %arg20[%dma_start3A_291, %dma_start3A_292] : memref<10016x128xf32, #tpu.memory_space<vmem_shared>> -> memref<10016x128xf32, #tpu.memory_space<vmem_shared>>
      tpu.enqueue_indirect_dma source(%arg18 : memref<128x128xf32, #tpu.memory_space<vmem>>) target(%dma_start3A_293 : memref<10016x128xf32, #tpu.memory_space<vmem_shared>>) offsets(%arg14 : memref<128xi32, #tpu.memory_space<vmem>>) semaphore(%arg27 : memref<!tpu.dma_semaphore, #tpu.memory_space<semaphore_mem>>) {add = true}
      %mul3A_294 = arith.constant 79 : i32
      %mul3A_295 = arith.muli %arg1, %mul3A_294 : i32
      %add3A_296 = arith.constant 2 : i32
      %add3A_297 = arith.addi %mul3A_295, %add3A_296 : i32
      %mul3A_298 = arith.constant 128 : i32
      %mul3A_299 = arith.muli %add3A_297, %mul3A_298 : i32
      %multiple_of3A_300 = tpu.assume_multiple %mul3A_299, 128 : i32
      %dma_start3A_301 = tpu.memref_slice %arg6[%multiple_of3A_300] : memref<161792xi32, #tpu.memory_space<hbm>> -> memref<128xi32, #tpu.memory_space<hbm>>
      %dma_start3A_302 = tpu.memref_slice %arg6[%multiple_of3A_300] : memref<161792xi32, #tpu.memory_space<hbm>> -> memref<128xi32, #tpu.memory_space<hbm>>
      tpu.enqueue_dma source(%dma_start3A_302 : memref<128xi32, #tpu.memory_space<hbm>>) target(%arg12 : memref<128xi32, #tpu.memory_space<vmem>>) target_semaphore(%arg23 : memref<!tpu.dma_semaphore, #tpu.memory_space<semaphore_mem>>)
      %dma_start3A_303 = tpu.memref_slice %arg7[%multiple_of3A_300] : memref<161792xi32, #tpu.memory_space<hbm>> -> memref<128xi32, #tpu.memory_space<hbm>>
      %dma_start3A_304 = tpu.memref_slice %arg7[%multiple_of3A_300] : memref<161792xi32, #tpu.memory_space<hbm>> -> memref<128xi32, #tpu.memory_space<hbm>>
      tpu.enqueue_dma source(%dma_start3A_304 : memref<128xi32, #tpu.memory_space<hbm>>) target(%arg16 : memref<128xi32, #tpu.memory_space<vmem>>) target_semaphore(%arg23 : memref<!tpu.dma_semaphore, #tpu.memory_space<semaphore_mem>>)
      %dma_wait3A_305 = arith.constant 0 : i32
      %dma_wait3A_306 = tpu.memref_slice %arg6[%dma_wait3A_305] : memref<161792xi32, #tpu.memory_space<hbm>> -> memref<128xi32, #tpu.memory_space<hbm>>
      %dma_wait3A_307 = arith.constant 0 : i32
      %dma_wait3A_308 = tpu.memref_slice %arg6[%dma_wait3A_307] : memref<161792xi32, #tpu.memory_space<hbm>> -> memref<128xi32, #tpu.memory_space<hbm>>
      tpu.wait_dma2 semaphore(%arg22 : memref<!tpu.dma_semaphore, #tpu.memory_space<semaphore_mem>>) src(%dma_wait3A_308 : memref<128xi32, #tpu.memory_space<hbm>>) dst(%arg11 : memref<128xi32, #tpu.memory_space<vmem>>)
      %dma_wait3A_309 = arith.constant 0 : i32
      %dma_wait3A_310 = tpu.memref_slice %arg7[%dma_wait3A_309] : memref<161792xi32, #tpu.memory_space<hbm>> -> memref<128xi32, #tpu.memory_space<hbm>>
      %dma_wait3A_311 = arith.constant 0 : i32
      %dma_wait3A_312 = tpu.memref_slice %arg7[%dma_wait3A_311] : memref<161792xi32, #tpu.memory_space<hbm>> -> memref<128xi32, #tpu.memory_space<hbm>>
      tpu.wait_dma2 semaphore(%arg22 : memref<!tpu.dma_semaphore, #tpu.memory_space<semaphore_mem>>) src(%dma_wait3A_312 : memref<128xi32, #tpu.memory_space<hbm>>) dst(%arg15 : memref<128xi32, #tpu.memory_space<vmem>>)
      %dma_start3A_313 = arith.constant 0 : i32
      %dma_start3A_314 = arith.constant 0 : i32
      %dma_start3A_315 = tpu.memref_slice %arg5[%dma_start3A_313, %dma_start3A_314] : memref<10000x128xf32, #tpu.memory_space<hbm>> -> memref<10000x128xf32, #tpu.memory_space<hbm>>
      tpu.enqueue_indirect_dma source(%dma_start3A_315 : memref<10000x128xf32, #tpu.memory_space<hbm>>) target(%arg19 : memref<128x128xf32, #tpu.memory_space<vmem>>) offsets(%arg11 : memref<128xi32, #tpu.memory_space<vmem>>) semaphore(%arg26 : memref<!tpu.dma_semaphore, #tpu.memory_space<semaphore_mem>>)
      %dma_wait3A_316 = arith.constant 0 : i32
      %dma_wait3A_317 = arith.constant 0 : i32
      %dma_wait3A_318 = tpu.memref_slice %arg5[%dma_wait3A_316, %dma_wait3A_317] : memref<10000x128xf32, #tpu.memory_space<hbm>> -> memref<10000x128xf32, #tpu.memory_space<hbm>>
      tpu.wait_indirect_dma semaphore(%arg26 : memref<!tpu.dma_semaphore, #tpu.memory_space<semaphore_mem>>) src(%dma_wait3A_318 : memref<10000x128xf32, #tpu.memory_space<hbm>>) dst(%arg19 : memref<128x128xf32, #tpu.memory_space<vmem>>)
      %dma_start3A_319 = arith.constant 0 : i32
      %dma_start3A_320 = arith.constant 0 : i32
      %dma_start3A_321 = tpu.memref_slice %arg20[%dma_start3A_319, %dma_start3A_320] : memref<10016x128xf32, #tpu.memory_space<vmem_shared>> -> memref<10016x128xf32, #tpu.memory_space<vmem_shared>>
      tpu.enqueue_indirect_dma source(%arg19 : memref<128x128xf32, #tpu.memory_space<vmem>>) target(%dma_start3A_321 : memref<10016x128xf32, #tpu.memory_space<vmem_shared>>) offsets(%arg15 : memref<128xi32, #tpu.memory_space<vmem>>) semaphore(%arg28 : memref<!tpu.dma_semaphore, #tpu.memory_space<semaphore_mem>>) {add = true}
      %dma_wait3A_322 = arith.constant 0 : i32
      %dma_wait3A_323 = arith.constant 0 : i32
      %dma_wait3A_324 = tpu.memref_slice %arg20[%dma_wait3A_322, %dma_wait3A_323] : memref<10016x128xf32, #tpu.memory_space<vmem_shared>> -> memref<10016x128xf32, #tpu.memory_space<vmem_shared>>
      tpu.wait_indirect_dma semaphore(%arg27 : memref<!tpu.dma_semaphore, #tpu.memory_space<semaphore_mem>>) src(%arg18 : memref<128x128xf32, #tpu.memory_space<vmem>>) dst(%dma_wait3A_324 : memref<10016x128xf32, #tpu.memory_space<vmem_shared>>)
      %mul3A_325 = arith.constant 79 : i32
      %mul3A_326 = arith.muli %arg1, %mul3A_325 : i32
      %add3A_327 = arith.constant 3 : i32
      %add3A_328 = arith.addi %mul3A_326, %add3A_327 : i32
      %mul3A_329 = arith.constant 128 : i32
      %mul3A_330 = arith.muli %add3A_328, %mul3A_329 : i32
      %multiple_of3A_331 = tpu.assume_multiple %mul3A_330, 128 : i32
      %dma_start3A_332 = tpu.memref_slice %arg6[%multiple_of3A_331] : memref<161792xi32, #tpu.memory_space<hbm>> -> memref<128xi32, #tpu.memory_space<hbm>>
      %dma_start3A_333 = tpu.memref_slice %arg6[%multiple_of3A_331] : memref<161792xi32, #tpu.memory_space<hbm>> -> memref<128xi32, #tpu.memory_space<hbm>>
      tpu.enqueue_dma source(%dma_start3A_333 : memref<128xi32, #tpu.memory_space<hbm>>) target(%arg13 : memref<128xi32, #tpu.memory_space<vmem>>) target_semaphore(%arg24 : memref<!tpu.dma_semaphore, #tpu.memory_space<semaphore_mem>>)
      %dma_start3A_334 = tpu.memref_slice %arg7[%multiple_of3A_331] : memref<161792xi32, #tpu.memory_space<hbm>> -> memref<128xi32, #tpu.memory_space<hbm>>
      %dma_start3A_335 = tpu.memref_slice %arg7[%multiple_of3A_331] : memref<161792xi32, #tpu.memory_space<hbm>> -> memref<128xi32, #tpu.memory_space<hbm>>
      tpu.enqueue_dma source(%dma_start3A_335 : memref<128xi32, #tpu.memory_space<hbm>>) target(%arg17 : memref<128xi32, #tpu.memory_space<vmem>>) target_semaphore(%arg24 : memref<!tpu.dma_semaphore, #tpu.memory_space<semaphore_mem>>)
      %dma_wait3A_336 = arith.constant 0 : i32
      %dma_wait3A_337 = tpu.memref_slice %arg6[%dma_wait3A_336] : memref<161792xi32, #tpu.memory_space<hbm>> -> memref<128xi32, #tpu.memory_space<hbm>>
      %dma_wait3A_338 = arith.constant 0 : i32
      %dma_wait3A_339 = tpu.memref_slice %arg6[%dma_wait3A_338] : memref<161792xi32, #tpu.memory_space<hbm>> -> memref<128xi32, #tpu.memory_space<hbm>>
      tpu.wait_dma2 semaphore(%arg23 : memref<!tpu.dma_semaphore, #tpu.memory_space<semaphore_mem>>) src(%dma_wait3A_339 : memref<128xi32, #tpu.memory_space<hbm>>) dst(%arg12 : memref<128xi32, #tpu.memory_space<vmem>>)
      %dma_wait3A_340 = arith.constant 0 : i32
      %dma_wait3A_341 = tpu.memref_slice %arg7[%dma_wait3A_340] : memref<161792xi32, #tpu.memory_space<hbm>> -> memref<128xi32, #tpu.memory_space<hbm>>
      %dma_wait3A_342 = arith.constant 0 : i32
      %dma_wait3A_343 = tpu.memref_slice %arg7[%dma_wait3A_342] : memref<161792xi32, #tpu.memory_space<hbm>> -> memref<128xi32, #tpu.memory_space<hbm>>
      tpu.wait_dma2 semaphore(%arg23 : memref<!tpu.dma_semaphore, #tpu.memory_space<semaphore_mem>>) src(%dma_wait3A_343 : memref<128xi32, #tpu.memory_space<hbm>>) dst(%arg16 : memref<128xi32, #tpu.memory_space<vmem>>)
      %dma_start3A_344 = arith.constant 0 : i32
      %dma_start3A_345 = arith.constant 0 : i32
      %dma_start3A_346 = tpu.memref_slice %arg5[%dma_start3A_344, %dma_start3A_345] : memref<10000x128xf32, #tpu.memory_space<hbm>> -> memref<10000x128xf32, #tpu.memory_space<hbm>>
      tpu.enqueue_indirect_dma source(%dma_start3A_346 : memref<10000x128xf32, #tpu.memory_space<hbm>>) target(%arg18 : memref<128x128xf32, #tpu.memory_space<vmem>>) offsets(%arg12 : memref<128xi32, #tpu.memory_space<vmem>>) semaphore(%arg25 : memref<!tpu.dma_semaphore, #tpu.memory_space<semaphore_mem>>)
      %dma_wait3A_347 = arith.constant 0 : i32
      %dma_wait3A_348 = arith.constant 0 : i32
      %dma_wait3A_349 = tpu.memref_slice %arg5[%dma_wait3A_347, %dma_wait3A_348] : memref<10000x128xf32, #tpu.memory_space<hbm>> -> memref<10000x128xf32, #tpu.memory_space<hbm>>
      tpu.wait_indirect_dma semaphore(%arg25 : memref<!tpu.dma_semaphore, #tpu.memory_space<semaphore_mem>>) src(%dma_wait3A_349 : memref<10000x128xf32, #tpu.memory_space<hbm>>) dst(%arg18 : memref<128x128xf32, #tpu.memory_space<vmem>>)
      %dma_start3A_350 = arith.constant 0 : i32
      %dma_start3A_351 = arith.constant 0 : i32
      %dma_start3A_352 = tpu.memref_slice %arg20[%dma_start3A_350, %dma_start3A_351] : memref<10016x128xf32, #tpu.memory_space<vmem_shared>> -> memref<10016x128xf32, #tpu.memory_space<vmem_shared>>
      tpu.enqueue_indirect_dma source(%arg18 : memref<128x128xf32, #tpu.memory_space<vmem>>) target(%dma_start3A_352 : memref<10016x128xf32, #tpu.memory_space<vmem_shared>>) offsets(%arg16 : memref<128xi32, #tpu.memory_space<vmem>>) semaphore(%arg27 : memref<!tpu.dma_semaphore, #tpu.memory_space<semaphore_mem>>) {add = true}
      %dma_wait3A_353 = arith.constant 0 : i32
      %dma_wait3A_354 = arith.constant 0 : i32
      %dma_wait3A_355 = tpu.memref_slice %arg20[%dma_wait3A_353, %dma_wait3A_354] : memref<10016x128xf32, #tpu.memory_space<vmem_shared>> -> memref<10016x128xf32, #tpu.memory_space<vmem_shared>>
      tpu.wait_indirect_dma semaphore(%arg28 : memref<!tpu.dma_semaphore, #tpu.memory_space<semaphore_mem>>) src(%arg19 : memref<128x128xf32, #tpu.memory_space<vmem>>) dst(%dma_wait3A_355 : memref<10016x128xf32, #tpu.memory_space<vmem_shared>>)
      %mul3A_356 = arith.constant 79 : i32
      %mul3A_357 = arith.muli %arg1, %mul3A_356 : i32
      %add3A_358 = arith.constant 4 : i32
      %add3A_359 = arith.addi %mul3A_357, %add3A_358 : i32
      %mul3A_360 = arith.constant 128 : i32
      %mul3A_361 = arith.muli %add3A_359, %mul3A_360 : i32
      %multiple_of3A_362 = tpu.assume_multiple %mul3A_361, 128 : i32
      %dma_start3A_363 = tpu.memref_slice %arg6[%multiple_of3A_362] : memref<161792xi32, #tpu.memory_space<hbm>> -> memref<128xi32, #tpu.memory_space<hbm>>
      %dma_start3A_364 = tpu.memref_slice %arg6[%multiple_of3A_362] : memref<161792xi32, #tpu.memory_space<hbm>> -> memref<128xi32, #tpu.memory_space<hbm>>
      tpu.enqueue_dma source(%dma_start3A_364 : memref<128xi32, #tpu.memory_space<hbm>>) target(%arg10 : memref<128xi32, #tpu.memory_space<vmem>>) target_semaphore(%arg21 : memref<!tpu.dma_semaphore, #tpu.memory_space<semaphore_mem>>)
      %dma_start3A_365 = tpu.memref_slice %arg7[%multiple_of3A_362] : memref<161792xi32, #tpu.memory_space<hbm>> -> memref<128xi32, #tpu.memory_space<hbm>>
      %dma_start3A_366 = tpu.memref_slice %arg7[%multiple_of3A_362] : memref<161792xi32, #tpu.memory_space<hbm>> -> memref<128xi32, #tpu.memory_space<hbm>>
      tpu.enqueue_dma source(%dma_start3A_366 : memref<128xi32, #tpu.memory_space<hbm>>) target(%arg14 : memref<128xi32, #tpu.memory_space<vmem>>) target_semaphore(%arg21 : memref<!tpu.dma_semaphore, #tpu.memory_space<semaphore_mem>>)
      %dma_wait3A_367 = arith.constant 0 : i32
      %dma_wait3A_368 = tpu.memref_slice %arg6[%dma_wait3A_367] : memref<161792xi32, #tpu.memory_space<hbm>> -> memref<128xi32, #tpu.memory_space<hbm>>
      %dma_wait3A_369 = arith.constant 0 : i32
      %dma_wait3A_370 = tpu.memref_slice %arg6[%dma_wait3A_369] : memref<161792xi32, #tpu.memory_space<hbm>> -> memref<128xi32, #tpu.memory_space<hbm>>
      tpu.wait_dma2 semaphore(%arg24 : memref<!tpu.dma_semaphore, #tpu.memory_space<semaphore_mem>>) src(%dma_wait3A_370 : memref<128xi32, #tpu.memory_space<hbm>>) dst(%arg13 : memref<128xi32, #tpu.memory_space<vmem>>)
      %dma_wait3A_371 = arith.constant 0 : i32
      %dma_wait3A_372 = tpu.memref_slice %arg7[%dma_wait3A_371] : memref<161792xi32, #tpu.memory_space<hbm>> -> memref<128xi32, #tpu.memory_space<hbm>>
      %dma_wait3A_373 = arith.constant 0 : i32
      %dma_wait3A_374 = tpu.memref_slice %arg7[%dma_wait3A_373] : memref<161792xi32, #tpu.memory_space<hbm>> -> memref<128xi32, #tpu.memory_space<hbm>>
      tpu.wait_dma2 semaphore(%arg24 : memref<!tpu.dma_semaphore, #tpu.memory_space<semaphore_mem>>) src(%dma_wait3A_374 : memref<128xi32, #tpu.memory_space<hbm>>) dst(%arg17 : memref<128xi32, #tpu.memory_space<vmem>>)
      %dma_start3A_375 = arith.constant 0 : i32
      %dma_start3A_376 = arith.constant 0 : i32
      %dma_start3A_377 = tpu.memref_slice %arg5[%dma_start3A_375, %dma_start3A_376] : memref<10000x128xf32, #tpu.memory_space<hbm>> -> memref<10000x128xf32, #tpu.memory_space<hbm>>
      tpu.enqueue_indirect_dma source(%dma_start3A_377 : memref<10000x128xf32, #tpu.memory_space<hbm>>) target(%arg19 : memref<128x128xf32, #tpu.memory_space<vmem>>) offsets(%arg13 : memref<128xi32, #tpu.memory_space<vmem>>) semaphore(%arg26 : memref<!tpu.dma_semaphore, #tpu.memory_space<semaphore_mem>>)
      %dma_wait3A_378 = arith.constant 0 : i32
      %dma_wait3A_379 = arith.constant 0 : i32
      %dma_wait3A_380 = tpu.memref_slice %arg5[%dma_wait3A_378, %dma_wait3A_379] : memref<10000x128xf32, #tpu.memory_space<hbm>> -> memref<10000x128xf32, #tpu.memory_space<hbm>>
      tpu.wait_indirect_dma semaphore(%arg26 : memref<!tpu.dma_semaphore, #tpu.memory_space<semaphore_mem>>) src(%dma_wait3A_380 : memref<10000x128xf32, #tpu.memory_space<hbm>>) dst(%arg19 : memref<128x128xf32, #tpu.memory_space<vmem>>)
      %dma_start3A_381 = arith.constant 0 : i32
      %dma_start3A_382 = arith.constant 0 : i32
      %dma_start3A_383 = tpu.memref_slice %arg20[%dma_start3A_381, %dma_start3A_382] : memref<10016x128xf32, #tpu.memory_space<vmem_shared>> -> memref<10016x128xf32, #tpu.memory_space<vmem_shared>>
      tpu.enqueue_indirect_dma source(%arg19 : memref<128x128xf32, #tpu.memory_space<vmem>>) target(%dma_start3A_383 : memref<10016x128xf32, #tpu.memory_space<vmem_shared>>) offsets(%arg17 : memref<128xi32, #tpu.memory_space<vmem>>) semaphore(%arg28 : memref<!tpu.dma_semaphore, #tpu.memory_space<semaphore_mem>>) {add = true}
      %dma_wait3A_384 = arith.constant 0 : i32
      %dma_wait3A_385 = arith.constant 0 : i32
      %dma_wait3A_386 = tpu.memref_slice %arg20[%dma_wait3A_384, %dma_wait3A_385] : memref<10016x128xf32, #tpu.memory_space<vmem_shared>> -> memref<10016x128xf32, #tpu.memory_space<vmem_shared>>
      tpu.wait_indirect_dma semaphore(%arg27 : memref<!tpu.dma_semaphore, #tpu.memory_space<semaphore_mem>>) src(%arg18 : memref<128x128xf32, #tpu.memory_space<vmem>>) dst(%dma_wait3A_386 : memref<10016x128xf32, #tpu.memory_space<vmem_shared>>)
      %mul3A_387 = arith.constant 79 : i32
      %mul3A_388 = arith.muli %arg1, %mul3A_387 : i32
      %add3A_389 = arith.constant 5 : i32
      %add3A_390 = arith.addi %mul3A_388, %add3A_389 : i32
      %mul3A_391 = arith.constant 128 : i32
      %mul3A_392 = arith.muli %add3A_390, %mul3A_391 : i32
      %multiple_of3A_393 = tpu.assume_multiple %mul3A_392, 128 : i32
      %dma_start3A_394 = tpu.memref_slice %arg6[%multiple_of3A_393] : memref<161792xi32, #tpu.memory_space<hbm>> -> memref<128xi32, #tpu.memory_space<hbm>>
      %dma_start3A_395 = tpu.memref_slice %arg6[%multiple_of3A_393] : memref<161792xi32, #tpu.memory_space<hbm>> -> memref<128xi32, #tpu.memory_space<hbm>>
      tpu.enqueue_dma source(%dma_start3A_395 : memref<128xi32, #tpu.memory_space<hbm>>) target(%arg11 : memref<128xi32, #tpu.memory_space<vmem>>) target_semaphore(%arg22 : memref<!tpu.dma_semaphore, #tpu.memory_space<semaphore_mem>>)
      %dma_start3A_396 = tpu.memref_slice %arg7[%multiple_of3A_393] : memref<161792xi32, #tpu.memory_space<hbm>> -> memref<128xi32, #tpu.memory_space<hbm>>
      %dma_start3A_397 = tpu.memref_slice %arg7[%multiple_of3A_393] : memref<161792xi32, #tpu.memory_space<hbm>> -> memref<128xi32, #tpu.memory_space<hbm>>
      tpu.enqueue_dma source(%dma_start3A_397 : memref<128xi32, #tpu.memory_space<hbm>>) target(%arg15 : memref<128xi32, #tpu.memory_space<vmem>>) target_semaphore(%arg22 : memref<!tpu.dma_semaphore, #tpu.memory_space<semaphore_mem>>)
      %dma_wait3A_398 = arith.constant 0 : i32
      %dma_wait3A_399 = tpu.memref_slice %arg6[%dma_wait3A_398] : memref<161792xi32, #tpu.memory_space<hbm>> -> memref<128xi32, #tpu.memory_space<hbm>>
      %dma_wait3A_400 = arith.constant 0 : i32
      %dma_wait3A_401 = tpu.memref_slice %arg6[%dma_wait3A_400] : memref<161792xi32, #tpu.memory_space<hbm>> -> memref<128xi32, #tpu.memory_space<hbm>>
      tpu.wait_dma2 semaphore(%arg21 : memref<!tpu.dma_semaphore, #tpu.memory_space<semaphore_mem>>) src(%dma_wait3A_401 : memref<128xi32, #tpu.memory_space<hbm>>) dst(%arg10 : memref<128xi32, #tpu.memory_space<vmem>>)
      %dma_wait3A_402 = arith.constant 0 : i32
      %dma_wait3A_403 = tpu.memref_slice %arg7[%dma_wait3A_402] : memref<161792xi32, #tpu.memory_space<hbm>> -> memref<128xi32, #tpu.memory_space<hbm>>
      %dma_wait3A_404 = arith.constant 0 : i32
      %dma_wait3A_405 = tpu.memref_slice %arg7[%dma_wait3A_404] : memref<161792xi32, #tpu.memory_space<hbm>> -> memref<128xi32, #tpu.memory_space<hbm>>
      tpu.wait_dma2 semaphore(%arg21 : memref<!tpu.dma_semaphore, #tpu.memory_space<semaphore_mem>>) src(%dma_wait3A_405 : memref<128xi32, #tpu.memory_space<hbm>>) dst(%arg14 : memref<128xi32, #tpu.memory_space<vmem>>)
      %dma_start3A_406 = arith.constant 0 : i32
      %dma_start3A_407 = arith.constant 0 : i32
      %dma_start3A_408 = tpu.memref_slice %arg5[%dma_start3A_406, %dma_start3A_407] : memref<10000x128xf32, #tpu.memory_space<hbm>> -> memref<10000x128xf32, #tpu.memory_space<hbm>>
      tpu.enqueue_indirect_dma source(%dma_start3A_408 : memref<10000x128xf32, #tpu.memory_space<hbm>>) target(%arg18 : memref<128x128xf32, #tpu.memory_space<vmem>>) offsets(%arg10 : memref<128xi32, #tpu.memory_space<vmem>>) semaphore(%arg25 : memref<!tpu.dma_semaphore, #tpu.memory_space<semaphore_mem>>)
      %scan3A_409 = arith.constant 0 : i32
      %scan3A_410 = arith.constant 1 : i32
      %scan3A_411 = arith.constant 18 : i32
      %scan3A_412 = arith.addi %scan3A_410, %scan3A_411 : i32
      %scan3A_413 = arith.constant 1 : i32
      scf.for %scan3A_490 = %scan3A_410 to %scan3A_412 step %scan3A_413  : i32 {
        %mul3A_491 = arith.constant 4 : i32
        %mul3A_492 = arith.muli %scan3A_490, %mul3A_491 : i32
        %add3A_493 = arith.constant 0 : i32
        %add3A_494 = arith.addi %mul3A_492, %add3A_493 : i32
        %dma_wait3A_495 = arith.constant 0 : i32
        %dma_wait3A_496 = arith.constant 0 : i32
        %dma_wait3A_497 = tpu.memref_slice %arg5[%dma_wait3A_495, %dma_wait3A_496] : memref<10000x128xf32, #tpu.memory_space<hbm>> -> memref<10000x128xf32, #tpu.memory_space<hbm>>
        tpu.wait_indirect_dma semaphore(%arg25 : memref<!tpu.dma_semaphore, #tpu.memory_space<semaphore_mem>>) src(%dma_wait3A_497 : memref<10000x128xf32, #tpu.memory_space<hbm>>) dst(%arg18 : memref<128x128xf32, #tpu.memory_space<vmem>>)
        %dma_start3A_498 = arith.constant 0 : i32
        %dma_start3A_499 = arith.constant 0 : i32
        %dma_start3A_500 = tpu.memref_slice %arg20[%dma_start3A_498, %dma_start3A_499] : memref<10016x128xf32, #tpu.memory_space<vmem_shared>> -> memref<10016x128xf32, #tpu.memory_space<vmem_shared>>
        tpu.enqueue_indirect_dma source(%arg18 : memref<128x128xf32, #tpu.memory_space<vmem>>) target(%dma_start3A_500 : memref<10016x128xf32, #tpu.memory_space<vmem_shared>>) offsets(%arg14 : memref<128xi32, #tpu.memory_space<vmem>>) semaphore(%arg27 : memref<!tpu.dma_semaphore, #tpu.memory_space<semaphore_mem>>) {add = true}
        %dma_wait3A_501 = arith.constant 0 : i32
        %dma_wait3A_502 = arith.constant 0 : i32
        %dma_wait3A_503 = tpu.memref_slice %arg20[%dma_wait3A_501, %dma_wait3A_502] : memref<10016x128xf32, #tpu.memory_space<vmem_shared>> -> memref<10016x128xf32, #tpu.memory_space<vmem_shared>>
        tpu.wait_indirect_dma semaphore(%arg28 : memref<!tpu.dma_semaphore, #tpu.memory_space<semaphore_mem>>) src(%arg19 : memref<128x128xf32, #tpu.memory_space<vmem>>) dst(%dma_wait3A_503 : memref<10016x128xf32, #tpu.memory_space<vmem_shared>>)
        %add3A_504 = arith.constant 2 : i32
        %add3A_505 = arith.addi %add3A_494, %add3A_504 : i32
        %lt3A_506 = arith.constant 79 : i32
        %lt3A_507 = arith.cmpi slt, %add3A_505, %lt3A_506 : i32
        %convert_element_type3A_508 = arith.extui %lt3A_507 : i1 to i32
        %cond3A_509 = arith.constant 0 : i32
        %cond3A_510 = arith.cmpi ne, %convert_element_type3A_508, %cond3A_509 : i32
        scf.if %cond3A_510 {
          %add3A_615 = arith.constant 2 : i32
          %add3A_616 = arith.addi %add3A_494, %add3A_615 : i32
          %mul3A_617 = arith.constant 79 : i32
          %mul3A_618 = arith.muli %arg1, %mul3A_617 : i32
          %add3A_619 = arith.addi %mul3A_618, %add3A_616 : i32
          %mul3A_620 = arith.constant 128 : i32
          %mul3A_621 = arith.muli %add3A_619, %mul3A_620 : i32
          %multiple_of3A_622 = tpu.assume_multiple %mul3A_621, 128 : i32
          %dma_start3A_623 = tpu.memref_slice %arg6[%multiple_of3A_622] : memref<161792xi32, #tpu.memory_space<hbm>> -> memref<128xi32, #tpu.memory_space<hbm>>
          %dma_start3A_624 = tpu.memref_slice %arg6[%multiple_of3A_622] : memref<161792xi32, #tpu.memory_space<hbm>> -> memref<128xi32, #tpu.memory_space<hbm>>
          tpu.enqueue_dma source(%dma_start3A_624 : memref<128xi32, #tpu.memory_space<hbm>>) target(%arg12 : memref<128xi32, #tpu.memory_space<vmem>>) target_semaphore(%arg23 : memref<!tpu.dma_semaphore, #tpu.memory_space<semaphore_mem>>)
          %dma_start3A_625 = tpu.memref_slice %arg7[%multiple_of3A_622] : memref<161792xi32, #tpu.memory_space<hbm>> -> memref<128xi32, #tpu.memory_space<hbm>>
          %dma_start3A_626 = tpu.memref_slice %arg7[%multiple_of3A_622] : memref<161792xi32, #tpu.memory_space<hbm>> -> memref<128xi32, #tpu.memory_space<hbm>>
          tpu.enqueue_dma source(%dma_start3A_626 : memref<128xi32, #tpu.memory_space<hbm>>) target(%arg16 : memref<128xi32, #tpu.memory_space<vmem>>) target_semaphore(%arg23 : memref<!tpu.dma_semaphore, #tpu.memory_space<semaphore_mem>>)
        } else {
        }
        %dma_wait3A_511 = arith.constant 0 : i32
        %dma_wait3A_512 = tpu.memref_slice %arg6[%dma_wait3A_511] : memref<161792xi32, #tpu.memory_space<hbm>> -> memref<128xi32, #tpu.memory_space<hbm>>
        %dma_wait3A_513 = arith.constant 0 : i32
        %dma_wait3A_514 = tpu.memref_slice %arg6[%dma_wait3A_513] : memref<161792xi32, #tpu.memory_space<hbm>> -> memref<128xi32, #tpu.memory_space<hbm>>
        tpu.wait_dma2 semaphore(%arg22 : memref<!tpu.dma_semaphore, #tpu.memory_space<semaphore_mem>>) src(%dma_wait3A_514 : memref<128xi32, #tpu.memory_space<hbm>>) dst(%arg11 : memref<128xi32, #tpu.memory_space<vmem>>)
        %dma_wait3A_515 = arith.constant 0 : i32
        %dma_wait3A_516 = tpu.memref_slice %arg7[%dma_wait3A_515] : memref<161792xi32, #tpu.memory_space<hbm>> -> memref<128xi32, #tpu.memory_space<hbm>>
        %dma_wait3A_517 = arith.constant 0 : i32
        %dma_wait3A_518 = tpu.memref_slice %arg7[%dma_wait3A_517] : memref<161792xi32, #tpu.memory_space<hbm>> -> memref<128xi32, #tpu.memory_space<hbm>>
        tpu.wait_dma2 semaphore(%arg22 : memref<!tpu.dma_semaphore, #tpu.memory_space<semaphore_mem>>) src(%dma_wait3A_518 : memref<128xi32, #tpu.memory_space<hbm>>) dst(%arg15 : memref<128xi32, #tpu.memory_space<vmem>>)
        %dma_start3A_519 = arith.constant 0 : i32
        %dma_start3A_520 = arith.constant 0 : i32
        %dma_start3A_521 = tpu.memref_slice %arg5[%dma_start3A_519, %dma_start3A_520] : memref<10000x128xf32, #tpu.memory_space<hbm>> -> memref<10000x128xf32, #tpu.memory_space<hbm>>
        tpu.enqueue_indirect_dma source(%dma_start3A_521 : memref<10000x128xf32, #tpu.memory_space<hbm>>) target(%arg19 : memref<128x128xf32, #tpu.memory_space<vmem>>) offsets(%arg11 : memref<128xi32, #tpu.memory_space<vmem>>) semaphore(%arg26 : memref<!tpu.dma_semaphore, #tpu.memory_space<semaphore_mem>>)
        %mul3A_522 = arith.constant 4 : i32
        %mul3A_523 = arith.muli %scan3A_490, %mul3A_522 : i32
        %add3A_524 = arith.constant 1 : i32
        %add3A_525 = arith.addi %mul3A_523, %add3A_524 : i32
        %dma_wait3A_526 = arith.constant 0 : i32
        %dma_wait3A_527 = arith.constant 0 : i32
        %dma_wait3A_528 = tpu.memref_slice %arg5[%dma_wait3A_526, %dma_wait3A_527] : memref<10000x128xf32, #tpu.memory_space<hbm>> -> memref<10000x128xf32, #tpu.memory_space<hbm>>
        tpu.wait_indirect_dma semaphore(%arg26 : memref<!tpu.dma_semaphore, #tpu.memory_space<semaphore_mem>>) src(%dma_wait3A_528 : memref<10000x128xf32, #tpu.memory_space<hbm>>) dst(%arg19 : memref<128x128xf32, #tpu.memory_space<vmem>>)
        %dma_start3A_529 = arith.constant 0 : i32
        %dma_start3A_530 = arith.constant 0 : i32
        %dma_start3A_531 = tpu.memref_slice %arg20[%dma_start3A_529, %dma_start3A_530] : memref<10016x128xf32, #tpu.memory_space<vmem_shared>> -> memref<10016x128xf32, #tpu.memory_space<vmem_shared>>
        tpu.enqueue_indirect_dma source(%arg19 : memref<128x128xf32, #tpu.memory_space<vmem>>) target(%dma_start3A_531 : memref<10016x128xf32, #tpu.memory_space<vmem_shared>>) offsets(%arg15 : memref<128xi32, #tpu.memory_space<vmem>>) semaphore(%arg28 : memref<!tpu.dma_semaphore, #tpu.memory_space<semaphore_mem>>) {add = true}
        %dma_wait3A_532 = arith.constant 0 : i32
        %dma_wait3A_533 = arith.constant 0 : i32
        %dma_wait3A_534 = tpu.memref_slice %arg20[%dma_wait3A_532, %dma_wait3A_533] : memref<10016x128xf32, #tpu.memory_space<vmem_shared>> -> memref<10016x128xf32, #tpu.memory_space<vmem_shared>>
        tpu.wait_indirect_dma semaphore(%arg27 : memref<!tpu.dma_semaphore, #tpu.memory_space<semaphore_mem>>) src(%arg18 : memref<128x128xf32, #tpu.memory_space<vmem>>) dst(%dma_wait3A_534 : memref<10016x128xf32, #tpu.memory_space<vmem_shared>>)
        %add3A_535 = arith.constant 2 : i32
        %add3A_536 = arith.addi %add3A_525, %add3A_535 : i32
        %lt3A_537 = arith.constant 79 : i32
        %lt3A_538 = arith.cmpi slt, %add3A_536, %lt3A_537 : i32
        %convert_element_type3A_539 = arith.extui %lt3A_538 : i1 to i32
        %cond3A_540 = arith.constant 0 : i32
        %cond3A_541 = arith.cmpi ne, %convert_element_type3A_539, %cond3A_540 : i32
        scf.if %cond3A_541 {
          %add3A_615 = arith.constant 2 : i32
          %add3A_616 = arith.addi %add3A_525, %add3A_615 : i32
          %mul3A_617 = arith.constant 79 : i32
          %mul3A_618 = arith.muli %arg1, %mul3A_617 : i32
          %add3A_619 = arith.addi %mul3A_618, %add3A_616 : i32
          %mul3A_620 = arith.constant 128 : i32
          %mul3A_621 = arith.muli %add3A_619, %mul3A_620 : i32
          %multiple_of3A_622 = tpu.assume_multiple %mul3A_621, 128 : i32
          %dma_start3A_623 = tpu.memref_slice %arg6[%multiple_of3A_622] : memref<161792xi32, #tpu.memory_space<hbm>> -> memref<128xi32, #tpu.memory_space<hbm>>
          %dma_start3A_624 = tpu.memref_slice %arg6[%multiple_of3A_622] : memref<161792xi32, #tpu.memory_space<hbm>> -> memref<128xi32, #tpu.memory_space<hbm>>
          tpu.enqueue_dma source(%dma_start3A_624 : memref<128xi32, #tpu.memory_space<hbm>>) target(%arg13 : memref<128xi32, #tpu.memory_space<vmem>>) target_semaphore(%arg24 : memref<!tpu.dma_semaphore, #tpu.memory_space<semaphore_mem>>)
          %dma_start3A_625 = tpu.memref_slice %arg7[%multiple_of3A_622] : memref<161792xi32, #tpu.memory_space<hbm>> -> memref<128xi32, #tpu.memory_space<hbm>>
          %dma_start3A_626 = tpu.memref_slice %arg7[%multiple_of3A_622] : memref<161792xi32, #tpu.memory_space<hbm>> -> memref<128xi32, #tpu.memory_space<hbm>>
          tpu.enqueue_dma source(%dma_start3A_626 : memref<128xi32, #tpu.memory_space<hbm>>) target(%arg17 : memref<128xi32, #tpu.memory_space<vmem>>) target_semaphore(%arg24 : memref<!tpu.dma_semaphore, #tpu.memory_space<semaphore_mem>>)
        } else {
        }
        %dma_wait3A_542 = arith.constant 0 : i32
        %dma_wait3A_543 = tpu.memref_slice %arg6[%dma_wait3A_542] : memref<161792xi32, #tpu.memory_space<hbm>> -> memref<128xi32, #tpu.memory_space<hbm>>
        %dma_wait3A_544 = arith.constant 0 : i32
        %dma_wait3A_545 = tpu.memref_slice %arg6[%dma_wait3A_544] : memref<161792xi32, #tpu.memory_space<hbm>> -> memref<128xi32, #tpu.memory_space<hbm>>
        tpu.wait_dma2 semaphore(%arg23 : memref<!tpu.dma_semaphore, #tpu.memory_space<semaphore_mem>>) src(%dma_wait3A_545 : memref<128xi32, #tpu.memory_space<hbm>>) dst(%arg12 : memref<128xi32, #tpu.memory_space<vmem>>)
        %dma_wait3A_546 = arith.constant 0 : i32
        %dma_wait3A_547 = tpu.memref_slice %arg7[%dma_wait3A_546] : memref<161792xi32, #tpu.memory_space<hbm>> -> memref<128xi32, #tpu.memory_space<hbm>>
        %dma_wait3A_548 = arith.constant 0 : i32
        %dma_wait3A_549 = tpu.memref_slice %arg7[%dma_wait3A_548] : memref<161792xi32, #tpu.memory_space<hbm>> -> memref<128xi32, #tpu.memory_space<hbm>>
        tpu.wait_dma2 semaphore(%arg23 : memref<!tpu.dma_semaphore, #tpu.memory_space<semaphore_mem>>) src(%dma_wait3A_549 : memref<128xi32, #tpu.memory_space<hbm>>) dst(%arg16 : memref<128xi32, #tpu.memory_space<vmem>>)
        %dma_start3A_550 = arith.constant 0 : i32
        %dma_start3A_551 = arith.constant 0 : i32
        %dma_start3A_552 = tpu.memref_slice %arg5[%dma_start3A_550, %dma_start3A_551] : memref<10000x128xf32, #tpu.memory_space<hbm>> -> memref<10000x128xf32, #tpu.memory_space<hbm>>
        tpu.enqueue_indirect_dma source(%dma_start3A_552 : memref<10000x128xf32, #tpu.memory_space<hbm>>) target(%arg18 : memref<128x128xf32, #tpu.memory_space<vmem>>) offsets(%arg12 : memref<128xi32, #tpu.memory_space<vmem>>) semaphore(%arg25 : memref<!tpu.dma_semaphore, #tpu.memory_space<semaphore_mem>>)
        %mul3A_553 = arith.constant 4 : i32
        %mul3A_554 = arith.muli %scan3A_490, %mul3A_553 : i32
        %add3A_555 = arith.constant 2 : i32
        %add3A_556 = arith.addi %mul3A_554, %add3A_555 : i32
        %dma_wait3A_557 = arith.constant 0 : i32
        %dma_wait3A_558 = arith.constant 0 : i32
        %dma_wait3A_559 = tpu.memref_slice %arg5[%dma_wait3A_557, %dma_wait3A_558] : memref<10000x128xf32, #tpu.memory_space<hbm>> -> memref<10000x128xf32, #tpu.memory_space<hbm>>
        tpu.wait_indirect_dma semaphore(%arg25 : memref<!tpu.dma_semaphore, #tpu.memory_space<semaphore_mem>>) src(%dma_wait3A_559 : memref<10000x128xf32, #tpu.memory_space<hbm>>) dst(%arg18 : memref<128x128xf32, #tpu.memory_space<vmem>>)
        %dma_start3A_560 = arith.constant 0 : i32
        %dma_start3A_561 = arith.constant 0 : i32
        %dma_start3A_562 = tpu.memref_slice %arg20[%dma_start3A_560, %dma_start3A_561] : memref<10016x128xf32, #tpu.memory_space<vmem_shared>> -> memref<10016x128xf32, #tpu.memory_space<vmem_shared>>
        tpu.enqueue_indirect_dma source(%arg18 : memref<128x128xf32, #tpu.memory_space<vmem>>) target(%dma_start3A_562 : memref<10016x128xf32, #tpu.memory_space<vmem_shared>>) offsets(%arg16 : memref<128xi32, #tpu.memory_space<vmem>>) semaphore(%arg27 : memref<!tpu.dma_semaphore, #tpu.memory_space<semaphore_mem>>) {add = true}
        %dma_wait3A_563 = arith.constant 0 : i32
        %dma_wait3A_564 = arith.constant 0 : i32
        %dma_wait3A_565 = tpu.memref_slice %arg20[%dma_wait3A_563, %dma_wait3A_564] : memref<10016x128xf32, #tpu.memory_space<vmem_shared>> -> memref<10016x128xf32, #tpu.memory_space<vmem_shared>>
        tpu.wait_indirect_dma semaphore(%arg28 : memref<!tpu.dma_semaphore, #tpu.memory_space<semaphore_mem>>) src(%arg19 : memref<128x128xf32, #tpu.memory_space<vmem>>) dst(%dma_wait3A_565 : memref<10016x128xf32, #tpu.memory_space<vmem_shared>>)
        %add3A_566 = arith.constant 2 : i32
        %add3A_567 = arith.addi %add3A_556, %add3A_566 : i32
        %lt3A_568 = arith.constant 79 : i32
        %lt3A_569 = arith.cmpi slt, %add3A_567, %lt3A_568 : i32
        %convert_element_type3A_570 = arith.extui %lt3A_569 : i1 to i32
        %cond3A_571 = arith.constant 0 : i32
        %cond3A_572 = arith.cmpi ne, %convert_element_type3A_570, %cond3A_571 : i32
        scf.if %cond3A_572 {
          %add3A_615 = arith.constant 2 : i32
          %add3A_616 = arith.addi %add3A_556, %add3A_615 : i32
          %mul3A_617 = arith.constant 79 : i32
          %mul3A_618 = arith.muli %arg1, %mul3A_617 : i32
          %add3A_619 = arith.addi %mul3A_618, %add3A_616 : i32
          %mul3A_620 = arith.constant 128 : i32
          %mul3A_621 = arith.muli %add3A_619, %mul3A_620 : i32
          %multiple_of3A_622 = tpu.assume_multiple %mul3A_621, 128 : i32
          %dma_start3A_623 = tpu.memref_slice %arg6[%multiple_of3A_622] : memref<161792xi32, #tpu.memory_space<hbm>> -> memref<128xi32, #tpu.memory_space<hbm>>
          %dma_start3A_624 = tpu.memref_slice %arg6[%multiple_of3A_622] : memref<161792xi32, #tpu.memory_space<hbm>> -> memref<128xi32, #tpu.memory_space<hbm>>
          tpu.enqueue_dma source(%dma_start3A_624 : memref<128xi32, #tpu.memory_space<hbm>>) target(%arg10 : memref<128xi32, #tpu.memory_space<vmem>>) target_semaphore(%arg21 : memref<!tpu.dma_semaphore, #tpu.memory_space<semaphore_mem>>)
          %dma_start3A_625 = tpu.memref_slice %arg7[%multiple_of3A_622] : memref<161792xi32, #tpu.memory_space<hbm>> -> memref<128xi32, #tpu.memory_space<hbm>>
          %dma_start3A_626 = tpu.memref_slice %arg7[%multiple_of3A_622] : memref<161792xi32, #tpu.memory_space<hbm>> -> memref<128xi32, #tpu.memory_space<hbm>>
          tpu.enqueue_dma source(%dma_start3A_626 : memref<128xi32, #tpu.memory_space<hbm>>) target(%arg14 : memref<128xi32, #tpu.memory_space<vmem>>) target_semaphore(%arg21 : memref<!tpu.dma_semaphore, #tpu.memory_space<semaphore_mem>>)
        } else {
        }
        %dma_wait3A_573 = arith.constant 0 : i32
        %dma_wait3A_574 = tpu.memref_slice %arg6[%dma_wait3A_573] : memref<161792xi32, #tpu.memory_space<hbm>> -> memref<128xi32, #tpu.memory_space<hbm>>
        %dma_wait3A_575 = arith.constant 0 : i32
        %dma_wait3A_576 = tpu.memref_slice %arg6[%dma_wait3A_575] : memref<161792xi32, #tpu.memory_space<hbm>> -> memref<128xi32, #tpu.memory_space<hbm>>
        tpu.wait_dma2 semaphore(%arg24 : memref<!tpu.dma_semaphore, #tpu.memory_space<semaphore_mem>>) src(%dma_wait3A_576 : memref<128xi32, #tpu.memory_space<hbm>>) dst(%arg13 : memref<128xi32, #tpu.memory_space<vmem>>)
        %dma_wait3A_577 = arith.constant 0 : i32
        %dma_wait3A_578 = tpu.memref_slice %arg7[%dma_wait3A_577] : memref<161792xi32, #tpu.memory_space<hbm>> -> memref<128xi32, #tpu.memory_space<hbm>>
        %dma_wait3A_579 = arith.constant 0 : i32
        %dma_wait3A_580 = tpu.memref_slice %arg7[%dma_wait3A_579] : memref<161792xi32, #tpu.memory_space<hbm>> -> memref<128xi32, #tpu.memory_space<hbm>>
        tpu.wait_dma2 semaphore(%arg24 : memref<!tpu.dma_semaphore, #tpu.memory_space<semaphore_mem>>) src(%dma_wait3A_580 : memref<128xi32, #tpu.memory_space<hbm>>) dst(%arg17 : memref<128xi32, #tpu.memory_space<vmem>>)
        %dma_start3A_581 = arith.constant 0 : i32
        %dma_start3A_582 = arith.constant 0 : i32
        %dma_start3A_583 = tpu.memref_slice %arg5[%dma_start3A_581, %dma_start3A_582] : memref<10000x128xf32, #tpu.memory_space<hbm>> -> memref<10000x128xf32, #tpu.memory_space<hbm>>
        tpu.enqueue_indirect_dma source(%dma_start3A_583 : memref<10000x128xf32, #tpu.memory_space<hbm>>) target(%arg19 : memref<128x128xf32, #tpu.memory_space<vmem>>) offsets(%arg13 : memref<128xi32, #tpu.memory_space<vmem>>) semaphore(%arg26 : memref<!tpu.dma_semaphore, #tpu.memory_space<semaphore_mem>>)
        %mul3A_584 = arith.constant 4 : i32
        %mul3A_585 = arith.muli %scan3A_490, %mul3A_584 : i32
        %add3A_586 = arith.constant 3 : i32
        %add3A_587 = arith.addi %mul3A_585, %add3A_586 : i32
        %dma_wait3A_588 = arith.constant 0 : i32
        %dma_wait3A_589 = arith.constant 0 : i32
        %dma_wait3A_590 = tpu.memref_slice %arg5[%dma_wait3A_588, %dma_wait3A_589] : memref<10000x128xf32, #tpu.memory_space<hbm>> -> memref<10000x128xf32, #tpu.memory_space<hbm>>
        tpu.wait_indirect_dma semaphore(%arg26 : memref<!tpu.dma_semaphore, #tpu.memory_space<semaphore_mem>>) src(%dma_wait3A_590 : memref<10000x128xf32, #tpu.memory_space<hbm>>) dst(%arg19 : memref<128x128xf32, #tpu.memory_space<vmem>>)
        %dma_start3A_591 = arith.constant 0 : i32
        %dma_start3A_592 = arith.constant 0 : i32
        %dma_start3A_593 = tpu.memref_slice %arg20[%dma_start3A_591, %dma_start3A_592] : memref<10016x128xf32, #tpu.memory_space<vmem_shared>> -> memref<10016x128xf32, #tpu.memory_space<vmem_shared>>
        tpu.enqueue_indirect_dma source(%arg19 : memref<128x128xf32, #tpu.memory_space<vmem>>) target(%dma_start3A_593 : memref<10016x128xf32, #tpu.memory_space<vmem_shared>>) offsets(%arg17 : memref<128xi32, #tpu.memory_space<vmem>>) semaphore(%arg28 : memref<!tpu.dma_semaphore, #tpu.memory_space<semaphore_mem>>) {add = true}
        %dma_wait3A_594 = arith.constant 0 : i32
        %dma_wait3A_595 = arith.constant 0 : i32
        %dma_wait3A_596 = tpu.memref_slice %arg20[%dma_wait3A_594, %dma_wait3A_595] : memref<10016x128xf32, #tpu.memory_space<vmem_shared>> -> memref<10016x128xf32, #tpu.memory_space<vmem_shared>>
        tpu.wait_indirect_dma semaphore(%arg27 : memref<!tpu.dma_semaphore, #tpu.memory_space<semaphore_mem>>) src(%arg18 : memref<128x128xf32, #tpu.memory_space<vmem>>) dst(%dma_wait3A_596 : memref<10016x128xf32, #tpu.memory_space<vmem_shared>>)
        %add3A_597 = arith.constant 2 : i32
        %add3A_598 = arith.addi %add3A_587, %add3A_597 : i32
        %lt3A_599 = arith.constant 79 : i32
        %lt3A_600 = arith.cmpi slt, %add3A_598, %lt3A_599 : i32
        %convert_element_type3A_601 = arith.extui %lt3A_600 : i1 to i32
        %cond3A_602 = arith.constant 0 : i32
        %cond3A_603 = arith.cmpi ne, %convert_element_type3A_601, %cond3A_602 : i32
        scf.if %cond3A_603 {
          %add3A_615 = arith.constant 2 : i32
          %add3A_616 = arith.addi %add3A_587, %add3A_615 : i32
          %mul3A_617 = arith.constant 79 : i32
          %mul3A_618 = arith.muli %arg1, %mul3A_617 : i32
          %add3A_619 = arith.addi %mul3A_618, %add3A_616 : i32
          %mul3A_620 = arith.constant 128 : i32
          %mul3A_621 = arith.muli %add3A_619, %mul3A_620 : i32
          %multiple_of3A_622 = tpu.assume_multiple %mul3A_621, 128 : i32
          %dma_start3A_623 = tpu.memref_slice %arg6[%multiple_of3A_622] : memref<161792xi32, #tpu.memory_space<hbm>> -> memref<128xi32, #tpu.memory_space<hbm>>
          %dma_start3A_624 = tpu.memref_slice %arg6[%multiple_of3A_622] : memref<161792xi32, #tpu.memory_space<hbm>> -> memref<128xi32, #tpu.memory_space<hbm>>
          tpu.enqueue_dma source(%dma_start3A_624 : memref<128xi32, #tpu.memory_space<hbm>>) target(%arg11 : memref<128xi32, #tpu.memory_space<vmem>>) target_semaphore(%arg22 : memref<!tpu.dma_semaphore, #tpu.memory_space<semaphore_mem>>)
          %dma_start3A_625 = tpu.memref_slice %arg7[%multiple_of3A_622] : memref<161792xi32, #tpu.memory_space<hbm>> -> memref<128xi32, #tpu.memory_space<hbm>>
          %dma_start3A_626 = tpu.memref_slice %arg7[%multiple_of3A_622] : memref<161792xi32, #tpu.memory_space<hbm>> -> memref<128xi32, #tpu.memory_space<hbm>>
          tpu.enqueue_dma source(%dma_start3A_626 : memref<128xi32, #tpu.memory_space<hbm>>) target(%arg15 : memref<128xi32, #tpu.memory_space<vmem>>) target_semaphore(%arg22 : memref<!tpu.dma_semaphore, #tpu.memory_space<semaphore_mem>>)
        } else {
        }
        %dma_wait3A_604 = arith.constant 0 : i32
        %dma_wait3A_605 = tpu.memref_slice %arg6[%dma_wait3A_604] : memref<161792xi32, #tpu.memory_space<hbm>> -> memref<128xi32, #tpu.memory_space<hbm>>
        %dma_wait3A_606 = arith.constant 0 : i32
        %dma_wait3A_607 = tpu.memref_slice %arg6[%dma_wait3A_606] : memref<161792xi32, #tpu.memory_space<hbm>> -> memref<128xi32, #tpu.memory_space<hbm>>
        tpu.wait_dma2 semaphore(%arg21 : memref<!tpu.dma_semaphore, #tpu.memory_space<semaphore_mem>>) src(%dma_wait3A_607 : memref<128xi32, #tpu.memory_space<hbm>>) dst(%arg10 : memref<128xi32, #tpu.memory_space<vmem>>)
        %dma_wait3A_608 = arith.constant 0 : i32
        %dma_wait3A_609 = tpu.memref_slice %arg7[%dma_wait3A_608] : memref<161792xi32, #tpu.memory_space<hbm>> -> memref<128xi32, #tpu.memory_space<hbm>>
        %dma_wait3A_610 = arith.constant 0 : i32
        %dma_wait3A_611 = tpu.memref_slice %arg7[%dma_wait3A_610] : memref<161792xi32, #tpu.memory_space<hbm>> -> memref<128xi32, #tpu.memory_space<hbm>>
        tpu.wait_dma2 semaphore(%arg21 : memref<!tpu.dma_semaphore, #tpu.memory_space<semaphore_mem>>) src(%dma_wait3A_611 : memref<128xi32, #tpu.memory_space<hbm>>) dst(%arg14 : memref<128xi32, #tpu.memory_space<vmem>>)
        %dma_start3A_612 = arith.constant 0 : i32
        %dma_start3A_613 = arith.constant 0 : i32
        %dma_start3A_614 = tpu.memref_slice %arg5[%dma_start3A_612, %dma_start3A_613] : memref<10000x128xf32, #tpu.memory_space<hbm>> -> memref<10000x128xf32, #tpu.memory_space<hbm>>
        tpu.enqueue_indirect_dma source(%dma_start3A_614 : memref<10000x128xf32, #tpu.memory_space<hbm>>) target(%arg18 : memref<128x128xf32, #tpu.memory_space<vmem>>) offsets(%arg10 : memref<128xi32, #tpu.memory_space<vmem>>) semaphore(%arg25 : memref<!tpu.dma_semaphore, #tpu.memory_space<semaphore_mem>>)
      }
      %scan3A_414 = arith.constant 18 : i32
      %dma_wait3A_415 = arith.constant 0 : i32
      %dma_wait3A_416 = arith.constant 0 : i32
      %dma_wait3A_417 = tpu.memref_slice %arg5[%dma_wait3A_415, %dma_wait3A_416] : memref<10000x128xf32, #tpu.memory_space<hbm>> -> memref<10000x128xf32, #tpu.memory_space<hbm>>
      tpu.wait_indirect_dma semaphore(%arg25 : memref<!tpu.dma_semaphore, #tpu.memory_space<semaphore_mem>>) src(%dma_wait3A_417 : memref<10000x128xf32, #tpu.memory_space<hbm>>) dst(%arg18 : memref<128x128xf32, #tpu.memory_space<vmem>>)
      %dma_start3A_418 = arith.constant 0 : i32
      %dma_start3A_419 = arith.constant 0 : i32
      %dma_start3A_420 = tpu.memref_slice %arg20[%dma_start3A_418, %dma_start3A_419] : memref<10016x128xf32, #tpu.memory_space<vmem_shared>> -> memref<10016x128xf32, #tpu.memory_space<vmem_shared>>
      tpu.enqueue_indirect_dma source(%arg18 : memref<128x128xf32, #tpu.memory_space<vmem>>) target(%dma_start3A_420 : memref<10016x128xf32, #tpu.memory_space<vmem_shared>>) offsets(%arg14 : memref<128xi32, #tpu.memory_space<vmem>>) semaphore(%arg27 : memref<!tpu.dma_semaphore, #tpu.memory_space<semaphore_mem>>) {add = true}
      %dma_wait3A_421 = arith.constant 0 : i32
      %dma_wait3A_422 = arith.constant 0 : i32
      %dma_wait3A_423 = tpu.memref_slice %arg20[%dma_wait3A_421, %dma_wait3A_422] : memref<10016x128xf32, #tpu.memory_space<vmem_shared>> -> memref<10016x128xf32, #tpu.memory_space<vmem_shared>>
      tpu.wait_indirect_dma semaphore(%arg28 : memref<!tpu.dma_semaphore, #tpu.memory_space<semaphore_mem>>) src(%arg19 : memref<128x128xf32, #tpu.memory_space<vmem>>) dst(%dma_wait3A_423 : memref<10016x128xf32, #tpu.memory_space<vmem_shared>>)
      %mul3A_424 = arith.constant 79 : i32
      %mul3A_425 = arith.muli %arg1, %mul3A_424 : i32
      %add3A_426 = arith.constant 78 : i32
      %add3A_427 = arith.addi %mul3A_425, %add3A_426 : i32
      %mul3A_428 = arith.constant 128 : i32
      %mul3A_429 = arith.muli %add3A_427, %mul3A_428 : i32
      %multiple_of3A_430 = tpu.assume_multiple %mul3A_429, 128 : i32
      %dma_start3A_431 = tpu.memref_slice %arg6[%multiple_of3A_430] : memref<161792xi32, #tpu.memory_space<hbm>> -> memref<128xi32, #tpu.memory_space<hbm>>
      %dma_start3A_432 = tpu.memref_slice %arg6[%multiple_of3A_430] : memref<161792xi32, #tpu.memory_space<hbm>> -> memref<128xi32, #tpu.memory_space<hbm>>
      tpu.enqueue_dma source(%dma_start3A_432 : memref<128xi32, #tpu.memory_space<hbm>>) target(%arg12 : memref<128xi32, #tpu.memory_space<vmem>>) target_semaphore(%arg23 : memref<!tpu.dma_semaphore, #tpu.memory_space<semaphore_mem>>)
      %dma_start3A_433 = tpu.memref_slice %arg7[%multiple_of3A_430] : memref<161792xi32, #tpu.memory_space<hbm>> -> memref<128xi32, #tpu.memory_space<hbm>>
      %dma_start3A_434 = tpu.memref_slice %arg7[%multiple_of3A_430] : memref<161792xi32, #tpu.memory_space<hbm>> -> memref<128xi32, #tpu.memory_space<hbm>>
      tpu.enqueue_dma source(%dma_start3A_434 : memref<128xi32, #tpu.memory_space<hbm>>) target(%arg16 : memref<128xi32, #tpu.memory_space<vmem>>) target_semaphore(%arg23 : memref<!tpu.dma_semaphore, #tpu.memory_space<semaphore_mem>>)
      %dma_wait3A_435 = arith.constant 0 : i32
      %dma_wait3A_436 = tpu.memref_slice %arg6[%dma_wait3A_435] : memref<161792xi32, #tpu.memory_space<hbm>> -> memref<128xi32, #tpu.memory_space<hbm>>
      %dma_wait3A_437 = arith.constant 0 : i32
      %dma_wait3A_438 = tpu.memref_slice %arg6[%dma_wait3A_437] : memref<161792xi32, #tpu.memory_space<hbm>> -> memref<128xi32, #tpu.memory_space<hbm>>
      tpu.wait_dma2 semaphore(%arg22 : memref<!tpu.dma_semaphore, #tpu.memory_space<semaphore_mem>>) src(%dma_wait3A_438 : memref<128xi32, #tpu.memory_space<hbm>>) dst(%arg11 : memref<128xi32, #tpu.memory_space<vmem>>)
      %dma_wait3A_439 = arith.constant 0 : i32
      %dma_wait3A_440 = tpu.memref_slice %arg7[%dma_wait3A_439] : memref<161792xi32, #tpu.memory_space<hbm>> -> memref<128xi32, #tpu.memory_space<hbm>>
      %dma_wait3A_441 = arith.constant 0 : i32
      %dma_wait3A_442 = tpu.memref_slice %arg7[%dma_wait3A_441] : memref<161792xi32, #tpu.memory_space<hbm>> -> memref<128xi32, #tpu.memory_space<hbm>>
      tpu.wait_dma2 semaphore(%arg22 : memref<!tpu.dma_semaphore, #tpu.memory_space<semaphore_mem>>) src(%dma_wait3A_442 : memref<128xi32, #tpu.memory_space<hbm>>) dst(%arg15 : memref<128xi32, #tpu.memory_space<vmem>>)
      %dma_start3A_443 = arith.constant 0 : i32
      %dma_start3A_444 = arith.constant 0 : i32
      %dma_start3A_445 = tpu.memref_slice %arg5[%dma_start3A_443, %dma_start3A_444] : memref<10000x128xf32, #tpu.memory_space<hbm>> -> memref<10000x128xf32, #tpu.memory_space<hbm>>
      tpu.enqueue_indirect_dma source(%dma_start3A_445 : memref<10000x128xf32, #tpu.memory_space<hbm>>) target(%arg19 : memref<128x128xf32, #tpu.memory_space<vmem>>) offsets(%arg11 : memref<128xi32, #tpu.memory_space<vmem>>) semaphore(%arg26 : memref<!tpu.dma_semaphore, #tpu.memory_space<semaphore_mem>>)
      %dma_wait3A_446 = arith.constant 0 : i32
      %dma_wait3A_447 = arith.constant 0 : i32
      %dma_wait3A_448 = tpu.memref_slice %arg5[%dma_wait3A_446, %dma_wait3A_447] : memref<10000x128xf32, #tpu.memory_space<hbm>> -> memref<10000x128xf32, #tpu.memory_space<hbm>>
      tpu.wait_indirect_dma semaphore(%arg26 : memref<!tpu.dma_semaphore, #tpu.memory_space<semaphore_mem>>) src(%dma_wait3A_448 : memref<10000x128xf32, #tpu.memory_space<hbm>>) dst(%arg19 : memref<128x128xf32, #tpu.memory_space<vmem>>)
      %dma_start3A_449 = arith.constant 0 : i32
      %dma_start3A_450 = arith.constant 0 : i32
      %dma_start3A_451 = tpu.memref_slice %arg20[%dma_start3A_449, %dma_start3A_450] : memref<10016x128xf32, #tpu.memory_space<vmem_shared>> -> memref<10016x128xf32, #tpu.memory_space<vmem_shared>>
      tpu.enqueue_indirect_dma source(%arg19 : memref<128x128xf32, #tpu.memory_space<vmem>>) target(%dma_start3A_451 : memref<10016x128xf32, #tpu.memory_space<vmem_shared>>) offsets(%arg15 : memref<128xi32, #tpu.memory_space<vmem>>) semaphore(%arg28 : memref<!tpu.dma_semaphore, #tpu.memory_space<semaphore_mem>>) {add = true}
      %dma_wait3A_452 = arith.constant 0 : i32
      %dma_wait3A_453 = arith.constant 0 : i32
      %dma_wait3A_454 = tpu.memref_slice %arg20[%dma_wait3A_452, %dma_wait3A_453] : memref<10016x128xf32, #tpu.memory_space<vmem_shared>> -> memref<10016x128xf32, #tpu.memory_space<vmem_shared>>
      tpu.wait_indirect_dma semaphore(%arg27 : memref<!tpu.dma_semaphore, #tpu.memory_space<semaphore_mem>>) src(%arg18 : memref<128x128xf32, #tpu.memory_space<vmem>>) dst(%dma_wait3A_454 : memref<10016x128xf32, #tpu.memory_space<vmem_shared>>)
      %dma_wait3A_455 = arith.constant 0 : i32
      %dma_wait3A_456 = tpu.memref_slice %arg6[%dma_wait3A_455] : memref<161792xi32, #tpu.memory_space<hbm>> -> memref<128xi32, #tpu.memory_space<hbm>>
      %dma_wait3A_457 = arith.constant 0 : i32
      %dma_wait3A_458 = tpu.memref_slice %arg6[%dma_wait3A_457] : memref<161792xi32, #tpu.memory_space<hbm>> -> memref<128xi32, #tpu.memory_space<hbm>>
      tpu.wait_dma2 semaphore(%arg23 : memref<!tpu.dma_semaphore, #tpu.memory_space<semaphore_mem>>) src(%dma_wait3A_458 : memref<128xi32, #tpu.memory_space<hbm>>) dst(%arg12 : memref<128xi32, #tpu.memory_space<vmem>>)
      %dma_wait3A_459 = arith.constant 0 : i32
      %dma_wait3A_460 = tpu.memref_slice %arg7[%dma_wait3A_459] : memref<161792xi32, #tpu.memory_space<hbm>> -> memref<128xi32, #tpu.memory_space<hbm>>
      %dma_wait3A_461 = arith.constant 0 : i32
      %dma_wait3A_462 = tpu.memref_slice %arg7[%dma_wait3A_461] : memref<161792xi32, #tpu.memory_space<hbm>> -> memref<128xi32, #tpu.memory_space<hbm>>
      tpu.wait_dma2 semaphore(%arg23 : memref<!tpu.dma_semaphore, #tpu.memory_space<semaphore_mem>>) src(%dma_wait3A_462 : memref<128xi32, #tpu.memory_space<hbm>>) dst(%arg16 : memref<128xi32, #tpu.memory_space<vmem>>)
      %dma_start3A_463 = arith.constant 0 : i32
      %dma_start3A_464 = arith.constant 0 : i32
      %dma_start3A_465 = tpu.memref_slice %arg5[%dma_start3A_463, %dma_start3A_464] : memref<10000x128xf32, #tpu.memory_space<hbm>> -> memref<10000x128xf32, #tpu.memory_space<hbm>>
      tpu.enqueue_indirect_dma source(%dma_start3A_465 : memref<10000x128xf32, #tpu.memory_space<hbm>>) target(%arg18 : memref<128x128xf32, #tpu.memory_space<vmem>>) offsets(%arg12 : memref<128xi32, #tpu.memory_space<vmem>>) semaphore(%arg25 : memref<!tpu.dma_semaphore, #tpu.memory_space<semaphore_mem>>)
      %dma_wait3A_466 = arith.constant 0 : i32
      %dma_wait3A_467 = arith.constant 0 : i32
      %dma_wait3A_468 = tpu.memref_slice %arg5[%dma_wait3A_466, %dma_wait3A_467] : memref<10000x128xf32, #tpu.memory_space<hbm>> -> memref<10000x128xf32, #tpu.memory_space<hbm>>
      tpu.wait_indirect_dma semaphore(%arg25 : memref<!tpu.dma_semaphore, #tpu.memory_space<semaphore_mem>>) src(%dma_wait3A_468 : memref<10000x128xf32, #tpu.memory_space<hbm>>) dst(%arg18 : memref<128x128xf32, #tpu.memory_space<vmem>>)
      %dma_start3A_469 = arith.constant 0 : i32
      %dma_start3A_470 = arith.constant 0 : i32
      %dma_start3A_471 = tpu.memref_slice %arg20[%dma_start3A_469, %dma_start3A_470] : memref<10016x128xf32, #tpu.memory_space<vmem_shared>> -> memref<10016x128xf32, #tpu.memory_space<vmem_shared>>
      tpu.enqueue_indirect_dma source(%arg18 : memref<128x128xf32, #tpu.memory_space<vmem>>) target(%dma_start3A_471 : memref<10016x128xf32, #tpu.memory_space<vmem_shared>>) offsets(%arg16 : memref<128xi32, #tpu.memory_space<vmem>>) semaphore(%arg27 : memref<!tpu.dma_semaphore, #tpu.memory_space<semaphore_mem>>) {add = true}
      %dma_wait3A_472 = arith.constant 0 : i32
      %dma_wait3A_473 = arith.constant 0 : i32
      %dma_wait3A_474 = tpu.memref_slice %arg20[%dma_wait3A_472, %dma_wait3A_473] : memref<10016x128xf32, #tpu.memory_space<vmem_shared>> -> memref<10016x128xf32, #tpu.memory_space<vmem_shared>>
      tpu.wait_indirect_dma semaphore(%arg28 : memref<!tpu.dma_semaphore, #tpu.memory_space<semaphore_mem>>) src(%arg19 : memref<128x128xf32, #tpu.memory_space<vmem>>) dst(%dma_wait3A_474 : memref<10016x128xf32, #tpu.memory_space<vmem_shared>>)
      %dma_wait3A_475 = arith.constant 0 : i32
      %dma_wait3A_476 = arith.constant 0 : i32
      %dma_wait3A_477 = tpu.memref_slice %arg20[%dma_wait3A_475, %dma_wait3A_476] : memref<10016x128xf32, #tpu.memory_space<vmem_shared>> -> memref<10016x128xf32, #tpu.memory_space<vmem_shared>>
      tpu.wait_indirect_dma semaphore(%arg27 : memref<!tpu.dma_semaphore, #tpu.memory_space<semaphore_mem>>) src(%arg18 : memref<128x128xf32, #tpu.memory_space<vmem>>) dst(%dma_wait3A_477 : memref<10016x128xf32, #tpu.memory_space<vmem_shared>>)
      %barrier3A_478 = arith.constant 0 : index
      tpu.barrier barrier_id(%barrier3A_478)
      %mul3A_479 = arith.constant 624 : i32
      %mul3A_480 = arith.muli %arg1, %mul3A_479 : i32
      %mul3A_481 = arith.constant 624 : i32
      %mul3A_482 = arith.muli %arg1, %mul3A_481 : i32
      %run_scoped3A_483 = arith.constant 3 : i32
      "tpu.region"() ({
        %run_scoped3A_490 = tpu.sem_alloc : memref<!tpu.dma_semaphore, #tpu.memory_space<semaphore_mem>>
        %dma_start3A_491 = arith.constant 0 : i32
        %dma_start3A_492 = tpu.memref_slice %arg9[%run_scoped3A_483, %mul3A_482, %dma_start3A_491] : memref<4x10000x128xf32, #tpu.memory_space<hbm>> -> memref<1x624x128xf32, #tpu.memory_space<hbm>>
        %dma_start3A_493 = tpu.memref_squeeze %dma_start3A_492 : memref<1x624x128xf32, #tpu.memory_space<hbm>> -> memref<624x128xf32, #tpu.memory_space<hbm>>
        %dma_start3A_494 = arith.constant 0 : i32
        %dma_start3A_495 = tpu.memref_slice %arg20[%mul3A_480, %dma_start3A_494] : memref<10016x128xf32, #tpu.memory_space<vmem_shared>> -> memref<624x128xf32, #tpu.memory_space<vmem_shared>>
        tpu.enqueue_dma source(%dma_start3A_495 : memref<624x128xf32, #tpu.memory_space<vmem_shared>>) target(%dma_start3A_493 : memref<624x128xf32, #tpu.memory_space<hbm>>) target_semaphore(%run_scoped3A_490 : memref<!tpu.dma_semaphore, #tpu.memory_space<semaphore_mem>>)
        %dma_wait3A_496 = arith.constant 0 : i32
        %dma_wait3A_497 = tpu.memref_slice %arg9[%run_scoped3A_483, %mul3A_482, %dma_wait3A_496] : memref<4x10000x128xf32, #tpu.memory_space<hbm>> -> memref<1x624x128xf32, #tpu.memory_space<hbm>>
        %dma_wait3A_498 = tpu.memref_squeeze %dma_wait3A_497 : memref<1x624x128xf32, #tpu.memory_space<hbm>> -> memref<624x128xf32, #tpu.memory_space<hbm>>
        %dma_wait3A_499 = arith.constant 0 : i32
        %dma_wait3A_500 = tpu.memref_slice %arg20[%mul3A_480, %dma_wait3A_499] : memref<10016x128xf32, #tpu.memory_space<vmem_shared>> -> memref<624x128xf32, #tpu.memory_space<vmem_shared>>
        tpu.wait_dma2 semaphore(%run_scoped3A_490 : memref<!tpu.dma_semaphore, #tpu.memory_space<semaphore_mem>>) src(%dma_wait3A_500 : memref<624x128xf32, #tpu.memory_space<vmem_shared>>) dst(%dma_wait3A_498 : memref<624x128xf32, #tpu.memory_space<hbm>>)
        tpu.yield
      }) : () -> ()
      %eq3A_484 = arith.constant 15 : i32
      %eq3A_485 = arith.cmpi eq, %arg1, %eq3A_484 : i32
      %convert_element_type3A_486 = arith.extui %eq3A_485 : i1 to i32
      %cond3A_487 = arith.constant 0 : i32
      %cond3A_488 = arith.cmpi ne, %convert_element_type3A_486, %cond3A_487 : i32
      scf.if %cond3A_488 {
        %run_scoped3A_490 = arith.constant 3 : i32
        "tpu.region"() ({
          %run_scoped3A_491 = tpu.sem_alloc : memref<!tpu.dma_semaphore, #tpu.memory_space<semaphore_mem>>
          %dma_start3A_492 = arith.constant 9984 : i32
          %dma_start3A_493 = arith.constant 0 : i32
          %dma_start3A_494 = tpu.memref_slice %arg9[%run_scoped3A_490, %dma_start3A_492, %dma_start3A_493] : memref<4x10000x128xf32, #tpu.memory_space<hbm>> -> memref<1x16x128xf32, #tpu.memory_space<hbm>>
          %dma_start3A_495 = tpu.memref_squeeze %dma_start3A_494 : memref<1x16x128xf32, #tpu.memory_space<hbm>> -> memref<16x128xf32, #tpu.memory_space<hbm>>
          %dma_start3A_496 = arith.constant 9984 : i32
          %dma_start3A_497 = arith.constant 0 : i32
          %dma_start3A_498 = tpu.memref_slice %arg20[%dma_start3A_496, %dma_start3A_497] : memref<10016x128xf32, #tpu.memory_space<vmem_shared>> -> memref<16x128xf32, #tpu.memory_space<vmem_shared>>
          tpu.enqueue_dma source(%dma_start3A_498 : memref<16x128xf32, #tpu.memory_space<vmem_shared>>) target(%dma_start3A_495 : memref<16x128xf32, #tpu.memory_space<hbm>>) target_semaphore(%run_scoped3A_491 : memref<!tpu.dma_semaphore, #tpu.memory_space<semaphore_mem>>)
          %dma_wait3A_499 = arith.constant 9984 : i32
          %dma_wait3A_500 = arith.constant 0 : i32
          %dma_wait3A_501 = tpu.memref_slice %arg9[%run_scoped3A_490, %dma_wait3A_499, %dma_wait3A_500] : memref<4x10000x128xf32, #tpu.memory_space<hbm>> -> memref<1x16x128xf32, #tpu.memory_space<hbm>>
          %dma_wait3A_502 = tpu.memref_squeeze %dma_wait3A_501 : memref<1x16x128xf32, #tpu.memory_space<hbm>> -> memref<16x128xf32, #tpu.memory_space<hbm>>
          %dma_wait3A_503 = arith.constant 9984 : i32
          %dma_wait3A_504 = arith.constant 0 : i32
          %dma_wait3A_505 = tpu.memref_slice %arg20[%dma_wait3A_503, %dma_wait3A_504] : memref<10016x128xf32, #tpu.memory_space<vmem_shared>> -> memref<16x128xf32, #tpu.memory_space<vmem_shared>>
          tpu.wait_dma2 semaphore(%run_scoped3A_491 : memref<!tpu.dma_semaphore, #tpu.memory_space<semaphore_mem>>) src(%dma_wait3A_505 : memref<16x128xf32, #tpu.memory_space<vmem_shared>>) dst(%dma_wait3A_502 : memref<16x128xf32, #tpu.memory_space<hbm>>)
          tpu.yield
        }) : () -> ()
      } else {
      }
      %barrier3A_489 = arith.constant 0 : index
      tpu.barrier barrier_id(%barrier3A_489)
    } else {
    }
    return
  }
}

module attributes {stable_mosaic.version = 14 : i64} {
  func.func @_tc_pre_body(%arg0: i32, %arg1: memref<1x128xf32, #tpu.memory_space<vmem>>, %arg2: memref<1000x512xf32, #tpu.memory_space<vmem>>, %arg3: memref<512x512xf32, #tpu.memory_space<vmem>>, %arg4: memref<1x512xf32, #tpu.memory_space<vmem>>, %arg5: memref<512x256xf32, #tpu.memory_space<vmem>>, %arg6: memref<1000x256xf32, #tpu.memory_space<vmem>>) attributes {dimension_semantics = [#tpu.dimension_semantics<arbitrary>], iteration_bounds = array<i64: 5>, scalar_prefetch = 0 : i64, scratch_operands = 0 : i64, tpu.core_type = #tpu.core_type<tc>, window_params = [{pipeline_mode = #tpu.pipeline_mode<synchronous>, transform_indices = @transform_0, window_bounds = array<i64: 1, 128>}, {transform_indices = @transform_1, window_bounds = array<i64: 1000, 512>}, {pipeline_mode = #tpu.pipeline_mode<synchronous>, transform_indices = @transform_2, window_bounds = array<i64: 512, 512>}, {pipeline_mode = #tpu.pipeline_mode<synchronous>, transform_indices = @transform_3, window_bounds = array<i64: 1, 512>}, {pipeline_mode = #tpu.pipeline_mode<synchronous>, transform_indices = @transform_4, window_bounds = array<i64: 512, 256>}, {transform_indices = @transform_5, window_bounds = array<i64: 1000, 256>}]} {
    %get3A = arith.constant 0 : index
    %get3A_0 = arith.constant 0 : index
    %get3A_1 = vector.load %arg1[%get3A, %get3A_0] : memref<1x128xf32, #tpu.memory_space<vmem>>, vector<1x1xf32>
    %get3A_2 = vector.extract %get3A_1[0, 0] : f32 from vector<1x1xf32>
    %get3A_3 = arith.constant 0 : index
    %get3A_4 = arith.constant 0 : index
    %get3A_5 = vector.load %arg2[%get3A_3, %get3A_4] : memref<1000x512xf32, #tpu.memory_space<vmem>>, vector<1000x512xf32>
    %get3A_6 = arith.constant 0 : index
    %get3A_7 = arith.constant 0 : index
    %get3A_8 = vector.load %arg3[%get3A_6, %get3A_7] : memref<512x512xf32, #tpu.memory_space<vmem>>, vector<512x512xf32>
    %dot_general3A = arith.constant dense<0.000000e+00> : vector<1000x512xf32>
    %dot_general3A_9 = tpu.matmul %get3A_5, %get3A_8, %dot_general3A {dimension_numbers = #tpu.dot_dimension_numbers<[1], [0], [0], [1], [0, 0, 1, 1], [], []>, transpose_lhs_hint = false} : vector<1000x512xf32>, vector<512x512xf32>, vector<1000x512xf32> -> vector<1000x512xf32>
    %get3A_10 = arith.constant 0 : index
    %get3A_11 = arith.constant 0 : index
    %get3A_12 = vector.load %arg4[%get3A_10, %get3A_11] : memref<1x512xf32, #tpu.memory_space<vmem>>, vector<1x512xf32>
    %add3A = vector.broadcast %get3A_12 : vector<1x512xf32> to vector<1000x512xf32>
    %add3A_13 = arith.addf %dot_general3A_9, %add3A : vector<1000x512xf32>
    %max3A = arith.constant 0.000000e+00 : f32
    %max3A_14 = vector.broadcast %max3A : f32 to vector<1000x512xf32>
    %max3A_15 = arith.maximumf %add3A_13, %max3A_14 : vector<1000x512xf32>
    %mul3A = vector.broadcast %get3A_2 : f32 to vector<1000x512xf32>
    %mul3A_16 = arith.mulf %mul3A, %max3A_15 : vector<1000x512xf32>
    %get3A_17 = arith.constant 0 : index
    %get3A_18 = arith.constant 0 : index
    %get3A_19 = vector.load %arg5[%get3A_17, %get3A_18] : memref<512x256xf32, #tpu.memory_space<vmem>>, vector<512x256xf32>
    %dot_general3A_20 = arith.constant dense<0.000000e+00> : vector<1000x256xf32>
    %dot_general3A_21 = tpu.matmul %mul3A_16, %get3A_19, %dot_general3A_20 {dimension_numbers = #tpu.dot_dimension_numbers<[1], [0], [0], [1], [0, 0, 1, 1], [], []>, transpose_lhs_hint = false} : vector<1000x512xf32>, vector<512x256xf32>, vector<1000x256xf32> -> vector<1000x256xf32>
    %swap3A = arith.constant 0 : index
    %swap3A_22 = arith.constant 0 : index
    %swap3A_23 = vector.load %arg6[%swap3A, %swap3A_22] : memref<1000x256xf32, #tpu.memory_space<vmem>>, vector<1000x256xf32>
    tpu.vector_store %arg6[%swap3A, %swap3A_22], %dot_general3A_21 {strides = array<i32>} : memref<1000x256xf32, #tpu.memory_space<vmem>>, vector<1000x256xf32>,
    return
  }
  func.func @transform_0(%arg0: i32) -> (i32, i32) {
    %c0_i32 = arith.constant 0 : i32
    %c0_i32_0 = arith.constant 0 : i32
    %c0_i32_1 = arith.constant 0 : i32
    return %c0_i32, %c0_i32_0 : i32, i32
  }
  func.func @transform_1(%arg0: i32) -> (i32, i32) {
    %c0_i32 = arith.constant 0 : i32
    %c0_i32_0 = arith.constant 0 : i32
    return %arg0, %c0_i32 : i32, i32
  }
  func.func @transform_2(%arg0: i32) -> (i32, i32) {
    %c0_i32 = arith.constant 0 : i32
    %c0_i32_0 = arith.constant 0 : i32
    %c0_i32_1 = arith.constant 0 : i32
    return %c0_i32, %c0_i32_0 : i32, i32
  }
  func.func @transform_3(%arg0: i32) -> (i32, i32) {
    %c0_i32 = arith.constant 0 : i32
    %c0_i32_0 = arith.constant 0 : i32
    %c0_i32_1 = arith.constant 0 : i32
    return %c0_i32, %c0_i32_0 : i32, i32
  }
  func.func @transform_4(%arg0: i32) -> (i32, i32) {
    %c0_i32 = arith.constant 0 : i32
    %c0_i32_0 = arith.constant 0 : i32
    %c0_i32_1 = arith.constant 0 : i32
    return %c0_i32, %c0_i32_0 : i32, i32
  }
  func.func @transform_5(%arg0: i32) -> (i32, i32) {
    %c0_i32 = arith.constant 0 : i32
    %c0_i32_0 = arith.constant 0 : i32
    return %arg0, %c0_i32 : i32, i32
  }
}

module attributes {stable_mosaic.version = 14 : i64} {
  func.func @_tc_post_body(%arg0: i32, %arg1: memref<1x128xf32, #tpu.memory_space<vmem>>, %arg2: memref<1000x256xf32, #tpu.memory_space<vmem>>, %arg3: memref<4x1000x128xf32, #tpu.memory_space<vmem>>, %arg4: memref<512x512xf32, #tpu.memory_space<vmem>>, %arg5: memref<1x512xf32, #tpu.memory_space<vmem>>, %arg6: memref<512x256xf32, #tpu.memory_space<vmem>>, %arg7: memref<1x256xf32, #tpu.memory_space<vmem>>, %arg8: memref<256x10xf32, #tpu.memory_space<vmem>>, %arg9: memref<1x10xf32, #tpu.memory_space<vmem>>, %arg10: memref<1000x10xf32, #tpu.memory_space<vmem>>) attributes {dimension_semantics = [#tpu.dimension_semantics<arbitrary>], iteration_bounds = array<i64: 5>, scalar_prefetch = 0 : i64, scratch_operands = 0 : i64, tpu.core_type = #tpu.core_type<tc>, window_params = [{pipeline_mode = #tpu.pipeline_mode<synchronous>, transform_indices = @transform_0, window_bounds = array<i64: 1, 128>}, {transform_indices = @transform_1, window_bounds = array<i64: 1000, 256>}, {transform_indices = @transform_2, window_bounds = array<i64: 4, 1000, 128>}, {pipeline_mode = #tpu.pipeline_mode<synchronous>, transform_indices = @transform_3, window_bounds = array<i64: 512, 512>}, {pipeline_mode = #tpu.pipeline_mode<synchronous>, transform_indices = @transform_4, window_bounds = array<i64: 1, 512>}, {pipeline_mode = #tpu.pipeline_mode<synchronous>, transform_indices = @transform_5, window_bounds = array<i64: 512, 256>}, {pipeline_mode = #tpu.pipeline_mode<synchronous>, transform_indices = @transform_6, window_bounds = array<i64: 1, 256>}, {pipeline_mode = #tpu.pipeline_mode<synchronous>, transform_indices = @transform_7, window_bounds = array<i64: 256, 10>}, {pipeline_mode = #tpu.pipeline_mode<synchronous>, transform_indices = @transform_8, window_bounds = array<i64: 1, 10>}, {transform_indices = @transform_9, window_bounds = array<i64: 1000, 10>}]} {
    %get3A = arith.constant 0 : index
    %get3A_0 = arith.constant 1 : index
    %get3A_1 = vector.load %arg1[%get3A, %get3A_0] : memref<1x128xf32, #tpu.memory_space<vmem>>, vector<1x1xf32>
    %get3A_2 = vector.extract %get3A_1[0, 0] : f32 from vector<1x1xf32>
    %get3A_3 = arith.constant 0 : index
    %get3A_4 = arith.constant 0 : index
    %get3A_5 = arith.constant 0 : index
    %get3A_6 = vector.load %arg3[%get3A_3, %get3A_4, %get3A_5] : memref<4x1000x128xf32, #tpu.memory_space<vmem>>, vector<1x1000x128xf32>
    %get3A_7 = vector.shape_cast %get3A_6 : vector<1x1000x128xf32> to vector<1000x128xf32>
    %get3A_8 = arith.constant 1 : index
    %get3A_9 = arith.constant 0 : index
    %get3A_10 = arith.constant 0 : index
    %get3A_11 = vector.load %arg3[%get3A_8, %get3A_9, %get3A_10] : memref<4x1000x128xf32, #tpu.memory_space<vmem>>, vector<1x1000x128xf32>
    %get3A_12 = vector.shape_cast %get3A_11 : vector<1x1000x128xf32> to vector<1000x128xf32>
    %get3A_13 = arith.constant 2 : index
    %get3A_14 = arith.constant 0 : index
    %get3A_15 = arith.constant 0 : index
    %get3A_16 = vector.load %arg3[%get3A_13, %get3A_14, %get3A_15] : memref<4x1000x128xf32, #tpu.memory_space<vmem>>, vector<1x1000x128xf32>
    %get3A_17 = vector.shape_cast %get3A_16 : vector<1x1000x128xf32> to vector<1000x128xf32>
    %get3A_18 = arith.constant 3 : index
    %get3A_19 = arith.constant 0 : index
    %get3A_20 = arith.constant 0 : index
    %get3A_21 = vector.load %arg3[%get3A_18, %get3A_19, %get3A_20] : memref<4x1000x128xf32, #tpu.memory_space<vmem>>, vector<1x1000x128xf32>
    %get3A_22 = vector.shape_cast %get3A_21 : vector<1x1000x128xf32> to vector<1000x128xf32>
    %concatenate3A = tpu.concatenate %get3A_7, %get3A_12, %get3A_17, %get3A_22 in 1 : vector<1000x128xf32>, vector<1000x128xf32>, vector<1000x128xf32>, vector<1000x128xf32> -> vector<1000x512xf32>
    %get3A_23 = arith.constant 0 : index
    %get3A_24 = arith.constant 0 : index
    %get3A_25 = vector.load %arg4[%get3A_23, %get3A_24] : memref<512x512xf32, #tpu.memory_space<vmem>>, vector<512x512xf32>
    %dot_general3A = arith.constant dense<0.000000e+00> : vector<1000x512xf32>
    %dot_general3A_26 = tpu.matmul %concatenate3A, %get3A_25, %dot_general3A {dimension_numbers = #tpu.dot_dimension_numbers<[1], [0], [0], [1], [0, 0, 1, 1], [], []>, transpose_lhs_hint = false} : vector<1000x512xf32>, vector<512x512xf32>, vector<1000x512xf32> -> vector<1000x512xf32>
    %get3A_27 = arith.constant 0 : index
    %get3A_28 = arith.constant 0 : index
    %get3A_29 = vector.load %arg5[%get3A_27, %get3A_28] : memref<1x512xf32, #tpu.memory_space<vmem>>, vector<1x512xf32>
    %add3A = vector.broadcast %get3A_29 : vector<1x512xf32> to vector<1000x512xf32>
    %add3A_30 = arith.addf %dot_general3A_26, %add3A : vector<1000x512xf32>
    %get3A_31 = arith.constant 0 : index
    %get3A_32 = arith.constant 0 : index
    %get3A_33 = vector.load %arg2[%get3A_31, %get3A_32] : memref<1000x256xf32, #tpu.memory_space<vmem>>, vector<1000x256xf32>
    %max3A = arith.constant 0.000000e+00 : f32
    %max3A_34 = vector.broadcast %max3A : f32 to vector<1000x512xf32>
    %max3A_35 = arith.maximumf %add3A_30, %max3A_34 : vector<1000x512xf32>
    %mul3A = vector.broadcast %get3A_2 : f32 to vector<1000x512xf32>
    %mul3A_36 = arith.mulf %mul3A, %max3A_35 : vector<1000x512xf32>
    %get3A_37 = arith.constant 0 : index
    %get3A_38 = arith.constant 0 : index
    %get3A_39 = vector.load %arg6[%get3A_37, %get3A_38] : memref<512x256xf32, #tpu.memory_space<vmem>>, vector<512x256xf32>
    %dot_general3A_40 = arith.constant dense<0.000000e+00> : vector<1000x256xf32>
    %dot_general3A_41 = tpu.matmul %mul3A_36, %get3A_39, %dot_general3A_40 {dimension_numbers = #tpu.dot_dimension_numbers<[1], [0], [0], [1], [0, 0, 1, 1], [], []>, transpose_lhs_hint = false} : vector<1000x512xf32>, vector<512x256xf32>, vector<1000x256xf32> -> vector<1000x256xf32>
    %add3A_42 = arith.addf %get3A_33, %dot_general3A_41 : vector<1000x256xf32>
    %get3A_43 = arith.constant 0 : index
    %get3A_44 = arith.constant 0 : index
    %get3A_45 = vector.load %arg7[%get3A_43, %get3A_44] : memref<1x256xf32, #tpu.memory_space<vmem>>, vector<1x256xf32>
    %add3A_46 = vector.broadcast %get3A_45 : vector<1x256xf32> to vector<1000x256xf32>
    %add3A_47 = arith.addf %add3A_42, %add3A_46 : vector<1000x256xf32>
    %max3A_48 = arith.constant 0.000000e+00 : f32
    %max3A_49 = vector.broadcast %max3A_48 : f32 to vector<1000x256xf32>
    %max3A_50 = arith.maximumf %add3A_47, %max3A_49 : vector<1000x256xf32>
    %get3A_51 = arith.constant 0 : index
    %get3A_52 = arith.constant 0 : index
    %get3A_53 = vector.load %arg8[%get3A_51, %get3A_52] : memref<256x10xf32, #tpu.memory_space<vmem>>, vector<256x10xf32>
    %dot_general3A_54 = arith.constant dense<0.000000e+00> : vector<1000x10xf32>
    %dot_general3A_55 = tpu.matmul %max3A_50, %get3A_53, %dot_general3A_54 {dimension_numbers = #tpu.dot_dimension_numbers<[1], [0], [0], [1], [0, 0, 1, 1], [], []>, transpose_lhs_hint = false} : vector<1000x256xf32>, vector<256x10xf32>, vector<1000x10xf32> -> vector<1000x10xf32>
    %get3A_56 = arith.constant 0 : index
    %get3A_57 = arith.constant 0 : index
    %get3A_58 = vector.load %arg9[%get3A_56, %get3A_57] : memref<1x10xf32, #tpu.memory_space<vmem>>, vector<1x10xf32>
    %add3A_59 = vector.broadcast %get3A_58 : vector<1x10xf32> to vector<1000x10xf32>
    %add3A_60 = arith.addf %dot_general3A_55, %add3A_59 : vector<1000x10xf32>
    %swap3A = arith.constant 0 : index
    %swap3A_61 = arith.constant 0 : index
    %swap3A_62 = vector.load %arg10[%swap3A, %swap3A_61] : memref<1000x10xf32, #tpu.memory_space<vmem>>, vector<1000x10xf32>
    tpu.vector_store %arg10[%swap3A, %swap3A_61], %add3A_60 {strides = array<i32>} : memref<1000x10xf32, #tpu.memory_space<vmem>>, vector<1000x10xf32>,
    return
  }
  func.func @transform_0(%arg0: i32) -> (i32, i32) {
    %c0_i32 = arith.constant 0 : i32
    %c0_i32_0 = arith.constant 0 : i32
    %c0_i32_1 = arith.constant 0 : i32
    return %c0_i32, %c0_i32_0 : i32, i32
  }
  func.func @transform_1(%arg0: i32) -> (i32, i32) {
    %c0_i32 = arith.constant 0 : i32
    %c0_i32_0 = arith.constant 0 : i32
    return %arg0, %c0_i32 : i32, i32
  }
  func.func @transform_2(%arg0: i32) -> (i32, i32, i32) {
    %add3A = arith.constant 5 : i32
    %add3A_0 = arith.addi %arg0, %add3A : i32
    %c0_i32 = arith.constant 0 : i32
    %c0_i32_1 = arith.constant 0 : i32
    %c0_i32_2 = arith.constant 0 : i32
    return %c0_i32, %add3A_0, %c0_i32_1 : i32, i32, i32
  }
  func.func @transform_3(%arg0: i32) -> (i32, i32) {
    %c0_i32 = arith.constant 0 : i32
    %c0_i32_0 = arith.constant 0 : i32
    %c0_i32_1 = arith.constant 0 : i32
    return %c0_i32, %c0_i32_0 : i32, i32
  }
  func.func @transform_4(%arg0: i32) -> (i32, i32) {
    %c0_i32 = arith.constant 0 : i32
    %c0_i32_0 = arith.constant 0 : i32
    %c0_i32_1 = arith.constant 0 : i32
    return %c0_i32, %c0_i32_0 : i32, i32
  }
  func.func @transform_5(%arg0: i32) -> (i32, i32) {
    %c0_i32 = arith.constant 0 : i32
    %c0_i32_0 = arith.constant 0 : i32
    %c0_i32_1 = arith.constant 0 : i32
    return %c0_i32, %c0_i32_0 : i32, i32
  }
  func.func @transform_6(%arg0: i32) -> (i32, i32) {
    %c0_i32 = arith.constant 0 : i32
    %c0_i32_0 = arith.constant 0 : i32
    %c0_i32_1 = arith.constant 0 : i32
    return %c0_i32, %c0_i32_0 : i32, i32
  }
  func.func @transform_7(%arg0: i32) -> (i32, i32) {
    %c0_i32 = arith.constant 0 : i32
    %c0_i32_0 = arith.constant 0 : i32
    %c0_i32_1 = arith.constant 0 : i32
    return %c0_i32, %c0_i32_0 : i32, i32
  }
  func.func @transform_8(%arg0: i32) -> (i32, i32) {
    %c0_i32 = arith.constant 0 : i32
    %c0_i32_0 = arith.constant 0 : i32
    %c0_i32_1 = arith.constant 0 : i32
    return %c0_i32, %c0_i32_0 : i32, i32
  }
  func.func @transform_9(%arg0: i32) -> (i32, i32) {
    %c0_i32 = arith.constant 0 : i32
    %c0_i32_0 = arith.constant 0 : i32
    return %arg0, %c0_i32 : i32, i32
  }
}

module attributes {stable_mosaic.version = 14 : i64} {
  func.func @_tc_post_body(%arg0: i32, %arg1: memref<1x128xf32, #tpu.memory_space<vmem>>, %arg2: memref<1000x256xf32, #tpu.memory_space<vmem>>, %arg3: memref<4x1000x128xf32, #tpu.memory_space<vmem>>, %arg4: memref<512x512xf32, #tpu.memory_space<vmem>>, %arg5: memref<1x512xf32, #tpu.memory_space<vmem>>, %arg6: memref<512x256xf32, #tpu.memory_space<vmem>>, %arg7: memref<1x256xf32, #tpu.memory_space<vmem>>, %arg8: memref<256x10xf32, #tpu.memory_space<vmem>>, %arg9: memref<1x10xf32, #tpu.memory_space<vmem>>, %arg10: memref<1000x10xf32, #tpu.memory_space<vmem>>) attributes {dimension_semantics = [#tpu.dimension_semantics<arbitrary>], iteration_bounds = array<i64: 5>, scalar_prefetch = 0 : i64, scratch_operands = 0 : i64, tpu.core_type = #tpu.core_type<tc>, window_params = [{pipeline_mode = #tpu.pipeline_mode<synchronous>, transform_indices = @transform_0, window_bounds = array<i64: 1, 128>}, {transform_indices = @transform_1, window_bounds = array<i64: 1000, 256>}, {transform_indices = @transform_2, window_bounds = array<i64: 4, 1000, 128>}, {pipeline_mode = #tpu.pipeline_mode<synchronous>, transform_indices = @transform_3, window_bounds = array<i64: 512, 512>}, {pipeline_mode = #tpu.pipeline_mode<synchronous>, transform_indices = @transform_4, window_bounds = array<i64: 1, 512>}, {pipeline_mode = #tpu.pipeline_mode<synchronous>, transform_indices = @transform_5, window_bounds = array<i64: 512, 256>}, {pipeline_mode = #tpu.pipeline_mode<synchronous>, transform_indices = @transform_6, window_bounds = array<i64: 1, 256>}, {pipeline_mode = #tpu.pipeline_mode<synchronous>, transform_indices = @transform_7, window_bounds = array<i64: 256, 10>}, {pipeline_mode = #tpu.pipeline_mode<synchronous>, transform_indices = @transform_8, window_bounds = array<i64: 1, 10>}, {transform_indices = @transform_9, window_bounds = array<i64: 1000, 10>}]} {
    %get3A = arith.constant 0 : index
    %get3A_0 = arith.constant 1 : index
    %get3A_1 = vector.load %arg1[%get3A, %get3A_0] : memref<1x128xf32, #tpu.memory_space<vmem>>, vector<1x1xf32>
    %get3A_2 = vector.extract %get3A_1[0, 0] : f32 from vector<1x1xf32>
    %get3A_3 = arith.constant 0 : index
    %get3A_4 = arith.constant 0 : index
    %get3A_5 = arith.constant 0 : index
    %get3A_6 = vector.load %arg3[%get3A_3, %get3A_4, %get3A_5] : memref<4x1000x128xf32, #tpu.memory_space<vmem>>, vector<1x1000x128xf32>
    %get3A_7 = vector.shape_cast %get3A_6 : vector<1x1000x128xf32> to vector<1000x128xf32>
    %get3A_8 = arith.constant 1 : index
    %get3A_9 = arith.constant 0 : index
    %get3A_10 = arith.constant 0 : index
    %get3A_11 = vector.load %arg3[%get3A_8, %get3A_9, %get3A_10] : memref<4x1000x128xf32, #tpu.memory_space<vmem>>, vector<1x1000x128xf32>
    %get3A_12 = vector.shape_cast %get3A_11 : vector<1x1000x128xf32> to vector<1000x128xf32>
    %get3A_13 = arith.constant 2 : index
    %get3A_14 = arith.constant 0 : index
    %get3A_15 = arith.constant 0 : index
    %get3A_16 = vector.load %arg3[%get3A_13, %get3A_14, %get3A_15] : memref<4x1000x128xf32, #tpu.memory_space<vmem>>, vector<1x1000x128xf32>
    %get3A_17 = vector.shape_cast %get3A_16 : vector<1x1000x128xf32> to vector<1000x128xf32>
    %get3A_18 = arith.constant 3 : index
    %get3A_19 = arith.constant 0 : index
    %get3A_20 = arith.constant 0 : index
    %get3A_21 = vector.load %arg3[%get3A_18, %get3A_19, %get3A_20] : memref<4x1000x128xf32, #tpu.memory_space<vmem>>, vector<1x1000x128xf32>
    %get3A_22 = vector.shape_cast %get3A_21 : vector<1x1000x128xf32> to vector<1000x128xf32>
    %concatenate3A = tpu.concatenate %get3A_7, %get3A_12, %get3A_17, %get3A_22 in 1 : vector<1000x128xf32>, vector<1000x128xf32>, vector<1000x128xf32>, vector<1000x128xf32> -> vector<1000x512xf32>
    %get3A_23 = arith.constant 0 : index
    %get3A_24 = arith.constant 0 : index
    %get3A_25 = vector.load %arg4[%get3A_23, %get3A_24] : memref<512x512xf32, #tpu.memory_space<vmem>>, vector<512x512xf32>
    %dot_general3A = arith.constant dense<0.000000e+00> : vector<1000x512xf32>
    %dot_general3A_26 = tpu.matmul %concatenate3A, %get3A_25, %dot_general3A {dimension_numbers = #tpu.dot_dimension_numbers<[1], [0], [0], [1], [0, 0, 1, 1], [], []>, transpose_lhs_hint = false} : vector<1000x512xf32>, vector<512x512xf32>, vector<1000x512xf32> -> vector<1000x512xf32>
    %get3A_27 = arith.constant 0 : index
    %get3A_28 = arith.constant 0 : index
    %get3A_29 = vector.load %arg5[%get3A_27, %get3A_28] : memref<1x512xf32, #tpu.memory_space<vmem>>, vector<1x512xf32>
    %add3A = vector.broadcast %get3A_29 : vector<1x512xf32> to vector<1000x512xf32>
    %add3A_30 = arith.addf %dot_general3A_26, %add3A : vector<1000x512xf32>
    %get3A_31 = arith.constant 0 : index
    %get3A_32 = arith.constant 0 : index
    %get3A_33 = vector.load %arg2[%get3A_31, %get3A_32] : memref<1000x256xf32, #tpu.memory_space<vmem>>, vector<1000x256xf32>
    %max3A = arith.constant 0.000000e+00 : f32
    %max3A_34 = vector.broadcast %max3A : f32 to vector<1000x512xf32>
    %max3A_35 = arith.maximumf %add3A_30, %max3A_34 : vector<1000x512xf32>
    %mul3A = vector.broadcast %get3A_2 : f32 to vector<1000x512xf32>
    %mul3A_36 = arith.mulf %mul3A, %max3A_35 : vector<1000x512xf32>
    %get3A_37 = arith.constant 0 : index
    %get3A_38 = arith.constant 0 : index
    %get3A_39 = vector.load %arg6[%get3A_37, %get3A_38] : memref<512x256xf32, #tpu.memory_space<vmem>>, vector<512x256xf32>
    %dot_general3A_40 = arith.constant dense<0.000000e+00> : vector<1000x256xf32>
    %dot_general3A_41 = tpu.matmul %mul3A_36, %get3A_39, %dot_general3A_40 {dimension_numbers = #tpu.dot_dimension_numbers<[1], [0], [0], [1], [0, 0, 1, 1], [], []>, transpose_lhs_hint = false} : vector<1000x512xf32>, vector<512x256xf32>, vector<1000x256xf32> -> vector<1000x256xf32>
    %add3A_42 = arith.addf %get3A_33, %dot_general3A_41 : vector<1000x256xf32>
    %get3A_43 = arith.constant 0 : index
    %get3A_44 = arith.constant 0 : index
    %get3A_45 = vector.load %arg7[%get3A_43, %get3A_44] : memref<1x256xf32, #tpu.memory_space<vmem>>, vector<1x256xf32>
    %add3A_46 = vector.broadcast %get3A_45 : vector<1x256xf32> to vector<1000x256xf32>
    %add3A_47 = arith.addf %add3A_42, %add3A_46 : vector<1000x256xf32>
    %max3A_48 = arith.constant 0.000000e+00 : f32
    %max3A_49 = vector.broadcast %max3A_48 : f32 to vector<1000x256xf32>
    %max3A_50 = arith.maximumf %add3A_47, %max3A_49 : vector<1000x256xf32>
    %get3A_51 = arith.constant 0 : index
    %get3A_52 = arith.constant 0 : index
    %get3A_53 = vector.load %arg8[%get3A_51, %get3A_52] : memref<256x10xf32, #tpu.memory_space<vmem>>, vector<256x10xf32>
    %dot_general3A_54 = arith.constant dense<0.000000e+00> : vector<1000x10xf32>
    %dot_general3A_55 = tpu.matmul %max3A_50, %get3A_53, %dot_general3A_54 {dimension_numbers = #tpu.dot_dimension_numbers<[1], [0], [0], [1], [0, 0, 1, 1], [], []>, transpose_lhs_hint = false} : vector<1000x256xf32>, vector<256x10xf32>, vector<1000x10xf32> -> vector<1000x10xf32>
    %get3A_56 = arith.constant 0 : index
    %get3A_57 = arith.constant 0 : index
    %get3A_58 = vector.load %arg9[%get3A_56, %get3A_57] : memref<1x10xf32, #tpu.memory_space<vmem>>, vector<1x10xf32>
    %add3A_59 = vector.broadcast %get3A_58 : vector<1x10xf32> to vector<1000x10xf32>
    %add3A_60 = arith.addf %dot_general3A_55, %add3A_59 : vector<1000x10xf32>
    %swap3A = arith.constant 0 : index
    %swap3A_61 = arith.constant 0 : index
    %swap3A_62 = vector.load %arg10[%swap3A, %swap3A_61] : memref<1000x10xf32, #tpu.memory_space<vmem>>, vector<1000x10xf32>
    tpu.vector_store %arg10[%swap3A, %swap3A_61], %add3A_60 {strides = array<i32>} : memref<1000x10xf32, #tpu.memory_space<vmem>>, vector<1000x10xf32>,
    return
  }
  func.func @transform_0(%arg0: i32) -> (i32, i32) {
    %c0_i32 = arith.constant 0 : i32
    %c0_i32_0 = arith.constant 0 : i32
    %c0_i32_1 = arith.constant 0 : i32
    return %c0_i32, %c0_i32_0 : i32, i32
  }
  func.func @transform_1(%arg0: i32) -> (i32, i32) {
    %c0_i32 = arith.constant 0 : i32
    %c0_i32_0 = arith.constant 0 : i32
    return %arg0, %c0_i32 : i32, i32
  }
  func.func @transform_2(%arg0: i32) -> (i32, i32, i32) {
    %add3A = arith.constant 0 : i32
    %add3A_0 = arith.addi %arg0, %add3A : i32
    %c0_i32 = arith.constant 0 : i32
    %c0_i32_1 = arith.constant 0 : i32
    %c0_i32_2 = arith.constant 0 : i32
    return %c0_i32, %add3A_0, %c0_i32_1 : i32, i32, i32
  }
  func.func @transform_3(%arg0: i32) -> (i32, i32) {
    %c0_i32 = arith.constant 0 : i32
    %c0_i32_0 = arith.constant 0 : i32
    %c0_i32_1 = arith.constant 0 : i32
    return %c0_i32, %c0_i32_0 : i32, i32
  }
  func.func @transform_4(%arg0: i32) -> (i32, i32) {
    %c0_i32 = arith.constant 0 : i32
    %c0_i32_0 = arith.constant 0 : i32
    %c0_i32_1 = arith.constant 0 : i32
    return %c0_i32, %c0_i32_0 : i32, i32
  }
  func.func @transform_5(%arg0: i32) -> (i32, i32) {
    %c0_i32 = arith.constant 0 : i32
    %c0_i32_0 = arith.constant 0 : i32
    %c0_i32_1 = arith.constant 0 : i32
    return %c0_i32, %c0_i32_0 : i32, i32
  }
  func.func @transform_6(%arg0: i32) -> (i32, i32) {
    %c0_i32 = arith.constant 0 : i32
    %c0_i32_0 = arith.constant 0 : i32
    %c0_i32_1 = arith.constant 0 : i32
    return %c0_i32, %c0_i32_0 : i32, i32
  }
  func.func @transform_7(%arg0: i32) -> (i32, i32) {
    %c0_i32 = arith.constant 0 : i32
    %c0_i32_0 = arith.constant 0 : i32
    %c0_i32_1 = arith.constant 0 : i32
    return %c0_i32, %c0_i32_0 : i32, i32
  }
  func.func @transform_8(%arg0: i32) -> (i32, i32) {
    %c0_i32 = arith.constant 0 : i32
    %c0_i32_0 = arith.constant 0 : i32
    %c0_i32_1 = arith.constant 0 : i32
    return %c0_i32, %c0_i32_0 : i32, i32
  }
  func.func @transform_9(%arg0: i32) -> (i32, i32) {
    %c0_i32 = arith.constant 0 : i32
    %c0_i32_0 = arith.constant 0 : i32
    return %arg0, %c0_i32 : i32, i32
  }
}

</mosaic_0001>

<sc_bundles>
// kernel: kernel.7.cloned.1.call-start
scs
__scs_entry_jumppad:
0x0: {  	(pc) =	sbr.rel $0x88, $3  }
0x1: {  	(tag) =	ssettag $0x0;
	lr =	simm.s32 $0x1  }
0x2: {  	[smem:$0x3F96] =	sst lr;
	_ =	strace $0xD0000000  }
0x3: {  	_ = 	snop  }
0x4: {  	_ = 	snop  }
0x5: {  	_ = 	snop  }
0x6: {  	_ = 	snop  }
0x7: {  	_ = 	snop  }
__scs_overlays_trampoline_lowered:
0x8: {  	[smem:$0x3FA5] =	sst s0  }
0x9: {  	[smem:$0x3FA6] =	sst s1  }
0xa: {  	[smem:$0x3FA7] =	sst s2  }
0xb: {  	[smem:$0x3FA8] =	sst s3  }
0xc: {  	[smem:$0x3FA9] =	sst s4  }
0xd: {  	[smem:$0x3FAA] =	sst s5  }
0xe: {  	[smem:$0x3FAB] =	sst s6  }
0xf: {  	[smem:$0x3FAC] =	sst s7  }
0x10: {  	[smem:$0x3FAD] =	sst s8  }
0x11: {  	[smem:$0x3FAE] =	sst s9;
	s0 =	simm.s32 @!p0 $0x0  }
0x12: {  	s1 =	sld [smem:$0x3F94];
	s0 =	simm.s32 @p0 $0x1  }
0x13: {  	[smem:$0x3FAF] =	sst s0;
	s0 =	simm.s32 @!p1 $0x0  }
0x14: {  	s2 =	sld [smem:$0x3F93];
	s0 =	simm.s32 @p1 $0x1  }
0x15: {  	[smem:$0x3FB0] =	sst s0;
	s0 =	simm.s32 @!p2 $0x0  }
0x16: {  	s3 =	sld [smem:$0x3FDB];
	s0 =	simm.s32 @p2 $0x1  }
0x17: {  	s4 =	simm.s32 $0x1BF5;
	[smem:$0x3FB2] =	sst s0  }
0x18: {  	s0 =	sld [smem:$0x3F95];
	_ =	swait.ge [sflag:s4], $0x0  }
0x19: {  	s7 =	sld [smem:$0x3F96]  }
0x1a: {  	s8 =	sadd.s32 $0xFFFFE003, lr  }
0x1b: {  	s9 =	sadd.s32 $0xFFFFFEF7, lr;
	s5 =	simm.s32 $0xFFFFFFFF;
	p2 =	slt.u32 s8, $0xFFFFF086  }
0x1c: {  	p1 =	slt.u32 s9, $0xF7A;
	s5 =	simm.s32 @!p2 $0x0  }
0x1d: {  	s5 =	simm.s32 @p1 $0x1;
	p0 =	seq.s32 s7, s2  }
0x1e: {  	s7 =	smul.u32 @!p0 $0xF7A, s2;
	p2 =	seq.s32 @!p0 s5, $0x0  }
0x1f: {  	s9 =	smul.u32 $0xF7A, s1;
	s8 =	simm.s32 @!p0 $0x1BF5;
	p2 =	por !p2, p0  }
0x20: {  	[sflag:s8] =	ssyncset.s32 @!p0 $0xFFFFF086;
	s6 =	sadd.s32 @!p0 s3, s7;
	s7 =	simm.s32 @!p0 $0x108  }
0x21: {  	s3 =	sadd.s32 s3, s9;
	s6 =	sadd.s32 @!p0 $0x88, s6;
	s7 =	simm.s32 @p2 $0x1082  }
0x22: {  	[simem:s7], [sflag:s8] =	dma.local @!p0 [hbm:s6], $0xF7A  }
0x23: {  	s9 =	sor.u32 $0xD0000000, s2;
	s6 =	simm.s32 $0x108;
	_ =	swait.ge @!p0 [sflag:s8], $0x0  }
0x24: {  	s3 =	sadd.s32 $0x88, s3;
	s6 =	simm.s32 @!p1 $0x1082;
	[sflag:s4] =	ssyncset.s32 $0xFFFFF086  }
0x25: {  	[simem:s6], [sflag:s4] =	dma.local [hbm:s3], $0xF7A  }
0x26: {  	[smem:$0x3F96] =	sst s1;
	(tag) =	ssettag s2;
	_ =	strace s9  }
0x27: {  	s1 =	sld [smem:$0x3FA6]  }
0x28: {  	s2 =	sld [smem:$0x3FA7]  }
0x29: {  	s4 =	sld [smem:$0x3FA9]  }
0x2a: {  	p0 =	seq.s32 s5, $0x0;
	s5 =	sld [smem:$0x3FAA]  }
0x2b: {  	s6 =	sld [smem:$0x3FAB]  }
0x2c: {  	s7 =	sld [smem:$0x3FAC]  }
0x2d: {  	s3 =	simm.s32 $0x108;
	s8 =	sld [smem:$0x3FAD]  }
0x2e: {  	s3 =	simm.s32 @!p0 $0x1082;
	s9 =	sld [smem:$0x3FAE]  }
0x2f: {  	lr =	sadd.s32 s0, s3;
	s0 =	sld [smem:$0x3FA5]  }
0x30: {  	s3 =	sld [smem:$0x3FA8]  }
0x31: {  	[smem:$0x3FB1] =	sst s10  }
0x32: {  	s10 =	sld [smem:$0x3FAF];
	_ =	sdelay $0x3  }
0x33: {  	p0 =	seq.s32 s10, $0x1;
	s10 =	sld [smem:$0x3FB1];
	_ =	sdelay $0x3  }
0x34: {  	[smem:$0x3FB1] =	sst s10  }
0x35: {  	s10 =	sld [smem:$0x3FB0];
	_ =	sdelay $0x3  }
0x36: {  	p1 =	seq.s32 s10, $0x1;
	s10 =	sld [smem:$0x3FB1];
	_ =	sdelay $0x3  }
0x37: {  	[smem:$0x3FB1] =	sst s10  }
0x38: {  	s10 =	sld [smem:$0x3FB2]  }
0x39: {  	_ = 	snop;
	(pc) =	sbr.ind lr, $3  }
0x3a: {  	_ = 	snop  }
0x3b: {  	_ = 	snop  }
0x3c: {  	p2 =	seq.s32 s10, $0x1;
	s10 =	sld [smem:$0x3FB1]  }
0x3d: {  	_ =	shalt  }
0x3e: {  	_ =	shalt  }
0x3f: {  	_ =	shalt  }
0x40: {  	_ =	shalt  }
0x41: {  	_ =	shalt  }
0x42: {  	_ =	shalt  }
0x43: {  	_ =	shalt  }
0x44: {  	_ =	shalt  }
0x45: {  	_ =	shalt  }
0x46: {  	_ =	shalt  }
0x47: {  	_ =	shalt  }
0x48: {  	_ =	shalt  }
0x49: {  	_ =	shalt  }
0x4a: {  	_ =	shalt  }
0x4b: {  	_ =	shalt  }
0x4c: {  	_ =	shalt  }
0x4d: {  	_ =	shalt  }
0x4e: {  	_ =	shalt  }
0x4f: {  	_ =	shalt  }
0x50: {  	_ =	shalt  }
0x51: {  	_ =	shalt  }
0x52: {  	_ =	shalt  }
0x53: {  	_ =	shalt  }
0x54: {  	_ =	shalt  }
0x55: {  	_ =	shalt  }
0x56: {  	_ =	shalt  }
0x57: {  	_ =	shalt  }
0x58: {  	_ =	shalt  }
0x59: {  	_ =	shalt  }
0x5a: {  	_ =	shalt  }
0x5b: {  	_ =	shalt  }
0x5c: {  	_ =	shalt  }
0x5d: {  	_ =	shalt  }
0x5e: {  	_ =	shalt  }
0x5f: {  	_ =	shalt  }
0x60: {  	_ =	shalt  }
0x61: {  	_ =	shalt  }
0x62: {  	_ =	shalt  }
0x63: {  	_ =	shalt  }
0x64: {  	_ =	shalt  }
0x65: {  	_ =	shalt  }
0x66: {  	_ =	shalt  }
0x67: {  	_ =	shalt  }
0x68: {  	_ =	shalt  }
0x69: {  	_ =	shalt  }
0x6a: {  	_ =	shalt  }
0x6b: {  	_ =	shalt  }
0x6c: {  	_ =	shalt  }
0x6d: {  	_ =	shalt  }
0x6e: {  	_ =	shalt  }
0x6f: {  	_ =	shalt  }
0x70: {  	_ =	shalt  }
0x71: {  	_ =	shalt  }
0x72: {  	_ =	shalt  }
0x73: {  	_ =	shalt  }
0x74: {  	_ =	shalt  }
0x75: {  	_ =	shalt  }
0x76: {  	_ =	shalt  }
0x77: {  	_ =	shalt  }
0x78: {  	_ =	shalt  }
0x79: {  	_ =	shalt  }
0x7a: {  	_ =	shalt  }
0x7b: {  	_ =	shalt  }
0x7c: {  	_ =	shalt  }
0x7d: {  	_ =	shalt  }
0x7e: {  	_ =	shalt  }
0x7f: {  	_ =	shalt  }
0x80: {  	_ =	shalt  }
0x81: {  	_ =	shalt  }
0x82: {  	_ =	shalt  }
0x83: {  	_ =	shalt  }
0x84: {  	_ =	shalt  }
0x85: {  	_ =	shalt  }
0x86: {  	_ =	shalt  }
0x87: {  	_ =	shalt  }
.Lfunc_end0:
.L_simem_size_0:
called_computation_lowered:
.L_overlay_start_0:
0x88: {  	s2 =	sld [smem:$0x3FD9]  }
0x89: {  	s3 =	sld [smem:$0x3FFE];
	_ =	sdelay $0x1  }
0x8a: {  	s1 =	srdreg.scid  }
0x8b: {  	s0 =	sand.u32 $0x1, s1  }
0x8c: {  	s14 =	sshll.u32 s0, $0xA;
	s2 =	sadd.s32 s3, s2  }
0x8d: {  	s2 =	sadd.s32 s2, s14  }
0x8e: {  	[smem:$0x3FBD] =	sst s2  }
0x8f: {  	_ = 	snop  }
0x90: {  	s2 =	sld [smem:$0x3FD0];
	_ =	sdelay $0x2  }
0x91: {  	s15 =	simm.s32 $0xA;
	s4 =	simm.s32 $0x10  }
0x92: {  	[smem:s4], [sflag:s15] =	dma.local [hbm:s2], $0x1  }
0x93: {  	_ =	swait.eq [sflag:s15], $0x1  }
0x94: {  	[sflag:s15] =	ssyncset.done $0x0  }
0x95: {  	[sflag:s15] =	ssyncadd.s32 $0xFFFFFFFF  }
0x96: {  	s16 =	sld [smem:$0x11];
	(tm) =	ssettm $0x1  }
0x97: {  	s17 =	sld [smem:$0x3FFB];
	_ =	sdelay $0x3  }
0x98: {  	_ =	strace s17  }
0x99: {  	s3 =	sld [smem:$0x3FFC];
	_ =	sdelay $0x3  }
0x9a: {  	_ =	strace s3  }
0x9b: {  	s3 =	sld [smem:$0x3FFD];
	_ =	sdelay $0x3  }
0x9c: {  	_ =	strace s3  }
0x9d: {  	_ =	strace $0x8FFFFFFF  }
0x9e: {  	s18 =	sld [smem:$0x3FDB];
	_ =	sdelay $0x1  }
0x9f: {  	s19 =	simm.s32 $_scs_section_size  }
0xa0: {  	s5 =	simm.s32 $_size__tile_overlayer_lowered;
	s6 =	simm.s32 $_tile_overlayer_lowered  }
0xa1: {  	s22 =	simm.s32 $0x1BFF;
	s21 =	sshll.u32 s6, $0x1;
	s3 =	sadd.s32 s19, s18  }
0xa2: {  	s7 =	simm.s32 $0x0;
	s20 =	sshll.u32 s5, $0x1;
	s5 =	sadd.s32 s21, s3  }
0xa3: {  	[timem:s7], [sflag:s22] =	dma.local [hbm:s5], s20  }
0xa4: {  	_ =	swait.ge [sflag:s22], s20  }
0xa5: {  	s4 =	ssub.s32 $0x0, s20;
	[sflag:s22] =	ssyncset.done $0x0  }
0xa6: {  	[sflag:s22] =	ssyncadd.s32 s4;
	_ =	sdelay $0x1  }
0xa7: {  	s23 =	simm.s32 $0x1B8B  }
0xa8: {  	_ =	swait.ge [sflag:s23], $0x1  }
0xa9: {  	[sflag:s23] =	ssyncset.done $0x0  }
0xaa: {  	s25 =	simm.s32 $0x1B8E;
	s24 =	sld [smem:$0x3FFE];
	[sflag:s23] =	ssyncadd.s32 $0xFFFFFFFF  }
0xab: {  	s26 =	simm.s32 $execute0_lowered;
	[smem:$0x3FD2] =	sst s25  }
0xac: {  	s5 =	sshll.u32 s26, $0x1;
	_ =	strace $0x80000046;
	[dreg:$0x1] =	wrdreg $0xFFFFFFFF  }
0xad: {  	s28 =	simm.s32 $_size_execute0_lowered;
	s3 =	sadd.s32 s3, s5;
	[dreg:$0x0] =	wrdreg $0x0  }
0xae: {  	s5 =	sshll.u32 s28, $0x1;
	[dreg:$0x2] =	wrdreg s3  }
0xaf: {  	[dreg:$0x3] =	wrdreg s5  }
0xb0: {  	[dreg:$0x4] =	wrdreg $0xC0  }
0xb1: {  	_ =	task [dreg:s7], $0x5FFFF  }
0xb2: {  	[dreg:$0x1] =	wrdreg $0xFFFFFFFF  }
0xb3: {  	[dreg:$0x0] =	wrdreg $0x60  }
0xb4: {  	[dreg:$0x2] =	wrdreg s24  }
0xb5: {  	[dreg:$0x3] =	wrdreg s16  }
0xb6: {  	[dreg:$0x4] =	wrdreg $0x84000  }
0xb7: {  	[dreg:$0x5] =	wrdreg $0x9  }
0xb8: {  	_ =	task.clear_ibuf [dreg:s7], $0x6FFFF;
	_ =	strace $0x90000046  }
0xb9: {  	s29 =	simm.s32 $0x9;
	_ =	strace $0x80000048  }
0xba: {  	_ =	swait.ge [sflag:s29], $0x1  }
0xbb: {  	[sflag:s29] =	ssyncadd.s32 $0xFFFFFFFF  }
0xbc: {  	_ =	strace $0x90000048  }
0xbd: {  	_ =	sfence  }
0xbe: {  	s30 =	sld [smem:$0x0];
	_ =	sdelay $0x2  }
0xbf: {  	s31 =	sshll.u32 s1, $0xD;
	s1 =	sshrl.u32 s1, $0x2  }
0xc0: {  	s3 =	sand.u32 $0x4000, s31;
	s1 =	sadd.s32 s1, s30  }
0xc1: {  	s0 =	sor.u32 s3, s0;
	s1 =	sshll.u32 s1, $0x11  }
0xc2: {  	s0 =	sor.u32 s1, s0  }
0xc3: {  	s0 =	sadd.s32 $0x8F2B, s0  }
0xc4: {  	[sflag:s0] =	ssyncadd.remote.s32 $0x1  }
0xc5: {  	_ =	sfence.sel $0xFFFF  }
0xc6: {  	[dreg:$0x0] =	wrdreg $0xFFFFFFFF;
	(pc) =	sbr.abs _section_cstart, $3  }
0xc7: {  	[dreg:$0x1] =	wrdreg $0xFFFFFFFF  }
0xc8: {  	_ =	task.clear_ibuf [dreg:s7], $0x2FFFF;
	_ =	strace $0x9FFFFFFF  }
0xc9: {  	(tm) =	ssettm $0x7FFFFFFF  }
tec
execute0_lowered:
.L_overlay_start_1:
0x0: {  	(tag) =	ssettag $0x1  }
0x1: {  	s0 =	rddreg [dreg:$0x0];
	s13 =	stileid.u32  }
0x2: {  	s3 =	rddreg [dreg:$0x2];
	s4 =	simm.s32 $0x0;
	s1 =	smul.u32 $0x13800, s13  }
0x3: {  	s2 =	srdreg.scid;
	s29 =	simm.s32 $0x200;
	s6 =	smul.u32 $0x2780, s13  }
0x4: {  	s30 =	simm.s32 $0x280;
	s31 =	simm.s32 $0x5;
	s10 =	smul.u32 $0x4F0, s13  }
0x5: {  	[smem:$0x7FF] =	sst s4;
	s7 =	sadd.s32 $0x9D400, s0;
	s12 =	smul.u32 $0x4F000, s13  }
0x6: {  	s2 =	sand.u32 $0x1, s2;
	s8 =	sadd.s32 $0xA2400, s0;
	s25 =	smul.u32 $0x4E000, s13  }
0x7: {  	s28 =	sadd.s32 $0x27E00, s0;
	p1 =	seq.s32 s13, $0xF;
	p2 =	sne.s32 s13, $0xF  }
0x8: {  	s13 =	simm.s32 $0x4;
	_ =	strace $0x80000047;
	s5 =	ssub.s32 $0x2, s2  }
0x9: {  	p0 =	seq.s32 s2, $0x1;
	s1 =	sshrl.u32 s1, $0x3;
	s11 =	sshrl.u32 s6, $0x3  }
0xa: {  	s9 =	sshrl.u32 s5, $0x1;
	s6 =	sadd.s32 s8, s10;
	s26 =	sadd.s32 $0x10, s11  }
0xb: {  	s15 =	sshrl.u32 s12, $0x2;
	s9 =	ssub.s32 s5, s9;
	s14 =	sadd.s32 s7, s26  }
0xc: {  	s16 =	sadd.s32 $0x20, s11;
	s2 =	sadd.s32 s8, s26;
	[dreg:$0x4] =	wrdreg s14  }
0xd: {  	s5 =	sadd.s32 s7, s10;
	s17 =	sadd.s32 s7, s16;
	[dreg:$0x5] =	wrdreg s2  }
0xe: {  	s18 =	sadd.s32 $0x30, s11;
	s10 =	sadd.s32 s8, s16;
	[dreg:$0x7] =	wrdreg s17  }
0xf: {  	s20 =	sadd.s32 $0x40, s11;
	s19 =	sadd.s32 s7, s18;
	[dreg:$0x8] =	wrdreg s10  }
0x10: {  	s1 =	sadd.s32 s1, s0;
	s21 =	sadd.s32 s7, s20;
	[dreg:$0x9] =	wrdreg s19  }
0x11: {  	s23 =	sadd.s32 $0x50, s11;
	s22 =	sadd.s32 s8, s20;
	[dreg:$0xb] =	wrdreg s21  }
0x12: {  	s24 =	sadd.s32 $0x4E0, s11;
	s26 =	sadd.s32 s7, s23;
	[dreg:$0xc] =	wrdreg s22  }
0x13: {  	s11 =	simm.s32 $0x3;
	s7 =	sadd.s32 s7, s24;
	[dreg:$0xd] =	wrdreg s26  }
0x14: {  	s12 =	sadd.s32 $0xA7400, s1;
	s16 =	sadd.s32 $0xF5600, s1;
	[dreg:$0xf] =	wrdreg s7  }
0x15: {  	s20 =	sadd.s32 $0x11C600, s0;
	s2 =	sadd.s32 s15, s3;
	[dreg:$0x11] =	wrdreg s12  }
0x16: {  	s10 =	sadd.s32 s8, s24;
	s14 =	sshrl.u32 s25, $0x2;
	[dreg:$0x13] =	wrdreg s16  }
0x17: {  	s15 =	sadd.s32 $0xCE500, s1;
	s1 =	sadd.s32 $0x11C700, s1;
	[dreg:$0x18] =	wrdreg s20  }
0x18: {  	s24 =	sadd.s32 $0x4F000, s0;
	s25 =	sadd.s32 $0x76200, s0;
	[dreg:$0x6] =	wrdreg s2  }
0x19: {  	s26 =	sadd.s32 $0xC00, s0;
	s17 =	sadd.s32 $0xCE400, s0;
	[dreg:$0x10] =	wrdreg s10  }
0x1a: {  	s21 =	smax.u32 s9, $0x1;
	s22 =	sadd.s32 $0x128400, s3;
	[dreg:$0x12] =	wrdreg s15  }
0x1b: {  	s20 =	simm.s32 $0x1;
	s9 =	simm.s32 $0x400;
	[dreg:$0x14] =	wrdreg s1  }
0x1c: {  	s7 =	simm.s32 $0x7;
	s12 =	simm.s32 $0x8;
	[dreg:$0x15] =	wrdreg s17  }
0x1d: {  	s2 =	sadd.s32 s8, s18;
	s18 =	sadd.s32 $0xF5500, s0;
	[dreg:$0x1a] =	wrdreg s21  }
0x1e: {  	s19 =	sadd.s32 s14, s3;
	s0 =	sadd.s32 $0x143700, s0;
	[dreg:$0x1b] =	wrdreg s22  }
0x1f: {  	s21 =	simm.s32 $0x100;
	s22 =	simm.s32 $0x300;
	[dreg:$0xa] =	wrdreg s2  }
.Ltmp0:
0x20: {  	s1 =	simm.s32 $0x6;
	[dreg:$0x16] =	wrdreg s18;
	(pc) =	sbr.rel .LBB2_1-.Ltmp0, $4  }
0x21: {  	s10 =	simm.s32 $0x380;
	s15 =	simm.s32 $0x0;
	[dreg:$0x17] =	wrdreg s19  }
0x22: {  	s2 =	sadd.s32 s8, s23;
	[dreg:$0x19] =	wrdreg s0;
	s23 =	sadd.s32 $0x138000, s3  }
0x23: {  	s0 =	simm.s32 $0x80;
	s8 =	simm.s32 $0x180;
	[dreg:$0xe] =	wrdreg s2  }
0x24: {  	[dreg:$0x1c] =	wrdreg s23;
	s2 =	simm.s32 $0x2;
	s23 =	simm.s32 $0x4400  }
.LBB2_12:
0x25: {  	s16 =	rddreg [dreg:$0x1c]  }
0x26: {  	s16 =	sshrl.u32 s16, $0x3  }
0x27: {  	[hbm:s14], [sflag:s19] =	dma.local [spmem:s16], $0x100  }
0x28: {  	s19 =	simm.s32 $0x9  }
0x29: {  	_ =	swait.ge [sflag:s19], $0x100  }
0x2a: {  	[sflag:s19] =	ssyncset.done $0x0  }
0x2b: {  	[sflag:s19] =	ssyncadd.s32 $0xFFFFFF00  }
.LBB2_13:
0x2c: {  	s15 =	sadd.s32 $0x1, s15;
	s14 =	rddreg [dreg:$0x1a]  }
0x2d: {  	p3 =	sne.s32 s15, s14  }
.Ltmp1:
0x2e: {  	_ = 	snop;
	(pc) =	sbr.rel @!p3 .LBB2_14-.Ltmp1, $2  }
0x2f: {  	_ =	sdelay $0x1  }
0x30: {  	[bflag:$0x0] =	sbarrier.arrive $0xFFFF;
	_ =	sdelay $0x1  }
.LBB2_1:
0x31: {  	[tilespmem:s4], [sflag:$0x1] =	stream.linear.gather [hbm4b:s5+s4], $0x80, $0x38;
	[tilespmem:$0x1BD00] =	vst v63  }
0x32: {  	_ = 	snop  }
0x33: {  	[tilespmem:s29], [sflag:$0x1] =	stream.linear.gather [hbm4b:s6+s4], $0x80, $0x38;
	[tilespmem:$0x1BD00] =	vst v63  }
0x34: {  	s14 =	rddreg [dreg:$0x4]  }
0x35: {  	[tilespmem:s0], [sflag:$0x2] =	stream.linear.gather [hbm4b:s14+s4], $0x80, $0x38;
	[tilespmem:$0x1BD00] =	vst v63  }
0x36: {  	s19 =	rddreg [dreg:$0x5]  }
0x37: {  	[tilespmem:s30], [sflag:$0x2] =	stream.linear.gather [hbm4b:s19+s4], $0x80, $0x38;
	[tilespmem:$0x1BD00] =	vst v63  }
0x38: {  	_ =	swait.ge [sflag:s20], $0x80  }
0x39: {  	[sflag:s20] =	ssyncset.done $0x0  }
0x3a: {  	[sflag:s20] =	ssyncadd.s32 $0xFFFFFF80  }
0x3b: {  	_ =	swait.ge [sflag:s20], $0x80  }
.Ltmp2:
0x3c: {  	s14 =	rddreg [dreg:$0x1b];
	(pc) =	sbr.rel @!p0 .LBB2_2-.Ltmp2, $4  }
0x3d: {  	[sflag:s20] =	ssyncset.done $0x0;
	s16 =	rddreg [dreg:$0x6];
	s19 =	sshrl.u32 @p1 s14, $0x3  }
0x3e: {  	s14 =	stileid.u32;
	s17 =	sshrl.u32 @!p1 s16, $0x3;
	s16 =	rddreg [dreg:$0x1c]  }
0x3f: {  	s14 =	sshll.u32 @!p1 s14, $0x6;
	s16 =	sshrl.u32 @p1 s16, $0x3;
	[dreg:$0x1e] =	wrdreg s19  }
0x40: {  	[sflag:s20] =	ssyncadd.s32 $0xFFFFFF80;
	[dreg:$0x1f] =	wrdreg s16;
	s14 =	sor.u32 @!p1 $0x1C09, s14  }
0x41: {  	[tilespmem:s9], [sflag:$0x5] =	stream.indirect.gather [hbm4b:s26+s0], $0x80, s4, s0, $0xb8;
	[tilespmem:$0x1BD00] =	vst v63  }
0x42: {  	s16 =	simm.s32 @p1 $0x1FC9;
	s18 =	smov.u32 s17;
	s17 =	rddreg [dreg:$0x1]  }
0x43: {  	[spmem:s19], [sflag:s16] =	dma.local @p1 [hbm:s17], $0x2180  }
0x44: {  	s16 =	simm.s32 @p1 $0x9  }
0x45: {  	_ =	swait.ge @p1 [sflag:s16], $0x2180  }
0x46: {  	[sflag:s16] =	ssyncset.done @p1 $0x0  }
0x47: {  	[dreg:$0x1d] =	wrdreg s18;
	[sflag:s16] =	ssyncadd.s32 @p1 $0xFFFFDE80  }
0x48: {  	[spmem:s18], [sflag:s14] =	dma.local @!p1 [hbm:s17], $0x2780  }
0x49: {  	s14 =	simm.s32 @!p1 $0x9  }
0x4a: {  	_ =	swait.ge @!p1 [sflag:s14], $0x2780  }
0x4b: {  	[sflag:s14] =	ssyncset.done @!p1 $0x0  }
0x4c: {  	[sflag:s14] =	ssyncadd.s32 @!p1 $0xFFFFD880  }
0x4d: {  	[bflag:$0x0] =	sbarrier.arrive $0xFFFF  }
0x4e: {  	_ =	swait.ge [sflag:s31], $0x4000  }
0x4f: {  	[sflag:s31] =	ssyncset.done $0x0  }
0x50: {  	[sflag:s31] =	ssyncadd.s32 $0xFFFFC000  }
0x51: {  	[spmem:s3] =	stream.indirect.scatter.add.f32 [tilespmem:s9], [sflag:$0x7], $0x80, s29, s0, $0xb8;
	[tilespmem:$0x1BD00] =	vst v63  }
0x52: {  	s14 =	simm.s32 $0x0;
	s17 =	rddreg [dreg:$0x7]  }
0x53: {  	[tilespmem:s21], [sflag:$0x3] =	stream.linear.gather [hbm4b:s17+s14], $0x80, $0x38;
	[tilespmem:$0x1BD00] =	vst v63  }
0x54: {  	s18 =	rddreg [dreg:$0x8]  }
0x55: {  	[tilespmem:s22], [sflag:$0x3] =	stream.linear.gather [hbm4b:s18+s14], $0x80, $0x38;
	[tilespmem:$0x1BD00] =	vst v63  }
0x56: {  	_ =	swait.ge [sflag:s2], $0x80  }
0x57: {  	[sflag:s2] =	ssyncset.done $0x0  }
0x58: {  	[sflag:s2] =	ssyncadd.s32 $0xFFFFFF80  }
0x59: {  	_ =	swait.ge [sflag:s2], $0x80  }
0x5a: {  	[sflag:s2] =	ssyncset.done $0x0  }
0x5b: {  	[sflag:s2] =	ssyncadd.s32 $0xFFFFFF80  }
0x5c: {  	[tilespmem:s23], [sflag:$0x6] =	stream.indirect.gather [hbm4b:s26+s0], $0x80, s0, s0, $0xb8;
	[tilespmem:$0x1BD00] =	vst v63  }
0x5d: {  	_ =	swait.ge [sflag:s1], $0x4000  }
0x5e: {  	[sflag:s1] =	ssyncset.done $0x0  }
0x5f: {  	[sflag:s1] =	ssyncadd.s32 $0xFFFFC000  }
0x60: {  	[spmem:s3] =	stream.indirect.scatter.add.f32 [tilespmem:s23], [sflag:$0x8], $0x80, s30, s0, $0xb8;
	[tilespmem:$0x1BD00] =	vst v63  }
0x61: {  	_ =	swait.ge [sflag:s7], $0x4000  }
0x62: {  	[sflag:s7] =	ssyncset.done $0x0  }
0x63: {  	s19 =	rddreg [dreg:$0x9];
	[sflag:s7] =	ssyncadd.s32 $0xFFFFC000  }
0x64: {  	[tilespmem:s8], [sflag:$0x4] =	stream.linear.gather [hbm4b:s19+s14], $0x80, $0x38;
	[tilespmem:$0x1BD00] =	vst v63  }
0x65: {  	s17 =	rddreg [dreg:$0xa]  }
0x66: {  	[tilespmem:s10], [sflag:$0x4] =	stream.linear.gather [hbm4b:s17+s14], $0x80, $0x38;
	[tilespmem:$0x1BD00] =	vst v63  }
0x67: {  	_ =	swait.ge [sflag:s11], $0x80  }
0x68: {  	[sflag:s11] =	ssyncset.done $0x0  }
0x69: {  	[sflag:s11] =	ssyncadd.s32 $0xFFFFFF80  }
0x6a: {  	_ =	swait.ge [sflag:s11], $0x80  }
0x6b: {  	[sflag:s11] =	ssyncset.done $0x0  }
0x6c: {  	[sflag:s11] =	ssyncadd.s32 $0xFFFFFF80  }
0x6d: {  	[tilespmem:s9], [sflag:$0x5] =	stream.indirect.gather [hbm4b:s26+s0], $0x80, s21, s0, $0xb8;
	[tilespmem:$0x1BD00] =	vst v63  }
0x6e: {  	_ =	swait.ge [sflag:s31], $0x4000  }
0x6f: {  	[sflag:s31] =	ssyncset.done $0x0  }
0x70: {  	[sflag:s31] =	ssyncadd.s32 $0xFFFFC000  }
0x71: {  	[spmem:s3] =	stream.indirect.scatter.add.f32 [tilespmem:s9], [sflag:$0x7], $0x80, s22, s0, $0xb8;
	[tilespmem:$0x1BD00] =	vst v63  }
0x72: {  	_ =	swait.ge [sflag:s12], $0x4000  }
0x73: {  	[sflag:s12] =	ssyncset.done $0x0  }
0x74: {  	s18 =	rddreg [dreg:$0xb];
	[sflag:s12] =	ssyncadd.s32 $0xFFFFC000  }
0x75: {  	[tilespmem:s14], [sflag:$0x1] =	stream.linear.gather [hbm4b:s18+s14], $0x80, $0x38;
	[tilespmem:$0x1BD00] =	vst v63  }
0x76: {  	s19 =	rddreg [dreg:$0xc]  }
0x77: {  	[tilespmem:s29], [sflag:$0x1] =	stream.linear.gather [hbm4b:s19+s14], $0x80, $0x38;
	[tilespmem:$0x1BD00] =	vst v63  }
0x78: {  	_ =	swait.ge [sflag:s13], $0x80  }
0x79: {  	[sflag:s13] =	ssyncset.done $0x0  }
0x7a: {  	[sflag:s13] =	ssyncadd.s32 $0xFFFFFF80  }
0x7b: {  	_ =	swait.ge [sflag:s13], $0x80  }
0x7c: {  	[sflag:s13] =	ssyncset.done $0x0  }
0x7d: {  	[sflag:s13] =	ssyncadd.s32 $0xFFFFFF80  }
0x7e: {  	[tilespmem:s23], [sflag:$0x6] =	stream.indirect.gather [hbm4b:s26+s0], $0x80, s8, s0, $0xb8;
	[tilespmem:$0x1BD00] =	vst v63  }
0x7f: {  	_ =	swait.ge [sflag:s1], $0x4000  }
0x80: {  	[sflag:s1] =	ssyncset.done $0x0  }
0x81: {  	[sflag:s1] =	ssyncadd.s32 $0xFFFFC000  }
0x82: {  	[spmem:s3] =	stream.indirect.scatter.add.f32 [tilespmem:s23], [sflag:$0x8], $0x80, s10, s0, $0xb8;
	[tilespmem:$0x1BD00] =	vst v63  }
0x83: {  	_ =	swait.ge [sflag:s7], $0x4000  }
0x84: {  	[sflag:s7] =	ssyncset.done $0x0  }
0x85: {  	s17 =	rddreg [dreg:$0xd];
	[sflag:s7] =	ssyncadd.s32 $0xFFFFC000  }
0x86: {  	[tilespmem:s0], [sflag:$0x2] =	stream.linear.gather [hbm4b:s17+s14], $0x80, $0x38;
	[tilespmem:$0x1BD00] =	vst v63  }
0x87: {  	s18 =	rddreg [dreg:$0xe]  }
0x88: {  	[tilespmem:s30], [sflag:$0x2] =	stream.linear.gather [hbm4b:s18+s14], $0x80, $0x38;
	[tilespmem:$0x1BD00] =	vst v63  }
0x89: {  	_ =	swait.ge [sflag:s20], $0x80  }
0x8a: {  	[sflag:s20] =	ssyncset.done $0x0  }
0x8b: {  	[sflag:s20] =	ssyncadd.s32 $0xFFFFFF80  }
0x8c: {  	_ =	swait.ge [sflag:s20], $0x80  }
0x8d: {  	[sflag:s20] =	ssyncset.done $0x0  }
0x8e: {  	[sflag:s20] =	ssyncadd.s32 $0xFFFFFF80  }
0x8f: {  	[tilespmem:s9], [sflag:$0x5] =	stream.indirect.gather [hbm4b:s26+s0], $0x80, s14, s0, $0xb8;
	[tilespmem:$0x1BD00] =	vst v63  }
0x90: {  	_ =	swait.ge [sflag:s31], $0x4000  }
0x91: {  	[sflag:s31] =	ssyncset.done $0x0  }
0x92: {  	[sflag:s31] =	ssyncadd.s32 $0xFFFFC000  }
0x93: {  	[spmem:s3] =	stream.indirect.scatter.add.f32 [tilespmem:s9], [sflag:$0x7], $0x80, s29, s0, $0xb8;
	[tilespmem:$0x1BD00] =	vst v63  }
0x94: {  	_ =	swait.ge [sflag:s12], $0x4000  }
0x95: {  	s14 =	sadd.s32 $0x0, s5;
	[sflag:s12] =	ssyncset.done $0x0  }
0x96: {  	s18 =	sadd.s32 $0x0, s6;
	s19 =	sadd.s32 $0x60, s14;
	[sflag:s12] =	ssyncadd.s32 $0xFFFFC000  }
0x97: {  	[tilespmem:s21], [sflag:$0x3] =	stream.linear.gather [hbm4b:s19+s4], $0x80, $0x38;
	[tilespmem:$0x1BD00] =	vst v63  }
0x98: {  	s17 =	sadd.s32 $0x60, s18  }
0x99: {  	[tilespmem:s22], [sflag:$0x3] =	stream.linear.gather [hbm4b:s17+s4], $0x80, $0x38;
	[tilespmem:$0x1BD00] =	vst v63  }
0x9a: {  	_ =	swait.ge [sflag:s2], $0x80  }
0x9b: {  	[sflag:s2] =	ssyncset.done $0x0  }
0x9c: {  	[sflag:s2] =	ssyncadd.s32 $0xFFFFFF80  }
0x9d: {  	_ =	swait.ge [sflag:s2], $0x80  }
0x9e: {  	[sflag:s2] =	ssyncset.done $0x0  }
0x9f: {  	[sflag:s2] =	ssyncadd.s32 $0xFFFFFF80  }
0xa0: {  	[tilespmem:s23], [sflag:$0x6] =	stream.indirect.gather [hbm4b:s26+s0], $0x80, s0, s0, $0xb8;
	[tilespmem:$0x1BD00] =	vst v63  }
0xa1: {  	_ =	swait.ge [sflag:s1], $0x4000  }
0xa2: {  	[sflag:s1] =	ssyncset.done $0x0  }
0xa3: {  	[sflag:s1] =	ssyncadd.s32 $0xFFFFC000  }
0xa4: {  	[spmem:s3] =	stream.indirect.scatter.add.f32 [tilespmem:s23], [sflag:$0x8], $0x80, s30, s0, $0xb8;
	[tilespmem:$0x1BD00] =	vst v63  }
0xa5: {  	_ =	swait.ge [sflag:s7], $0x4000  }
0xa6: {  	[sflag:s7] =	ssyncset.done $0x0  }
0xa7: {  	s19 =	sadd.s32 $0x70, s14;
	[sflag:s7] =	ssyncadd.s32 $0xFFFFC000  }
0xa8: {  	[tilespmem:s8], [sflag:$0x4] =	stream.linear.gather [hbm4b:s19+s4], $0x80, $0x38;
	[tilespmem:$0x1BD00] =	vst v63  }
0xa9: {  	s17 =	sadd.s32 $0x70, s18  }
0xaa: {  	[tilespmem:s10], [sflag:$0x4] =	stream.linear.gather [hbm4b:s17+s4], $0x80, $0x38;
	[tilespmem:$0x1BD00] =	vst v63  }
0xab: {  	_ =	swait.ge [sflag:s11], $0x80  }
0xac: {  	[sflag:s11] =	ssyncset.done $0x0  }
0xad: {  	[sflag:s11] =	ssyncadd.s32 $0xFFFFFF80  }
0xae: {  	_ =	swait.ge [sflag:s11], $0x80  }
0xaf: {  	[sflag:s11] =	ssyncset.done $0x0  }
0xb0: {  	[sflag:s11] =	ssyncadd.s32 $0xFFFFFF80  }
0xb1: {  	[tilespmem:s9], [sflag:$0x5] =	stream.indirect.gather [hbm4b:s26+s0], $0x80, s21, s0, $0xb8;
	[tilespmem:$0x1BD00] =	vst v63  }
0xb2: {  	_ =	swait.ge [sflag:s31], $0x4000  }
0xb3: {  	[sflag:s31] =	ssyncset.done $0x0  }
0xb4: {  	[sflag:s31] =	ssyncadd.s32 $0xFFFFC000  }
0xb5: {  	[spmem:s3] =	stream.indirect.scatter.add.f32 [tilespmem:s9], [sflag:$0x7], $0x80, s22, s0, $0xb8;
	[tilespmem:$0x1BD00] =	vst v63  }
0xb6: {  	_ =	swait.ge [sflag:s12], $0x4000  }
0xb7: {  	[sflag:s12] =	ssyncset.done $0x0  }
0xb8: {  	s19 =	sadd.s32 $0x80, s14;
	[sflag:s12] =	ssyncadd.s32 $0xFFFFC000  }
0xb9: {  	[tilespmem:s4], [sflag:$0x1] =	stream.linear.gather [hbm4b:s19+s4], $0x80, $0x38;
	[tilespmem:$0x1BD00] =	vst v63  }
0xba: {  	s17 =	sadd.s32 $0x80, s18  }
0xbb: {  	[tilespmem:s29], [sflag:$0x1] =	stream.linear.gather [hbm4b:s17+s4], $0x80, $0x38;
	[tilespmem:$0x1BD00] =	vst v63  }
0xbc: {  	_ =	swait.ge [sflag:s13], $0x80  }
0xbd: {  	[sflag:s13] =	ssyncset.done $0x0  }
0xbe: {  	[sflag:s13] =	ssyncadd.s32 $0xFFFFFF80  }
0xbf: {  	_ =	swait.ge [sflag:s13], $0x80  }
0xc0: {  	[sflag:s13] =	ssyncset.done $0x0  }
0xc1: {  	[sflag:s13] =	ssyncadd.s32 $0xFFFFFF80  }
0xc2: {  	[tilespmem:s23], [sflag:$0x6] =	stream.indirect.gather [hbm4b:s26+s0], $0x80, s8, s0, $0xb8;
	[tilespmem:$0x1BD00] =	vst v63  }
0xc3: {  	_ =	swait.ge [sflag:s1], $0x4000  }
0xc4: {  	[sflag:s1] =	ssyncset.done $0x0  }
0xc5: {  	[sflag:s1] =	ssyncadd.s32 $0xFFFFC000  }
0xc6: {  	[spmem:s3] =	stream.indirect.scatter.add.f32 [tilespmem:s23], [sflag:$0x8], $0x80, s10, s0, $0xb8;
	[tilespmem:$0x1BD00] =	vst v63  }
0xc7: {  	_ =	swait.ge [sflag:s7], $0x4000  }
0xc8: {  	[sflag:s7] =	ssyncset.done $0x0  }
0xc9: {  	s14 =	sadd.s32 $0x90, s14;
	[sflag:s7] =	ssyncadd.s32 $0xFFFFC000  }
0xca: {  	[tilespmem:s0], [sflag:$0x2] =	stream.linear.gather [hbm4b:s14+s4], $0x80, $0x38;
	[tilespmem:$0x1BD00] =	vst v63  }
0xcb: {  	s19 =	sadd.s32 $0x90, s18  }
0xcc: {  	[tilespmem:s30], [sflag:$0x2] =	stream.linear.gather [hbm4b:s19+s4], $0x80, $0x38;
	[tilespmem:$0x1BD00] =	vst v63  }
0xcd: {  	_ =	swait.ge [sflag:s20], $0x80  }
0xce: {  	[sflag:s20] =	ssyncset.done $0x0  }
0xcf: {  	[sflag:s20] =	ssyncadd.s32 $0xFFFFFF80  }
0xd0: {  	_ =	swait.ge [sflag:s20], $0x80  }
0xd1: {  	[sflag:s20] =	ssyncset.done $0x0  }
0xd2: {  	s14 =	simm.s32 $0x40;
	[sflag:s20] =	ssyncadd.s32 $0xFFFFFF80  }
.LBB2_8:
0xd3: {  	[tilespmem:s9], [sflag:$0x5] =	stream.indirect.gather [hbm4b:s26+s0], $0x80, s4, s0, $0xb8;
	[tilespmem:$0x1BD00] =	vst v63  }
0xd4: {  	s16 =	smov.u32 s14  }
0xd5: {  	p3 =	sne.s32 s14, $0x440;
	s14 =	sadd.s32 $0x40, s14;
	_ =	swait.ge [sflag:s31], $0x4000  }
0xd6: {  	[sflag:s31] =	ssyncset.done $0x0  }
0xd7: {  	[sflag:s31] =	ssyncadd.s32 $0xFFFFC000  }
0xd8: {  	[spmem:s3] =	stream.indirect.scatter.add.f32 [tilespmem:s9], [sflag:$0x7], $0x80, s29, s0, $0xb8;
	[tilespmem:$0x1BD00] =	vst v63  }
0xd9: {  	_ =	swait.ge [sflag:s12], $0x4000  }
0xda: {  	s18 =	sadd.s32 s16, s5;
	[sflag:s12] =	ssyncset.done $0x0  }
0xdb: {  	s19 =	sadd.s32 s16, s6;
	s17 =	sadd.s32 $0x60, s18;
	[sflag:s12] =	ssyncadd.s32 $0xFFFFC000  }
0xdc: {  	[tilespmem:s21], [sflag:$0x3] =	stream.linear.gather [hbm4b:s17+s4], $0x80, $0x38;
	[tilespmem:$0x1BD00] =	vst v63  }
0xdd: {  	s16 =	sadd.s32 $0x60, s19  }
0xde: {  	[tilespmem:s22], [sflag:$0x3] =	stream.linear.gather [hbm4b:s16+s4], $0x80, $0x38;
	[tilespmem:$0x1BD00] =	vst v63  }
0xdf: {  	_ =	swait.ge [sflag:s2], $0x80  }
0xe0: {  	[sflag:s2] =	ssyncset.done $0x0  }
0xe1: {  	[sflag:s2] =	ssyncadd.s32 $0xFFFFFF80  }
0xe2: {  	_ =	swait.ge [sflag:s2], $0x80  }
0xe3: {  	[sflag:s2] =	ssyncset.done $0x0  }
0xe4: {  	[sflag:s2] =	ssyncadd.s32 $0xFFFFFF80  }
0xe5: {  	[tilespmem:s23], [sflag:$0x6] =	stream.indirect.gather [hbm4b:s26+s0], $0x80, s0, s0, $0xb8;
	[tilespmem:$0x1BD00] =	vst v63  }
0xe6: {  	_ =	swait.ge [sflag:s1], $0x4000  }
0xe7: {  	[sflag:s1] =	ssyncset.done $0x0  }
0xe8: {  	[sflag:s1] =	ssyncadd.s32 $0xFFFFC000  }
0xe9: {  	[spmem:s3] =	stream.indirect.scatter.add.f32 [tilespmem:s23], [sflag:$0x8], $0x80, s30, s0, $0xb8;
	[tilespmem:$0x1BD00] =	vst v63  }
0xea: {  	_ =	swait.ge [sflag:s7], $0x4000  }
0xeb: {  	[sflag:s7] =	ssyncset.done $0x0  }
0xec: {  	s16 =	sadd.s32 $0x70, s18;
	[sflag:s7] =	ssyncadd.s32 $0xFFFFC000  }
0xed: {  	[tilespmem:s8], [sflag:$0x4] =	stream.linear.gather [hbm4b:s16+s4], $0x80, $0x38;
	[tilespmem:$0x1BD00] =	vst v63  }
0xee: {  	s16 =	sadd.s32 $0x70, s19  }
0xef: {  	[tilespmem:s10], [sflag:$0x4] =	stream.linear.gather [hbm4b:s16+s4], $0x80, $0x38;
	[tilespmem:$0x1BD00] =	vst v63  }
0xf0: {  	_ =	swait.ge [sflag:s11], $0x80  }
0xf1: {  	[sflag:s11] =	ssyncset.done $0x0  }
0xf2: {  	[sflag:s11] =	ssyncadd.s32 $0xFFFFFF80  }
0xf3: {  	_ =	swait.ge [sflag:s11], $0x80  }
0xf4: {  	[sflag:s11] =	ssyncset.done $0x0  }
0xf5: {  	[sflag:s11] =	ssyncadd.s32 $0xFFFFFF80  }
0xf6: {  	[tilespmem:s9], [sflag:$0x5] =	stream.indirect.gather [hbm4b:s26+s0], $0x80, s21, s0, $0xb8;
	[tilespmem:$0x1BD00] =	vst v63  }
0xf7: {  	_ =	swait.ge [sflag:s31], $0x4000  }
0xf8: {  	[sflag:s31] =	ssyncset.done $0x0  }
0xf9: {  	[sflag:s31] =	ssyncadd.s32 $0xFFFFC000  }
0xfa: {  	[spmem:s3] =	stream.indirect.scatter.add.f32 [tilespmem:s9], [sflag:$0x7], $0x80, s22, s0, $0xb8;
	[tilespmem:$0x1BD00] =	vst v63  }
0xfb: {  	_ =	swait.ge [sflag:s12], $0x4000  }
0xfc: {  	[sflag:s12] =	ssyncset.done $0x0  }
0xfd: {  	s16 =	sadd.s32 $0x80, s18;
	[sflag:s12] =	ssyncadd.s32 $0xFFFFC000  }
0xfe: {  	[tilespmem:s4], [sflag:$0x1] =	stream.linear.gather [hbm4b:s16+s4], $0x80, $0x38;
	[tilespmem:$0x1BD00] =	vst v63  }
0xff: {  	s16 =	sadd.s32 $0x80, s19  }
0x100: {  	[tilespmem:s29], [sflag:$0x1] =	stream.linear.gather [hbm4b:s16+s4], $0x80, $0x38;
	[tilespmem:$0x1BD00] =	vst v63  }
0x101: {  	_ =	swait.ge [sflag:s13], $0x80  }
0x102: {  	[sflag:s13] =	ssyncset.done $0x0  }
0x103: {  	[sflag:s13] =	ssyncadd.s32 $0xFFFFFF80  }
0x104: {  	_ =	swait.ge [sflag:s13], $0x80  }
0x105: {  	[sflag:s13] =	ssyncset.done $0x0  }
0x106: {  	[sflag:s13] =	ssyncadd.s32 $0xFFFFFF80  }
0x107: {  	[tilespmem:s23], [sflag:$0x6] =	stream.indirect.gather [hbm4b:s26+s0], $0x80, s8, s0, $0xb8;
	[tilespmem:$0x1BD00] =	vst v63  }
0x108: {  	_ =	swait.ge [sflag:s1], $0x4000  }
0x109: {  	[sflag:s1] =	ssyncset.done $0x0  }
0x10a: {  	[sflag:s1] =	ssyncadd.s32 $0xFFFFC000  }
0x10b: {  	[spmem:s3] =	stream.indirect.scatter.add.f32 [tilespmem:s23], [sflag:$0x8], $0x80, s10, s0, $0xb8;
	[tilespmem:$0x1BD00] =	vst v63  }
0x10c: {  	_ =	swait.ge [sflag:s7], $0x4000  }
0x10d: {  	[sflag:s7] =	ssyncset.done $0x0  }
0x10e: {  	s16 =	sadd.s32 $0x90, s18;
	[sflag:s7] =	ssyncadd.s32 $0xFFFFC000  }
0x10f: {  	[tilespmem:s0], [sflag:$0x2] =	stream.linear.gather [hbm4b:s16+s4], $0x80, $0x38;
	[tilespmem:$0x1BD00] =	vst v63  }
0x110: {  	s16 =	sadd.s32 $0x90, s19  }
0x111: {  	[tilespmem:s30], [sflag:$0x2] =	stream.linear.gather [hbm4b:s16+s4], $0x80, $0x38;
	[tilespmem:$0x1BD00] =	vst v63  }
0x112: {  	_ =	swait.ge [sflag:s20], $0x80  }
.Ltmp3:
0x113: {  	[sflag:s20] =	ssyncset.done $0x0;
	(pc) =	sbr.rel @p3 .LBB2_8-.Ltmp3, $4  }
0x114: {  	[sflag:s20] =	ssyncadd.s32 $0xFFFFFF80  }
0x115: {  	_ =	swait.ge [sflag:s20], $0x80  }
0x116: {  	[sflag:s20] =	ssyncset.done $0x0  }
0x117: {  	[sflag:s20] =	ssyncadd.s32 $0xFFFFFF80  }
0x118: {  	[tilespmem:s9], [sflag:$0x5] =	stream.indirect.gather [hbm4b:s26+s0], $0x80, s4, s0, $0xb8;
	[tilespmem:$0x1BD00] =	vst v63  }
0x119: {  	_ =	swait.ge [sflag:s31], $0x4000  }
0x11a: {  	[sflag:s31] =	ssyncset.done $0x0  }
0x11b: {  	[sflag:s31] =	ssyncadd.s32 $0xFFFFC000  }
0x11c: {  	[spmem:s3] =	stream.indirect.scatter.add.f32 [tilespmem:s9], [sflag:$0x7], $0x80, s29, s0, $0xb8;
	[tilespmem:$0x1BD00] =	vst v63  }
0x11d: {  	_ =	swait.ge [sflag:s12], $0x4000  }
0x11e: {  	[sflag:s12] =	ssyncset.done $0x0  }
0x11f: {  	s14 =	rddreg [dreg:$0xf];
	[sflag:s12] =	ssyncadd.s32 $0xFFFFC000  }
0x120: {  	[tilespmem:s21], [sflag:$0x3] =	stream.linear.gather [hbm4b:s14+s4], $0x80, $0x38;
	[tilespmem:$0x1BD00] =	vst v63  }
0x121: {  	s17 =	rddreg [dreg:$0x10]  }
0x122: {  	[tilespmem:s22], [sflag:$0x3] =	stream.linear.gather [hbm4b:s17+s4], $0x80, $0x38;
	[tilespmem:$0x1BD00] =	vst v63  }
0x123: {  	_ =	swait.ge [sflag:s2], $0x80  }
0x124: {  	[sflag:s2] =	ssyncset.done $0x0  }
0x125: {  	[sflag:s2] =	ssyncadd.s32 $0xFFFFFF80  }
0x126: {  	_ =	swait.ge [sflag:s2], $0x80  }
0x127: {  	[sflag:s2] =	ssyncset.done $0x0  }
0x128: {  	[sflag:s2] =	ssyncadd.s32 $0xFFFFFF80  }
0x129: {  	[tilespmem:s23], [sflag:$0x6] =	stream.indirect.gather [hbm4b:s26+s0], $0x80, s0, s0, $0xb8;
	[tilespmem:$0x1BD00] =	vst v63  }
0x12a: {  	_ =	swait.ge [sflag:s1], $0x4000  }
0x12b: {  	[sflag:s1] =	ssyncset.done $0x0  }
0x12c: {  	[sflag:s1] =	ssyncadd.s32 $0xFFFFC000  }
0x12d: {  	[spmem:s3] =	stream.indirect.scatter.add.f32 [tilespmem:s23], [sflag:$0x8], $0x80, s30, s0, $0xb8;
	[tilespmem:$0x1BD00] =	vst v63  }
0x12e: {  	_ =	swait.ge [sflag:s7], $0x4000  }
0x12f: {  	[sflag:s7] =	ssyncset.done $0x0  }
0x130: {  	[sflag:s7] =	ssyncadd.s32 $0xFFFFC000  }
0x131: {  	_ =	swait.ge [sflag:s11], $0x80  }
0x132: {  	[sflag:s11] =	ssyncset.done $0x0  }
0x133: {  	[sflag:s11] =	ssyncadd.s32 $0xFFFFFF80  }
0x134: {  	_ =	swait.ge [sflag:s11], $0x80  }
0x135: {  	[sflag:s11] =	ssyncset.done $0x0  }
0x136: {  	[sflag:s11] =	ssyncadd.s32 $0xFFFFFF80  }
0x137: {  	[tilespmem:s9], [sflag:$0x5] =	stream.indirect.gather [hbm4b:s26+s0], $0x80, s21, s0, $0xb8;
	[tilespmem:$0x1BD00] =	vst v63  }
0x138: {  	_ =	swait.ge [sflag:s31], $0x4000  }
0x139: {  	[sflag:s31] =	ssyncset.done $0x0  }
0x13a: {  	[sflag:s31] =	ssyncadd.s32 $0xFFFFC000  }
0x13b: {  	[spmem:s3] =	stream.indirect.scatter.add.f32 [tilespmem:s9], [sflag:$0x7], $0x80, s22, s0, $0xb8;
	[tilespmem:$0x1BD00] =	vst v63  }
0x13c: {  	_ =	swait.ge [sflag:s12], $0x4000  }
0x13d: {  	[sflag:s12] =	ssyncset.done $0x0  }
0x13e: {  	[sflag:s12] =	ssyncadd.s32 $0xFFFFC000  }
0x13f: {  	_ =	swait.ge [sflag:s7], $0x4000  }
0x140: {  	[sflag:s7] =	ssyncset.done $0x0  }
0x141: {  	[sflag:s7] =	ssyncadd.s32 $0xFFFFC000  }
0x142: {  	[bflag:$0x0] =	sbarrier.arrive $0xFFFF  }
0x143: {  	[tilespmem:s4], [sflag:$0x1] =	stream.linear.gather [hbm4b:s5+s4], $0x80, $0x38;
	[tilespmem:$0x1BD00] =	vst v63  }
0x144: {  	_ = 	snop  }
0x145: {  	[tilespmem:s29], [sflag:$0x1] =	stream.linear.gather [hbm4b:s6+s4], $0x80, $0x38;
	[tilespmem:$0x1BD00] =	vst v63  }
0x146: {  	s18 =	rddreg [dreg:$0x4]  }
0x147: {  	[tilespmem:s0], [sflag:$0x2] =	stream.linear.gather [hbm4b:s18+s4], $0x80, $0x38;
	[tilespmem:$0x1BD00] =	vst v63  }
0x148: {  	s19 =	rddreg [dreg:$0x5]  }
0x149: {  	[tilespmem:s30], [sflag:$0x2] =	stream.linear.gather [hbm4b:s19+s4], $0x80, $0x38;
	[tilespmem:$0x1BD00] =	vst v63  }
0x14a: {  	_ =	swait.ge [sflag:s20], $0x80  }
0x14b: {  	[sflag:s20] =	ssyncset.done $0x0  }
0x14c: {  	[sflag:s20] =	ssyncadd.s32 $0xFFFFFF80  }
0x14d: {  	s16 =	stileid.u32;
	_ =	swait.ge [sflag:s20], $0x80  }
0x14e: {  	s14 =	sshll.u32 s16, $0x6;
	[sflag:s20] =	ssyncset.done $0x0;
	s17 =	rddreg [dreg:$0x17]  }
0x14f: {  	s18 =	rddreg [dreg:$0x13];
	[sflag:s20] =	ssyncadd.s32 $0xFFFFFF80;
	s16 =	sshrl.u32 s17, $0x3  }
0x150: {  	[tilespmem:s9], [sflag:$0x5] =	stream.indirect.gather [hbm4b:s28+s0], $0x80, s4, s0, $0xb8;
	[tilespmem:$0x1BD00] =	vst v63  }
0x151: {  	s19 =	sor.u32 $0x1C09, s14;
	[smem:$0x7FC] =	sst s16  }
0x152: {  	[hbm:s18], [sflag:s19] =	dma.local [spmem:s16], $0x2700  }
0x153: {  	s16 =	simm.s32 $0x9  }
0x154: {  	_ =	swait.ge [sflag:s16], $0x2700  }
0x155: {  	[sflag:s16] =	ssyncset.done $0x0;
	s14 =	rddreg [dreg:$0x18]  }
0x156: {  	[sflag:s16] =	ssyncadd.s32 $0xFFFFD900;
	s16 =	rddreg [dreg:$0x1f]  }
0x157: {  	[hbm:s14], [sflag:s19] =	dma.local @p1 [spmem:s16], $0x100  }
0x158: {  	s16 =	simm.s32 @p1 $0x9  }
0x159: {  	_ =	swait.ge @p1 [sflag:s16], $0x100  }
0x15a: {  	[sflag:s16] =	ssyncset.done @p1 $0x0  }
0x15b: {  	[sflag:s16] =	ssyncadd.s32 @p1 $0xFFFFFF00  }
0x15c: {  	[bflag:$0x0] =	sbarrier.arrive @p1 $0xFFFF  }
0x15d: {  	s14 =	rddreg [dreg:$0x1]  }
0x15e: {  	s17 =	rddreg [dreg:$0x1e]  }
0x15f: {  	[spmem:s17], [sflag:s19] =	dma.local @p1 [hbm:s14], $0x2180  }
0x160: {  	_ =	swait.ge @p1 [sflag:s16], $0x2180  }
0x161: {  	[sflag:s16] =	ssyncset.done @p1 $0x0  }
0x162: {  	[sflag:s16] =	ssyncadd.s32 @p1 $0xFFFFDE80  }
0x163: {  	[bflag:$0x0] =	sbarrier.arrive @!p1 $0xFFFF  }
0x164: {  	s16 =	rddreg [dreg:$0x1d]  }
0x165: {  	[spmem:s16], [sflag:s19] =	dma.local @!p1 [hbm:s14], $0x2780  }
0x166: {  	s16 =	simm.s32 @!p1 $0x9  }
0x167: {  	_ =	swait.ge @!p1 [sflag:s16], $0x2780  }
0x168: {  	[sflag:s16] =	ssyncset.done @!p1 $0x0  }
0x169: {  	[sflag:s16] =	ssyncadd.s32 @!p1 $0xFFFFD880  }
0x16a: {  	[bflag:$0x0] =	sbarrier.arrive $0xFFFF  }
0x16b: {  	_ =	swait.ge [sflag:s31], $0x4000  }
0x16c: {  	[sflag:s31] =	ssyncset.done $0x0  }
0x16d: {  	[sflag:s31] =	ssyncadd.s32 $0xFFFFC000  }
0x16e: {  	[spmem:s3] =	stream.indirect.scatter.add.f32 [tilespmem:s9], [sflag:$0x7], $0x80, s29, s0, $0xb8;
	[tilespmem:$0x1BD00] =	vst v63  }
0x16f: {  	s16 =	simm.s32 $0x0;
	s17 =	rddreg [dreg:$0x7]  }
0x170: {  	[tilespmem:s21], [sflag:$0x3] =	stream.linear.gather [hbm4b:s17+s16], $0x80, $0x38;
	[tilespmem:$0x1BD00] =	vst v63  }
0x171: {  	s18 =	rddreg [dreg:$0x8]  }
0x172: {  	[tilespmem:s22], [sflag:$0x3] =	stream.linear.gather [hbm4b:s18+s16], $0x80, $0x38;
	[tilespmem:$0x1BD00] =	vst v63  }
0x173: {  	_ =	swait.ge [sflag:s2], $0x80  }
0x174: {  	[sflag:s2] =	ssyncset.done $0x0  }
0x175: {  	[sflag:s2] =	ssyncadd.s32 $0xFFFFFF80  }
0x176: {  	_ =	swait.ge [sflag:s2], $0x80  }
0x177: {  	[sflag:s2] =	ssyncset.done $0x0  }
0x178: {  	[sflag:s2] =	ssyncadd.s32 $0xFFFFFF80  }
0x179: {  	[tilespmem:s23], [sflag:$0x6] =	stream.indirect.gather [hbm4b:s28+s0], $0x80, s0, s0, $0xb8;
	[tilespmem:$0x1BD00] =	vst v63  }
0x17a: {  	_ =	swait.ge [sflag:s1], $0x4000  }
0x17b: {  	[sflag:s1] =	ssyncset.done $0x0  }
0x17c: {  	[sflag:s1] =	ssyncadd.s32 $0xFFFFC000  }
0x17d: {  	[spmem:s3] =	stream.indirect.scatter.add.f32 [tilespmem:s23], [sflag:$0x8], $0x80, s30, s0, $0xb8;
	[tilespmem:$0x1BD00] =	vst v63  }
0x17e: {  	_ =	swait.ge [sflag:s7], $0x4000  }
0x17f: {  	[sflag:s7] =	ssyncset.done $0x0  }
0x180: {  	s17 =	rddreg [dreg:$0x9];
	[sflag:s7] =	ssyncadd.s32 $0xFFFFC000  }
0x181: {  	[tilespmem:s8], [sflag:$0x4] =	stream.linear.gather [hbm4b:s17+s16], $0x80, $0x38;
	[tilespmem:$0x1BD00] =	vst v63  }
0x182: {  	s18 =	rddreg [dreg:$0xa]  }
0x183: {  	[tilespmem:s10], [sflag:$0x4] =	stream.linear.gather [hbm4b:s18+s16], $0x80, $0x38;
	[tilespmem:$0x1BD00] =	vst v63  }
0x184: {  	_ =	swait.ge [sflag:s11], $0x80  }
0x185: {  	[sflag:s11] =	ssyncset.done $0x0  }
0x186: {  	[sflag:s11] =	ssyncadd.s32 $0xFFFFFF80  }
0x187: {  	_ =	swait.ge [sflag:s11], $0x80  }
0x188: {  	[sflag:s11] =	ssyncset.done $0x0  }
0x189: {  	[sflag:s11] =	ssyncadd.s32 $0xFFFFFF80  }
0x18a: {  	[tilespmem:s9], [sflag:$0x5] =	stream.indirect.gather [hbm4b:s28+s0], $0x80, s21, s0, $0xb8;
	[tilespmem:$0x1BD00] =	vst v63  }
0x18b: {  	_ =	swait.ge [sflag:s31], $0x4000  }
0x18c: {  	[sflag:s31] =	ssyncset.done $0x0  }
0x18d: {  	[sflag:s31] =	ssyncadd.s32 $0xFFFFC000  }
0x18e: {  	[spmem:s3] =	stream.indirect.scatter.add.f32 [tilespmem:s9], [sflag:$0x7], $0x80, s22, s0, $0xb8;
	[tilespmem:$0x1BD00] =	vst v63  }
0x18f: {  	_ =	swait.ge [sflag:s12], $0x4000  }
0x190: {  	[sflag:s12] =	ssyncset.done $0x0  }
0x191: {  	s17 =	rddreg [dreg:$0xb];
	[sflag:s12] =	ssyncadd.s32 $0xFFFFC000  }
0x192: {  	[tilespmem:s16], [sflag:$0x1] =	stream.linear.gather [hbm4b:s17+s16], $0x80, $0x38;
	[tilespmem:$0x1BD00] =	vst v63  }
0x193: {  	s18 =	rddreg [dreg:$0xc]  }
0x194: {  	[tilespmem:s29], [sflag:$0x1] =	stream.linear.gather [hbm4b:s18+s16], $0x80, $0x38;
	[tilespmem:$0x1BD00] =	vst v63  }
0x195: {  	_ =	swait.ge [sflag:s13], $0x80  }
0x196: {  	[sflag:s13] =	ssyncset.done $0x0  }
0x197: {  	[sflag:s13] =	ssyncadd.s32 $0xFFFFFF80  }
0x198: {  	_ =	swait.ge [sflag:s13], $0x80  }
0x199: {  	[sflag:s13] =	ssyncset.done $0x0  }
0x19a: {  	[sflag:s13] =	ssyncadd.s32 $0xFFFFFF80  }
0x19b: {  	[tilespmem:s23], [sflag:$0x6] =	stream.indirect.gather [hbm4b:s28+s0], $0x80, s8, s0, $0xb8;
	[tilespmem:$0x1BD00] =	vst v63  }
0x19c: {  	_ =	swait.ge [sflag:s1], $0x4000  }
0x19d: {  	[sflag:s1] =	ssyncset.done $0x0  }
0x19e: {  	[sflag:s1] =	ssyncadd.s32 $0xFFFFC000  }
0x19f: {  	[spmem:s3] =	stream.indirect.scatter.add.f32 [tilespmem:s23], [sflag:$0x8], $0x80, s10, s0, $0xb8;
	[tilespmem:$0x1BD00] =	vst v63  }
0x1a0: {  	_ =	swait.ge [sflag:s7], $0x4000  }
0x1a1: {  	[sflag:s7] =	ssyncset.done $0x0  }
0x1a2: {  	s17 =	rddreg [dreg:$0xd];
	[sflag:s7] =	ssyncadd.s32 $0xFFFFC000  }
0x1a3: {  	[tilespmem:s0], [sflag:$0x2] =	stream.linear.gather [hbm4b:s17+s16], $0x80, $0x38;
	[tilespmem:$0x1BD00] =	vst v63  }
0x1a4: {  	s18 =	rddreg [dreg:$0xe]  }
0x1a5: {  	[tilespmem:s30], [sflag:$0x2] =	stream.linear.gather [hbm4b:s18+s16], $0x80, $0x38;
	[tilespmem:$0x1BD00] =	vst v63  }
0x1a6: {  	_ =	swait.ge [sflag:s20], $0x80  }
0x1a7: {  	[sflag:s20] =	ssyncset.done $0x0  }
0x1a8: {  	[sflag:s20] =	ssyncadd.s32 $0xFFFFFF80  }
0x1a9: {  	_ =	swait.ge [sflag:s20], $0x80  }
0x1aa: {  	[sflag:s20] =	ssyncset.done $0x0  }
0x1ab: {  	[sflag:s20] =	ssyncadd.s32 $0xFFFFFF80  }
0x1ac: {  	[tilespmem:s9], [sflag:$0x5] =	stream.indirect.gather [hbm4b:s28+s0], $0x80, s16, s0, $0xb8;
	[tilespmem:$0x1BD00] =	vst v63  }
0x1ad: {  	_ =	swait.ge [sflag:s31], $0x4000  }
0x1ae: {  	[sflag:s31] =	ssyncset.done $0x0  }
0x1af: {  	[sflag:s31] =	ssyncadd.s32 $0xFFFFC000  }
0x1b0: {  	[spmem:s3] =	stream.indirect.scatter.add.f32 [tilespmem:s9], [sflag:$0x7], $0x80, s29, s0, $0xb8;
	[tilespmem:$0x1BD00] =	vst v63  }
0x1b1: {  	_ =	swait.ge [sflag:s12], $0x4000  }
0x1b2: {  	s16 =	sadd.s32 $0x0, s5;
	[sflag:s12] =	ssyncset.done $0x0  }
0x1b3: {  	s18 =	sadd.s32 $0x0, s6;
	s14 =	sadd.s32 $0x60, s16;
	[sflag:s12] =	ssyncadd.s32 $0xFFFFC000  }
0x1b4: {  	[tilespmem:s21], [sflag:$0x3] =	stream.linear.gather [hbm4b:s14+s4], $0x80, $0x38;
	[tilespmem:$0x1BD00] =	vst v63  }
0x1b5: {  	s14 =	sadd.s32 $0x60, s18  }
0x1b6: {  	[tilespmem:s22], [sflag:$0x3] =	stream.linear.gather [hbm4b:s14+s4], $0x80, $0x38;
	[tilespmem:$0x1BD00] =	vst v63  }
0x1b7: {  	_ =	swait.ge [sflag:s2], $0x80  }
0x1b8: {  	[sflag:s2] =	ssyncset.done $0x0  }
0x1b9: {  	[sflag:s2] =	ssyncadd.s32 $0xFFFFFF80  }
0x1ba: {  	_ =	swait.ge [sflag:s2], $0x80  }
0x1bb: {  	[sflag:s2] =	ssyncset.done $0x0  }
0x1bc: {  	[sflag:s2] =	ssyncadd.s32 $0xFFFFFF80  }
0x1bd: {  	[tilespmem:s23], [sflag:$0x6] =	stream.indirect.gather [hbm4b:s28+s0], $0x80, s0, s0, $0xb8;
	[tilespmem:$0x1BD00] =	vst v63  }
0x1be: {  	_ =	swait.ge [sflag:s1], $0x4000  }
0x1bf: {  	[sflag:s1] =	ssyncset.done $0x0  }
0x1c0: {  	[sflag:s1] =	ssyncadd.s32 $0xFFFFC000  }
0x1c1: {  	[spmem:s3] =	stream.indirect.scatter.add.f32 [tilespmem:s23], [sflag:$0x8], $0x80, s30, s0, $0xb8;
	[tilespmem:$0x1BD00] =	vst v63  }
0x1c2: {  	_ =	swait.ge [sflag:s7], $0x4000  }
0x1c3: {  	[sflag:s7] =	ssyncset.done $0x0  }
0x1c4: {  	s14 =	sadd.s32 $0x70, s16;
	[sflag:s7] =	ssyncadd.s32 $0xFFFFC000  }
0x1c5: {  	[tilespmem:s8], [sflag:$0x4] =	stream.linear.gather [hbm4b:s14+s4], $0x80, $0x38;
	[tilespmem:$0x1BD00] =	vst v63  }
0x1c6: {  	s14 =	sadd.s32 $0x70, s18  }
0x1c7: {  	[tilespmem:s10], [sflag:$0x4] =	stream.linear.gather [hbm4b:s14+s4], $0x80, $0x38;
	[tilespmem:$0x1BD00] =	vst v63  }
0x1c8: {  	_ =	swait.ge [sflag:s11], $0x80  }
0x1c9: {  	[sflag:s11] =	ssyncset.done $0x0  }
0x1ca: {  	[sflag:s11] =	ssyncadd.s32 $0xFFFFFF80  }
0x1cb: {  	_ =	swait.ge [sflag:s11], $0x80  }
0x1cc: {  	[sflag:s11] =	ssyncset.done $0x0  }
0x1cd: {  	[sflag:s11] =	ssyncadd.s32 $0xFFFFFF80  }
0x1ce: {  	[tilespmem:s9], [sflag:$0x5] =	stream.indirect.gather [hbm4b:s28+s0], $0x80, s21, s0, $0xb8;
	[tilespmem:$0x1BD00] =	vst v63  }
0x1cf: {  	_ =	swait.ge [sflag:s31], $0x4000  }
0x1d0: {  	[sflag:s31] =	ssyncset.done $0x0  }
0x1d1: {  	[sflag:s31] =	ssyncadd.s32 $0xFFFFC000  }
0x1d2: {  	[spmem:s3] =	stream.indirect.scatter.add.f32 [tilespmem:s9], [sflag:$0x7], $0x80, s22, s0, $0xb8;
	[tilespmem:$0x1BD00] =	vst v63  }
0x1d3: {  	_ =	swait.ge [sflag:s12], $0x4000  }
0x1d4: {  	[sflag:s12] =	ssyncset.done $0x0  }
0x1d5: {  	s14 =	sadd.s32 $0x80, s16;
	[sflag:s12] =	ssyncadd.s32 $0xFFFFC000  }
0x1d6: {  	[tilespmem:s4], [sflag:$0x1] =	stream.linear.gather [hbm4b:s14+s4], $0x80, $0x38;
	[tilespmem:$0x1BD00] =	vst v63  }
0x1d7: {  	s14 =	sadd.s32 $0x80, s18  }
0x1d8: {  	[tilespmem:s29], [sflag:$0x1] =	stream.linear.gather [hbm4b:s14+s4], $0x80, $0x38;
	[tilespmem:$0x1BD00] =	vst v63  }
0x1d9: {  	_ =	swait.ge [sflag:s13], $0x80  }
0x1da: {  	[sflag:s13] =	ssyncset.done $0x0  }
0x1db: {  	[sflag:s13] =	ssyncadd.s32 $0xFFFFFF80  }
0x1dc: {  	_ =	swait.ge [sflag:s13], $0x80  }
0x1dd: {  	[sflag:s13] =	ssyncset.done $0x0  }
0x1de: {  	[sflag:s13] =	ssyncadd.s32 $0xFFFFFF80  }
0x1df: {  	[tilespmem:s23], [sflag:$0x6] =	stream.indirect.gather [hbm4b:s28+s0], $0x80, s8, s0, $0xb8;
	[tilespmem:$0x1BD00] =	vst v63  }
0x1e0: {  	_ =	swait.ge [sflag:s1], $0x4000  }
0x1e1: {  	[sflag:s1] =	ssyncset.done $0x0  }
0x1e2: {  	[sflag:s1] =	ssyncadd.s32 $0xFFFFC000  }
0x1e3: {  	[spmem:s3] =	stream.indirect.scatter.add.f32 [tilespmem:s23], [sflag:$0x8], $0x80, s10, s0, $0xb8;
	[tilespmem:$0x1BD00] =	vst v63  }
0x1e4: {  	_ =	swait.ge [sflag:s7], $0x4000  }
0x1e5: {  	[sflag:s7] =	ssyncset.done $0x0  }
0x1e6: {  	s16 =	sadd.s32 $0x90, s16;
	[sflag:s7] =	ssyncadd.s32 $0xFFFFC000  }
0x1e7: {  	[tilespmem:s0], [sflag:$0x2] =	stream.linear.gather [hbm4b:s16+s4], $0x80, $0x38;
	[tilespmem:$0x1BD00] =	vst v63  }
0x1e8: {  	s18 =	sadd.s32 $0x90, s18  }
0x1e9: {  	[tilespmem:s30], [sflag:$0x2] =	stream.linear.gather [hbm4b:s18+s4], $0x80, $0x38;
	[tilespmem:$0x1BD00] =	vst v63  }
0x1ea: {  	_ =	swait.ge [sflag:s20], $0x80  }
0x1eb: {  	[sflag:s20] =	ssyncset.done $0x0  }
0x1ec: {  	[sflag:s20] =	ssyncadd.s32 $0xFFFFFF80  }
0x1ed: {  	_ =	swait.ge [sflag:s20], $0x80  }
0x1ee: {  	[sflag:s20] =	ssyncset.done $0x0  }
0x1ef: {  	s16 =	simm.s32 $0x40;
	[sflag:s20] =	ssyncadd.s32 $0xFFFFFF80  }
.LBB2_10:
0x1f0: {  	[tilespmem:s9], [sflag:$0x5] =	stream.indirect.gather [hbm4b:s28+s0], $0x80, s4, s0, $0xb8;
	[tilespmem:$0x1BD00] =	vst v63  }
0x1f1: {  	s18 =	smov.u32 s16  }
0x1f2: {  	p3 =	sne.s32 s16, $0x440;
	s16 =	sadd.s32 $0x40, s16;
	_ =	swait.ge [sflag:s31], $0x4000  }
0x1f3: {  	[sflag:s31] =	ssyncset.done $0x0  }
0x1f4: {  	[sflag:s31] =	ssyncadd.s32 $0xFFFFC000  }
0x1f5: {  	[spmem:s3] =	stream.indirect.scatter.add.f32 [tilespmem:s9], [sflag:$0x7], $0x80, s29, s0, $0xb8;
	[tilespmem:$0x1BD00] =	vst v63  }
0x1f6: {  	_ =	swait.ge [sflag:s12], $0x4000  }
0x1f7: {  	s17 =	sadd.s32 s18, s5;
	[sflag:s12] =	ssyncset.done $0x0  }
0x1f8: {  	s18 =	sadd.s32 s18, s6;
	s14 =	sadd.s32 $0x60, s17;
	[sflag:s12] =	ssyncadd.s32 $0xFFFFC000  }
0x1f9: {  	[tilespmem:s21], [sflag:$0x3] =	stream.linear.gather [hbm4b:s14+s4], $0x80, $0x38;
	[tilespmem:$0x1BD00] =	vst v63  }
0x1fa: {  	s14 =	sadd.s32 $0x60, s18  }
0x1fb: {  	[tilespmem:s22], [sflag:$0x3] =	stream.linear.gather [hbm4b:s14+s4], $0x80, $0x38;
	[tilespmem:$0x1BD00] =	vst v63  }
0x1fc: {  	_ =	swait.ge [sflag:s2], $0x80  }
0x1fd: {  	[sflag:s2] =	ssyncset.done $0x0  }
0x1fe: {  	[sflag:s2] =	ssyncadd.s32 $0xFFFFFF80  }
0x1ff: {  	_ =	swait.ge [sflag:s2], $0x80  }
0x200: {  	[sflag:s2] =	ssyncset.done $0x0  }
0x201: {  	[sflag:s2] =	ssyncadd.s32 $0xFFFFFF80  }
0x202: {  	[tilespmem:s23], [sflag:$0x6] =	stream.indirect.gather [hbm4b:s28+s0], $0x80, s0, s0, $0xb8;
	[tilespmem:$0x1BD00] =	vst v63  }
0x203: {  	_ =	swait.ge [sflag:s1], $0x4000  }
0x204: {  	[sflag:s1] =	ssyncset.done $0x0  }
0x205: {  	[sflag:s1] =	ssyncadd.s32 $0xFFFFC000  }
0x206: {  	[spmem:s3] =	stream.indirect.scatter.add.f32 [tilespmem:s23], [sflag:$0x8], $0x80, s30, s0, $0xb8;
	[tilespmem:$0x1BD00] =	vst v63  }
0x207: {  	_ =	swait.ge [sflag:s7], $0x4000  }
0x208: {  	[sflag:s7] =	ssyncset.done $0x0  }
0x209: {  	s14 =	sadd.s32 $0x70, s17;
	[sflag:s7] =	ssyncadd.s32 $0xFFFFC000  }
0x20a: {  	[tilespmem:s8], [sflag:$0x4] =	stream.linear.gather [hbm4b:s14+s4], $0x80, $0x38;
	[tilespmem:$0x1BD00] =	vst v63  }
0x20b: {  	s14 =	sadd.s32 $0x70, s18  }
0x20c: {  	[tilespmem:s10], [sflag:$0x4] =	stream.linear.gather [hbm4b:s14+s4], $0x80, $0x38;
	[tilespmem:$0x1BD00] =	vst v63  }
0x20d: {  	_ =	swait.ge [sflag:s11], $0x80  }
0x20e: {  	[sflag:s11] =	ssyncset.done $0x0  }
0x20f: {  	[sflag:s11] =	ssyncadd.s32 $0xFFFFFF80  }
0x210: {  	_ =	swait.ge [sflag:s11], $0x80  }
0x211: {  	[sflag:s11] =	ssyncset.done $0x0  }
0x212: {  	[sflag:s11] =	ssyncadd.s32 $0xFFFFFF80  }
0x213: {  	[tilespmem:s9], [sflag:$0x5] =	stream.indirect.gather [hbm4b:s28+s0], $0x80, s21, s0, $0xb8;
	[tilespmem:$0x1BD00] =	vst v63  }
0x214: {  	_ =	swait.ge [sflag:s31], $0x4000  }
0x215: {  	[sflag:s31] =	ssyncset.done $0x0  }
0x216: {  	[sflag:s31] =	ssyncadd.s32 $0xFFFFC000  }
0x217: {  	[spmem:s3] =	stream.indirect.scatter.add.f32 [tilespmem:s9], [sflag:$0x7], $0x80, s22, s0, $0xb8;
	[tilespmem:$0x1BD00] =	vst v63  }
0x218: {  	_ =	swait.ge [sflag:s12], $0x4000  }
0x219: {  	[sflag:s12] =	ssyncset.done $0x0  }
0x21a: {  	s14 =	sadd.s32 $0x80, s17;
	[sflag:s12] =	ssyncadd.s32 $0xFFFFC000  }
0x21b: {  	[tilespmem:s4], [sflag:$0x1] =	stream.linear.gather [hbm4b:s14+s4], $0x80, $0x38;
	[tilespmem:$0x1BD00] =	vst v63  }
0x21c: {  	s14 =	sadd.s32 $0x80, s18  }
0x21d: {  	[tilespmem:s29], [sflag:$0x1] =	stream.linear.gather [hbm4b:s14+s4], $0x80, $0x38;
	[tilespmem:$0x1BD00] =	vst v63  }
0x21e: {  	_ =	swait.ge [sflag:s13], $0x80  }
0x21f: {  	[sflag:s13] =	ssyncset.done $0x0  }
0x220: {  	[sflag:s13] =	ssyncadd.s32 $0xFFFFFF80  }
0x221: {  	_ =	swait.ge [sflag:s13], $0x80  }
0x222: {  	[sflag:s13] =	ssyncset.done $0x0  }
0x223: {  	[sflag:s13] =	ssyncadd.s32 $0xFFFFFF80  }
0x224: {  	[tilespmem:s23], [sflag:$0x6] =	stream.indirect.gather [hbm4b:s28+s0], $0x80, s8, s0, $0xb8;
	[tilespmem:$0x1BD00] =	vst v63  }
0x225: {  	_ =	swait.ge [sflag:s1], $0x4000  }
0x226: {  	[sflag:s1] =	ssyncset.done $0x0  }
0x227: {  	[sflag:s1] =	ssyncadd.s32 $0xFFFFC000  }
0x228: {  	[spmem:s3] =	stream.indirect.scatter.add.f32 [tilespmem:s23], [sflag:$0x8], $0x80, s10, s0, $0xb8;
	[tilespmem:$0x1BD00] =	vst v63  }
0x229: {  	_ =	swait.ge [sflag:s7], $0x4000  }
0x22a: {  	[sflag:s7] =	ssyncset.done $0x0  }
0x22b: {  	s14 =	sadd.s32 $0x90, s17;
	[sflag:s7] =	ssyncadd.s32 $0xFFFFC000  }
0x22c: {  	[tilespmem:s0], [sflag:$0x2] =	stream.linear.gather [hbm4b:s14+s4], $0x80, $0x38;
	[tilespmem:$0x1BD00] =	vst v63  }
0x22d: {  	s14 =	sadd.s32 $0x90, s18  }
0x22e: {  	[tilespmem:s30], [sflag:$0x2] =	stream.linear.gather [hbm4b:s14+s4], $0x80, $0x38;
	[tilespmem:$0x1BD00] =	vst v63  }
0x22f: {  	_ =	swait.ge [sflag:s20], $0x80  }
.Ltmp4:
0x230: {  	[sflag:s20] =	ssyncset.done $0x0;
	(pc) =	sbr.rel @p3 .LBB2_10-.Ltmp4, $4  }
0x231: {  	[sflag:s20] =	ssyncadd.s32 $0xFFFFFF80  }
0x232: {  	_ =	swait.ge [sflag:s20], $0x80  }
0x233: {  	[sflag:s20] =	ssyncset.done $0x0  }
0x234: {  	[sflag:s20] =	ssyncadd.s32 $0xFFFFFF80  }
0x235: {  	[tilespmem:s9], [sflag:$0x5] =	stream.indirect.gather [hbm4b:s28+s0], $0x80, s4, s0, $0xb8;
	[tilespmem:$0x1BD00] =	vst v63  }
0x236: {  	_ =	swait.ge [sflag:s31], $0x4000  }
0x237: {  	[sflag:s31] =	ssyncset.done $0x0  }
0x238: {  	[sflag:s31] =	ssyncadd.s32 $0xFFFFC000  }
0x239: {  	[spmem:s3] =	stream.indirect.scatter.add.f32 [tilespmem:s9], [sflag:$0x7], $0x80, s29, s0, $0xb8;
	[tilespmem:$0x1BD00] =	vst v63  }
0x23a: {  	_ =	swait.ge [sflag:s12], $0x4000  }
0x23b: {  	[sflag:s12] =	ssyncset.done $0x0  }
0x23c: {  	s14 =	rddreg [dreg:$0xf];
	[sflag:s12] =	ssyncadd.s32 $0xFFFFC000  }
0x23d: {  	[tilespmem:s21], [sflag:$0x3] =	stream.linear.gather [hbm4b:s14+s4], $0x80, $0x38;
	[tilespmem:$0x1BD00] =	vst v63  }
0x23e: {  	s16 =	rddreg [dreg:$0x10]  }
0x23f: {  	[tilespmem:s22], [sflag:$0x3] =	stream.linear.gather [hbm4b:s16+s4], $0x80, $0x38;
	[tilespmem:$0x1BD00] =	vst v63  }
0x240: {  	_ =	swait.ge [sflag:s2], $0x80  }
0x241: {  	[sflag:s2] =	ssyncset.done $0x0  }
0x242: {  	[sflag:s2] =	ssyncadd.s32 $0xFFFFFF80  }
0x243: {  	_ =	swait.ge [sflag:s2], $0x80  }
0x244: {  	[sflag:s2] =	ssyncset.done $0x0  }
0x245: {  	[sflag:s2] =	ssyncadd.s32 $0xFFFFFF80  }
0x246: {  	[tilespmem:s23], [sflag:$0x6] =	stream.indirect.gather [hbm4b:s28+s0], $0x80, s0, s0, $0xb8;
	[tilespmem:$0x1BD00] =	vst v63  }
0x247: {  	_ =	swait.ge [sflag:s1], $0x4000  }
0x248: {  	[sflag:s1] =	ssyncset.done $0x0  }
0x249: {  	[sflag:s1] =	ssyncadd.s32 $0xFFFFC000  }
0x24a: {  	[spmem:s3] =	stream.indirect.scatter.add.f32 [tilespmem:s23], [sflag:$0x8], $0x80, s30, s0, $0xb8;
	[tilespmem:$0x1BD00] =	vst v63  }
0x24b: {  	_ =	swait.ge [sflag:s7], $0x4000  }
0x24c: {  	[sflag:s7] =	ssyncset.done $0x0  }
0x24d: {  	[sflag:s7] =	ssyncadd.s32 $0xFFFFC000  }
0x24e: {  	_ =	swait.ge [sflag:s11], $0x80  }
0x24f: {  	[sflag:s11] =	ssyncset.done $0x0  }
0x250: {  	[sflag:s11] =	ssyncadd.s32 $0xFFFFFF80  }
0x251: {  	_ =	swait.ge [sflag:s11], $0x80  }
0x252: {  	[sflag:s11] =	ssyncset.done $0x0  }
0x253: {  	[sflag:s11] =	ssyncadd.s32 $0xFFFFFF80  }
0x254: {  	[tilespmem:s9], [sflag:$0x5] =	stream.indirect.gather [hbm4b:s28+s0], $0x80, s21, s0, $0xb8;
	[tilespmem:$0x1BD00] =	vst v63  }
0x255: {  	_ =	swait.ge [sflag:s31], $0x4000  }
0x256: {  	[sflag:s31] =	ssyncset.done $0x0  }
0x257: {  	[sflag:s31] =	ssyncadd.s32 $0xFFFFC000  }
0x258: {  	[spmem:s3] =	stream.indirect.scatter.add.f32 [tilespmem:s9], [sflag:$0x7], $0x80, s22, s0, $0xb8;
	[tilespmem:$0x1BD00] =	vst v63  }
0x259: {  	_ =	swait.ge [sflag:s12], $0x4000  }
0x25a: {  	[sflag:s12] =	ssyncset.done $0x0  }
0x25b: {  	[sflag:s12] =	ssyncadd.s32 $0xFFFFC000  }
0x25c: {  	_ =	swait.ge [sflag:s7], $0x4000  }
0x25d: {  	[sflag:s7] =	ssyncset.done $0x0  }
0x25e: {  	[sflag:s7] =	ssyncadd.s32 $0xFFFFC000  }
0x25f: {  	[bflag:$0x0] =	sbarrier.arrive $0xFFFF  }
0x260: {  	s16 =	sld [smem:$0x7FC];
	_ =	sdelay $0x1  }
0x261: {  	s17 =	rddreg [dreg:$0x14]  }
0x262: {  	[hbm:s17], [sflag:s19] =	dma.local [spmem:s16], $0x2700  }
.Ltmp5:
0x263: {  	_ = 	snop;
	(pc) =	sbr.rel @p2 .LBB2_13-.Ltmp5, $4  }
.Ltmp6:
0x264: {  	s18 =	simm.s32 $0x9;
	(pc) =	sbr.rel @!p2 .LBB2_12-.Ltmp6, $4  }
0x265: {  	_ =	swait.ge [sflag:s18], $0x2700  }
0x266: {  	[sflag:s18] =	ssyncset.done $0x0  }
0x267: {  	s14 =	rddreg [dreg:$0x19];
	[sflag:s18] =	ssyncadd.s32 $0xFFFFD900  }
0x268: {  	_ = 	snop  }
.LBB2_2:
0x269: {  	[tilespmem:s9], [sflag:$0x5] =	stream.indirect.gather [hbm4b:s24+s0], $0x80, s4, s0, $0xb8;
	[tilespmem:$0x1BD00] =	vst v63  }
0x26a: {  	s18 =	simm.s32 @p1 $0x1FC9;
	s16 =	rddreg [dreg:$0x1]  }
0x26b: {  	[spmem:s19], [sflag:s18] =	dma.local @p1 [hbm:s16], $0x2180  }
0x26c: {  	s18 =	simm.s32 @p1 $0x9  }
0x26d: {  	_ =	swait.ge @p1 [sflag:s18], $0x2180  }
0x26e: {  	[sflag:s18] =	ssyncset.done @p1 $0x0  }
0x26f: {  	[sflag:s18] =	ssyncadd.s32 @p1 $0xFFFFDE80  }
0x270: {  	[spmem:s17], [sflag:s14] =	dma.local @!p1 [hbm:s16], $0x2780  }
0x271: {  	s14 =	simm.s32 @!p1 $0x9  }
0x272: {  	_ =	swait.ge @!p1 [sflag:s14], $0x2780  }
0x273: {  	[sflag:s14] =	ssyncset.done @!p1 $0x0  }
0x274: {  	[sflag:s14] =	ssyncadd.s32 @!p1 $0xFFFFD880  }
0x275: {  	[bflag:$0x0] =	sbarrier.arrive $0xFFFF  }
0x276: {  	_ =	swait.ge [sflag:s31], $0x4000  }
0x277: {  	[sflag:s31] =	ssyncset.done $0x0  }
0x278: {  	[sflag:s31] =	ssyncadd.s32 $0xFFFFC000  }
0x279: {  	[spmem:s3] =	stream.indirect.scatter.add.f32 [tilespmem:s9], [sflag:$0x7], $0x80, s29, s0, $0xb8;
	[tilespmem:$0x1BD00] =	vst v63  }
0x27a: {  	s14 =	simm.s32 $0x0;
	s18 =	rddreg [dreg:$0x7]  }
0x27b: {  	[tilespmem:s21], [sflag:$0x3] =	stream.linear.gather [hbm4b:s18+s14], $0x80, $0x38;
	[tilespmem:$0x1BD00] =	vst v63  }
0x27c: {  	s19 =	rddreg [dreg:$0x8]  }
0x27d: {  	[tilespmem:s22], [sflag:$0x3] =	stream.linear.gather [hbm4b:s19+s14], $0x80, $0x38;
	[tilespmem:$0x1BD00] =	vst v63  }
0x27e: {  	_ =	swait.ge [sflag:s2], $0x80  }
0x27f: {  	[sflag:s2] =	ssyncset.done $0x0  }
0x280: {  	[sflag:s2] =	ssyncadd.s32 $0xFFFFFF80  }
0x281: {  	_ =	swait.ge [sflag:s2], $0x80  }
0x282: {  	[sflag:s2] =	ssyncset.done $0x0  }
0x283: {  	[sflag:s2] =	ssyncadd.s32 $0xFFFFFF80  }
0x284: {  	[tilespmem:s23], [sflag:$0x6] =	stream.indirect.gather [hbm4b:s24+s0], $0x80, s0, s0, $0xb8;
	[tilespmem:$0x1BD00] =	vst v63  }
0x285: {  	_ =	swait.ge [sflag:s1], $0x4000  }
0x286: {  	[sflag:s1] =	ssyncset.done $0x0  }
0x287: {  	[sflag:s1] =	ssyncadd.s32 $0xFFFFC000  }
0x288: {  	[spmem:s3] =	stream.indirect.scatter.add.f32 [tilespmem:s23], [sflag:$0x8], $0x80, s30, s0, $0xb8;
	[tilespmem:$0x1BD00] =	vst v63  }
0x289: {  	_ =	swait.ge [sflag:s7], $0x4000  }
0x28a: {  	[sflag:s7] =	ssyncset.done $0x0  }
0x28b: {  	s18 =	rddreg [dreg:$0x9];
	[sflag:s7] =	ssyncadd.s32 $0xFFFFC000  }
0x28c: {  	[tilespmem:s8], [sflag:$0x4] =	stream.linear.gather [hbm4b:s18+s14], $0x80, $0x38;
	[tilespmem:$0x1BD00] =	vst v63  }
0x28d: {  	s19 =	rddreg [dreg:$0xa]  }
0x28e: {  	[tilespmem:s10], [sflag:$0x4] =	stream.linear.gather [hbm4b:s19+s14], $0x80, $0x38;
	[tilespmem:$0x1BD00] =	vst v63  }
0x28f: {  	_ =	swait.ge [sflag:s11], $0x80  }
0x290: {  	[sflag:s11] =	ssyncset.done $0x0  }
0x291: {  	[sflag:s11] =	ssyncadd.s32 $0xFFFFFF80  }
0x292: {  	_ =	swait.ge [sflag:s11], $0x80  }
0x293: {  	[sflag:s11] =	ssyncset.done $0x0  }
0x294: {  	[sflag:s11] =	ssyncadd.s32 $0xFFFFFF80  }
0x295: {  	[tilespmem:s9], [sflag:$0x5] =	stream.indirect.gather [hbm4b:s24+s0], $0x80, s21, s0, $0xb8;
	[tilespmem:$0x1BD00] =	vst v63  }
0x296: {  	_ =	swait.ge [sflag:s31], $0x4000  }
0x297: {  	[sflag:s31] =	ssyncset.done $0x0  }
0x298: {  	[sflag:s31] =	ssyncadd.s32 $0xFFFFC000  }
0x299: {  	[spmem:s3] =	stream.indirect.scatter.add.f32 [tilespmem:s9], [sflag:$0x7], $0x80, s22, s0, $0xb8;
	[tilespmem:$0x1BD00] =	vst v63  }
0x29a: {  	_ =	swait.ge [sflag:s12], $0x4000  }
0x29b: {  	[sflag:s12] =	ssyncset.done $0x0  }
0x29c: {  	s18 =	rddreg [dreg:$0xb];
	[sflag:s12] =	ssyncadd.s32 $0xFFFFC000  }
0x29d: {  	[tilespmem:s14], [sflag:$0x1] =	stream.linear.gather [hbm4b:s18+s14], $0x80, $0x38;
	[tilespmem:$0x1BD00] =	vst v63  }
0x29e: {  	s19 =	rddreg [dreg:$0xc]  }
0x29f: {  	[tilespmem:s29], [sflag:$0x1] =	stream.linear.gather [hbm4b:s19+s14], $0x80, $0x38;
	[tilespmem:$0x1BD00] =	vst v63  }
0x2a0: {  	_ =	swait.ge [sflag:s13], $0x80  }
0x2a1: {  	[sflag:s13] =	ssyncset.done $0x0  }
0x2a2: {  	[sflag:s13] =	ssyncadd.s32 $0xFFFFFF80  }
0x2a3: {  	_ =	swait.ge [sflag:s13], $0x80  }
0x2a4: {  	[sflag:s13] =	ssyncset.done $0x0  }
0x2a5: {  	[sflag:s13] =	ssyncadd.s32 $0xFFFFFF80  }
0x2a6: {  	[tilespmem:s23], [sflag:$0x6] =	stream.indirect.gather [hbm4b:s24+s0], $0x80, s8, s0, $0xb8;
	[tilespmem:$0x1BD00] =	vst v63  }
0x2a7: {  	_ =	swait.ge [sflag:s1], $0x4000  }
0x2a8: {  	[sflag:s1] =	ssyncset.done $0x0  }
0x2a9: {  	[sflag:s1] =	ssyncadd.s32 $0xFFFFC000  }
0x2aa: {  	[spmem:s3] =	stream.indirect.scatter.add.f32 [tilespmem:s23], [sflag:$0x8], $0x80, s10, s0, $0xb8;
	[tilespmem:$0x1BD00] =	vst v63  }
0x2ab: {  	_ =	swait.ge [sflag:s7], $0x4000  }
0x2ac: {  	[sflag:s7] =	ssyncset.done $0x0  }
0x2ad: {  	s18 =	rddreg [dreg:$0xd];
	[sflag:s7] =	ssyncadd.s32 $0xFFFFC000  }
0x2ae: {  	[tilespmem:s0], [sflag:$0x2] =	stream.linear.gather [hbm4b:s18+s14], $0x80, $0x38;
	[tilespmem:$0x1BD00] =	vst v63  }
0x2af: {  	s19 =	rddreg [dreg:$0xe]  }
0x2b0: {  	[tilespmem:s30], [sflag:$0x2] =	stream.linear.gather [hbm4b:s19+s14], $0x80, $0x38;
	[tilespmem:$0x1BD00] =	vst v63  }
0x2b1: {  	_ =	swait.ge [sflag:s20], $0x80  }
0x2b2: {  	[sflag:s20] =	ssyncset.done $0x0  }
0x2b3: {  	[sflag:s20] =	ssyncadd.s32 $0xFFFFFF80  }
0x2b4: {  	_ =	swait.ge [sflag:s20], $0x80  }
0x2b5: {  	[sflag:s20] =	ssyncset.done $0x0  }
0x2b6: {  	[sflag:s20] =	ssyncadd.s32 $0xFFFFFF80  }
0x2b7: {  	[tilespmem:s9], [sflag:$0x5] =	stream.indirect.gather [hbm4b:s24+s0], $0x80, s14, s0, $0xb8;
	[tilespmem:$0x1BD00] =	vst v63  }
0x2b8: {  	_ =	swait.ge [sflag:s31], $0x4000  }
0x2b9: {  	[sflag:s31] =	ssyncset.done $0x0  }
0x2ba: {  	[sflag:s31] =	ssyncadd.s32 $0xFFFFC000  }
0x2bb: {  	[spmem:s3] =	stream.indirect.scatter.add.f32 [tilespmem:s9], [sflag:$0x7], $0x80, s29, s0, $0xb8;
	[tilespmem:$0x1BD00] =	vst v63  }
0x2bc: {  	_ =	swait.ge [sflag:s12], $0x4000  }
0x2bd: {  	s14 =	sadd.s32 $0x0, s5;
	[sflag:s12] =	ssyncset.done $0x0  }
0x2be: {  	s19 =	sadd.s32 $0x0, s6;
	s16 =	sadd.s32 $0x60, s14;
	[sflag:s12] =	ssyncadd.s32 $0xFFFFC000  }
0x2bf: {  	[tilespmem:s21], [sflag:$0x3] =	stream.linear.gather [hbm4b:s16+s4], $0x80, $0x38;
	[tilespmem:$0x1BD00] =	vst v63  }
0x2c0: {  	s16 =	sadd.s32 $0x60, s19  }
0x2c1: {  	[tilespmem:s22], [sflag:$0x3] =	stream.linear.gather [hbm4b:s16+s4], $0x80, $0x38;
	[tilespmem:$0x1BD00] =	vst v63  }
0x2c2: {  	_ =	swait.ge [sflag:s2], $0x80  }
0x2c3: {  	[sflag:s2] =	ssyncset.done $0x0  }
0x2c4: {  	[sflag:s2] =	ssyncadd.s32 $0xFFFFFF80  }
0x2c5: {  	_ =	swait.ge [sflag:s2], $0x80  }
0x2c6: {  	[sflag:s2] =	ssyncset.done $0x0  }
0x2c7: {  	[sflag:s2] =	ssyncadd.s32 $0xFFFFFF80  }
0x2c8: {  	[tilespmem:s23], [sflag:$0x6] =	stream.indirect.gather [hbm4b:s24+s0], $0x80, s0, s0, $0xb8;
	[tilespmem:$0x1BD00] =	vst v63  }
0x2c9: {  	_ =	swait.ge [sflag:s1], $0x4000  }
0x2ca: {  	[sflag:s1] =	ssyncset.done $0x0  }
0x2cb: {  	[sflag:s1] =	ssyncadd.s32 $0xFFFFC000  }
0x2cc: {  	[spmem:s3] =	stream.indirect.scatter.add.f32 [tilespmem:s23], [sflag:$0x8], $0x80, s30, s0, $0xb8;
	[tilespmem:$0x1BD00] =	vst v63  }
0x2cd: {  	_ =	swait.ge [sflag:s7], $0x4000  }
0x2ce: {  	[sflag:s7] =	ssyncset.done $0x0  }
0x2cf: {  	s16 =	sadd.s32 $0x70, s14;
	[sflag:s7] =	ssyncadd.s32 $0xFFFFC000  }
0x2d0: {  	[tilespmem:s8], [sflag:$0x4] =	stream.linear.gather [hbm4b:s16+s4], $0x80, $0x38;
	[tilespmem:$0x1BD00] =	vst v63  }
0x2d1: {  	s16 =	sadd.s32 $0x70, s19  }
0x2d2: {  	[tilespmem:s10], [sflag:$0x4] =	stream.linear.gather [hbm4b:s16+s4], $0x80, $0x38;
	[tilespmem:$0x1BD00] =	vst v63  }
0x2d3: {  	_ =	swait.ge [sflag:s11], $0x80  }
0x2d4: {  	[sflag:s11] =	ssyncset.done $0x0  }
0x2d5: {  	[sflag:s11] =	ssyncadd.s32 $0xFFFFFF80  }
0x2d6: {  	_ =	swait.ge [sflag:s11], $0x80  }
0x2d7: {  	[sflag:s11] =	ssyncset.done $0x0  }
0x2d8: {  	[sflag:s11] =	ssyncadd.s32 $0xFFFFFF80  }
0x2d9: {  	[tilespmem:s9], [sflag:$0x5] =	stream.indirect.gather [hbm4b:s24+s0], $0x80, s21, s0, $0xb8;
	[tilespmem:$0x1BD00] =	vst v63  }
0x2da: {  	_ =	swait.ge [sflag:s31], $0x4000  }
0x2db: {  	[sflag:s31] =	ssyncset.done $0x0  }
0x2dc: {  	[sflag:s31] =	ssyncadd.s32 $0xFFFFC000  }
0x2dd: {  	[spmem:s3] =	stream.indirect.scatter.add.f32 [tilespmem:s9], [sflag:$0x7], $0x80, s22, s0, $0xb8;
	[tilespmem:$0x1BD00] =	vst v63  }
0x2de: {  	_ =	swait.ge [sflag:s12], $0x4000  }
0x2df: {  	[sflag:s12] =	ssyncset.done $0x0  }
0x2e0: {  	s16 =	sadd.s32 $0x80, s14;
	[sflag:s12] =	ssyncadd.s32 $0xFFFFC000  }
0x2e1: {  	[tilespmem:s4], [sflag:$0x1] =	stream.linear.gather [hbm4b:s16+s4], $0x80, $0x38;
	[tilespmem:$0x1BD00] =	vst v63  }
0x2e2: {  	s16 =	sadd.s32 $0x80, s19  }
0x2e3: {  	[tilespmem:s29], [sflag:$0x1] =	stream.linear.gather [hbm4b:s16+s4], $0x80, $0x38;
	[tilespmem:$0x1BD00] =	vst v63  }
0x2e4: {  	_ =	swait.ge [sflag:s13], $0x80  }
0x2e5: {  	[sflag:s13] =	ssyncset.done $0x0  }
0x2e6: {  	[sflag:s13] =	ssyncadd.s32 $0xFFFFFF80  }
0x2e7: {  	_ =	swait.ge [sflag:s13], $0x80  }
0x2e8: {  	[sflag:s13] =	ssyncset.done $0x0  }
0x2e9: {  	[sflag:s13] =	ssyncadd.s32 $0xFFFFFF80  }
0x2ea: {  	[tilespmem:s23], [sflag:$0x6] =	stream.indirect.gather [hbm4b:s24+s0], $0x80, s8, s0, $0xb8;
	[tilespmem:$0x1BD00] =	vst v63  }
0x2eb: {  	_ =	swait.ge [sflag:s1], $0x4000  }
0x2ec: {  	[sflag:s1] =	ssyncset.done $0x0  }
0x2ed: {  	[sflag:s1] =	ssyncadd.s32 $0xFFFFC000  }
0x2ee: {  	[spmem:s3] =	stream.indirect.scatter.add.f32 [tilespmem:s23], [sflag:$0x8], $0x80, s10, s0, $0xb8;
	[tilespmem:$0x1BD00] =	vst v63  }
0x2ef: {  	_ =	swait.ge [sflag:s7], $0x4000  }
0x2f0: {  	[sflag:s7] =	ssyncset.done $0x0  }
0x2f1: {  	s14 =	sadd.s32 $0x90, s14;
	[sflag:s7] =	ssyncadd.s32 $0xFFFFC000  }
0x2f2: {  	[tilespmem:s0], [sflag:$0x2] =	stream.linear.gather [hbm4b:s14+s4], $0x80, $0x38;
	[tilespmem:$0x1BD00] =	vst v63  }
0x2f3: {  	s19 =	sadd.s32 $0x90, s19  }
0x2f4: {  	[tilespmem:s30], [sflag:$0x2] =	stream.linear.gather [hbm4b:s19+s4], $0x80, $0x38;
	[tilespmem:$0x1BD00] =	vst v63  }
0x2f5: {  	_ =	swait.ge [sflag:s20], $0x80  }
0x2f6: {  	[sflag:s20] =	ssyncset.done $0x0  }
0x2f7: {  	[sflag:s20] =	ssyncadd.s32 $0xFFFFFF80  }
0x2f8: {  	_ =	swait.ge [sflag:s20], $0x80  }
0x2f9: {  	[sflag:s20] =	ssyncset.done $0x0  }
0x2fa: {  	s14 =	simm.s32 $0x40;
	[sflag:s20] =	ssyncadd.s32 $0xFFFFFF80  }
.LBB2_3:
0x2fb: {  	[tilespmem:s9], [sflag:$0x5] =	stream.indirect.gather [hbm4b:s24+s0], $0x80, s4, s0, $0xb8;
	[tilespmem:$0x1BD00] =	vst v63  }
0x2fc: {  	s18 =	smov.u32 s14  }
0x2fd: {  	p3 =	sne.s32 s14, $0x440;
	s14 =	sadd.s32 $0x40, s14;
	_ =	swait.ge [sflag:s31], $0x4000  }
0x2fe: {  	[sflag:s31] =	ssyncset.done $0x0  }
0x2ff: {  	[sflag:s31] =	ssyncadd.s32 $0xFFFFC000  }
0x300: {  	[spmem:s3] =	stream.indirect.scatter.add.f32 [tilespmem:s9], [sflag:$0x7], $0x80, s29, s0, $0xb8;
	[tilespmem:$0x1BD00] =	vst v63  }
0x301: {  	_ =	swait.ge [sflag:s12], $0x4000  }
0x302: {  	s19 =	sadd.s32 s18, s5;
	[sflag:s12] =	ssyncset.done $0x0  }
0x303: {  	s18 =	sadd.s32 s18, s6;
	s16 =	sadd.s32 $0x60, s19;
	[sflag:s12] =	ssyncadd.s32 $0xFFFFC000  }
0x304: {  	[tilespmem:s21], [sflag:$0x3] =	stream.linear.gather [hbm4b:s16+s4], $0x80, $0x38;
	[tilespmem:$0x1BD00] =	vst v63  }
0x305: {  	s16 =	sadd.s32 $0x60, s18  }
0x306: {  	[tilespmem:s22], [sflag:$0x3] =	stream.linear.gather [hbm4b:s16+s4], $0x80, $0x38;
	[tilespmem:$0x1BD00] =	vst v63  }
0x307: {  	_ =	swait.ge [sflag:s2], $0x80  }
0x308: {  	[sflag:s2] =	ssyncset.done $0x0  }
0x309: {  	[sflag:s2] =	ssyncadd.s32 $0xFFFFFF80  }
0x30a: {  	_ =	swait.ge [sflag:s2], $0x80  }
0x30b: {  	[sflag:s2] =	ssyncset.done $0x0  }
0x30c: {  	[sflag:s2] =	ssyncadd.s32 $0xFFFFFF80  }
0x30d: {  	[tilespmem:s23], [sflag:$0x6] =	stream.indirect.gather [hbm4b:s24+s0], $0x80, s0, s0, $0xb8;
	[tilespmem:$0x1BD00] =	vst v63  }
0x30e: {  	_ =	swait.ge [sflag:s1], $0x4000  }
0x30f: {  	[sflag:s1] =	ssyncset.done $0x0  }
0x310: {  	[sflag:s1] =	ssyncadd.s32 $0xFFFFC000  }
0x311: {  	[spmem:s3] =	stream.indirect.scatter.add.f32 [tilespmem:s23], [sflag:$0x8], $0x80, s30, s0, $0xb8;
	[tilespmem:$0x1BD00] =	vst v63  }
0x312: {  	_ =	swait.ge [sflag:s7], $0x4000  }
0x313: {  	[sflag:s7] =	ssyncset.done $0x0  }
0x314: {  	s16 =	sadd.s32 $0x70, s19;
	[sflag:s7] =	ssyncadd.s32 $0xFFFFC000  }
0x315: {  	[tilespmem:s8], [sflag:$0x4] =	stream.linear.gather [hbm4b:s16+s4], $0x80, $0x38;
	[tilespmem:$0x1BD00] =	vst v63  }
0x316: {  	s16 =	sadd.s32 $0x70, s18  }
0x317: {  	[tilespmem:s10], [sflag:$0x4] =	stream.linear.gather [hbm4b:s16+s4], $0x80, $0x38;
	[tilespmem:$0x1BD00] =	vst v63  }
0x318: {  	_ =	swait.ge [sflag:s11], $0x80  }
0x319: {  	[sflag:s11] =	ssyncset.done $0x0  }
0x31a: {  	[sflag:s11] =	ssyncadd.s32 $0xFFFFFF80  }
0x31b: {  	_ =	swait.ge [sflag:s11], $0x80  }
0x31c: {  	[sflag:s11] =	ssyncset.done $0x0  }
0x31d: {  	[sflag:s11] =	ssyncadd.s32 $0xFFFFFF80  }
0x31e: {  	[tilespmem:s9], [sflag:$0x5] =	stream.indirect.gather [hbm4b:s24+s0], $0x80, s21, s0, $0xb8;
	[tilespmem:$0x1BD00] =	vst v63  }
0x31f: {  	_ =	swait.ge [sflag:s31], $0x4000  }
0x320: {  	[sflag:s31] =	ssyncset.done $0x0  }
0x321: {  	[sflag:s31] =	ssyncadd.s32 $0xFFFFC000  }
0x322: {  	[spmem:s3] =	stream.indirect.scatter.add.f32 [tilespmem:s9], [sflag:$0x7], $0x80, s22, s0, $0xb8;
	[tilespmem:$0x1BD00] =	vst v63  }
0x323: {  	_ =	swait.ge [sflag:s12], $0x4000  }
0x324: {  	[sflag:s12] =	ssyncset.done $0x0  }
0x325: {  	s16 =	sadd.s32 $0x80, s19;
	[sflag:s12] =	ssyncadd.s32 $0xFFFFC000  }
0x326: {  	[tilespmem:s4], [sflag:$0x1] =	stream.linear.gather [hbm4b:s16+s4], $0x80, $0x38;
	[tilespmem:$0x1BD00] =	vst v63  }
0x327: {  	s16 =	sadd.s32 $0x80, s18  }
0x328: {  	[tilespmem:s29], [sflag:$0x1] =	stream.linear.gather [hbm4b:s16+s4], $0x80, $0x38;
	[tilespmem:$0x1BD00] =	vst v63  }
0x329: {  	_ =	swait.ge [sflag:s13], $0x80  }
0x32a: {  	[sflag:s13] =	ssyncset.done $0x0  }
0x32b: {  	[sflag:s13] =	ssyncadd.s32 $0xFFFFFF80  }
0x32c: {  	_ =	swait.ge [sflag:s13], $0x80  }
0x32d: {  	[sflag:s13] =	ssyncset.done $0x0  }
0x32e: {  	[sflag:s13] =	ssyncadd.s32 $0xFFFFFF80  }
0x32f: {  	[tilespmem:s23], [sflag:$0x6] =	stream.indirect.gather [hbm4b:s24+s0], $0x80, s8, s0, $0xb8;
	[tilespmem:$0x1BD00] =	vst v63  }
0x330: {  	_ =	swait.ge [sflag:s1], $0x4000  }
0x331: {  	[sflag:s1] =	ssyncset.done $0x0  }
0x332: {  	[sflag:s1] =	ssyncadd.s32 $0xFFFFC000  }
0x333: {  	[spmem:s3] =	stream.indirect.scatter.add.f32 [tilespmem:s23], [sflag:$0x8], $0x80, s10, s0, $0xb8;
	[tilespmem:$0x1BD00] =	vst v63  }
0x334: {  	_ =	swait.ge [sflag:s7], $0x4000  }
0x335: {  	[sflag:s7] =	ssyncset.done $0x0  }
0x336: {  	s16 =	sadd.s32 $0x90, s19;
	[sflag:s7] =	ssyncadd.s32 $0xFFFFC000  }
0x337: {  	[tilespmem:s0], [sflag:$0x2] =	stream.linear.gather [hbm4b:s16+s4], $0x80, $0x38;
	[tilespmem:$0x1BD00] =	vst v63  }
0x338: {  	s16 =	sadd.s32 $0x90, s18  }
0x339: {  	[tilespmem:s30], [sflag:$0x2] =	stream.linear.gather [hbm4b:s16+s4], $0x80, $0x38;
	[tilespmem:$0x1BD00] =	vst v63  }
0x33a: {  	_ =	swait.ge [sflag:s20], $0x80  }
.Ltmp7:
0x33b: {  	[sflag:s20] =	ssyncset.done $0x0;
	(pc) =	sbr.rel @p3 .LBB2_3-.Ltmp7, $4  }
0x33c: {  	[sflag:s20] =	ssyncadd.s32 $0xFFFFFF80  }
0x33d: {  	_ =	swait.ge [sflag:s20], $0x80  }
0x33e: {  	[sflag:s20] =	ssyncset.done $0x0  }
0x33f: {  	[sflag:s20] =	ssyncadd.s32 $0xFFFFFF80  }
0x340: {  	[tilespmem:s9], [sflag:$0x5] =	stream.indirect.gather [hbm4b:s24+s0], $0x80, s4, s0, $0xb8;
	[tilespmem:$0x1BD00] =	vst v63  }
0x341: {  	_ =	swait.ge [sflag:s31], $0x4000  }
0x342: {  	[sflag:s31] =	ssyncset.done $0x0  }
0x343: {  	[sflag:s31] =	ssyncadd.s32 $0xFFFFC000  }
0x344: {  	[spmem:s3] =	stream.indirect.scatter.add.f32 [tilespmem:s9], [sflag:$0x7], $0x80, s29, s0, $0xb8;
	[tilespmem:$0x1BD00] =	vst v63  }
0x345: {  	_ =	swait.ge [sflag:s12], $0x4000  }
0x346: {  	[sflag:s12] =	ssyncset.done $0x0  }
0x347: {  	s14 =	rddreg [dreg:$0xf];
	[sflag:s12] =	ssyncadd.s32 $0xFFFFC000  }
0x348: {  	[tilespmem:s21], [sflag:$0x3] =	stream.linear.gather [hbm4b:s14+s4], $0x80, $0x38;
	[tilespmem:$0x1BD00] =	vst v63  }
0x349: {  	s19 =	rddreg [dreg:$0x10]  }
0x34a: {  	[tilespmem:s22], [sflag:$0x3] =	stream.linear.gather [hbm4b:s19+s4], $0x80, $0x38;
	[tilespmem:$0x1BD00] =	vst v63  }
0x34b: {  	_ =	swait.ge [sflag:s2], $0x80  }
0x34c: {  	[sflag:s2] =	ssyncset.done $0x0  }
0x34d: {  	[sflag:s2] =	ssyncadd.s32 $0xFFFFFF80  }
0x34e: {  	_ =	swait.ge [sflag:s2], $0x80  }
0x34f: {  	[sflag:s2] =	ssyncset.done $0x0  }
0x350: {  	[sflag:s2] =	ssyncadd.s32 $0xFFFFFF80  }
0x351: {  	[tilespmem:s23], [sflag:$0x6] =	stream.indirect.gather [hbm4b:s24+s0], $0x80, s0, s0, $0xb8;
	[tilespmem:$0x1BD00] =	vst v63  }
0x352: {  	_ =	swait.ge [sflag:s1], $0x4000  }
0x353: {  	[sflag:s1] =	ssyncset.done $0x0  }
0x354: {  	[sflag:s1] =	ssyncadd.s32 $0xFFFFC000  }
0x355: {  	[spmem:s3] =	stream.indirect.scatter.add.f32 [tilespmem:s23], [sflag:$0x8], $0x80, s30, s0, $0xb8;
	[tilespmem:$0x1BD00] =	vst v63  }
0x356: {  	_ =	swait.ge [sflag:s7], $0x4000  }
0x357: {  	[sflag:s7] =	ssyncset.done $0x0  }
0x358: {  	[sflag:s7] =	ssyncadd.s32 $0xFFFFC000  }
0x359: {  	_ =	swait.ge [sflag:s11], $0x80  }
0x35a: {  	[sflag:s11] =	ssyncset.done $0x0  }
0x35b: {  	[sflag:s11] =	ssyncadd.s32 $0xFFFFFF80  }
0x35c: {  	_ =	swait.ge [sflag:s11], $0x80  }
0x35d: {  	[sflag:s11] =	ssyncset.done $0x0  }
0x35e: {  	[sflag:s11] =	ssyncadd.s32 $0xFFFFFF80  }
0x35f: {  	[tilespmem:s9], [sflag:$0x5] =	stream.indirect.gather [hbm4b:s24+s0], $0x80, s21, s0, $0xb8;
	[tilespmem:$0x1BD00] =	vst v63  }
0x360: {  	_ =	swait.ge [sflag:s31], $0x4000  }
0x361: {  	[sflag:s31] =	ssyncset.done $0x0  }
0x362: {  	[sflag:s31] =	ssyncadd.s32 $0xFFFFC000  }
0x363: {  	[spmem:s3] =	stream.indirect.scatter.add.f32 [tilespmem:s9], [sflag:$0x7], $0x80, s22, s0, $0xb8;
	[tilespmem:$0x1BD00] =	vst v63  }
0x364: {  	_ =	swait.ge [sflag:s12], $0x4000  }
0x365: {  	[sflag:s12] =	ssyncset.done $0x0  }
0x366: {  	[sflag:s12] =	ssyncadd.s32 $0xFFFFC000  }
0x367: {  	_ =	swait.ge [sflag:s7], $0x4000  }
0x368: {  	[sflag:s7] =	ssyncset.done $0x0  }
0x369: {  	[sflag:s7] =	ssyncadd.s32 $0xFFFFC000  }
0x36a: {  	[bflag:$0x0] =	sbarrier.arrive $0xFFFF  }
0x36b: {  	[tilespmem:s4], [sflag:$0x1] =	stream.linear.gather [hbm4b:s5+s4], $0x80, $0x38;
	[tilespmem:$0x1BD00] =	vst v63  }
0x36c: {  	_ = 	snop  }
0x36d: {  	[tilespmem:s29], [sflag:$0x1] =	stream.linear.gather [hbm4b:s6+s4], $0x80, $0x38;
	[tilespmem:$0x1BD00] =	vst v63  }
0x36e: {  	s16 =	rddreg [dreg:$0x4]  }
0x36f: {  	[tilespmem:s0], [sflag:$0x2] =	stream.linear.gather [hbm4b:s16+s4], $0x80, $0x38;
	[tilespmem:$0x1BD00] =	vst v63  }
0x370: {  	s18 =	rddreg [dreg:$0x5]  }
0x371: {  	[tilespmem:s30], [sflag:$0x2] =	stream.linear.gather [hbm4b:s18+s4], $0x80, $0x38;
	[tilespmem:$0x1BD00] =	vst v63  }
0x372: {  	_ =	swait.ge [sflag:s20], $0x80  }
0x373: {  	[sflag:s20] =	ssyncset.done $0x0  }
0x374: {  	[sflag:s20] =	ssyncadd.s32 $0xFFFFFF80  }
0x375: {  	s19 =	stileid.u32;
	_ =	swait.ge [sflag:s20], $0x80  }
0x376: {  	s14 =	sshll.u32 s19, $0x6;
	[sflag:s20] =	ssyncset.done $0x0;
	s16 =	rddreg [dreg:$0x17]  }
0x377: {  	s18 =	rddreg [dreg:$0x11];
	[sflag:s20] =	ssyncadd.s32 $0xFFFFFF80;
	s16 =	sshrl.u32 s16, $0x3  }
0x378: {  	[tilespmem:s9], [sflag:$0x5] =	stream.indirect.gather [hbm4b:s25+s0], $0x80, s4, s0, $0xb8;
	[tilespmem:$0x1BD00] =	vst v63  }
0x379: {  	s19 =	sor.u32 $0x1C09, s14;
	[smem:$0x7FD] =	sst s16  }
0x37a: {  	[hbm:s18], [sflag:s19] =	dma.local [spmem:s16], $0x2700  }
0x37b: {  	s16 =	simm.s32 $0x9  }
0x37c: {  	_ =	swait.ge [sflag:s16], $0x2700  }
0x37d: {  	[sflag:s16] =	ssyncset.done $0x0;
	s14 =	rddreg [dreg:$0x15]  }
0x37e: {  	[sflag:s16] =	ssyncadd.s32 $0xFFFFD900;
	s16 =	rddreg [dreg:$0x1f]  }
0x37f: {  	[hbm:s14], [sflag:s19] =	dma.local @p1 [spmem:s16], $0x100  }
0x380: {  	s16 =	simm.s32 @p1 $0x9  }
0x381: {  	_ =	swait.ge @p1 [sflag:s16], $0x100  }
0x382: {  	[sflag:s16] =	ssyncset.done @p1 $0x0  }
0x383: {  	[sflag:s16] =	ssyncadd.s32 @p1 $0xFFFFFF00  }
0x384: {  	[bflag:$0x0] =	sbarrier.arrive @p1 $0xFFFF  }
0x385: {  	s14 =	rddreg [dreg:$0x1]  }
0x386: {  	s18 =	rddreg [dreg:$0x1e]  }
0x387: {  	[spmem:s18], [sflag:s19] =	dma.local @p1 [hbm:s14], $0x2180  }
0x388: {  	_ =	swait.ge @p1 [sflag:s16], $0x2180  }
0x389: {  	[sflag:s16] =	ssyncset.done @p1 $0x0  }
0x38a: {  	[sflag:s16] =	ssyncadd.s32 @p1 $0xFFFFDE80  }
0x38b: {  	s16 =	simm.s32 @!p1 $0x9;
	[bflag:$0x0] =	sbarrier.arrive @!p1 $0xFFFF  }
0x38c: {  	[spmem:s17], [sflag:s19] =	dma.local @!p1 [hbm:s14], $0x2780  }
0x38d: {  	_ =	swait.ge @!p1 [sflag:s16], $0x2780  }
0x38e: {  	[sflag:s16] =	ssyncset.done @!p1 $0x0  }
0x38f: {  	[sflag:s16] =	ssyncadd.s32 @!p1 $0xFFFFD880  }
0x390: {  	[bflag:$0x0] =	sbarrier.arrive $0xFFFF  }
0x391: {  	_ =	swait.ge [sflag:s31], $0x4000  }
0x392: {  	[sflag:s31] =	ssyncset.done $0x0  }
0x393: {  	[sflag:s31] =	ssyncadd.s32 $0xFFFFC000  }
0x394: {  	[spmem:s3] =	stream.indirect.scatter.add.f32 [tilespmem:s9], [sflag:$0x7], $0x80, s29, s0, $0xb8;
	[tilespmem:$0x1BD00] =	vst v63  }
0x395: {  	s16 =	simm.s32 $0x0;
	s17 =	rddreg [dreg:$0x7]  }
0x396: {  	[tilespmem:s21], [sflag:$0x3] =	stream.linear.gather [hbm4b:s17+s16], $0x80, $0x38;
	[tilespmem:$0x1BD00] =	vst v63  }
0x397: {  	s18 =	rddreg [dreg:$0x8]  }
0x398: {  	[tilespmem:s22], [sflag:$0x3] =	stream.linear.gather [hbm4b:s18+s16], $0x80, $0x38;
	[tilespmem:$0x1BD00] =	vst v63  }
0x399: {  	_ =	swait.ge [sflag:s2], $0x80  }
0x39a: {  	[sflag:s2] =	ssyncset.done $0x0  }
0x39b: {  	[sflag:s2] =	ssyncadd.s32 $0xFFFFFF80  }
0x39c: {  	_ =	swait.ge [sflag:s2], $0x80  }
0x39d: {  	[sflag:s2] =	ssyncset.done $0x0  }
0x39e: {  	[sflag:s2] =	ssyncadd.s32 $0xFFFFFF80  }
0x39f: {  	[tilespmem:s23], [sflag:$0x6] =	stream.indirect.gather [hbm4b:s25+s0], $0x80, s0, s0, $0xb8;
	[tilespmem:$0x1BD00] =	vst v63  }
0x3a0: {  	_ =	swait.ge [sflag:s1], $0x4000  }
0x3a1: {  	[sflag:s1] =	ssyncset.done $0x0  }
0x3a2: {  	[sflag:s1] =	ssyncadd.s32 $0xFFFFC000  }
0x3a3: {  	[spmem:s3] =	stream.indirect.scatter.add.f32 [tilespmem:s23], [sflag:$0x8], $0x80, s30, s0, $0xb8;
	[tilespmem:$0x1BD00] =	vst v63  }
0x3a4: {  	_ =	swait.ge [sflag:s7], $0x4000  }
0x3a5: {  	[sflag:s7] =	ssyncset.done $0x0  }
0x3a6: {  	s17 =	rddreg [dreg:$0x9];
	[sflag:s7] =	ssyncadd.s32 $0xFFFFC000  }
0x3a7: {  	[tilespmem:s8], [sflag:$0x4] =	stream.linear.gather [hbm4b:s17+s16], $0x80, $0x38;
	[tilespmem:$0x1BD00] =	vst v63  }
0x3a8: {  	s18 =	rddreg [dreg:$0xa]  }
0x3a9: {  	[tilespmem:s10], [sflag:$0x4] =	stream.linear.gather [hbm4b:s18+s16], $0x80, $0x38;
	[tilespmem:$0x1BD00] =	vst v63  }
0x3aa: {  	_ =	swait.ge [sflag:s11], $0x80  }
0x3ab: {  	[sflag:s11] =	ssyncset.done $0x0  }
0x3ac: {  	[sflag:s11] =	ssyncadd.s32 $0xFFFFFF80  }
0x3ad: {  	_ =	swait.ge [sflag:s11], $0x80  }
0x3ae: {  	[sflag:s11] =	ssyncset.done $0x0  }
0x3af: {  	[sflag:s11] =	ssyncadd.s32 $0xFFFFFF80  }
0x3b0: {  	[tilespmem:s9], [sflag:$0x5] =	stream.indirect.gather [hbm4b:s25+s0], $0x80, s21, s0, $0xb8;
	[tilespmem:$0x1BD00] =	vst v63  }
0x3b1: {  	_ =	swait.ge [sflag:s31], $0x4000  }
0x3b2: {  	[sflag:s31] =	ssyncset.done $0x0  }
0x3b3: {  	[sflag:s31] =	ssyncadd.s32 $0xFFFFC000  }
0x3b4: {  	[spmem:s3] =	stream.indirect.scatter.add.f32 [tilespmem:s9], [sflag:$0x7], $0x80, s22, s0, $0xb8;
	[tilespmem:$0x1BD00] =	vst v63  }
0x3b5: {  	_ =	swait.ge [sflag:s12], $0x4000  }
0x3b6: {  	[sflag:s12] =	ssyncset.done $0x0  }
0x3b7: {  	s17 =	rddreg [dreg:$0xb];
	[sflag:s12] =	ssyncadd.s32 $0xFFFFC000  }
0x3b8: {  	[tilespmem:s16], [sflag:$0x1] =	stream.linear.gather [hbm4b:s17+s16], $0x80, $0x38;
	[tilespmem:$0x1BD00] =	vst v63  }
0x3b9: {  	s18 =	rddreg [dreg:$0xc]  }
0x3ba: {  	[tilespmem:s29], [sflag:$0x1] =	stream.linear.gather [hbm4b:s18+s16], $0x80, $0x38;
	[tilespmem:$0x1BD00] =	vst v63  }
0x3bb: {  	_ =	swait.ge [sflag:s13], $0x80  }
0x3bc: {  	[sflag:s13] =	ssyncset.done $0x0  }
0x3bd: {  	[sflag:s13] =	ssyncadd.s32 $0xFFFFFF80  }
0x3be: {  	_ =	swait.ge [sflag:s13], $0x80  }
0x3bf: {  	[sflag:s13] =	ssyncset.done $0x0  }
0x3c0: {  	[sflag:s13] =	ssyncadd.s32 $0xFFFFFF80  }
0x3c1: {  	[tilespmem:s23], [sflag:$0x6] =	stream.indirect.gather [hbm4b:s25+s0], $0x80, s8, s0, $0xb8;
	[tilespmem:$0x1BD00] =	vst v63  }
0x3c2: {  	_ =	swait.ge [sflag:s1], $0x4000  }
0x3c3: {  	[sflag:s1] =	ssyncset.done $0x0  }
0x3c4: {  	[sflag:s1] =	ssyncadd.s32 $0xFFFFC000  }
0x3c5: {  	[spmem:s3] =	stream.indirect.scatter.add.f32 [tilespmem:s23], [sflag:$0x8], $0x80, s10, s0, $0xb8;
	[tilespmem:$0x1BD00] =	vst v63  }
0x3c6: {  	_ =	swait.ge [sflag:s7], $0x4000  }
0x3c7: {  	[sflag:s7] =	ssyncset.done $0x0  }
0x3c8: {  	s17 =	rddreg [dreg:$0xd];
	[sflag:s7] =	ssyncadd.s32 $0xFFFFC000  }
0x3c9: {  	[tilespmem:s0], [sflag:$0x2] =	stream.linear.gather [hbm4b:s17+s16], $0x80, $0x38;
	[tilespmem:$0x1BD00] =	vst v63  }
0x3ca: {  	s18 =	rddreg [dreg:$0xe]  }
0x3cb: {  	[tilespmem:s30], [sflag:$0x2] =	stream.linear.gather [hbm4b:s18+s16], $0x80, $0x38;
	[tilespmem:$0x1BD00] =	vst v63  }
0x3cc: {  	_ =	swait.ge [sflag:s20], $0x80  }
0x3cd: {  	[sflag:s20] =	ssyncset.done $0x0  }
0x3ce: {  	[sflag:s20] =	ssyncadd.s32 $0xFFFFFF80  }
0x3cf: {  	_ =	swait.ge [sflag:s20], $0x80  }
0x3d0: {  	[sflag:s20] =	ssyncset.done $0x0  }
0x3d1: {  	[sflag:s20] =	ssyncadd.s32 $0xFFFFFF80  }
0x3d2: {  	[tilespmem:s9], [sflag:$0x5] =	stream.indirect.gather [hbm4b:s25+s0], $0x80, s16, s0, $0xb8;
	[tilespmem:$0x1BD00] =	vst v63  }
0x3d3: {  	_ =	swait.ge [sflag:s31], $0x4000  }
0x3d4: {  	[sflag:s31] =	ssyncset.done $0x0  }
0x3d5: {  	[sflag:s31] =	ssyncadd.s32 $0xFFFFC000  }
0x3d6: {  	[spmem:s3] =	stream.indirect.scatter.add.f32 [tilespmem:s9], [sflag:$0x7], $0x80, s29, s0, $0xb8;
	[tilespmem:$0x1BD00] =	vst v63  }
0x3d7: {  	_ =	swait.ge [sflag:s12], $0x4000  }
0x3d8: {  	s16 =	sadd.s32 $0x0, s5;
	[sflag:s12] =	ssyncset.done $0x0  }
0x3d9: {  	s18 =	sadd.s32 $0x0, s6;
	s14 =	sadd.s32 $0x60, s16;
	[sflag:s12] =	ssyncadd.s32 $0xFFFFC000  }
0x3da: {  	[tilespmem:s21], [sflag:$0x3] =	stream.linear.gather [hbm4b:s14+s4], $0x80, $0x38;
	[tilespmem:$0x1BD00] =	vst v63  }
0x3db: {  	s14 =	sadd.s32 $0x60, s18  }
0x3dc: {  	[tilespmem:s22], [sflag:$0x3] =	stream.linear.gather [hbm4b:s14+s4], $0x80, $0x38;
	[tilespmem:$0x1BD00] =	vst v63  }
0x3dd: {  	_ =	swait.ge [sflag:s2], $0x80  }
0x3de: {  	[sflag:s2] =	ssyncset.done $0x0  }
0x3df: {  	[sflag:s2] =	ssyncadd.s32 $0xFFFFFF80  }
0x3e0: {  	_ =	swait.ge [sflag:s2], $0x80  }
0x3e1: {  	[sflag:s2] =	ssyncset.done $0x0  }
0x3e2: {  	[sflag:s2] =	ssyncadd.s32 $0xFFFFFF80  }
0x3e3: {  	[tilespmem:s23], [sflag:$0x6] =	stream.indirect.gather [hbm4b:s25+s0], $0x80, s0, s0, $0xb8;
	[tilespmem:$0x1BD00] =	vst v63  }
0x3e4: {  	_ =	swait.ge [sflag:s1], $0x4000  }
0x3e5: {  	[sflag:s1] =	ssyncset.done $0x0  }
0x3e6: {  	[sflag:s1] =	ssyncadd.s32 $0xFFFFC000  }
0x3e7: {  	[spmem:s3] =	stream.indirect.scatter.add.f32 [tilespmem:s23], [sflag:$0x8], $0x80, s30, s0, $0xb8;
	[tilespmem:$0x1BD00] =	vst v63  }
0x3e8: {  	_ =	swait.ge [sflag:s7], $0x4000  }
0x3e9: {  	[sflag:s7] =	ssyncset.done $0x0  }
0x3ea: {  	s14 =	sadd.s32 $0x70, s16;
	[sflag:s7] =	ssyncadd.s32 $0xFFFFC000  }
0x3eb: {  	[tilespmem:s8], [sflag:$0x4] =	stream.linear.gather [hbm4b:s14+s4], $0x80, $0x38;
	[tilespmem:$0x1BD00] =	vst v63  }
0x3ec: {  	s14 =	sadd.s32 $0x70, s18  }
0x3ed: {  	[tilespmem:s10], [sflag:$0x4] =	stream.linear.gather [hbm4b:s14+s4], $0x80, $0x38;
	[tilespmem:$0x1BD00] =	vst v63  }
0x3ee: {  	_ =	swait.ge [sflag:s11], $0x80  }
0x3ef: {  	[sflag:s11] =	ssyncset.done $0x0  }
0x3f0: {  	[sflag:s11] =	ssyncadd.s32 $0xFFFFFF80  }
0x3f1: {  	_ =	swait.ge [sflag:s11], $0x80  }
0x3f2: {  	[sflag:s11] =	ssyncset.done $0x0  }
0x3f3: {  	[sflag:s11] =	ssyncadd.s32 $0xFFFFFF80  }
0x3f4: {  	[tilespmem:s9], [sflag:$0x5] =	stream.indirect.gather [hbm4b:s25+s0], $0x80, s21, s0, $0xb8;
	[tilespmem:$0x1BD00] =	vst v63  }
0x3f5: {  	_ =	swait.ge [sflag:s31], $0x4000  }
0x3f6: {  	[sflag:s31] =	ssyncset.done $0x0  }
0x3f7: {  	[sflag:s31] =	ssyncadd.s32 $0xFFFFC000  }
0x3f8: {  	[spmem:s3] =	stream.indirect.scatter.add.f32 [tilespmem:s9], [sflag:$0x7], $0x80, s22, s0, $0xb8;
	[tilespmem:$0x1BD00] =	vst v63  }
0x3f9: {  	_ =	swait.ge [sflag:s12], $0x4000  }
0x3fa: {  	[sflag:s12] =	ssyncset.done $0x0  }
0x3fb: {  	s14 =	sadd.s32 $0x80, s16;
	[sflag:s12] =	ssyncadd.s32 $0xFFFFC000  }
0x3fc: {  	[tilespmem:s4], [sflag:$0x1] =	stream.linear.gather [hbm4b:s14+s4], $0x80, $0x38;
	[tilespmem:$0x1BD00] =	vst v63  }
0x3fd: {  	s14 =	sadd.s32 $0x80, s18  }
0x3fe: {  	[tilespmem:s29], [sflag:$0x1] =	stream.linear.gather [hbm4b:s14+s4], $0x80, $0x38;
	[tilespmem:$0x1BD00] =	vst v63  }
0x3ff: {  	_ =	swait.ge [sflag:s13], $0x80  }
0x400: {  	[sflag:s13] =	ssyncset.done $0x0  }
0x401: {  	[sflag:s13] =	ssyncadd.s32 $0xFFFFFF80  }
0x402: {  	_ =	swait.ge [sflag:s13], $0x80  }
0x403: {  	[sflag:s13] =	ssyncset.done $0x0  }
0x404: {  	[sflag:s13] =	ssyncadd.s32 $0xFFFFFF80  }
0x405: {  	[tilespmem:s23], [sflag:$0x6] =	stream.indirect.gather [hbm4b:s25+s0], $0x80, s8, s0, $0xb8;
	[tilespmem:$0x1BD00] =	vst v63  }
0x406: {  	_ =	swait.ge [sflag:s1], $0x4000  }
0x407: {  	[sflag:s1] =	ssyncset.done $0x0  }
0x408: {  	[sflag:s1] =	ssyncadd.s32 $0xFFFFC000  }
0x409: {  	[spmem:s3] =	stream.indirect.scatter.add.f32 [tilespmem:s23], [sflag:$0x8], $0x80, s10, s0, $0xb8;
	[tilespmem:$0x1BD00] =	vst v63  }
0x40a: {  	_ =	swait.ge [sflag:s7], $0x4000  }
0x40b: {  	[sflag:s7] =	ssyncset.done $0x0  }
0x40c: {  	s16 =	sadd.s32 $0x90, s16;
	[sflag:s7] =	ssyncadd.s32 $0xFFFFC000  }
0x40d: {  	[tilespmem:s0], [sflag:$0x2] =	stream.linear.gather [hbm4b:s16+s4], $0x80, $0x38;
	[tilespmem:$0x1BD00] =	vst v63  }
0x40e: {  	s18 =	sadd.s32 $0x90, s18  }
0x40f: {  	[tilespmem:s30], [sflag:$0x2] =	stream.linear.gather [hbm4b:s18+s4], $0x80, $0x38;
	[tilespmem:$0x1BD00] =	vst v63  }
0x410: {  	_ =	swait.ge [sflag:s20], $0x80  }
0x411: {  	[sflag:s20] =	ssyncset.done $0x0  }
0x412: {  	[sflag:s20] =	ssyncadd.s32 $0xFFFFFF80  }
0x413: {  	_ =	swait.ge [sflag:s20], $0x80  }
0x414: {  	[sflag:s20] =	ssyncset.done $0x0  }
0x415: {  	s16 =	simm.s32 $0x40;
	[sflag:s20] =	ssyncadd.s32 $0xFFFFFF80  }
.LBB2_5:
0x416: {  	[tilespmem:s9], [sflag:$0x5] =	stream.indirect.gather [hbm4b:s25+s0], $0x80, s4, s0, $0xb8;
	[tilespmem:$0x1BD00] =	vst v63  }
0x417: {  	s18 =	smov.u32 s16  }
0x418: {  	p3 =	sne.s32 s16, $0x440;
	s16 =	sadd.s32 $0x40, s16;
	_ =	swait.ge [sflag:s31], $0x4000  }
0x419: {  	[sflag:s31] =	ssyncset.done $0x0  }
0x41a: {  	[sflag:s31] =	ssyncadd.s32 $0xFFFFC000  }
0x41b: {  	[spmem:s3] =	stream.indirect.scatter.add.f32 [tilespmem:s9], [sflag:$0x7], $0x80, s29, s0, $0xb8;
	[tilespmem:$0x1BD00] =	vst v63  }
0x41c: {  	_ =	swait.ge [sflag:s12], $0x4000  }
0x41d: {  	s17 =	sadd.s32 s18, s5;
	[sflag:s12] =	ssyncset.done $0x0  }
0x41e: {  	s18 =	sadd.s32 s18, s6;
	s14 =	sadd.s32 $0x60, s17;
	[sflag:s12] =	ssyncadd.s32 $0xFFFFC000  }
0x41f: {  	[tilespmem:s21], [sflag:$0x3] =	stream.linear.gather [hbm4b:s14+s4], $0x80, $0x38;
	[tilespmem:$0x1BD00] =	vst v63  }
0x420: {  	s14 =	sadd.s32 $0x60, s18  }
0x421: {  	[tilespmem:s22], [sflag:$0x3] =	stream.linear.gather [hbm4b:s14+s4], $0x80, $0x38;
	[tilespmem:$0x1BD00] =	vst v63  }
0x422: {  	_ =	swait.ge [sflag:s2], $0x80  }
0x423: {  	[sflag:s2] =	ssyncset.done $0x0  }
0x424: {  	[sflag:s2] =	ssyncadd.s32 $0xFFFFFF80  }
0x425: {  	_ =	swait.ge [sflag:s2], $0x80  }
0x426: {  	[sflag:s2] =	ssyncset.done $0x0  }
0x427: {  	[sflag:s2] =	ssyncadd.s32 $0xFFFFFF80  }
0x428: {  	[tilespmem:s23], [sflag:$0x6] =	stream.indirect.gather [hbm4b:s25+s0], $0x80, s0, s0, $0xb8;
	[tilespmem:$0x1BD00] =	vst v63  }
0x429: {  	_ =	swait.ge [sflag:s1], $0x4000  }
0x42a: {  	[sflag:s1] =	ssyncset.done $0x0  }
0x42b: {  	[sflag:s1] =	ssyncadd.s32 $0xFFFFC000  }
0x42c: {  	[spmem:s3] =	stream.indirect.scatter.add.f32 [tilespmem:s23], [sflag:$0x8], $0x80, s30, s0, $0xb8;
	[tilespmem:$0x1BD00] =	vst v63  }
0x42d: {  	_ =	swait.ge [sflag:s7], $0x4000  }
0x42e: {  	[sflag:s7] =	ssyncset.done $0x0  }
0x42f: {  	s14 =	sadd.s32 $0x70, s17;
	[sflag:s7] =	ssyncadd.s32 $0xFFFFC000  }
0x430: {  	[tilespmem:s8], [sflag:$0x4] =	stream.linear.gather [hbm4b:s14+s4], $0x80, $0x38;
	[tilespmem:$0x1BD00] =	vst v63  }
0x431: {  	s14 =	sadd.s32 $0x70, s18  }
0x432: {  	[tilespmem:s10], [sflag:$0x4] =	stream.linear.gather [hbm4b:s14+s4], $0x80, $0x38;
	[tilespmem:$0x1BD00] =	vst v63  }
0x433: {  	_ =	swait.ge [sflag:s11], $0x80  }
0x434: {  	[sflag:s11] =	ssyncset.done $0x0  }
0x435: {  	[sflag:s11] =	ssyncadd.s32 $0xFFFFFF80  }
0x436: {  	_ =	swait.ge [sflag:s11], $0x80  }
0x437: {  	[sflag:s11] =	ssyncset.done $0x0  }
0x438: {  	[sflag:s11] =	ssyncadd.s32 $0xFFFFFF80  }
0x439: {  	[tilespmem:s9], [sflag:$0x5] =	stream.indirect.gather [hbm4b:s25+s0], $0x80, s21, s0, $0xb8;
	[tilespmem:$0x1BD00] =	vst v63  }
0x43a: {  	_ =	swait.ge [sflag:s31], $0x4000  }
0x43b: {  	[sflag:s31] =	ssyncset.done $0x0  }
0x43c: {  	[sflag:s31] =	ssyncadd.s32 $0xFFFFC000  }
0x43d: {  	[spmem:s3] =	stream.indirect.scatter.add.f32 [tilespmem:s9], [sflag:$0x7], $0x80, s22, s0, $0xb8;
	[tilespmem:$0x1BD00] =	vst v63  }
0x43e: {  	_ =	swait.ge [sflag:s12], $0x4000  }
0x43f: {  	[sflag:s12] =	ssyncset.done $0x0  }
0x440: {  	s14 =	sadd.s32 $0x80, s17;
	[sflag:s12] =	ssyncadd.s32 $0xFFFFC000  }
0x441: {  	[tilespmem:s4], [sflag:$0x1] =	stream.linear.gather [hbm4b:s14+s4], $0x80, $0x38;
	[tilespmem:$0x1BD00] =	vst v63  }
0x442: {  	s14 =	sadd.s32 $0x80, s18  }
0x443: {  	[tilespmem:s29], [sflag:$0x1] =	stream.linear.gather [hbm4b:s14+s4], $0x80, $0x38;
	[tilespmem:$0x1BD00] =	vst v63  }
0x444: {  	_ =	swait.ge [sflag:s13], $0x80  }
0x445: {  	[sflag:s13] =	ssyncset.done $0x0  }
0x446: {  	[sflag:s13] =	ssyncadd.s32 $0xFFFFFF80  }
0x447: {  	_ =	swait.ge [sflag:s13], $0x80  }
0x448: {  	[sflag:s13] =	ssyncset.done $0x0  }
0x449: {  	[sflag:s13] =	ssyncadd.s32 $0xFFFFFF80  }
0x44a: {  	[tilespmem:s23], [sflag:$0x6] =	stream.indirect.gather [hbm4b:s25+s0], $0x80, s8, s0, $0xb8;
	[tilespmem:$0x1BD00] =	vst v63  }
0x44b: {  	_ =	swait.ge [sflag:s1], $0x4000  }
0x44c: {  	[sflag:s1] =	ssyncset.done $0x0  }
0x44d: {  	[sflag:s1] =	ssyncadd.s32 $0xFFFFC000  }
0x44e: {  	[spmem:s3] =	stream.indirect.scatter.add.f32 [tilespmem:s23], [sflag:$0x8], $0x80, s10, s0, $0xb8;
	[tilespmem:$0x1BD00] =	vst v63  }
0x44f: {  	_ =	swait.ge [sflag:s7], $0x4000  }
0x450: {  	[sflag:s7] =	ssyncset.done $0x0  }
0x451: {  	s14 =	sadd.s32 $0x90, s17;
	[sflag:s7] =	ssyncadd.s32 $0xFFFFC000  }
0x452: {  	[tilespmem:s0], [sflag:$0x2] =	stream.linear.gather [hbm4b:s14+s4], $0x80, $0x38;
	[tilespmem:$0x1BD00] =	vst v63  }
0x453: {  	s14 =	sadd.s32 $0x90, s18  }
0x454: {  	[tilespmem:s30], [sflag:$0x2] =	stream.linear.gather [hbm4b:s14+s4], $0x80, $0x38;
	[tilespmem:$0x1BD00] =	vst v63  }
0x455: {  	_ =	swait.ge [sflag:s20], $0x80  }
.Ltmp8:
0x456: {  	[sflag:s20] =	ssyncset.done $0x0;
	(pc) =	sbr.rel @p3 .LBB2_5-.Ltmp8, $4  }
0x457: {  	[sflag:s20] =	ssyncadd.s32 $0xFFFFFF80  }
0x458: {  	_ =	swait.ge [sflag:s20], $0x80  }
0x459: {  	[sflag:s20] =	ssyncset.done $0x0  }
0x45a: {  	[sflag:s20] =	ssyncadd.s32 $0xFFFFFF80  }
0x45b: {  	[tilespmem:s9], [sflag:$0x5] =	stream.indirect.gather [hbm4b:s25+s0], $0x80, s4, s0, $0xb8;
	[tilespmem:$0x1BD00] =	vst v63  }
0x45c: {  	_ =	swait.ge [sflag:s31], $0x4000  }
0x45d: {  	[sflag:s31] =	ssyncset.done $0x0  }
0x45e: {  	[sflag:s31] =	ssyncadd.s32 $0xFFFFC000  }
0x45f: {  	[spmem:s3] =	stream.indirect.scatter.add.f32 [tilespmem:s9], [sflag:$0x7], $0x80, s29, s0, $0xb8;
	[tilespmem:$0x1BD00] =	vst v63  }
0x460: {  	_ =	swait.ge [sflag:s12], $0x4000  }
0x461: {  	[sflag:s12] =	ssyncset.done $0x0  }
0x462: {  	s14 =	rddreg [dreg:$0xf];
	[sflag:s12] =	ssyncadd.s32 $0xFFFFC000  }
0x463: {  	[tilespmem:s21], [sflag:$0x3] =	stream.linear.gather [hbm4b:s14+s4], $0x80, $0x38;
	[tilespmem:$0x1BD00] =	vst v63  }
0x464: {  	s16 =	rddreg [dreg:$0x10]  }
0x465: {  	[tilespmem:s22], [sflag:$0x3] =	stream.linear.gather [hbm4b:s16+s4], $0x80, $0x38;
	[tilespmem:$0x1BD00] =	vst v63  }
0x466: {  	_ =	swait.ge [sflag:s2], $0x80  }
0x467: {  	[sflag:s2] =	ssyncset.done $0x0  }
0x468: {  	[sflag:s2] =	ssyncadd.s32 $0xFFFFFF80  }
0x469: {  	_ =	swait.ge [sflag:s2], $0x80  }
0x46a: {  	[sflag:s2] =	ssyncset.done $0x0  }
0x46b: {  	[sflag:s2] =	ssyncadd.s32 $0xFFFFFF80  }
0x46c: {  	[tilespmem:s23], [sflag:$0x6] =	stream.indirect.gather [hbm4b:s25+s0], $0x80, s0, s0, $0xb8;
	[tilespmem:$0x1BD00] =	vst v63  }
0x46d: {  	_ =	swait.ge [sflag:s1], $0x4000  }
0x46e: {  	[sflag:s1] =	ssyncset.done $0x0  }
0x46f: {  	[sflag:s1] =	ssyncadd.s32 $0xFFFFC000  }
0x470: {  	[spmem:s3] =	stream.indirect.scatter.add.f32 [tilespmem:s23], [sflag:$0x8], $0x80, s30, s0, $0xb8;
	[tilespmem:$0x1BD00] =	vst v63  }
0x471: {  	_ =	swait.ge [sflag:s7], $0x4000  }
0x472: {  	[sflag:s7] =	ssyncset.done $0x0  }
0x473: {  	[sflag:s7] =	ssyncadd.s32 $0xFFFFC000  }
0x474: {  	_ =	swait.ge [sflag:s11], $0x80  }
0x475: {  	[sflag:s11] =	ssyncset.done $0x0  }
0x476: {  	[sflag:s11] =	ssyncadd.s32 $0xFFFFFF80  }
0x477: {  	_ =	swait.ge [sflag:s11], $0x80  }
0x478: {  	[sflag:s11] =	ssyncset.done $0x0  }
0x479: {  	[sflag:s11] =	ssyncadd.s32 $0xFFFFFF80  }
0x47a: {  	[tilespmem:s9], [sflag:$0x5] =	stream.indirect.gather [hbm4b:s25+s0], $0x80, s21, s0, $0xb8;
	[tilespmem:$0x1BD00] =	vst v63  }
0x47b: {  	_ =	swait.ge [sflag:s31], $0x4000  }
0x47c: {  	[sflag:s31] =	ssyncset.done $0x0  }
0x47d: {  	[sflag:s31] =	ssyncadd.s32 $0xFFFFC000  }
0x47e: {  	[spmem:s3] =	stream.indirect.scatter.add.f32 [tilespmem:s9], [sflag:$0x7], $0x80, s22, s0, $0xb8;
	[tilespmem:$0x1BD00] =	vst v63  }
0x47f: {  	_ =	swait.ge [sflag:s12], $0x4000  }
0x480: {  	[sflag:s12] =	ssyncset.done $0x0  }
0x481: {  	[sflag:s12] =	ssyncadd.s32 $0xFFFFC000  }
0x482: {  	_ =	swait.ge [sflag:s7], $0x4000  }
0x483: {  	[sflag:s7] =	ssyncset.done $0x0  }
0x484: {  	[sflag:s7] =	ssyncadd.s32 $0xFFFFC000  }
0x485: {  	[bflag:$0x0] =	sbarrier.arrive $0xFFFF  }
0x486: {  	s16 =	sld [smem:$0x7FD];
	_ =	sdelay $0x1  }
0x487: {  	s17 =	rddreg [dreg:$0x12]  }
0x488: {  	[hbm:s17], [sflag:s19] =	dma.local [spmem:s16], $0x2700  }
.Ltmp9:
0x489: {  	_ = 	snop;
	(pc) =	sbr.rel @p1 .LBB2_12-.Ltmp9, $4  }
.Ltmp10:
0x48a: {  	s18 =	simm.s32 $0x9;
	(pc) =	sbr.rel @!p1 .LBB2_13-.Ltmp10, $4  }
0x48b: {  	_ =	swait.ge [sflag:s18], $0x2700  }
0x48c: {  	[sflag:s18] =	ssyncset.done $0x0  }
0x48d: {  	s14 =	rddreg [dreg:$0x16];
	[sflag:s18] =	ssyncadd.s32 $0xFFFFD900  }
0x48e: {  	_ = 	snop  }
.LBB2_14:
0x48f: {  	_ =	sfence.sel $0x180000  }
0x490: {  	[bflag:$0x0] =	sbarrier.arrive $0xFFFF  }
0x491: {  	_ =	strace $0x90000047  }
0x492: {  	s0 =	stileid.u32;
	[bflag:$0x2] =	sbarrier.arrive $0xFFFF  }
0x493: {  	p0 =	sne.s32 s0, $0x0;
	s0 =	rddreg [dreg:$0x3]  }
0x494: {  	s0 =	sadd.s32 @!p0 $0x100000, s0  }
0x495: {  	[sflag:s0] =	ssyncadd.tile.s32 @!p0 $0x1;
	_ =	shalt  }
.Lfunc_end2:
_tile_overlayer_lowered:
.L_overlay_start_2:
0x496: {  	(tag) =	ssettag $0x2  }
0x497: {  	s0 =	rddreg [dreg:$0x0];
	s2 =	stileid.u32  }
0x498: {  	s1 =	rddreg [dreg:$0x1];
	p0 =	sne.s32 s2, $0x0  }
0x499: {  	s3 =	rddreg [dreg:$0x2];
	[bflag:$0x3] =	sbarrier.arrive $0xFFFF;
	s2 =	simm.s32 @!p0 $0x1C09  }
0x49a: {  	[timem:s3], [sflag:s2] =	dma.local @!p0 [hbm:s0], s1  }
0x49b: {  	s0 =	simm.s32 @!p0 $0x9  }
0x49c: {  	_ =	swait.ge @!p0 [sflag:s0], s1  }
0x49d: {  	s1 =	ssub.s32 @!p0 $0x0, s1;
	[sflag:s0] =	ssyncset.done @!p0 $0x0  }
0x49e: {  	[sflag:s0] =	ssyncadd.s32 @!p0 s1  }
0x49f: {  	[bflag:$0x3] =	sbarrier.arrive $0xFFFF  }
0x4a0: {  	_ =	shalt  }

</sc_bundles>
